<compile_context>
chip_gen: v7x
topology: tpu7x:2x2x1
jax: 0.10.2.dev20260603
libtpu: 0.0.44.dev20260713+nightly
codegen_flags: <defaults>
</compile_context>

<pallas_src>
import functools
import math

import jax
import jax.numpy as jnp
from jax import lax
from jax.experimental import pallas as pl
from jax.experimental.pallas import tpu as pltpu
from jax.experimental.pallas import tpu_sc as plsc

N = 10000
E = 160000
D = 256
DHID = 512
H = 8
DH = D // H
EDIM = 16

NC = 2
NS = 16
NW = NC * NS

E_PER_W = E // NW
GCH = 40
SCH = 320
DCH = 200
NRA = N + 8

_mesh = plsc.VectorSubcoreMesh(
    core_axis_name="c", subcore_axis_name="s", num_cores=NC, num_subcores=NS)


@functools.partial(
    pl.kernel,
    out_type=(
        jax.ShapeDtypeStruct((E, 2 * D), jnp.float32),
        jax.ShapeDtypeStruct((E, D), jnp.float32),
    ),
    mesh=_mesh,
    scratch_types=[
        pltpu.VMEM((GCH,), jnp.int32),
        pltpu.VMEM((GCH,), jnp.int32),
        pltpu.VMEM((GCH, 2 * D), jnp.float32),
        pltpu.VMEM((GCH, D), jnp.float32),
        pltpu.SemaphoreType.DMA,
        pltpu.SemaphoreType.DMA,
    ],
)
def _sc_gather(t_hbm, h_hbm, dst_hbm, src_hbm, gd_hbm, gs_hbm,
               di_v, si_v, gd_v, gs_v, sem1, sem2):
    wid = lax.axis_index("s") * NC + lax.axis_index("c")
    wbase = wid * E_PER_W

    def body(j, carry):
        base = pl.multiple_of(wbase + j * GCH, 8)
        pltpu.sync_copy(dst_hbm.at[pl.ds(base, GCH)], di_v)
        pltpu.sync_copy(src_hbm.at[pl.ds(base, GCH)], si_v)
        c1 = pltpu.async_copy(t_hbm.at[di_v], gd_v, sem1)
        c2 = pltpu.async_copy(h_hbm.at[si_v], gs_v, sem2)
        c1.wait()
        c2.wait()
        pltpu.sync_copy(gd_v, gd_hbm.at[pl.ds(base, GCH)])
        pltpu.sync_copy(gs_v, gs_hbm.at[pl.ds(base, GCH)])
        return carry

    lax.fori_loop(0, E_PER_W // GCH, body, 0)


@functools.partial(
    pl.kernel,
    out_type=(
        jax.ShapeDtypeStruct((NW, N, 8), jnp.float32),
        jax.ShapeDtypeStruct((NW, N, 8), jnp.float32),
    ),
    mesh=_mesh,
    compiler_params=pltpu.CompilerParams(
        use_tc_tiling_on_sc=False, needs_layout_passes=False),
    scratch_types=[
        pltpu.VMEM((SCH,), jnp.int32),
        pltpu.VMEM((SCH, 8), jnp.float32),
        pltpu.VMEM((NRA, 8), jnp.float32),
    ],
)
def _sc_scatter(m_hbm, ex_hbm, dstp_hbm, z_hbm, s_hbm, d_hbm,
                di_v, x_v, acc_v):
    wid = lax.axis_index("s") * NC + lax.axis_index("c")
    colb = pl.multiple_of(wid * 8, 8)
    i16 = lax.iota(jnp.int32, 16)
    i8 = i16 & 7
    half = i16 >> 3

    pltpu.sync_copy(z_hbm, acc_v)

    def sbody(j, carry):
        base = pl.multiple_of(j * SCH, 8)
        pltpu.sync_copy(dstp_hbm.at[pl.ds(base, SCH)], di_v)
        pltpu.sync_copy(m_hbm.at[pl.ds(base, SCH), pl.ds(colb, 8)], x_v)
        for v in range(SCH // 2):
            rp = half + 2 * v
            x = plsc.load_gather(x_v, [rp, i8])
            dd = plsc.load_gather(di_v, [rp])
            plsc.addupdate_scatter(acc_v, [dd, i8], x)
        return carry

    lax.fori_loop(0, E // SCH, sbody, 0)
    pltpu.sync_copy(acc_v.at[pl.ds(0, N)], s_hbm.at[wid])

    pltpu.sync_copy(z_hbm, acc_v)
    ebase = wid * E_PER_W

    def dbody(j, carry):
        base = pl.multiple_of(ebase + j * DCH, 8)
        pltpu.sync_copy(dstp_hbm.at[pl.ds(base, DCH)], di_v.at[pl.ds(0, DCH)])
        pltpu.sync_copy(ex_hbm.at[pl.ds(base, DCH), pl.ds(0, 8)],
                        x_v.at[pl.ds(0, DCH)])
        for v in range(DCH // 2):
            rp = half + 2 * v
            x = plsc.load_gather(x_v, [rp, i8])
            dd = plsc.load_gather(di_v, [rp])
            plsc.addupdate_scatter(acc_v, [dd, i8], x)
        return carry

    lax.fori_loop(0, E_PER_W // DCH, dbody, 0)
    pltpu.sync_copy(acc_v.at[pl.ds(0, N)], d_hbm.at[wid])


def _node_body(h_ref, wq1_ref, bq1_ref, wq2_ref, bq2_ref, t_ref):
    h = h_ref[...]
    z = jnp.maximum(
        jnp.dot(h, wq1_ref[...], preferred_element_type=jnp.float32)
        + bq1_ref[...], 0.0)
    q = (jnp.dot(z, wq2_ref[...], preferred_element_type=jnp.float32)
         + bq2_ref[...]) * (1.0 / math.sqrt(DH))
    t_ref[...] = jnp.concatenate([h, q], axis=1)


def _edge_body(gd_ref, gs_ref, e_ref, eq_ref,
               wk1a_ref, wk1b_ref, wk1e_ref, bk1_ref, wk2_ref, bk2_ref,
               wv1a_ref, wv1b_ref, wv1e_ref, bv1_ref, wv2_ref, bv2_ref,
               mh_ref, rr_ref, m_ref, ex_ref):
    hd = gd_ref[:, :D].astype(jnp.bfloat16)
    qd = gd_ref[:, D:]
    hs = gs_ref[...].astype(jnp.bfloat16)
    ef = e_ref[...].astype(jnp.bfloat16)

    def mlp2(wa, wb, we, b1, w2, b2):
        z = jnp.dot(hd, wa, preferred_element_type=jnp.float32)
        z = z + jnp.dot(hs, wb, preferred_element_type=jnp.float32)
        z = z + jnp.dot(ef, we, preferred_element_type=jnp.float32)
        z = jnp.maximum(z + b1, 0.0).astype(jnp.bfloat16)
        return jnp.dot(z, w2, preferred_element_type=jnp.float32) + b2

    k = mlp2(wk1a_ref[...], wk1b_ref[...], wk1e_ref[...], bk1_ref[...],
             wk2_ref[...], bk2_ref[...])
    v = mlp2(wv1a_ref[...], wv1b_ref[...], wv1e_ref[...], bv1_ref[...],
             wv2_ref[...], bv2_ref[...])
    qk = (qd * k).astype(jnp.bfloat16)
    lo = jnp.dot(qk, mh_ref[...], preferred_element_type=jnp.float32)
    ex = jnp.exp(lo)
    exrep = jnp.dot(ex.astype(jnp.bfloat16), rr_ref[...],
                    preferred_element_type=jnp.float32)
    m = v * exrep
    eq = eq_ref[...]
    m_ref[...] = m + eq * pltpu.roll(m, m.shape[0] - 1, 0)
    ex_ref[...] = ex + eq * pltpu.roll(ex, ex.shape[0] - 1, 0)


def _f1_body(sp_ref, dp_ref, h_ref, wo_ref, bo_ref, r8_ref, t_ref, st_ref):
    i = pl.program_id(0)
    spb = sp_ref[...]
    att_cols = jnp.concatenate([spb[g] for g in range(NW)], axis=1)
    den = jnp.sum(dp_ref[...], axis=0)
    denrep = jnp.dot(den, r8_ref[...], preferred_element_type=jnp.float32)
    att = jnp.where(denrep > 0, att_cols / denrep, 0.0)
    t = (jnp.dot(att, wo_ref[...], preferred_element_type=jnp.float32)
         + bo_ref[...] + h_ref[...])
    t_ref[...] = t

    @pl.when(i == 0)
    def _():
        st_ref[...] = jnp.zeros_like(st_ref)

    st = jnp.concatenate(
        [jnp.sum(t, axis=0, keepdims=True),
         jnp.sum(t * t, axis=0, keepdims=True),
         jnp.zeros((6, D), jnp.float32)], axis=0)
    st_ref[...] = st_ref[...] + st


def _f2_body(t_ref, st_ref, g1_ref, b1_ref, wf1_ref, bf1_ref,
             wf2_ref, bf2_ref, u_ref, st2_ref):
    i = pl.program_id(0)
    mu = st_ref[0:1, :] * (1.0 / N)
    var = st_ref[1:2, :] * (1.0 / N) - mu * mu
    x1 = ((t_ref[...] - mu) * lax.rsqrt(var + 1e-5) * g1_ref[...]
          + b1_ref[...])
    z = jnp.maximum(
        jnp.dot(x1, wf1_ref[...], preferred_element_type=jnp.float32)
        + bf1_ref[...], 0.0)
    u = x1 + (jnp.dot(z, wf2_ref[...], preferred_element_type=jnp.float32)
              + bf2_ref[...])
    u_ref[...] = u

    @pl.when(i == 0)
    def _():
        st2_ref[...] = jnp.zeros_like(st2_ref)

    st = jnp.concatenate(
        [jnp.sum(u, axis=0, keepdims=True),
         jnp.sum(u * u, axis=0, keepdims=True),
         jnp.zeros((6, D), jnp.float32)], axis=0)
    st2_ref[...] = st2_ref[...] + st


def _f3_body(u_ref, st2_ref, g2_ref, b2_ref, o_ref):
    mu = st2_ref[0:1, :] * (1.0 / N)
    var = st2_ref[1:2, :] * (1.0 / N) - mu * mu
    o_ref[...] = ((u_ref[...] - mu) * lax.rsqrt(var + 1e-5) * g2_ref[...]
                  + b2_ref[...])


def _full(shape):
    return pl.BlockSpec(shape, lambda i: (0,) * len(shape))


def kernel(h, e, edge_index, training, Wk1, bk1, Wk2, bk2, Wv1, bv1, Wv2, bv2,
           Wq1, bq1, Wq2, bq2, WO, bO, g1, beta1, Wf1, bf1, Wf2, bf2, g2,
           beta2):
    del training
    f32 = jnp.float32
    src = edge_index[0].astype(jnp.int32)
    dst = edge_index[1].astype(jnp.int32)

    d2 = dst.reshape(E // 2, 2)
    eqp = d2[:, 0] == d2[:, 1]
    eqf = jnp.stack([eqp, jnp.zeros_like(eqp)], 1).reshape(E, 1).astype(f32)
    dstp = jnp.where(jnp.stack([jnp.zeros_like(eqp), eqp], 1).reshape(E),
                     N, dst).astype(jnp.int32)

    bf16 = jnp.bfloat16
    Wk1e, Wk1a, Wk1b = (Wk1[:EDIM].astype(bf16),
                        Wk1[EDIM:EDIM + D].astype(bf16),
                        Wk1[EDIM + D:].astype(bf16))
    Wv1e, Wv1a, Wv1b = (Wv1[:EDIM].astype(bf16),
                        Wv1[EDIM:EDIM + D].astype(bf16),
                        Wv1[EDIM + D:].astype(bf16))
    Wk2b = Wk2.astype(bf16)
    Wv2b = Wv2.astype(bf16)

    ii = jnp.arange(D)[:, None] // DH
    mh = (ii == jnp.arange(128)[None, :]).astype(bf16)
    rr = mh.T
    r8 = (jnp.arange(8)[:, None] == ii.T).astype(f32)

    NB = 10
    t_arr = pl.pallas_call(
        _node_body,
        grid=(NB,),
        in_specs=[
            pl.BlockSpec((N // NB, D), lambda i: (i, 0)),
            _full((D, DHID)), _full((1, DHID)),
            _full((DHID, D)), _full((1, D)),
        ],
        out_specs=pl.BlockSpec((N // NB, 2 * D), lambda i: (i, 0)),
        out_shape=jax.ShapeDtypeStruct((N, 2 * D), f32),
    )(h, Wq1, bq1.reshape(1, -1), Wq2, bq2.reshape(1, -1))

    gd, gs = _sc_gather(t_arr, h, dst, src)

    BE = 1000
    EB = E // BE
    m2, ex2 = pl.pallas_call(
        _edge_body,
        grid=(EB,),
        in_specs=[
            pl.BlockSpec((BE, 2 * D), lambda i: (i, 0)),
            pl.BlockSpec((BE, D), lambda i: (i, 0)),
            pl.BlockSpec((BE, EDIM), lambda i: (i, 0)),
            pl.BlockSpec((BE, 1), lambda i: (i, 0)),
            _full((D, DHID)), _full((D, DHID)), _full((EDIM, DHID)),
            _full((1, DHID)), _full((DHID, D)), _full((1, D)),
            _full((D, DHID)), _full((D, DHID)), _full((EDIM, DHID)),
            _full((1, DHID)), _full((DHID, D)), _full((1, D)),
            _full((D, 128)), _full((128, D)),
        ],
        out_specs=[
            pl.BlockSpec((BE, D), lambda i: (i, 0)),
            pl.BlockSpec((BE, 128), lambda i: (i, 0)),
        ],
        out_shape=[
            jax.ShapeDtypeStruct((E, D), f32),
            jax.ShapeDtypeStruct((E, 128), f32),
        ],
    )(gd, gs, e, eqf,
      Wk1a, Wk1b, Wk1e, bk1.reshape(1, -1), Wk2b, bk2.reshape(1, -1),
      Wv1a, Wv1b, Wv1e, bv1.reshape(1, -1), Wv2b, bv2.reshape(1, -1),
      mh, rr)

    sp, dp = _sc_scatter(m2, ex2, dstp, jnp.zeros((NRA, 8), f32))

    FB = 25
    BR = N // FB
    t2, st1 = pl.pallas_call(
        _f1_body,
        grid=(FB,),
        in_specs=[
            pl.BlockSpec((NW, BR, 8), lambda i: (0, i, 0)),
            pl.BlockSpec((NW, BR, 8), lambda i: (0, i, 0)),
            pl.BlockSpec((BR, D), lambda i: (i, 0)),
            _full((D, D)), _full((1, D)), _full((8, D)),
        ],
        out_specs=[
            pl.BlockSpec((BR, D), lambda i: (i, 0)),
            pl.BlockSpec((8, D), lambda i: (0, 0)),
        ],
        out_shape=[
            jax.ShapeDtypeStruct((N, D), f32),
            jax.ShapeDtypeStruct((8, D), f32),
        ],
    )(sp, dp, h, WO, bO.reshape(1, -1), r8)

    u, st2 = pl.pallas_call(
        _f2_body,
        grid=(FB,),
        in_specs=[
            pl.BlockSpec((BR, D), lambda i: (i, 0)),
            _full((8, D)),
            _full((1, D)), _full((1, D)),
            _full((D, 2 * D)), _full((1, 2 * D)),
            _full((2 * D, D)), _full((1, D)),
        ],
        out_specs=[
            pl.BlockSpec((BR, D), lambda i: (i, 0)),
            pl.BlockSpec((8, D), lambda i: (0, 0)),
        ],
        out_shape=[
            jax.ShapeDtypeStruct((N, D), f32),
            jax.ShapeDtypeStruct((8, D), f32),
        ],
    )(t2, st1, g1.reshape(1, -1), beta1.reshape(1, -1),
      Wf1, bf1.reshape(1, -1), Wf2, bf2.reshape(1, -1))

    out = pl.pallas_call(
        _f3_body,
        grid=(FB,),
        in_specs=[
            pl.BlockSpec((BR, D), lambda i: (i, 0)),
            _full((8, D)),
            _full((1, D)), _full((1, D)),
        ],
        out_specs=pl.BlockSpec((BR, D), lambda i: (i, 0)),
        out_shape=jax.ShapeDtypeStruct((N, D), f32),
    )(u, st2, g2.reshape(1, -1), beta2.reshape(1, -1))

    return out

# --- scband reference (transcript-rebuilt; emitter-appended) ---
"""Pipeline reference for scband-graph-transformer-self-att-layer-34926674051620 (READ-ONLY COPY).

The authoritative reference and input builder live on the scoring server;
editing this copy changes nothing except your own understanding.
"""

import jax, jax.numpy as jnp
import numpy as np

N = 10000
E = 160000
D_IN = 256
D_HID = 512
D_OUT = 256
H = 8
DH = D_OUT // H
E_DIM = 16
KV_IN = 2 * D_IN + E_DIM


def _mlp(x, W1, b1, W2, b2):
    return jnp.maximum(x @ W1 + b1, 0.0) @ W2 + b2


def _bn(x, g, b, eps=1e-5):
    mu = jnp.mean(x, axis=0)
    var = jnp.var(x, axis=0)
    return (x - mu) / jnp.sqrt(var + eps) * g + b


def setup_inputs(seed: int = 0) -> dict:
    key = jax.random.key(seed)
    ks = jax.random.split(key, 32)
    s = 0.02
    inp = {
        "h": jax.random.normal(ks[0], (N, D_IN), dtype=jnp.float32),
        "e": jax.random.normal(ks[1], (E, E_DIM), dtype=jnp.float32),
        "edge_index": jax.random.randint(ks[2], (2, E), 0, N),
        "training": False,
        "Wk1": jax.random.normal(ks[3], (KV_IN, D_HID), dtype=jnp.float32) * s,
        "bk1": jnp.zeros((D_HID,), jnp.float32),
        "Wk2": jax.random.normal(ks[4], (D_HID, D_OUT), dtype=jnp.float32) * s,
        "bk2": jnp.zeros((D_OUT,), jnp.float32),
        "Wv1": jax.random.normal(ks[5], (KV_IN, D_HID), dtype=jnp.float32) * s,
        "bv1": jnp.zeros((D_HID,), jnp.float32),
        "Wv2": jax.random.normal(ks[6], (D_HID, D_OUT), dtype=jnp.float32) * s,
        "bv2": jnp.zeros((D_OUT,), jnp.float32),
        "Wq1": jax.random.normal(ks[7], (D_IN, D_HID), dtype=jnp.float32) * s,
        "bq1": jnp.zeros((D_HID,), jnp.float32),
        "Wq2": jax.random.normal(ks[8], (D_HID, D_OUT), dtype=jnp.float32) * s,
        "bq2": jnp.zeros((D_OUT,), jnp.float32),
        "WO": jax.random.normal(ks[9], (D_OUT, D_OUT), dtype=jnp.float32) * s,
        "bO": jnp.zeros((D_OUT,), jnp.float32),
        "g1": jnp.ones((D_OUT,), jnp.float32),
        "beta1": jnp.zeros((D_OUT,), jnp.float32),
        "Wf1": jax.random.normal(ks[10], (D_OUT, 2 * D_OUT), dtype=jnp.float32) * s,
        "bf1": jnp.zeros((2 * D_OUT,), jnp.float32),
        "Wf2": jax.random.normal(ks[11], (2 * D_OUT, D_OUT), dtype=jnp.float32) * s,
        "bf2": jnp.zeros((D_OUT,), jnp.float32),
        "g2": jnp.ones((D_OUT,), jnp.float32),
        "beta2": jnp.zeros((D_OUT,), jnp.float32),
    }
    return inp


def reference(h, e, edge_index, training, Wk1, bk1, Wk2, bk2, Wv1, bv1, Wv2, bv2,
              Wq1, bq1, Wq2, bq2, WO, bO, g1, beta1, Wf1, bf1, Wf2, bf2, g2, beta2):
    src = edge_index[0]
    dst = edge_index[1]
    hi = h[dst]
    hj = h[src]
    kv_input = jnp.concatenate([e, hi, hj], axis=-1)
    k = _mlp(kv_input, Wk1, bk1, Wk2, bk2).reshape(-1, H, DH)
    v = _mlp(kv_input, Wv1, bv1, Wv2, bv2).reshape(-1, H, DH)
    q = _mlp(h, Wq1, bq1, Wq2, bq2).reshape(-1, H, DH)
    logits = (q[dst] * k).sum(-1) / np.sqrt(DH)  # [E, H]
    seg_max = jax.ops.segment_max(logits, dst, num_segments=N)
    ex = jnp.exp(logits - seg_max[dst])
    den = jax.ops.segment_sum(ex, dst, num_segments=N)
    alpha = ex / den[dst]
    m = (alpha[:, :, None] * v).reshape(-1, D_OUT)
    att = jax.ops.segment_sum(m, dst, num_segments=N)  # [N, D_OUT]
    out = att @ WO + bO
    # dropout p=0.0 -> identity; residual (shapes match so no alien projection)
    out = h + out
    out = _bn(out, g1, beta1)
    h_in2 = out
    out = jnp.maximum(out @ Wf1 + bf1, 0.0)
    out = out @ Wf2 + bf2
    out = h_in2 + out
    out = _bn(out, g2, beta2)
    return out

if __name__ == "__main__":
    import jax
    _d = setup_inputs()
    print(jax.jit(kernel)(*tuple(_d.values())))

</pallas_src>

<mosaic_0001>
#map = affine_map<(d0, d1) -> (0, 0)>
#map1 = affine_map<(d0, d1) -> (0)>
module attributes {stable_mosaic.version = 14 : i64} {
  func.func @_sc_gather(%arg0: i32, %arg1: i32, %arg2: memref<10000x512xf32, #tpu.memory_space<hbm>>, %arg3: memref<10000x256xf32, #tpu.memory_space<hbm>>, %arg4: memref<160000xi32, #tpu.memory_space<hbm>>, %arg5: memref<160000xi32, #tpu.memory_space<hbm>>, %arg6: memref<160000x512xf32, #tpu.memory_space<hbm>>, %arg7: memref<160000x256xf32, #tpu.memory_space<hbm>>, %arg8: memref<40xi32, #tpu.memory_space<vmem>>, %arg9: memref<40xi32, #tpu.memory_space<vmem>>, %arg10: memref<40x512xf32, #tpu.memory_space<vmem>>, %arg11: memref<40x256xf32, #tpu.memory_space<vmem>>, %arg12: memref<!tpu.dma_semaphore, #tpu.memory_space<semaphore_mem>>, %arg13: memref<!tpu.dma_semaphore, #tpu.memory_space<semaphore_mem>>) attributes {dimension_semantics = [#tpu.dimension_semantics<core_parallel>, #tpu.dimension_semantics<subcore_parallel>], iteration_bounds = array<i64: 2, 16>, scalar_prefetch = 0 : i64, scratch_operands = 6 : i64, tpu.core_type = #tpu.core_type<sc_vector_subcore>, window_params = [{transform_indices = #map}, {transform_indices = #map}, {transform_indices = #map1}, {transform_indices = #map1}, {transform_indices = #map}, {transform_indices = #map}]} {
    %mul3A = arith.constant 2 : i32
    %mul3A_0 = arith.muli %arg1, %mul3A : i32
    %add3A = arith.addi %mul3A_0, %arg0 : i32
    %mul3A_1 = arith.constant 5000 : i32
    %mul3A_2 = arith.muli %add3A, %mul3A_1 : i32
    %scan3A = arith.constant 0 : i32
    %scan3A_3 = arith.constant 0 : i32
    %scan3A_4 = arith.constant 125 : i32
    %scan3A_5 = arith.addi %scan3A_3, %scan3A_4 : i32
    %scan3A_6 = arith.constant 1 : i32
    scf.for %scan3A_8 = %scan3A_3 to %scan3A_5 step %scan3A_6  : i32 {
      %mul3A_9 = arith.constant 40 : i32
      %mul3A_10 = arith.muli %scan3A_8, %mul3A_9 : i32
      %add3A_11 = arith.addi %mul3A_2, %mul3A_10 : i32
      %multiple_of3A = tpu.assume_multiple %add3A_11, 8 : i32
      "tpu.region"() ({
        %run_scoped3A = tpu.sem_alloc : memref<!tpu.dma_semaphore, #tpu.memory_space<semaphore_mem>>
        %dma_start3A_22 = tpu.memref_slice %arg4[%multiple_of3A] : memref<160000xi32, #tpu.memory_space<hbm>> -> memref<40xi32, #tpu.memory_space<hbm>>
        %dma_start3A_23 = tpu.memref_slice %arg4[%multiple_of3A] : memref<160000xi32, #tpu.memory_space<hbm>> -> memref<40xi32, #tpu.memory_space<hbm>>
        tpu.enqueue_dma source(%dma_start3A_23 : memref<40xi32, #tpu.memory_space<hbm>>) target(%arg8 : memref<40xi32, #tpu.memory_space<vmem>>) target_semaphore(%run_scoped3A : memref<!tpu.dma_semaphore, #tpu.memory_space<semaphore_mem>>)
        %dma_wait3A_24 = tpu.memref_slice %arg4[%multiple_of3A] : memref<160000xi32, #tpu.memory_space<hbm>> -> memref<40xi32, #tpu.memory_space<hbm>>
        %dma_wait3A_25 = tpu.memref_slice %arg4[%multiple_of3A] : memref<160000xi32, #tpu.memory_space<hbm>> -> memref<40xi32, #tpu.memory_space<hbm>>
        tpu.wait_dma2 semaphore(%run_scoped3A : memref<!tpu.dma_semaphore, #tpu.memory_space<semaphore_mem>>) src(%dma_wait3A_25 : memref<40xi32, #tpu.memory_space<hbm>>) dst(%arg8 : memref<40xi32, #tpu.memory_space<vmem>>)
        tpu.yield
      }) : () -> ()
      "tpu.region"() ({
        %run_scoped3A = tpu.sem_alloc : memref<!tpu.dma_semaphore, #tpu.memory_space<semaphore_mem>>
        %dma_start3A_22 = tpu.memref_slice %arg5[%multiple_of3A] : memref<160000xi32, #tpu.memory_space<hbm>> -> memref<40xi32, #tpu.memory_space<hbm>>
        %dma_start3A_23 = tpu.memref_slice %arg5[%multiple_of3A] : memref<160000xi32, #tpu.memory_space<hbm>> -> memref<40xi32, #tpu.memory_space<hbm>>
        tpu.enqueue_dma source(%dma_start3A_23 : memref<40xi32, #tpu.memory_space<hbm>>) target(%arg9 : memref<40xi32, #tpu.memory_space<vmem>>) target_semaphore(%run_scoped3A : memref<!tpu.dma_semaphore, #tpu.memory_space<semaphore_mem>>)
        %dma_wait3A_24 = tpu.memref_slice %arg5[%multiple_of3A] : memref<160000xi32, #tpu.memory_space<hbm>> -> memref<40xi32, #tpu.memory_space<hbm>>
        %dma_wait3A_25 = tpu.memref_slice %arg5[%multiple_of3A] : memref<160000xi32, #tpu.memory_space<hbm>> -> memref<40xi32, #tpu.memory_space<hbm>>
        tpu.wait_dma2 semaphore(%run_scoped3A : memref<!tpu.dma_semaphore, #tpu.memory_space<semaphore_mem>>) src(%dma_wait3A_25 : memref<40xi32, #tpu.memory_space<hbm>>) dst(%arg9 : memref<40xi32, #tpu.memory_space<vmem>>)
        tpu.yield
      }) : () -> ()
      %dma_start3A = arith.constant 0 : i32
      %dma_start3A_12 = arith.constant 0 : i32
      %dma_start3A_13 = tpu.memref_slice %arg2[%dma_start3A, %dma_start3A_12] : memref<10000x512xf32, #tpu.memory_space<hbm>> -> memref<10000x512xf32, #tpu.memory_space<hbm>>
      tpu.enqueue_indirect_dma source(%dma_start3A_13 : memref<10000x512xf32, #tpu.memory_space<hbm>>) target(%arg10 : memref<40x512xf32, #tpu.memory_space<vmem>>) offsets(%arg8 : memref<40xi32, #tpu.memory_space<vmem>>) semaphore(%arg12 : memref<!tpu.dma_semaphore, #tpu.memory_space<semaphore_mem>>)
      %dma_start3A_14 = arith.constant 0 : i32
      %dma_start3A_15 = arith.constant 0 : i32
      %dma_start3A_16 = tpu.memref_slice %arg3[%dma_start3A_14, %dma_start3A_15] : memref<10000x256xf32, #tpu.memory_space<hbm>> -> memref<10000x256xf32, #tpu.memory_space<hbm>>
      tpu.enqueue_indirect_dma source(%dma_start3A_16 : memref<10000x256xf32, #tpu.memory_space<hbm>>) target(%arg11 : memref<40x256xf32, #tpu.memory_space<vmem>>) offsets(%arg9 : memref<40xi32, #tpu.memory_space<vmem>>) semaphore(%arg13 : memref<!tpu.dma_semaphore, #tpu.memory_space<semaphore_mem>>)
      %dma_wait3A = arith.constant 0 : i32
      %dma_wait3A_17 = arith.constant 0 : i32
      %dma_wait3A_18 = tpu.memref_slice %arg2[%dma_wait3A, %dma_wait3A_17] : memref<10000x512xf32, #tpu.memory_space<hbm>> -> memref<10000x512xf32, #tpu.memory_space<hbm>>
      tpu.wait_indirect_dma semaphore(%arg12 : memref<!tpu.dma_semaphore, #tpu.memory_space<semaphore_mem>>) src(%dma_wait3A_18 : memref<10000x512xf32, #tpu.memory_space<hbm>>) dst(%arg10 : memref<40x512xf32, #tpu.memory_space<vmem>>)
      %dma_wait3A_19 = arith.constant 0 : i32
      %dma_wait3A_20 = arith.constant 0 : i32
      %dma_wait3A_21 = tpu.memref_slice %arg3[%dma_wait3A_19, %dma_wait3A_20] : memref<10000x256xf32, #tpu.memory_space<hbm>> -> memref<10000x256xf32, #tpu.memory_space<hbm>>
      tpu.wait_indirect_dma semaphore(%arg13 : memref<!tpu.dma_semaphore, #tpu.memory_space<semaphore_mem>>) src(%dma_wait3A_21 : memref<10000x256xf32, #tpu.memory_space<hbm>>) dst(%arg11 : memref<40x256xf32, #tpu.memory_space<vmem>>)
      "tpu.region"() ({
        %run_scoped3A = tpu.sem_alloc : memref<!tpu.dma_semaphore, #tpu.memory_space<semaphore_mem>>
        %dma_start3A_22 = arith.constant 0 : i32
        %dma_start3A_23 = tpu.memref_slice %arg6[%multiple_of3A, %dma_start3A_22] : memref<160000x512xf32, #tpu.memory_space<hbm>> -> memref<40x512xf32, #tpu.memory_space<hbm>>
        %dma_start3A_24 = arith.constant 0 : i32
        %dma_start3A_25 = tpu.memref_slice %arg6[%multiple_of3A, %dma_start3A_24] : memref<160000x512xf32, #tpu.memory_space<hbm>> -> memref<40x512xf32, #tpu.memory_space<hbm>>
        tpu.enqueue_dma source(%arg10 : memref<40x512xf32, #tpu.memory_space<vmem>>) target(%dma_start3A_25 : memref<40x512xf32, #tpu.memory_space<hbm>>) target_semaphore(%run_scoped3A : memref<!tpu.dma_semaphore, #tpu.memory_space<semaphore_mem>>)
        %dma_wait3A_26 = arith.constant 0 : i32
        %dma_wait3A_27 = tpu.memref_slice %arg6[%multiple_of3A, %dma_wait3A_26] : memref<160000x512xf32, #tpu.memory_space<hbm>> -> memref<40x512xf32, #tpu.memory_space<hbm>>
        %dma_wait3A_28 = arith.constant 0 : i32
        %dma_wait3A_29 = tpu.memref_slice %arg6[%multiple_of3A, %dma_wait3A_28] : memref<160000x512xf32, #tpu.memory_space<hbm>> -> memref<40x512xf32, #tpu.memory_space<hbm>>
        tpu.wait_dma2 semaphore(%run_scoped3A : memref<!tpu.dma_semaphore, #tpu.memory_space<semaphore_mem>>) src(%arg10 : memref<40x512xf32, #tpu.memory_space<vmem>>) dst(%dma_wait3A_29 : memref<40x512xf32, #tpu.memory_space<hbm>>)
        tpu.yield
      }) : () -> ()
      "tpu.region"() ({
        %run_scoped3A = tpu.sem_alloc : memref<!tpu.dma_semaphore, #tpu.memory_space<semaphore_mem>>
        %dma_start3A_22 = arith.constant 0 : i32
        %dma_start3A_23 = tpu.memref_slice %arg7[%multiple_of3A, %dma_start3A_22] : memref<160000x256xf32, #tpu.memory_space<hbm>> -> memref<40x256xf32, #tpu.memory_space<hbm>>
        %dma_start3A_24 = arith.constant 0 : i32
        %dma_start3A_25 = tpu.memref_slice %arg7[%multiple_of3A, %dma_start3A_24] : memref<160000x256xf32, #tpu.memory_space<hbm>> -> memref<40x256xf32, #tpu.memory_space<hbm>>
        tpu.enqueue_dma source(%arg11 : memref<40x256xf32, #tpu.memory_space<vmem>>) target(%dma_start3A_25 : memref<40x256xf32, #tpu.memory_space<hbm>>) target_semaphore(%run_scoped3A : memref<!tpu.dma_semaphore, #tpu.memory_space<semaphore_mem>>)
        %dma_wait3A_26 = arith.constant 0 : i32
        %dma_wait3A_27 = tpu.memref_slice %arg7[%multiple_of3A, %dma_wait3A_26] : memref<160000x256xf32, #tpu.memory_space<hbm>> -> memref<40x256xf32, #tpu.memory_space<hbm>>
        %dma_wait3A_28 = arith.constant 0 : i32
        %dma_wait3A_29 = tpu.memref_slice %arg7[%multiple_of3A, %dma_wait3A_28] : memref<160000x256xf32, #tpu.memory_space<hbm>> -> memref<40x256xf32, #tpu.memory_space<hbm>>
        tpu.wait_dma2 semaphore(%run_scoped3A : memref<!tpu.dma_semaphore, #tpu.memory_space<semaphore_mem>>) src(%arg11 : memref<40x256xf32, #tpu.memory_space<vmem>>) dst(%dma_wait3A_29 : memref<40x256xf32, #tpu.memory_space<hbm>>)
        tpu.yield
      }) : () -> ()
    }
    %scan3A_7 = arith.constant 125 : i32
    return
  }
}

#map = affine_map<(d0, d1) -> (0, 0)>
#map1 = affine_map<(d0, d1) -> (0)>
#map2 = affine_map<(d0, d1) -> (0, 0, 0)>
module attributes {stable_mosaic.version = 14 : i64} {
  func.func @_sc_scatter(%arg0: i32, %arg1: i32, %arg2: memref<160000x256xf32, #tpu.memory_space<hbm>>, %arg3: memref<160000x128xf32, #tpu.memory_space<hbm>>, %arg4: memref<160000xi32, #tpu.memory_space<hbm>>, %arg5: memref<10008x8xf32, #tpu.memory_space<hbm>>, %arg6: memref<32x10000x8xf32, #tpu.memory_space<hbm>>, %arg7: memref<32x10000x8xf32, #tpu.memory_space<hbm>>, %arg8: memref<320xi32, #tpu.memory_space<vmem>>, %arg9: memref<320x8xf32, #tpu.memory_space<vmem>>, %arg10: memref<10008x8xf32, #tpu.memory_space<vmem>>) attributes {dimension_semantics = [#tpu.dimension_semantics<core_parallel>, #tpu.dimension_semantics<subcore_parallel>], iteration_bounds = array<i64: 2, 16>, scalar_prefetch = 0 : i64, scratch_operands = 3 : i64, tpu.core_type = #tpu.core_type<sc_vector_subcore>, window_params = [{transform_indices = #map}, {transform_indices = #map}, {transform_indices = #map1}, {transform_indices = #map}, {transform_indices = #map2}, {transform_indices = #map2}]} {
    %mul3A = arith.constant 2 : i32
    %mul3A_0 = arith.muli %arg1, %mul3A : i32
    %add3A = arith.addi %mul3A_0, %arg0 : i32
    %mul3A_1 = arith.constant 8 : i32
    %mul3A_2 = arith.muli %add3A, %mul3A_1 : i32
    %multiple_of3A = tpu.assume_multiple %mul3A_2, 8 : i32
    %iota3A = tpu.iota {dimensions = array<i32: 0>} : vector<16xi32>
    %and3A = arith.constant 7 : i32
    %and3A_3 = vector.broadcast %and3A : i32 to vector<16xi32>
    %and3A_4 = arith.andi %iota3A, %and3A_3 : vector<16xi32>
    %shift_right_arithmetic3A = arith.constant 3 : i32
    %shift_right_arithmetic3A_5 = vector.broadcast %shift_right_arithmetic3A : i32 to vector<16xi32>
    %shift_right_arithmetic3A_6 = arith.shrsi %iota3A, %shift_right_arithmetic3A_5 : vector<16xi32>
    "tpu.region"() ({
      %run_scoped3A = tpu.sem_alloc : memref<!tpu.dma_semaphore, #tpu.memory_space<semaphore_mem>>
      tpu.enqueue_dma source(%arg5 : memref<10008x8xf32, #tpu.memory_space<hbm>>) target(%arg10 : memref<10008x8xf32, #tpu.memory_space<vmem>>) target_semaphore(%run_scoped3A : memref<!tpu.dma_semaphore, #tpu.memory_space<semaphore_mem>>)
      tpu.wait_dma2 semaphore(%run_scoped3A : memref<!tpu.dma_semaphore, #tpu.memory_space<semaphore_mem>>) src(%arg5 : memref<10008x8xf32, #tpu.memory_space<hbm>>) dst(%arg10 : memref<10008x8xf32, #tpu.memory_space<vmem>>)
      tpu.yield
    }) : () -> ()
    %scan3A = arith.constant 0 : i32
    %scan3A_7 = arith.constant 0 : i32
    %scan3A_8 = arith.constant 500 : i32
    %scan3A_9 = arith.addi %scan3A_7, %scan3A_8 : i32
    %scan3A_10 = arith.constant 1 : i32
    scf.for %scan3A_20 = %scan3A_7 to %scan3A_9 step %scan3A_10  : i32 {
      %mul3A_21 = arith.constant 320 : i32
      %mul3A_22 = arith.muli %scan3A_20, %mul3A_21 : i32
      %multiple_of3A_23 = tpu.assume_multiple %mul3A_22, 8 : i32
      "tpu.region"() ({
        %run_scoped3A = tpu.sem_alloc : memref<!tpu.dma_semaphore, #tpu.memory_space<semaphore_mem>>
        %dma_start3A = tpu.memref_slice %arg4[%multiple_of3A_23] : memref<160000xi32, #tpu.memory_space<hbm>> -> memref<320xi32, #tpu.memory_space<hbm>>
        %dma_start3A_823 = tpu.memref_slice %arg4[%multiple_of3A_23] : memref<160000xi32, #tpu.memory_space<hbm>> -> memref<320xi32, #tpu.memory_space<hbm>>
        tpu.enqueue_dma source(%dma_start3A_823 : memref<320xi32, #tpu.memory_space<hbm>>) target(%arg8 : memref<320xi32, #tpu.memory_space<vmem>>) target_semaphore(%run_scoped3A : memref<!tpu.dma_semaphore, #tpu.memory_space<semaphore_mem>>)
        %dma_wait3A = tpu.memref_slice %arg4[%multiple_of3A_23] : memref<160000xi32, #tpu.memory_space<hbm>> -> memref<320xi32, #tpu.memory_space<hbm>>
        %dma_wait3A_824 = tpu.memref_slice %arg4[%multiple_of3A_23] : memref<160000xi32, #tpu.memory_space<hbm>> -> memref<320xi32, #tpu.memory_space<hbm>>
        tpu.wait_dma2 semaphore(%run_scoped3A : memref<!tpu.dma_semaphore, #tpu.memory_space<semaphore_mem>>) src(%dma_wait3A_824 : memref<320xi32, #tpu.memory_space<hbm>>) dst(%arg8 : memref<320xi32, #tpu.memory_space<vmem>>)
        tpu.yield
      }) : () -> ()
      "tpu.region"() ({
        %run_scoped3A = tpu.sem_alloc : memref<!tpu.dma_semaphore, #tpu.memory_space<semaphore_mem>>
        %dma_start3A = tpu.memref_slice %arg2[%multiple_of3A_23, %multiple_of3A] : memref<160000x256xf32, #tpu.memory_space<hbm>> -> memref<320x8xf32, #tpu.memory_space<hbm>>
        %dma_start3A_823 = tpu.memref_slice %arg2[%multiple_of3A_23, %multiple_of3A] : memref<160000x256xf32, #tpu.memory_space<hbm>> -> memref<320x8xf32, #tpu.memory_space<hbm>>
        tpu.enqueue_dma source(%dma_start3A_823 : memref<320x8xf32, #tpu.memory_space<hbm>>) target(%arg9 : memref<320x8xf32, #tpu.memory_space<vmem>>) target_semaphore(%run_scoped3A : memref<!tpu.dma_semaphore, #tpu.memory_space<semaphore_mem>>)
        %dma_wait3A = tpu.memref_slice %arg2[%multiple_of3A_23, %multiple_of3A] : memref<160000x256xf32, #tpu.memory_space<hbm>> -> memref<320x8xf32, #tpu.memory_space<hbm>>
        %dma_wait3A_824 = tpu.memref_slice %arg2[%multiple_of3A_23, %multiple_of3A] : memref<160000x256xf32, #tpu.memory_space<hbm>> -> memref<320x8xf32, #tpu.memory_space<hbm>>
        tpu.wait_dma2 semaphore(%run_scoped3A : memref<!tpu.dma_semaphore, #tpu.memory_space<semaphore_mem>>) src(%dma_wait3A_824 : memref<320x8xf32, #tpu.memory_space<hbm>>) dst(%arg9 : memref<320x8xf32, #tpu.memory_space<vmem>>)
        tpu.yield
      }) : () -> ()
      %add3A_24 = arith.constant 0 : i32
      %add3A_25 = vector.broadcast %add3A_24 : i32 to vector<16xi32>
      %add3A_26 = arith.addi %shift_right_arithmetic3A_6, %add3A_25 : vector<16xi32>
      %gather3A = tpu.vector_load_idx %arg9[%add3A_26, %and3A_4] : memref<320x8xf32, #tpu.memory_space<vmem>>[vector<16xi32>, vector<16xi32>], vector<16xf32>,
      %gather3A_27 = tpu.vector_load_idx %arg8[%add3A_26] : memref<320xi32, #tpu.memory_space<vmem>>[vector<16xi32>], vector<16xi32>,
      tpu.vector_store_idx %arg10[%gather3A_27, %and3A_4], %gather3A {add = true} : memref<10008x8xf32, #tpu.memory_space<vmem>>[vector<16xi32>, vector<16xi32>], vector<16xf32>,
      %add3A_28 = arith.constant 2 : i32
      %add3A_29 = vector.broadcast %add3A_28 : i32 to vector<16xi32>
      %add3A_30 = arith.addi %shift_right_arithmetic3A_6, %add3A_29 : vector<16xi32>
      %gather3A_31 = tpu.vector_load_idx %arg9[%add3A_30, %and3A_4] : memref<320x8xf32, #tpu.memory_space<vmem>>[vector<16xi32>, vector<16xi32>], vector<16xf32>,
      %gather3A_32 = tpu.vector_load_idx %arg8[%add3A_30] : memref<320xi32, #tpu.memory_space<vmem>>[vector<16xi32>], vector<16xi32>,
      tpu.vector_store_idx %arg10[%gather3A_32, %and3A_4], %gather3A_31 {add = true} : memref<10008x8xf32, #tpu.memory_space<vmem>>[vector<16xi32>, vector<16xi32>], vector<16xf32>,
      %add3A_33 = arith.constant 4 : i32
      %add3A_34 = vector.broadcast %add3A_33 : i32 to vector<16xi32>
      %add3A_35 = arith.addi %shift_right_arithmetic3A_6, %add3A_34 : vector<16xi32>
      %gather3A_36 = tpu.vector_load_idx %arg9[%add3A_35, %and3A_4] : memref<320x8xf32, #tpu.memory_space<vmem>>[vector<16xi32>, vector<16xi32>], vector<16xf32>,
      %gather3A_37 = tpu.vector_load_idx %arg8[%add3A_35] : memref<320xi32, #tpu.memory_space<vmem>>[vector<16xi32>], vector<16xi32>,
      tpu.vector_store_idx %arg10[%gather3A_37, %and3A_4], %gather3A_36 {add = true} : memref<10008x8xf32, #tpu.memory_space<vmem>>[vector<16xi32>, vector<16xi32>], vector<16xf32>,
      %add3A_38 = arith.constant 6 : i32
      %add3A_39 = vector.broadcast %add3A_38 : i32 to vector<16xi32>
      %add3A_40 = arith.addi %shift_right_arithmetic3A_6, %add3A_39 : vector<16xi32>
      %gather3A_41 = tpu.vector_load_idx %arg9[%add3A_40, %and3A_4] : memref<320x8xf32, #tpu.memory_space<vmem>>[vector<16xi32>, vector<16xi32>], vector<16xf32>,
      %gather3A_42 = tpu.vector_load_idx %arg8[%add3A_40] : memref<320xi32, #tpu.memory_space<vmem>>[vector<16xi32>], vector<16xi32>,
      tpu.vector_store_idx %arg10[%gather3A_42, %and3A_4], %gather3A_41 {add = true} : memref<10008x8xf32, #tpu.memory_space<vmem>>[vector<16xi32>, vector<16xi32>], vector<16xf32>,
      %add3A_43 = arith.constant 8 : i32
      %add3A_44 = vector.broadcast %add3A_43 : i32 to vector<16xi32>
      %add3A_45 = arith.addi %shift_right_arithmetic3A_6, %add3A_44 : vector<16xi32>
      %gather3A_46 = tpu.vector_load_idx %arg9[%add3A_45, %and3A_4] : memref<320x8xf32, #tpu.memory_space<vmem>>[vector<16xi32>, vector<16xi32>], vector<16xf32>,
      %gather3A_47 = tpu.vector_load_idx %arg8[%add3A_45] : memref<320xi32, #tpu.memory_space<vmem>>[vector<16xi32>], vector<16xi32>,
      tpu.vector_store_idx %arg10[%gather3A_47, %and3A_4], %gather3A_46 {add = true} : memref<10008x8xf32, #tpu.memory_space<vmem>>[vector<16xi32>, vector<16xi32>], vector<16xf32>,
      %add3A_48 = arith.constant 10 : i32
      %add3A_49 = vector.broadcast %add3A_48 : i32 to vector<16xi32>
      %add3A_50 = arith.addi %shift_right_arithmetic3A_6, %add3A_49 : vector<16xi32>
      %gather3A_51 = tpu.vector_load_idx %arg9[%add3A_50, %and3A_4] : memref<320x8xf32, #tpu.memory_space<vmem>>[vector<16xi32>, vector<16xi32>], vector<16xf32>,
      %gather3A_52 = tpu.vector_load_idx %arg8[%add3A_50] : memref<320xi32, #tpu.memory_space<vmem>>[vector<16xi32>], vector<16xi32>,
      tpu.vector_store_idx %arg10[%gather3A_52, %and3A_4], %gather3A_51 {add = true} : memref<10008x8xf32, #tpu.memory_space<vmem>>[vector<16xi32>, vector<16xi32>], vector<16xf32>,
      %add3A_53 = arith.constant 12 : i32
      %add3A_54 = vector.broadcast %add3A_53 : i32 to vector<16xi32>
      %add3A_55 = arith.addi %shift_right_arithmetic3A_6, %add3A_54 : vector<16xi32>
      %gather3A_56 = tpu.vector_load_idx %arg9[%add3A_55, %and3A_4] : memref<320x8xf32, #tpu.memory_space<vmem>>[vector<16xi32>, vector<16xi32>], vector<16xf32>,
      %gather3A_57 = tpu.vector_load_idx %arg8[%add3A_55] : memref<320xi32, #tpu.memory_space<vmem>>[vector<16xi32>], vector<16xi32>,
      tpu.vector_store_idx %arg10[%gather3A_57, %and3A_4], %gather3A_56 {add = true} : memref<10008x8xf32, #tpu.memory_space<vmem>>[vector<16xi32>, vector<16xi32>], vector<16xf32>,
      %add3A_58 = arith.constant 14 : i32
      %add3A_59 = vector.broadcast %add3A_58 : i32 to vector<16xi32>
      %add3A_60 = arith.addi %shift_right_arithmetic3A_6, %add3A_59 : vector<16xi32>
      %gather3A_61 = tpu.vector_load_idx %arg9[%add3A_60, %and3A_4] : memref<320x8xf32, #tpu.memory_space<vmem>>[vector<16xi32>, vector<16xi32>], vector<16xf32>,
      %gather3A_62 = tpu.vector_load_idx %arg8[%add3A_60] : memref<320xi32, #tpu.memory_space<vmem>>[vector<16xi32>], vector<16xi32>,
      tpu.vector_store_idx %arg10[%gather3A_62, %and3A_4], %gather3A_61 {add = true} : memref<10008x8xf32, #tpu.memory_space<vmem>>[vector<16xi32>, vector<16xi32>], vector<16xf32>,
      %add3A_63 = arith.constant 16 : i32
      %add3A_64 = vector.broadcast %add3A_63 : i32 to vector<16xi32>
      %add3A_65 = arith.addi %shift_right_arithmetic3A_6, %add3A_64 : vector<16xi32>
      %gather3A_66 = tpu.vector_load_idx %arg9[%add3A_65, %and3A_4] : memref<320x8xf32, #tpu.memory_space<vmem>>[vector<16xi32>, vector<16xi32>], vector<16xf32>,
      %gather3A_67 = tpu.vector_load_idx %arg8[%add3A_65] : memref<320xi32, #tpu.memory_space<vmem>>[vector<16xi32>], vector<16xi32>,
      tpu.vector_store_idx %arg10[%gather3A_67, %and3A_4], %gather3A_66 {add = true} : memref<10008x8xf32, #tpu.memory_space<vmem>>[vector<16xi32>, vector<16xi32>], vector<16xf32>,
      %add3A_68 = arith.constant 18 : i32
      %add3A_69 = vector.broadcast %add3A_68 : i32 to vector<16xi32>
      %add3A_70 = arith.addi %shift_right_arithmetic3A_6, %add3A_69 : vector<16xi32>
      %gather3A_71 = tpu.vector_load_idx %arg9[%add3A_70, %and3A_4] : memref<320x8xf32, #tpu.memory_space<vmem>>[vector<16xi32>, vector<16xi32>], vector<16xf32>,
      %gather3A_72 = tpu.vector_load_idx %arg8[%add3A_70] : memref<320xi32, #tpu.memory_space<vmem>>[vector<16xi32>], vector<16xi32>,
      tpu.vector_store_idx %arg10[%gather3A_72, %and3A_4], %gather3A_71 {add = true} : memref<10008x8xf32, #tpu.memory_space<vmem>>[vector<16xi32>, vector<16xi32>], vector<16xf32>,
      %add3A_73 = arith.constant 20 : i32
      %add3A_74 = vector.broadcast %add3A_73 : i32 to vector<16xi32>
      %add3A_75 = arith.addi %shift_right_arithmetic3A_6, %add3A_74 : vector<16xi32>
      %gather3A_76 = tpu.vector_load_idx %arg9[%add3A_75, %and3A_4] : memref<320x8xf32, #tpu.memory_space<vmem>>[vector<16xi32>, vector<16xi32>], vector<16xf32>,
      %gather3A_77 = tpu.vector_load_idx %arg8[%add3A_75] : memref<320xi32, #tpu.memory_space<vmem>>[vector<16xi32>], vector<16xi32>,
      tpu.vector_store_idx %arg10[%gather3A_77, %and3A_4], %gather3A_76 {add = true} : memref<10008x8xf32, #tpu.memory_space<vmem>>[vector<16xi32>, vector<16xi32>], vector<16xf32>,
      %add3A_78 = arith.constant 22 : i32
      %add3A_79 = vector.broadcast %add3A_78 : i32 to vector<16xi32>
      %add3A_80 = arith.addi %shift_right_arithmetic3A_6, %add3A_79 : vector<16xi32>
      %gather3A_81 = tpu.vector_load_idx %arg9[%add3A_80, %and3A_4] : memref<320x8xf32, #tpu.memory_space<vmem>>[vector<16xi32>, vector<16xi32>], vector<16xf32>,
      %gather3A_82 = tpu.vector_load_idx %arg8[%add3A_80] : memref<320xi32, #tpu.memory_space<vmem>>[vector<16xi32>], vector<16xi32>,
      tpu.vector_store_idx %arg10[%gather3A_82, %and3A_4], %gather3A_81 {add = true} : memref<10008x8xf32, #tpu.memory_space<vmem>>[vector<16xi32>, vector<16xi32>], vector<16xf32>,
      %add3A_83 = arith.constant 24 : i32
      %add3A_84 = vector.broadcast %add3A_83 : i32 to vector<16xi32>
      %add3A_85 = arith.addi %shift_right_arithmetic3A_6, %add3A_84 : vector<16xi32>
      %gather3A_86 = tpu.vector_load_idx %arg9[%add3A_85, %and3A_4] : memref<320x8xf32, #tpu.memory_space<vmem>>[vector<16xi32>, vector<16xi32>], vector<16xf32>,
      %gather3A_87 = tpu.vector_load_idx %arg8[%add3A_85] : memref<320xi32, #tpu.memory_space<vmem>>[vector<16xi32>], vector<16xi32>,
      tpu.vector_store_idx %arg10[%gather3A_87, %and3A_4], %gather3A_86 {add = true} : memref<10008x8xf32, #tpu.memory_space<vmem>>[vector<16xi32>, vector<16xi32>], vector<16xf32>,
      %add3A_88 = arith.constant 26 : i32
      %add3A_89 = vector.broadcast %add3A_88 : i32 to vector<16xi32>
      %add3A_90 = arith.addi %shift_right_arithmetic3A_6, %add3A_89 : vector<16xi32>
      %gather3A_91 = tpu.vector_load_idx %arg9[%add3A_90, %and3A_4] : memref<320x8xf32, #tpu.memory_space<vmem>>[vector<16xi32>, vector<16xi32>], vector<16xf32>,
      %gather3A_92 = tpu.vector_load_idx %arg8[%add3A_90] : memref<320xi32, #tpu.memory_space<vmem>>[vector<16xi32>], vector<16xi32>,
      tpu.vector_store_idx %arg10[%gather3A_92, %and3A_4], %gather3A_91 {add = true} : memref<10008x8xf32, #tpu.memory_space<vmem>>[vector<16xi32>, vector<16xi32>], vector<16xf32>,
      %add3A_93 = arith.constant 28 : i32
      %add3A_94 = vector.broadcast %add3A_93 : i32 to vector<16xi32>
      %add3A_95 = arith.addi %shift_right_arithmetic3A_6, %add3A_94 : vector<16xi32>
      %gather3A_96 = tpu.vector_load_idx %arg9[%add3A_95, %and3A_4] : memref<320x8xf32, #tpu.memory_space<vmem>>[vector<16xi32>, vector<16xi32>], vector<16xf32>,
      %gather3A_97 = tpu.vector_load_idx %arg8[%add3A_95] : memref<320xi32, #tpu.memory_space<vmem>>[vector<16xi32>], vector<16xi32>,
      tpu.vector_store_idx %arg10[%gather3A_97, %and3A_4], %gather3A_96 {add = true} : memref<10008x8xf32, #tpu.memory_space<vmem>>[vector<16xi32>, vector<16xi32>], vector<16xf32>,
      %add3A_98 = arith.constant 30 : i32
      %add3A_99 = vector.broadcast %add3A_98 : i32 to vector<16xi32>
      %add3A_100 = arith.addi %shift_right_arithmetic3A_6, %add3A_99 : vector<16xi32>
      %gather3A_101 = tpu.vector_load_idx %arg9[%add3A_100, %and3A_4] : memref<320x8xf32, #tpu.memory_space<vmem>>[vector<16xi32>, vector<16xi32>], vector<16xf32>,
      %gather3A_102 = tpu.vector_load_idx %arg8[%add3A_100] : memref<320xi32, #tpu.memory_space<vmem>>[vector<16xi32>], vector<16xi32>,
      tpu.vector_store_idx %arg10[%gather3A_102, %and3A_4], %gather3A_101 {add = true} : memref<10008x8xf32, #tpu.memory_space<vmem>>[vector<16xi32>, vector<16xi32>], vector<16xf32>,
      %add3A_103 = arith.constant 32 : i32
      %add3A_104 = vector.broadcast %add3A_103 : i32 to vector<16xi32>
      %add3A_105 = arith.addi %shift_right_arithmetic3A_6, %add3A_104 : vector<16xi32>
      %gather3A_106 = tpu.vector_load_idx %arg9[%add3A_105, %and3A_4] : memref<320x8xf32, #tpu.memory_space<vmem>>[vector<16xi32>, vector<16xi32>], vector<16xf32>,
      %gather3A_107 = tpu.vector_load_idx %arg8[%add3A_105] : memref<320xi32, #tpu.memory_space<vmem>>[vector<16xi32>], vector<16xi32>,
      tpu.vector_store_idx %arg10[%gather3A_107, %and3A_4], %gather3A_106 {add = true} : memref<10008x8xf32, #tpu.memory_space<vmem>>[vector<16xi32>, vector<16xi32>], vector<16xf32>,
      %add3A_108 = arith.constant 34 : i32
      %add3A_109 = vector.broadcast %add3A_108 : i32 to vector<16xi32>
      %add3A_110 = arith.addi %shift_right_arithmetic3A_6, %add3A_109 : vector<16xi32>
      %gather3A_111 = tpu.vector_load_idx %arg9[%add3A_110, %and3A_4] : memref<320x8xf32, #tpu.memory_space<vmem>>[vector<16xi32>, vector<16xi32>], vector<16xf32>,
      %gather3A_112 = tpu.vector_load_idx %arg8[%add3A_110] : memref<320xi32, #tpu.memory_space<vmem>>[vector<16xi32>], vector<16xi32>,
      tpu.vector_store_idx %arg10[%gather3A_112, %and3A_4], %gather3A_111 {add = true} : memref<10008x8xf32, #tpu.memory_space<vmem>>[vector<16xi32>, vector<16xi32>], vector<16xf32>,
      %add3A_113 = arith.constant 36 : i32
      %add3A_114 = vector.broadcast %add3A_113 : i32 to vector<16xi32>
      %add3A_115 = arith.addi %shift_right_arithmetic3A_6, %add3A_114 : vector<16xi32>
      %gather3A_116 = tpu.vector_load_idx %arg9[%add3A_115, %and3A_4] : memref<320x8xf32, #tpu.memory_space<vmem>>[vector<16xi32>, vector<16xi32>], vector<16xf32>,
      %gather3A_117 = tpu.vector_load_idx %arg8[%add3A_115] : memref<320xi32, #tpu.memory_space<vmem>>[vector<16xi32>], vector<16xi32>,
      tpu.vector_store_idx %arg10[%gather3A_117, %and3A_4], %gather3A_116 {add = true} : memref<10008x8xf32, #tpu.memory_space<vmem>>[vector<16xi32>, vector<16xi32>], vector<16xf32>,
      %add3A_118 = arith.constant 38 : i32
      %add3A_119 = vector.broadcast %add3A_118 : i32 to vector<16xi32>
      %add3A_120 = arith.addi %shift_right_arithmetic3A_6, %add3A_119 : vector<16xi32>
      %gather3A_121 = tpu.vector_load_idx %arg9[%add3A_120, %and3A_4] : memref<320x8xf32, #tpu.memory_space<vmem>>[vector<16xi32>, vector<16xi32>], vector<16xf32>,
      %gather3A_122 = tpu.vector_load_idx %arg8[%add3A_120] : memref<320xi32, #tpu.memory_space<vmem>>[vector<16xi32>], vector<16xi32>,
      tpu.vector_store_idx %arg10[%gather3A_122, %and3A_4], %gather3A_121 {add = true} : memref<10008x8xf32, #tpu.memory_space<vmem>>[vector<16xi32>, vector<16xi32>], vector<16xf32>,
      %add3A_123 = arith.constant 40 : i32
      %add3A_124 = vector.broadcast %add3A_123 : i32 to vector<16xi32>
      %add3A_125 = arith.addi %shift_right_arithmetic3A_6, %add3A_124 : vector<16xi32>
      %gather3A_126 = tpu.vector_load_idx %arg9[%add3A_125, %and3A_4] : memref<320x8xf32, #tpu.memory_space<vmem>>[vector<16xi32>, vector<16xi32>], vector<16xf32>,
      %gather3A_127 = tpu.vector_load_idx %arg8[%add3A_125] : memref<320xi32, #tpu.memory_space<vmem>>[vector<16xi32>], vector<16xi32>,
      tpu.vector_store_idx %arg10[%gather3A_127, %and3A_4], %gather3A_126 {add = true} : memref<10008x8xf32, #tpu.memory_space<vmem>>[vector<16xi32>, vector<16xi32>], vector<16xf32>,
      %add3A_128 = arith.constant 42 : i32
      %add3A_129 = vector.broadcast %add3A_128 : i32 to vector<16xi32>
      %add3A_130 = arith.addi %shift_right_arithmetic3A_6, %add3A_129 : vector<16xi32>
      %gather3A_131 = tpu.vector_load_idx %arg9[%add3A_130, %and3A_4] : memref<320x8xf32, #tpu.memory_space<vmem>>[vector<16xi32>, vector<16xi32>], vector<16xf32>,
      %gather3A_132 = tpu.vector_load_idx %arg8[%add3A_130] : memref<320xi32, #tpu.memory_space<vmem>>[vector<16xi32>], vector<16xi32>,
      tpu.vector_store_idx %arg10[%gather3A_132, %and3A_4], %gather3A_131 {add = true} : memref<10008x8xf32, #tpu.memory_space<vmem>>[vector<16xi32>, vector<16xi32>], vector<16xf32>,
      %add3A_133 = arith.constant 44 : i32
      %add3A_134 = vector.broadcast %add3A_133 : i32 to vector<16xi32>
      %add3A_135 = arith.addi %shift_right_arithmetic3A_6, %add3A_134 : vector<16xi32>
      %gather3A_136 = tpu.vector_load_idx %arg9[%add3A_135, %and3A_4] : memref<320x8xf32, #tpu.memory_space<vmem>>[vector<16xi32>, vector<16xi32>], vector<16xf32>,
      %gather3A_137 = tpu.vector_load_idx %arg8[%add3A_135] : memref<320xi32, #tpu.memory_space<vmem>>[vector<16xi32>], vector<16xi32>,
      tpu.vector_store_idx %arg10[%gather3A_137, %and3A_4], %gather3A_136 {add = true} : memref<10008x8xf32, #tpu.memory_space<vmem>>[vector<16xi32>, vector<16xi32>], vector<16xf32>,
      %add3A_138 = arith.constant 46 : i32
      %add3A_139 = vector.broadcast %add3A_138 : i32 to vector<16xi32>
      %add3A_140 = arith.addi %shift_right_arithmetic3A_6, %add3A_139 : vector<16xi32>
      %gather3A_141 = tpu.vector_load_idx %arg9[%add3A_140, %and3A_4] : memref<320x8xf32, #tpu.memory_space<vmem>>[vector<16xi32>, vector<16xi32>], vector<16xf32>,
      %gather3A_142 = tpu.vector_load_idx %arg8[%add3A_140] : memref<320xi32, #tpu.memory_space<vmem>>[vector<16xi32>], vector<16xi32>,
      tpu.vector_store_idx %arg10[%gather3A_142, %and3A_4], %gather3A_141 {add = true} : memref<10008x8xf32, #tpu.memory_space<vmem>>[vector<16xi32>, vector<16xi32>], vector<16xf32>,
      %add3A_143 = arith.constant 48 : i32
      %add3A_144 = vector.broadcast %add3A_143 : i32 to vector<16xi32>
      %add3A_145 = arith.addi %shift_right_arithmetic3A_6, %add3A_144 : vector<16xi32>
      %gather3A_146 = tpu.vector_load_idx %arg9[%add3A_145, %and3A_4] : memref<320x8xf32, #tpu.memory_space<vmem>>[vector<16xi32>, vector<16xi32>], vector<16xf32>,
      %gather3A_147 = tpu.vector_load_idx %arg8[%add3A_145] : memref<320xi32, #tpu.memory_space<vmem>>[vector<16xi32>], vector<16xi32>,
      tpu.vector_store_idx %arg10[%gather3A_147, %and3A_4], %gather3A_146 {add = true} : memref<10008x8xf32, #tpu.memory_space<vmem>>[vector<16xi32>, vector<16xi32>], vector<16xf32>,
      %add3A_148 = arith.constant 50 : i32
      %add3A_149 = vector.broadcast %add3A_148 : i32 to vector<16xi32>
      %add3A_150 = arith.addi %shift_right_arithmetic3A_6, %add3A_149 : vector<16xi32>
      %gather3A_151 = tpu.vector_load_idx %arg9[%add3A_150, %and3A_4] : memref<320x8xf32, #tpu.memory_space<vmem>>[vector<16xi32>, vector<16xi32>], vector<16xf32>,
      %gather3A_152 = tpu.vector_load_idx %arg8[%add3A_150] : memref<320xi32, #tpu.memory_space<vmem>>[vector<16xi32>], vector<16xi32>,
      tpu.vector_store_idx %arg10[%gather3A_152, %and3A_4], %gather3A_151 {add = true} : memref<10008x8xf32, #tpu.memory_space<vmem>>[vector<16xi32>, vector<16xi32>], vector<16xf32>,
      %add3A_153 = arith.constant 52 : i32
      %add3A_154 = vector.broadcast %add3A_153 : i32 to vector<16xi32>
      %add3A_155 = arith.addi %shift_right_arithmetic3A_6, %add3A_154 : vector<16xi32>
      %gather3A_156 = tpu.vector_load_idx %arg9[%add3A_155, %and3A_4] : memref<320x8xf32, #tpu.memory_space<vmem>>[vector<16xi32>, vector<16xi32>], vector<16xf32>,
      %gather3A_157 = tpu.vector_load_idx %arg8[%add3A_155] : memref<320xi32, #tpu.memory_space<vmem>>[vector<16xi32>], vector<16xi32>,
      tpu.vector_store_idx %arg10[%gather3A_157, %and3A_4], %gather3A_156 {add = true} : memref<10008x8xf32, #tpu.memory_space<vmem>>[vector<16xi32>, vector<16xi32>], vector<16xf32>,
      %add3A_158 = arith.constant 54 : i32
      %add3A_159 = vector.broadcast %add3A_158 : i32 to vector<16xi32>
      %add3A_160 = arith.addi %shift_right_arithmetic3A_6, %add3A_159 : vector<16xi32>
      %gather3A_161 = tpu.vector_load_idx %arg9[%add3A_160, %and3A_4] : memref<320x8xf32, #tpu.memory_space<vmem>>[vector<16xi32>, vector<16xi32>], vector<16xf32>,
      %gather3A_162 = tpu.vector_load_idx %arg8[%add3A_160] : memref<320xi32, #tpu.memory_space<vmem>>[vector<16xi32>], vector<16xi32>,
      tpu.vector_store_idx %arg10[%gather3A_162, %and3A_4], %gather3A_161 {add = true} : memref<10008x8xf32, #tpu.memory_space<vmem>>[vector<16xi32>, vector<16xi32>], vector<16xf32>,
      %add3A_163 = arith.constant 56 : i32
      %add3A_164 = vector.broadcast %add3A_163 : i32 to vector<16xi32>
      %add3A_165 = arith.addi %shift_right_arithmetic3A_6, %add3A_164 : vector<16xi32>
      %gather3A_166 = tpu.vector_load_idx %arg9[%add3A_165, %and3A_4] : memref<320x8xf32, #tpu.memory_space<vmem>>[vector<16xi32>, vector<16xi32>], vector<16xf32>,
      %gather3A_167 = tpu.vector_load_idx %arg8[%add3A_165] : memref<320xi32, #tpu.memory_space<vmem>>[vector<16xi32>], vector<16xi32>,
      tpu.vector_store_idx %arg10[%gather3A_167, %and3A_4], %gather3A_166 {add = true} : memref<10008x8xf32, #tpu.memory_space<vmem>>[vector<16xi32>, vector<16xi32>], vector<16xf32>,
      %add3A_168 = arith.constant 58 : i32
      %add3A_169 = vector.broadcast %add3A_168 : i32 to vector<16xi32>
      %add3A_170 = arith.addi %shift_right_arithmetic3A_6, %add3A_169 : vector<16xi32>
      %gather3A_171 = tpu.vector_load_idx %arg9[%add3A_170, %and3A_4] : memref<320x8xf32, #tpu.memory_space<vmem>>[vector<16xi32>, vector<16xi32>], vector<16xf32>,
      %gather3A_172 = tpu.vector_load_idx %arg8[%add3A_170] : memref<320xi32, #tpu.memory_space<vmem>>[vector<16xi32>], vector<16xi32>,
      tpu.vector_store_idx %arg10[%gather3A_172, %and3A_4], %gather3A_171 {add = true} : memref<10008x8xf32, #tpu.memory_space<vmem>>[vector<16xi32>, vector<16xi32>], vector<16xf32>,
      %add3A_173 = arith.constant 60 : i32
      %add3A_174 = vector.broadcast %add3A_173 : i32 to vector<16xi32>
      %add3A_175 = arith.addi %shift_right_arithmetic3A_6, %add3A_174 : vector<16xi32>
      %gather3A_176 = tpu.vector_load_idx %arg9[%add3A_175, %and3A_4] : memref<320x8xf32, #tpu.memory_space<vmem>>[vector<16xi32>, vector<16xi32>], vector<16xf32>,
      %gather3A_177 = tpu.vector_load_idx %arg8[%add3A_175] : memref<320xi32, #tpu.memory_space<vmem>>[vector<16xi32>], vector<16xi32>,
      tpu.vector_store_idx %arg10[%gather3A_177, %and3A_4], %gather3A_176 {add = true} : memref<10008x8xf32, #tpu.memory_space<vmem>>[vector<16xi32>, vector<16xi32>], vector<16xf32>,
      %add3A_178 = arith.constant 62 : i32
      %add3A_179 = vector.broadcast %add3A_178 : i32 to vector<16xi32>
      %add3A_180 = arith.addi %shift_right_arithmetic3A_6, %add3A_179 : vector<16xi32>
      %gather3A_181 = tpu.vector_load_idx %arg9[%add3A_180, %and3A_4] : memref<320x8xf32, #tpu.memory_space<vmem>>[vector<16xi32>, vector<16xi32>], vector<16xf32>,
      %gather3A_182 = tpu.vector_load_idx %arg8[%add3A_180] : memref<320xi32, #tpu.memory_space<vmem>>[vector<16xi32>], vector<16xi32>,
      tpu.vector_store_idx %arg10[%gather3A_182, %and3A_4], %gather3A_181 {add = true} : memref<10008x8xf32, #tpu.memory_space<vmem>>[vector<16xi32>, vector<16xi32>], vector<16xf32>,
      %add3A_183 = arith.constant 64 : i32
      %add3A_184 = vector.broadcast %add3A_183 : i32 to vector<16xi32>
      %add3A_185 = arith.addi %shift_right_arithmetic3A_6, %add3A_184 : vector<16xi32>
      %gather3A_186 = tpu.vector_load_idx %arg9[%add3A_185, %and3A_4] : memref<320x8xf32, #tpu.memory_space<vmem>>[vector<16xi32>, vector<16xi32>], vector<16xf32>,
      %gather3A_187 = tpu.vector_load_idx %arg8[%add3A_185] : memref<320xi32, #tpu.memory_space<vmem>>[vector<16xi32>], vector<16xi32>,
      tpu.vector_store_idx %arg10[%gather3A_187, %and3A_4], %gather3A_186 {add = true} : memref<10008x8xf32, #tpu.memory_space<vmem>>[vector<16xi32>, vector<16xi32>], vector<16xf32>,
      %add3A_188 = arith.constant 66 : i32
      %add3A_189 = vector.broadcast %add3A_188 : i32 to vector<16xi32>
      %add3A_190 = arith.addi %shift_right_arithmetic3A_6, %add3A_189 : vector<16xi32>
      %gather3A_191 = tpu.vector_load_idx %arg9[%add3A_190, %and3A_4] : memref<320x8xf32, #tpu.memory_space<vmem>>[vector<16xi32>, vector<16xi32>], vector<16xf32>,
      %gather3A_192 = tpu.vector_load_idx %arg8[%add3A_190] : memref<320xi32, #tpu.memory_space<vmem>>[vector<16xi32>], vector<16xi32>,
      tpu.vector_store_idx %arg10[%gather3A_192, %and3A_4], %gather3A_191 {add = true} : memref<10008x8xf32, #tpu.memory_space<vmem>>[vector<16xi32>, vector<16xi32>], vector<16xf32>,
      %add3A_193 = arith.constant 68 : i32
      %add3A_194 = vector.broadcast %add3A_193 : i32 to vector<16xi32>
      %add3A_195 = arith.addi %shift_right_arithmetic3A_6, %add3A_194 : vector<16xi32>
      %gather3A_196 = tpu.vector_load_idx %arg9[%add3A_195, %and3A_4] : memref<320x8xf32, #tpu.memory_space<vmem>>[vector<16xi32>, vector<16xi32>], vector<16xf32>,
      %gather3A_197 = tpu.vector_load_idx %arg8[%add3A_195] : memref<320xi32, #tpu.memory_space<vmem>>[vector<16xi32>], vector<16xi32>,
      tpu.vector_store_idx %arg10[%gather3A_197, %and3A_4], %gather3A_196 {add = true} : memref<10008x8xf32, #tpu.memory_space<vmem>>[vector<16xi32>, vector<16xi32>], vector<16xf32>,
      %add3A_198 = arith.constant 70 : i32
      %add3A_199 = vector.broadcast %add3A_198 : i32 to vector<16xi32>
      %add3A_200 = arith.addi %shift_right_arithmetic3A_6, %add3A_199 : vector<16xi32>
      %gather3A_201 = tpu.vector_load_idx %arg9[%add3A_200, %and3A_4] : memref<320x8xf32, #tpu.memory_space<vmem>>[vector<16xi32>, vector<16xi32>], vector<16xf32>,
      %gather3A_202 = tpu.vector_load_idx %arg8[%add3A_200] : memref<320xi32, #tpu.memory_space<vmem>>[vector<16xi32>], vector<16xi32>,
      tpu.vector_store_idx %arg10[%gather3A_202, %and3A_4], %gather3A_201 {add = true} : memref<10008x8xf32, #tpu.memory_space<vmem>>[vector<16xi32>, vector<16xi32>], vector<16xf32>,
      %add3A_203 = arith.constant 72 : i32
      %add3A_204 = vector.broadcast %add3A_203 : i32 to vector<16xi32>
      %add3A_205 = arith.addi %shift_right_arithmetic3A_6, %add3A_204 : vector<16xi32>
      %gather3A_206 = tpu.vector_load_idx %arg9[%add3A_205, %and3A_4] : memref<320x8xf32, #tpu.memory_space<vmem>>[vector<16xi32>, vector<16xi32>], vector<16xf32>,
      %gather3A_207 = tpu.vector_load_idx %arg8[%add3A_205] : memref<320xi32, #tpu.memory_space<vmem>>[vector<16xi32>], vector<16xi32>,
      tpu.vector_store_idx %arg10[%gather3A_207, %and3A_4], %gather3A_206 {add = true} : memref<10008x8xf32, #tpu.memory_space<vmem>>[vector<16xi32>, vector<16xi32>], vector<16xf32>,
      %add3A_208 = arith.constant 74 : i32
      %add3A_209 = vector.broadcast %add3A_208 : i32 to vector<16xi32>
      %add3A_210 = arith.addi %shift_right_arithmetic3A_6, %add3A_209 : vector<16xi32>
      %gather3A_211 = tpu.vector_load_idx %arg9[%add3A_210, %and3A_4] : memref<320x8xf32, #tpu.memory_space<vmem>>[vector<16xi32>, vector<16xi32>], vector<16xf32>,
      %gather3A_212 = tpu.vector_load_idx %arg8[%add3A_210] : memref<320xi32, #tpu.memory_space<vmem>>[vector<16xi32>], vector<16xi32>,
      tpu.vector_store_idx %arg10[%gather3A_212, %and3A_4], %gather3A_211 {add = true} : memref<10008x8xf32, #tpu.memory_space<vmem>>[vector<16xi32>, vector<16xi32>], vector<16xf32>,
      %add3A_213 = arith.constant 76 : i32
      %add3A_214 = vector.broadcast %add3A_213 : i32 to vector<16xi32>
      %add3A_215 = arith.addi %shift_right_arithmetic3A_6, %add3A_214 : vector<16xi32>
      %gather3A_216 = tpu.vector_load_idx %arg9[%add3A_215, %and3A_4] : memref<320x8xf32, #tpu.memory_space<vmem>>[vector<16xi32>, vector<16xi32>], vector<16xf32>,
      %gather3A_217 = tpu.vector_load_idx %arg8[%add3A_215] : memref<320xi32, #tpu.memory_space<vmem>>[vector<16xi32>], vector<16xi32>,
      tpu.vector_store_idx %arg10[%gather3A_217, %and3A_4], %gather3A_216 {add = true} : memref<10008x8xf32, #tpu.memory_space<vmem>>[vector<16xi32>, vector<16xi32>], vector<16xf32>,
      %add3A_218 = arith.constant 78 : i32
      %add3A_219 = vector.broadcast %add3A_218 : i32 to vector<16xi32>
      %add3A_220 = arith.addi %shift_right_arithmetic3A_6, %add3A_219 : vector<16xi32>
      %gather3A_221 = tpu.vector_load_idx %arg9[%add3A_220, %and3A_4] : memref<320x8xf32, #tpu.memory_space<vmem>>[vector<16xi32>, vector<16xi32>], vector<16xf32>,
      %gather3A_222 = tpu.vector_load_idx %arg8[%add3A_220] : memref<320xi32, #tpu.memory_space<vmem>>[vector<16xi32>], vector<16xi32>,
      tpu.vector_store_idx %arg10[%gather3A_222, %and3A_4], %gather3A_221 {add = true} : memref<10008x8xf32, #tpu.memory_space<vmem>>[vector<16xi32>, vector<16xi32>], vector<16xf32>,
      %add3A_223 = arith.constant 80 : i32
      %add3A_224 = vector.broadcast %add3A_223 : i32 to vector<16xi32>
      %add3A_225 = arith.addi %shift_right_arithmetic3A_6, %add3A_224 : vector<16xi32>
      %gather3A_226 = tpu.vector_load_idx %arg9[%add3A_225, %and3A_4] : memref<320x8xf32, #tpu.memory_space<vmem>>[vector<16xi32>, vector<16xi32>], vector<16xf32>,
      %gather3A_227 = tpu.vector_load_idx %arg8[%add3A_225] : memref<320xi32, #tpu.memory_space<vmem>>[vector<16xi32>], vector<16xi32>,
      tpu.vector_store_idx %arg10[%gather3A_227, %and3A_4], %gather3A_226 {add = true} : memref<10008x8xf32, #tpu.memory_space<vmem>>[vector<16xi32>, vector<16xi32>], vector<16xf32>,
      %add3A_228 = arith.constant 82 : i32
      %add3A_229 = vector.broadcast %add3A_228 : i32 to vector<16xi32>
      %add3A_230 = arith.addi %shift_right_arithmetic3A_6, %add3A_229 : vector<16xi32>
      %gather3A_231 = tpu.vector_load_idx %arg9[%add3A_230, %and3A_4] : memref<320x8xf32, #tpu.memory_space<vmem>>[vector<16xi32>, vector<16xi32>], vector<16xf32>,
      %gather3A_232 = tpu.vector_load_idx %arg8[%add3A_230] : memref<320xi32, #tpu.memory_space<vmem>>[vector<16xi32>], vector<16xi32>,
      tpu.vector_store_idx %arg10[%gather3A_232, %and3A_4], %gather3A_231 {add = true} : memref<10008x8xf32, #tpu.memory_space<vmem>>[vector<16xi32>, vector<16xi32>], vector<16xf32>,
      %add3A_233 = arith.constant 84 : i32
      %add3A_234 = vector.broadcast %add3A_233 : i32 to vector<16xi32>
      %add3A_235 = arith.addi %shift_right_arithmetic3A_6, %add3A_234 : vector<16xi32>
      %gather3A_236 = tpu.vector_load_idx %arg9[%add3A_235, %and3A_4] : memref<320x8xf32, #tpu.memory_space<vmem>>[vector<16xi32>, vector<16xi32>], vector<16xf32>,
      %gather3A_237 = tpu.vector_load_idx %arg8[%add3A_235] : memref<320xi32, #tpu.memory_space<vmem>>[vector<16xi32>], vector<16xi32>,
      tpu.vector_store_idx %arg10[%gather3A_237, %and3A_4], %gather3A_236 {add = true} : memref<10008x8xf32, #tpu.memory_space<vmem>>[vector<16xi32>, vector<16xi32>], vector<16xf32>,
      %add3A_238 = arith.constant 86 : i32
      %add3A_239 = vector.broadcast %add3A_238 : i32 to vector<16xi32>
      %add3A_240 = arith.addi %shift_right_arithmetic3A_6, %add3A_239 : vector<16xi32>
      %gather3A_241 = tpu.vector_load_idx %arg9[%add3A_240, %and3A_4] : memref<320x8xf32, #tpu.memory_space<vmem>>[vector<16xi32>, vector<16xi32>], vector<16xf32>,
      %gather3A_242 = tpu.vector_load_idx %arg8[%add3A_240] : memref<320xi32, #tpu.memory_space<vmem>>[vector<16xi32>], vector<16xi32>,
      tpu.vector_store_idx %arg10[%gather3A_242, %and3A_4], %gather3A_241 {add = true} : memref<10008x8xf32, #tpu.memory_space<vmem>>[vector<16xi32>, vector<16xi32>], vector<16xf32>,
      %add3A_243 = arith.constant 88 : i32
      %add3A_244 = vector.broadcast %add3A_243 : i32 to vector<16xi32>
      %add3A_245 = arith.addi %shift_right_arithmetic3A_6, %add3A_244 : vector<16xi32>
      %gather3A_246 = tpu.vector_load_idx %arg9[%add3A_245, %and3A_4] : memref<320x8xf32, #tpu.memory_space<vmem>>[vector<16xi32>, vector<16xi32>], vector<16xf32>,
      %gather3A_247 = tpu.vector_load_idx %arg8[%add3A_245] : memref<320xi32, #tpu.memory_space<vmem>>[vector<16xi32>], vector<16xi32>,
      tpu.vector_store_idx %arg10[%gather3A_247, %and3A_4], %gather3A_246 {add = true} : memref<10008x8xf32, #tpu.memory_space<vmem>>[vector<16xi32>, vector<16xi32>], vector<16xf32>,
      %add3A_248 = arith.constant 90 : i32
      %add3A_249 = vector.broadcast %add3A_248 : i32 to vector<16xi32>
      %add3A_250 = arith.addi %shift_right_arithmetic3A_6, %add3A_249 : vector<16xi32>
      %gather3A_251 = tpu.vector_load_idx %arg9[%add3A_250, %and3A_4] : memref<320x8xf32, #tpu.memory_space<vmem>>[vector<16xi32>, vector<16xi32>], vector<16xf32>,
      %gather3A_252 = tpu.vector_load_idx %arg8[%add3A_250] : memref<320xi32, #tpu.memory_space<vmem>>[vector<16xi32>], vector<16xi32>,
      tpu.vector_store_idx %arg10[%gather3A_252, %and3A_4], %gather3A_251 {add = true} : memref<10008x8xf32, #tpu.memory_space<vmem>>[vector<16xi32>, vector<16xi32>], vector<16xf32>,
      %add3A_253 = arith.constant 92 : i32
      %add3A_254 = vector.broadcast %add3A_253 : i32 to vector<16xi32>
      %add3A_255 = arith.addi %shift_right_arithmetic3A_6, %add3A_254 : vector<16xi32>
      %gather3A_256 = tpu.vector_load_idx %arg9[%add3A_255, %and3A_4] : memref<320x8xf32, #tpu.memory_space<vmem>>[vector<16xi32>, vector<16xi32>], vector<16xf32>,
      %gather3A_257 = tpu.vector_load_idx %arg8[%add3A_255] : memref<320xi32, #tpu.memory_space<vmem>>[vector<16xi32>], vector<16xi32>,
      tpu.vector_store_idx %arg10[%gather3A_257, %and3A_4], %gather3A_256 {add = true} : memref<10008x8xf32, #tpu.memory_space<vmem>>[vector<16xi32>, vector<16xi32>], vector<16xf32>,
      %add3A_258 = arith.constant 94 : i32
      %add3A_259 = vector.broadcast %add3A_258 : i32 to vector<16xi32>
      %add3A_260 = arith.addi %shift_right_arithmetic3A_6, %add3A_259 : vector<16xi32>
      %gather3A_261 = tpu.vector_load_idx %arg9[%add3A_260, %and3A_4] : memref<320x8xf32, #tpu.memory_space<vmem>>[vector<16xi32>, vector<16xi32>], vector<16xf32>,
      %gather3A_262 = tpu.vector_load_idx %arg8[%add3A_260] : memref<320xi32, #tpu.memory_space<vmem>>[vector<16xi32>], vector<16xi32>,
      tpu.vector_store_idx %arg10[%gather3A_262, %and3A_4], %gather3A_261 {add = true} : memref<10008x8xf32, #tpu.memory_space<vmem>>[vector<16xi32>, vector<16xi32>], vector<16xf32>,
      %add3A_263 = arith.constant 96 : i32
      %add3A_264 = vector.broadcast %add3A_263 : i32 to vector<16xi32>
      %add3A_265 = arith.addi %shift_right_arithmetic3A_6, %add3A_264 : vector<16xi32>
      %gather3A_266 = tpu.vector_load_idx %arg9[%add3A_265, %and3A_4] : memref<320x8xf32, #tpu.memory_space<vmem>>[vector<16xi32>, vector<16xi32>], vector<16xf32>,
      %gather3A_267 = tpu.vector_load_idx %arg8[%add3A_265] : memref<320xi32, #tpu.memory_space<vmem>>[vector<16xi32>], vector<16xi32>,
      tpu.vector_store_idx %arg10[%gather3A_267, %and3A_4], %gather3A_266 {add = true} : memref<10008x8xf32, #tpu.memory_space<vmem>>[vector<16xi32>, vector<16xi32>], vector<16xf32>,
      %add3A_268 = arith.constant 98 : i32
      %add3A_269 = vector.broadcast %add3A_268 : i32 to vector<16xi32>
      %add3A_270 = arith.addi %shift_right_arithmetic3A_6, %add3A_269 : vector<16xi32>
      %gather3A_271 = tpu.vector_load_idx %arg9[%add3A_270, %and3A_4] : memref<320x8xf32, #tpu.memory_space<vmem>>[vector<16xi32>, vector<16xi32>], vector<16xf32>,
      %gather3A_272 = tpu.vector_load_idx %arg8[%add3A_270] : memref<320xi32, #tpu.memory_space<vmem>>[vector<16xi32>], vector<16xi32>,
      tpu.vector_store_idx %arg10[%gather3A_272, %and3A_4], %gather3A_271 {add = true} : memref<10008x8xf32, #tpu.memory_space<vmem>>[vector<16xi32>, vector<16xi32>], vector<16xf32>,
      %add3A_273 = arith.constant 100 : i32
      %add3A_274 = vector.broadcast %add3A_273 : i32 to vector<16xi32>
      %add3A_275 = arith.addi %shift_right_arithmetic3A_6, %add3A_274 : vector<16xi32>
      %gather3A_276 = tpu.vector_load_idx %arg9[%add3A_275, %and3A_4] : memref<320x8xf32, #tpu.memory_space<vmem>>[vector<16xi32>, vector<16xi32>], vector<16xf32>,
      %gather3A_277 = tpu.vector_load_idx %arg8[%add3A_275] : memref<320xi32, #tpu.memory_space<vmem>>[vector<16xi32>], vector<16xi32>,
      tpu.vector_store_idx %arg10[%gather3A_277, %and3A_4], %gather3A_276 {add = true} : memref<10008x8xf32, #tpu.memory_space<vmem>>[vector<16xi32>, vector<16xi32>], vector<16xf32>,
      %add3A_278 = arith.constant 102 : i32
      %add3A_279 = vector.broadcast %add3A_278 : i32 to vector<16xi32>
      %add3A_280 = arith.addi %shift_right_arithmetic3A_6, %add3A_279 : vector<16xi32>
      %gather3A_281 = tpu.vector_load_idx %arg9[%add3A_280, %and3A_4] : memref<320x8xf32, #tpu.memory_space<vmem>>[vector<16xi32>, vector<16xi32>], vector<16xf32>,
      %gather3A_282 = tpu.vector_load_idx %arg8[%add3A_280] : memref<320xi32, #tpu.memory_space<vmem>>[vector<16xi32>], vector<16xi32>,
      tpu.vector_store_idx %arg10[%gather3A_282, %and3A_4], %gather3A_281 {add = true} : memref<10008x8xf32, #tpu.memory_space<vmem>>[vector<16xi32>, vector<16xi32>], vector<16xf32>,
      %add3A_283 = arith.constant 104 : i32
      %add3A_284 = vector.broadcast %add3A_283 : i32 to vector<16xi32>
      %add3A_285 = arith.addi %shift_right_arithmetic3A_6, %add3A_284 : vector<16xi32>
      %gather3A_286 = tpu.vector_load_idx %arg9[%add3A_285, %and3A_4] : memref<320x8xf32, #tpu.memory_space<vmem>>[vector<16xi32>, vector<16xi32>], vector<16xf32>,
      %gather3A_287 = tpu.vector_load_idx %arg8[%add3A_285] : memref<320xi32, #tpu.memory_space<vmem>>[vector<16xi32>], vector<16xi32>,
      tpu.vector_store_idx %arg10[%gather3A_287, %and3A_4], %gather3A_286 {add = true} : memref<10008x8xf32, #tpu.memory_space<vmem>>[vector<16xi32>, vector<16xi32>], vector<16xf32>,
      %add3A_288 = arith.constant 106 : i32
      %add3A_289 = vector.broadcast %add3A_288 : i32 to vector<16xi32>
      %add3A_290 = arith.addi %shift_right_arithmetic3A_6, %add3A_289 : vector<16xi32>
      %gather3A_291 = tpu.vector_load_idx %arg9[%add3A_290, %and3A_4] : memref<320x8xf32, #tpu.memory_space<vmem>>[vector<16xi32>, vector<16xi32>], vector<16xf32>,
      %gather3A_292 = tpu.vector_load_idx %arg8[%add3A_290] : memref<320xi32, #tpu.memory_space<vmem>>[vector<16xi32>], vector<16xi32>,
      tpu.vector_store_idx %arg10[%gather3A_292, %and3A_4], %gather3A_291 {add = true} : memref<10008x8xf32, #tpu.memory_space<vmem>>[vector<16xi32>, vector<16xi32>], vector<16xf32>,
      %add3A_293 = arith.constant 108 : i32
      %add3A_294 = vector.broadcast %add3A_293 : i32 to vector<16xi32>
      %add3A_295 = arith.addi %shift_right_arithmetic3A_6, %add3A_294 : vector<16xi32>
      %gather3A_296 = tpu.vector_load_idx %arg9[%add3A_295, %and3A_4] : memref<320x8xf32, #tpu.memory_space<vmem>>[vector<16xi32>, vector<16xi32>], vector<16xf32>,
      %gather3A_297 = tpu.vector_load_idx %arg8[%add3A_295] : memref<320xi32, #tpu.memory_space<vmem>>[vector<16xi32>], vector<16xi32>,
      tpu.vector_store_idx %arg10[%gather3A_297, %and3A_4], %gather3A_296 {add = true} : memref<10008x8xf32, #tpu.memory_space<vmem>>[vector<16xi32>, vector<16xi32>], vector<16xf32>,
      %add3A_298 = arith.constant 110 : i32
      %add3A_299 = vector.broadcast %add3A_298 : i32 to vector<16xi32>
      %add3A_300 = arith.addi %shift_right_arithmetic3A_6, %add3A_299 : vector<16xi32>
      %gather3A_301 = tpu.vector_load_idx %arg9[%add3A_300, %and3A_4] : memref<320x8xf32, #tpu.memory_space<vmem>>[vector<16xi32>, vector<16xi32>], vector<16xf32>,
      %gather3A_302 = tpu.vector_load_idx %arg8[%add3A_300] : memref<320xi32, #tpu.memory_space<vmem>>[vector<16xi32>], vector<16xi32>,
      tpu.vector_store_idx %arg10[%gather3A_302, %and3A_4], %gather3A_301 {add = true} : memref<10008x8xf32, #tpu.memory_space<vmem>>[vector<16xi32>, vector<16xi32>], vector<16xf32>,
      %add3A_303 = arith.constant 112 : i32
      %add3A_304 = vector.broadcast %add3A_303 : i32 to vector<16xi32>
      %add3A_305 = arith.addi %shift_right_arithmetic3A_6, %add3A_304 : vector<16xi32>
      %gather3A_306 = tpu.vector_load_idx %arg9[%add3A_305, %and3A_4] : memref<320x8xf32, #tpu.memory_space<vmem>>[vector<16xi32>, vector<16xi32>], vector<16xf32>,
      %gather3A_307 = tpu.vector_load_idx %arg8[%add3A_305] : memref<320xi32, #tpu.memory_space<vmem>>[vector<16xi32>], vector<16xi32>,
      tpu.vector_store_idx %arg10[%gather3A_307, %and3A_4], %gather3A_306 {add = true} : memref<10008x8xf32, #tpu.memory_space<vmem>>[vector<16xi32>, vector<16xi32>], vector<16xf32>,
      %add3A_308 = arith.constant 114 : i32
      %add3A_309 = vector.broadcast %add3A_308 : i32 to vector<16xi32>
      %add3A_310 = arith.addi %shift_right_arithmetic3A_6, %add3A_309 : vector<16xi32>
      %gather3A_311 = tpu.vector_load_idx %arg9[%add3A_310, %and3A_4] : memref<320x8xf32, #tpu.memory_space<vmem>>[vector<16xi32>, vector<16xi32>], vector<16xf32>,
      %gather3A_312 = tpu.vector_load_idx %arg8[%add3A_310] : memref<320xi32, #tpu.memory_space<vmem>>[vector<16xi32>], vector<16xi32>,
      tpu.vector_store_idx %arg10[%gather3A_312, %and3A_4], %gather3A_311 {add = true} : memref<10008x8xf32, #tpu.memory_space<vmem>>[vector<16xi32>, vector<16xi32>], vector<16xf32>,
      %add3A_313 = arith.constant 116 : i32
      %add3A_314 = vector.broadcast %add3A_313 : i32 to vector<16xi32>
      %add3A_315 = arith.addi %shift_right_arithmetic3A_6, %add3A_314 : vector<16xi32>
      %gather3A_316 = tpu.vector_load_idx %arg9[%add3A_315, %and3A_4] : memref<320x8xf32, #tpu.memory_space<vmem>>[vector<16xi32>, vector<16xi32>], vector<16xf32>,
      %gather3A_317 = tpu.vector_load_idx %arg8[%add3A_315] : memref<320xi32, #tpu.memory_space<vmem>>[vector<16xi32>], vector<16xi32>,
      tpu.vector_store_idx %arg10[%gather3A_317, %and3A_4], %gather3A_316 {add = true} : memref<10008x8xf32, #tpu.memory_space<vmem>>[vector<16xi32>, vector<16xi32>], vector<16xf32>,
      %add3A_318 = arith.constant 118 : i32
      %add3A_319 = vector.broadcast %add3A_318 : i32 to vector<16xi32>
      %add3A_320 = arith.addi %shift_right_arithmetic3A_6, %add3A_319 : vector<16xi32>
      %gather3A_321 = tpu.vector_load_idx %arg9[%add3A_320, %and3A_4] : memref<320x8xf32, #tpu.memory_space<vmem>>[vector<16xi32>, vector<16xi32>], vector<16xf32>,
      %gather3A_322 = tpu.vector_load_idx %arg8[%add3A_320] : memref<320xi32, #tpu.memory_space<vmem>>[vector<16xi32>], vector<16xi32>,
      tpu.vector_store_idx %arg10[%gather3A_322, %and3A_4], %gather3A_321 {add = true} : memref<10008x8xf32, #tpu.memory_space<vmem>>[vector<16xi32>, vector<16xi32>], vector<16xf32>,
      %add3A_323 = arith.constant 120 : i32
      %add3A_324 = vector.broadcast %add3A_323 : i32 to vector<16xi32>
      %add3A_325 = arith.addi %shift_right_arithmetic3A_6, %add3A_324 : vector<16xi32>
      %gather3A_326 = tpu.vector_load_idx %arg9[%add3A_325, %and3A_4] : memref<320x8xf32, #tpu.memory_space<vmem>>[vector<16xi32>, vector<16xi32>], vector<16xf32>,
      %gather3A_327 = tpu.vector_load_idx %arg8[%add3A_325] : memref<320xi32, #tpu.memory_space<vmem>>[vector<16xi32>], vector<16xi32>,
      tpu.vector_store_idx %arg10[%gather3A_327, %and3A_4], %gather3A_326 {add = true} : memref<10008x8xf32, #tpu.memory_space<vmem>>[vector<16xi32>, vector<16xi32>], vector<16xf32>,
      %add3A_328 = arith.constant 122 : i32
      %add3A_329 = vector.broadcast %add3A_328 : i32 to vector<16xi32>
      %add3A_330 = arith.addi %shift_right_arithmetic3A_6, %add3A_329 : vector<16xi32>
      %gather3A_331 = tpu.vector_load_idx %arg9[%add3A_330, %and3A_4] : memref<320x8xf32, #tpu.memory_space<vmem>>[vector<16xi32>, vector<16xi32>], vector<16xf32>,
      %gather3A_332 = tpu.vector_load_idx %arg8[%add3A_330] : memref<320xi32, #tpu.memory_space<vmem>>[vector<16xi32>], vector<16xi32>,
      tpu.vector_store_idx %arg10[%gather3A_332, %and3A_4], %gather3A_331 {add = true} : memref<10008x8xf32, #tpu.memory_space<vmem>>[vector<16xi32>, vector<16xi32>], vector<16xf32>,
      %add3A_333 = arith.constant 124 : i32
      %add3A_334 = vector.broadcast %add3A_333 : i32 to vector<16xi32>
      %add3A_335 = arith.addi %shift_right_arithmetic3A_6, %add3A_334 : vector<16xi32>
      %gather3A_336 = tpu.vector_load_idx %arg9[%add3A_335, %and3A_4] : memref<320x8xf32, #tpu.memory_space<vmem>>[vector<16xi32>, vector<16xi32>], vector<16xf32>,
      %gather3A_337 = tpu.vector_load_idx %arg8[%add3A_335] : memref<320xi32, #tpu.memory_space<vmem>>[vector<16xi32>], vector<16xi32>,
      tpu.vector_store_idx %arg10[%gather3A_337, %and3A_4], %gather3A_336 {add = true} : memref<10008x8xf32, #tpu.memory_space<vmem>>[vector<16xi32>, vector<16xi32>], vector<16xf32>,
      %add3A_338 = arith.constant 126 : i32
      %add3A_339 = vector.broadcast %add3A_338 : i32 to vector<16xi32>
      %add3A_340 = arith.addi %shift_right_arithmetic3A_6, %add3A_339 : vector<16xi32>
      %gather3A_341 = tpu.vector_load_idx %arg9[%add3A_340, %and3A_4] : memref<320x8xf32, #tpu.memory_space<vmem>>[vector<16xi32>, vector<16xi32>], vector<16xf32>,
      %gather3A_342 = tpu.vector_load_idx %arg8[%add3A_340] : memref<320xi32, #tpu.memory_space<vmem>>[vector<16xi32>], vector<16xi32>,
      tpu.vector_store_idx %arg10[%gather3A_342, %and3A_4], %gather3A_341 {add = true} : memref<10008x8xf32, #tpu.memory_space<vmem>>[vector<16xi32>, vector<16xi32>], vector<16xf32>,
      %add3A_343 = arith.constant 128 : i32
      %add3A_344 = vector.broadcast %add3A_343 : i32 to vector<16xi32>
      %add3A_345 = arith.addi %shift_right_arithmetic3A_6, %add3A_344 : vector<16xi32>
      %gather3A_346 = tpu.vector_load_idx %arg9[%add3A_345, %and3A_4] : memref<320x8xf32, #tpu.memory_space<vmem>>[vector<16xi32>, vector<16xi32>], vector<16xf32>,
      %gather3A_347 = tpu.vector_load_idx %arg8[%add3A_345] : memref<320xi32, #tpu.memory_space<vmem>>[vector<16xi32>], vector<16xi32>,
      tpu.vector_store_idx %arg10[%gather3A_347, %and3A_4], %gather3A_346 {add = true} : memref<10008x8xf32, #tpu.memory_space<vmem>>[vector<16xi32>, vector<16xi32>], vector<16xf32>,
      %add3A_348 = arith.constant 130 : i32
      %add3A_349 = vector.broadcast %add3A_348 : i32 to vector<16xi32>
      %add3A_350 = arith.addi %shift_right_arithmetic3A_6, %add3A_349 : vector<16xi32>
      %gather3A_351 = tpu.vector_load_idx %arg9[%add3A_350, %and3A_4] : memref<320x8xf32, #tpu.memory_space<vmem>>[vector<16xi32>, vector<16xi32>], vector<16xf32>,
      %gather3A_352 = tpu.vector_load_idx %arg8[%add3A_350] : memref<320xi32, #tpu.memory_space<vmem>>[vector<16xi32>], vector<16xi32>,
      tpu.vector_store_idx %arg10[%gather3A_352, %and3A_4], %gather3A_351 {add = true} : memref<10008x8xf32, #tpu.memory_space<vmem>>[vector<16xi32>, vector<16xi32>], vector<16xf32>,
      %add3A_353 = arith.constant 132 : i32
      %add3A_354 = vector.broadcast %add3A_353 : i32 to vector<16xi32>
      %add3A_355 = arith.addi %shift_right_arithmetic3A_6, %add3A_354 : vector<16xi32>
      %gather3A_356 = tpu.vector_load_idx %arg9[%add3A_355, %and3A_4] : memref<320x8xf32, #tpu.memory_space<vmem>>[vector<16xi32>, vector<16xi32>], vector<16xf32>,
      %gather3A_357 = tpu.vector_load_idx %arg8[%add3A_355] : memref<320xi32, #tpu.memory_space<vmem>>[vector<16xi32>], vector<16xi32>,
      tpu.vector_store_idx %arg10[%gather3A_357, %and3A_4], %gather3A_356 {add = true} : memref<10008x8xf32, #tpu.memory_space<vmem>>[vector<16xi32>, vector<16xi32>], vector<16xf32>,
      %add3A_358 = arith.constant 134 : i32
      %add3A_359 = vector.broadcast %add3A_358 : i32 to vector<16xi32>
      %add3A_360 = arith.addi %shift_right_arithmetic3A_6, %add3A_359 : vector<16xi32>
      %gather3A_361 = tpu.vector_load_idx %arg9[%add3A_360, %and3A_4] : memref<320x8xf32, #tpu.memory_space<vmem>>[vector<16xi32>, vector<16xi32>], vector<16xf32>,
      %gather3A_362 = tpu.vector_load_idx %arg8[%add3A_360] : memref<320xi32, #tpu.memory_space<vmem>>[vector<16xi32>], vector<16xi32>,
      tpu.vector_store_idx %arg10[%gather3A_362, %and3A_4], %gather3A_361 {add = true} : memref<10008x8xf32, #tpu.memory_space<vmem>>[vector<16xi32>, vector<16xi32>], vector<16xf32>,
      %add3A_363 = arith.constant 136 : i32
      %add3A_364 = vector.broadcast %add3A_363 : i32 to vector<16xi32>
      %add3A_365 = arith.addi %shift_right_arithmetic3A_6, %add3A_364 : vector<16xi32>
      %gather3A_366 = tpu.vector_load_idx %arg9[%add3A_365, %and3A_4] : memref<320x8xf32, #tpu.memory_space<vmem>>[vector<16xi32>, vector<16xi32>], vector<16xf32>,
      %gather3A_367 = tpu.vector_load_idx %arg8[%add3A_365] : memref<320xi32, #tpu.memory_space<vmem>>[vector<16xi32>], vector<16xi32>,
      tpu.vector_store_idx %arg10[%gather3A_367, %and3A_4], %gather3A_366 {add = true} : memref<10008x8xf32, #tpu.memory_space<vmem>>[vector<16xi32>, vector<16xi32>], vector<16xf32>,
      %add3A_368 = arith.constant 138 : i32
      %add3A_369 = vector.broadcast %add3A_368 : i32 to vector<16xi32>
      %add3A_370 = arith.addi %shift_right_arithmetic3A_6, %add3A_369 : vector<16xi32>
      %gather3A_371 = tpu.vector_load_idx %arg9[%add3A_370, %and3A_4] : memref<320x8xf32, #tpu.memory_space<vmem>>[vector<16xi32>, vector<16xi32>], vector<16xf32>,
      %gather3A_372 = tpu.vector_load_idx %arg8[%add3A_370] : memref<320xi32, #tpu.memory_space<vmem>>[vector<16xi32>], vector<16xi32>,
      tpu.vector_store_idx %arg10[%gather3A_372, %and3A_4], %gather3A_371 {add = true} : memref<10008x8xf32, #tpu.memory_space<vmem>>[vector<16xi32>, vector<16xi32>], vector<16xf32>,
      %add3A_373 = arith.constant 140 : i32
      %add3A_374 = vector.broadcast %add3A_373 : i32 to vector<16xi32>
      %add3A_375 = arith.addi %shift_right_arithmetic3A_6, %add3A_374 : vector<16xi32>
      %gather3A_376 = tpu.vector_load_idx %arg9[%add3A_375, %and3A_4] : memref<320x8xf32, #tpu.memory_space<vmem>>[vector<16xi32>, vector<16xi32>], vector<16xf32>,
      %gather3A_377 = tpu.vector_load_idx %arg8[%add3A_375] : memref<320xi32, #tpu.memory_space<vmem>>[vector<16xi32>], vector<16xi32>,
      tpu.vector_store_idx %arg10[%gather3A_377, %and3A_4], %gather3A_376 {add = true} : memref<10008x8xf32, #tpu.memory_space<vmem>>[vector<16xi32>, vector<16xi32>], vector<16xf32>,
      %add3A_378 = arith.constant 142 : i32
      %add3A_379 = vector.broadcast %add3A_378 : i32 to vector<16xi32>
      %add3A_380 = arith.addi %shift_right_arithmetic3A_6, %add3A_379 : vector<16xi32>
      %gather3A_381 = tpu.vector_load_idx %arg9[%add3A_380, %and3A_4] : memref<320x8xf32, #tpu.memory_space<vmem>>[vector<16xi32>, vector<16xi32>], vector<16xf32>,
      %gather3A_382 = tpu.vector_load_idx %arg8[%add3A_380] : memref<320xi32, #tpu.memory_space<vmem>>[vector<16xi32>], vector<16xi32>,
      tpu.vector_store_idx %arg10[%gather3A_382, %and3A_4], %gather3A_381 {add = true} : memref<10008x8xf32, #tpu.memory_space<vmem>>[vector<16xi32>, vector<16xi32>], vector<16xf32>,
      %add3A_383 = arith.constant 144 : i32
      %add3A_384 = vector.broadcast %add3A_383 : i32 to vector<16xi32>
      %add3A_385 = arith.addi %shift_right_arithmetic3A_6, %add3A_384 : vector<16xi32>
      %gather3A_386 = tpu.vector_load_idx %arg9[%add3A_385, %and3A_4] : memref<320x8xf32, #tpu.memory_space<vmem>>[vector<16xi32>, vector<16xi32>], vector<16xf32>,
      %gather3A_387 = tpu.vector_load_idx %arg8[%add3A_385] : memref<320xi32, #tpu.memory_space<vmem>>[vector<16xi32>], vector<16xi32>,
      tpu.vector_store_idx %arg10[%gather3A_387, %and3A_4], %gather3A_386 {add = true} : memref<10008x8xf32, #tpu.memory_space<vmem>>[vector<16xi32>, vector<16xi32>], vector<16xf32>,
      %add3A_388 = arith.constant 146 : i32
      %add3A_389 = vector.broadcast %add3A_388 : i32 to vector<16xi32>
      %add3A_390 = arith.addi %shift_right_arithmetic3A_6, %add3A_389 : vector<16xi32>
      %gather3A_391 = tpu.vector_load_idx %arg9[%add3A_390, %and3A_4] : memref<320x8xf32, #tpu.memory_space<vmem>>[vector<16xi32>, vector<16xi32>], vector<16xf32>,
      %gather3A_392 = tpu.vector_load_idx %arg8[%add3A_390] : memref<320xi32, #tpu.memory_space<vmem>>[vector<16xi32>], vector<16xi32>,
      tpu.vector_store_idx %arg10[%gather3A_392, %and3A_4], %gather3A_391 {add = true} : memref<10008x8xf32, #tpu.memory_space<vmem>>[vector<16xi32>, vector<16xi32>], vector<16xf32>,
      %add3A_393 = arith.constant 148 : i32
      %add3A_394 = vector.broadcast %add3A_393 : i32 to vector<16xi32>
      %add3A_395 = arith.addi %shift_right_arithmetic3A_6, %add3A_394 : vector<16xi32>
      %gather3A_396 = tpu.vector_load_idx %arg9[%add3A_395, %and3A_4] : memref<320x8xf32, #tpu.memory_space<vmem>>[vector<16xi32>, vector<16xi32>], vector<16xf32>,
      %gather3A_397 = tpu.vector_load_idx %arg8[%add3A_395] : memref<320xi32, #tpu.memory_space<vmem>>[vector<16xi32>], vector<16xi32>,
      tpu.vector_store_idx %arg10[%gather3A_397, %and3A_4], %gather3A_396 {add = true} : memref<10008x8xf32, #tpu.memory_space<vmem>>[vector<16xi32>, vector<16xi32>], vector<16xf32>,
      %add3A_398 = arith.constant 150 : i32
      %add3A_399 = vector.broadcast %add3A_398 : i32 to vector<16xi32>
      %add3A_400 = arith.addi %shift_right_arithmetic3A_6, %add3A_399 : vector<16xi32>
      %gather3A_401 = tpu.vector_load_idx %arg9[%add3A_400, %and3A_4] : memref<320x8xf32, #tpu.memory_space<vmem>>[vector<16xi32>, vector<16xi32>], vector<16xf32>,
      %gather3A_402 = tpu.vector_load_idx %arg8[%add3A_400] : memref<320xi32, #tpu.memory_space<vmem>>[vector<16xi32>], vector<16xi32>,
      tpu.vector_store_idx %arg10[%gather3A_402, %and3A_4], %gather3A_401 {add = true} : memref<10008x8xf32, #tpu.memory_space<vmem>>[vector<16xi32>, vector<16xi32>], vector<16xf32>,
      %add3A_403 = arith.constant 152 : i32
      %add3A_404 = vector.broadcast %add3A_403 : i32 to vector<16xi32>
      %add3A_405 = arith.addi %shift_right_arithmetic3A_6, %add3A_404 : vector<16xi32>
      %gather3A_406 = tpu.vector_load_idx %arg9[%add3A_405, %and3A_4] : memref<320x8xf32, #tpu.memory_space<vmem>>[vector<16xi32>, vector<16xi32>], vector<16xf32>,
      %gather3A_407 = tpu.vector_load_idx %arg8[%add3A_405] : memref<320xi32, #tpu.memory_space<vmem>>[vector<16xi32>], vector<16xi32>,
      tpu.vector_store_idx %arg10[%gather3A_407, %and3A_4], %gather3A_406 {add = true} : memref<10008x8xf32, #tpu.memory_space<vmem>>[vector<16xi32>, vector<16xi32>], vector<16xf32>,
      %add3A_408 = arith.constant 154 : i32
      %add3A_409 = vector.broadcast %add3A_408 : i32 to vector<16xi32>
      %add3A_410 = arith.addi %shift_right_arithmetic3A_6, %add3A_409 : vector<16xi32>
      %gather3A_411 = tpu.vector_load_idx %arg9[%add3A_410, %and3A_4] : memref<320x8xf32, #tpu.memory_space<vmem>>[vector<16xi32>, vector<16xi32>], vector<16xf32>,
      %gather3A_412 = tpu.vector_load_idx %arg8[%add3A_410] : memref<320xi32, #tpu.memory_space<vmem>>[vector<16xi32>], vector<16xi32>,
      tpu.vector_store_idx %arg10[%gather3A_412, %and3A_4], %gather3A_411 {add = true} : memref<10008x8xf32, #tpu.memory_space<vmem>>[vector<16xi32>, vector<16xi32>], vector<16xf32>,
      %add3A_413 = arith.constant 156 : i32
      %add3A_414 = vector.broadcast %add3A_413 : i32 to vector<16xi32>
      %add3A_415 = arith.addi %shift_right_arithmetic3A_6, %add3A_414 : vector<16xi32>
      %gather3A_416 = tpu.vector_load_idx %arg9[%add3A_415, %and3A_4] : memref<320x8xf32, #tpu.memory_space<vmem>>[vector<16xi32>, vector<16xi32>], vector<16xf32>,
      %gather3A_417 = tpu.vector_load_idx %arg8[%add3A_415] : memref<320xi32, #tpu.memory_space<vmem>>[vector<16xi32>], vector<16xi32>,
      tpu.vector_store_idx %arg10[%gather3A_417, %and3A_4], %gather3A_416 {add = true} : memref<10008x8xf32, #tpu.memory_space<vmem>>[vector<16xi32>, vector<16xi32>], vector<16xf32>,
      %add3A_418 = arith.constant 158 : i32
      %add3A_419 = vector.broadcast %add3A_418 : i32 to vector<16xi32>
      %add3A_420 = arith.addi %shift_right_arithmetic3A_6, %add3A_419 : vector<16xi32>
      %gather3A_421 = tpu.vector_load_idx %arg9[%add3A_420, %and3A_4] : memref<320x8xf32, #tpu.memory_space<vmem>>[vector<16xi32>, vector<16xi32>], vector<16xf32>,
      %gather3A_422 = tpu.vector_load_idx %arg8[%add3A_420] : memref<320xi32, #tpu.memory_space<vmem>>[vector<16xi32>], vector<16xi32>,
      tpu.vector_store_idx %arg10[%gather3A_422, %and3A_4], %gather3A_421 {add = true} : memref<10008x8xf32, #tpu.memory_space<vmem>>[vector<16xi32>, vector<16xi32>], vector<16xf32>,
      %add3A_423 = arith.constant 160 : i32
      %add3A_424 = vector.broadcast %add3A_423 : i32 to vector<16xi32>
      %add3A_425 = arith.addi %shift_right_arithmetic3A_6, %add3A_424 : vector<16xi32>
      %gather3A_426 = tpu.vector_load_idx %arg9[%add3A_425, %and3A_4] : memref<320x8xf32, #tpu.memory_space<vmem>>[vector<16xi32>, vector<16xi32>], vector<16xf32>,
      %gather3A_427 = tpu.vector_load_idx %arg8[%add3A_425] : memref<320xi32, #tpu.memory_space<vmem>>[vector<16xi32>], vector<16xi32>,
      tpu.vector_store_idx %arg10[%gather3A_427, %and3A_4], %gather3A_426 {add = true} : memref<10008x8xf32, #tpu.memory_space<vmem>>[vector<16xi32>, vector<16xi32>], vector<16xf32>,
      %add3A_428 = arith.constant 162 : i32
      %add3A_429 = vector.broadcast %add3A_428 : i32 to vector<16xi32>
      %add3A_430 = arith.addi %shift_right_arithmetic3A_6, %add3A_429 : vector<16xi32>
      %gather3A_431 = tpu.vector_load_idx %arg9[%add3A_430, %and3A_4] : memref<320x8xf32, #tpu.memory_space<vmem>>[vector<16xi32>, vector<16xi32>], vector<16xf32>,
      %gather3A_432 = tpu.vector_load_idx %arg8[%add3A_430] : memref<320xi32, #tpu.memory_space<vmem>>[vector<16xi32>], vector<16xi32>,
      tpu.vector_store_idx %arg10[%gather3A_432, %and3A_4], %gather3A_431 {add = true} : memref<10008x8xf32, #tpu.memory_space<vmem>>[vector<16xi32>, vector<16xi32>], vector<16xf32>,
      %add3A_433 = arith.constant 164 : i32
      %add3A_434 = vector.broadcast %add3A_433 : i32 to vector<16xi32>
      %add3A_435 = arith.addi %shift_right_arithmetic3A_6, %add3A_434 : vector<16xi32>
      %gather3A_436 = tpu.vector_load_idx %arg9[%add3A_435, %and3A_4] : memref<320x8xf32, #tpu.memory_space<vmem>>[vector<16xi32>, vector<16xi32>], vector<16xf32>,
      %gather3A_437 = tpu.vector_load_idx %arg8[%add3A_435] : memref<320xi32, #tpu.memory_space<vmem>>[vector<16xi32>], vector<16xi32>,
      tpu.vector_store_idx %arg10[%gather3A_437, %and3A_4], %gather3A_436 {add = true} : memref<10008x8xf32, #tpu.memory_space<vmem>>[vector<16xi32>, vector<16xi32>], vector<16xf32>,
      %add3A_438 = arith.constant 166 : i32
      %add3A_439 = vector.broadcast %add3A_438 : i32 to vector<16xi32>
      %add3A_440 = arith.addi %shift_right_arithmetic3A_6, %add3A_439 : vector<16xi32>
      %gather3A_441 = tpu.vector_load_idx %arg9[%add3A_440, %and3A_4] : memref<320x8xf32, #tpu.memory_space<vmem>>[vector<16xi32>, vector<16xi32>], vector<16xf32>,
      %gather3A_442 = tpu.vector_load_idx %arg8[%add3A_440] : memref<320xi32, #tpu.memory_space<vmem>>[vector<16xi32>], vector<16xi32>,
      tpu.vector_store_idx %arg10[%gather3A_442, %and3A_4], %gather3A_441 {add = true} : memref<10008x8xf32, #tpu.memory_space<vmem>>[vector<16xi32>, vector<16xi32>], vector<16xf32>,
      %add3A_443 = arith.constant 168 : i32
      %add3A_444 = vector.broadcast %add3A_443 : i32 to vector<16xi32>
      %add3A_445 = arith.addi %shift_right_arithmetic3A_6, %add3A_444 : vector<16xi32>
      %gather3A_446 = tpu.vector_load_idx %arg9[%add3A_445, %and3A_4] : memref<320x8xf32, #tpu.memory_space<vmem>>[vector<16xi32>, vector<16xi32>], vector<16xf32>,
      %gather3A_447 = tpu.vector_load_idx %arg8[%add3A_445] : memref<320xi32, #tpu.memory_space<vmem>>[vector<16xi32>], vector<16xi32>,
      tpu.vector_store_idx %arg10[%gather3A_447, %and3A_4], %gather3A_446 {add = true} : memref<10008x8xf32, #tpu.memory_space<vmem>>[vector<16xi32>, vector<16xi32>], vector<16xf32>,
      %add3A_448 = arith.constant 170 : i32
      %add3A_449 = vector.broadcast %add3A_448 : i32 to vector<16xi32>
      %add3A_450 = arith.addi %shift_right_arithmetic3A_6, %add3A_449 : vector<16xi32>
      %gather3A_451 = tpu.vector_load_idx %arg9[%add3A_450, %and3A_4] : memref<320x8xf32, #tpu.memory_space<vmem>>[vector<16xi32>, vector<16xi32>], vector<16xf32>,
      %gather3A_452 = tpu.vector_load_idx %arg8[%add3A_450] : memref<320xi32, #tpu.memory_space<vmem>>[vector<16xi32>], vector<16xi32>,
      tpu.vector_store_idx %arg10[%gather3A_452, %and3A_4], %gather3A_451 {add = true} : memref<10008x8xf32, #tpu.memory_space<vmem>>[vector<16xi32>, vector<16xi32>], vector<16xf32>,
      %add3A_453 = arith.constant 172 : i32
      %add3A_454 = vector.broadcast %add3A_453 : i32 to vector<16xi32>
      %add3A_455 = arith.addi %shift_right_arithmetic3A_6, %add3A_454 : vector<16xi32>
      %gather3A_456 = tpu.vector_load_idx %arg9[%add3A_455, %and3A_4] : memref<320x8xf32, #tpu.memory_space<vmem>>[vector<16xi32>, vector<16xi32>], vector<16xf32>,
      %gather3A_457 = tpu.vector_load_idx %arg8[%add3A_455] : memref<320xi32, #tpu.memory_space<vmem>>[vector<16xi32>], vector<16xi32>,
      tpu.vector_store_idx %arg10[%gather3A_457, %and3A_4], %gather3A_456 {add = true} : memref<10008x8xf32, #tpu.memory_space<vmem>>[vector<16xi32>, vector<16xi32>], vector<16xf32>,
      %add3A_458 = arith.constant 174 : i32
      %add3A_459 = vector.broadcast %add3A_458 : i32 to vector<16xi32>
      %add3A_460 = arith.addi %shift_right_arithmetic3A_6, %add3A_459 : vector<16xi32>
      %gather3A_461 = tpu.vector_load_idx %arg9[%add3A_460, %and3A_4] : memref<320x8xf32, #tpu.memory_space<vmem>>[vector<16xi32>, vector<16xi32>], vector<16xf32>,
      %gather3A_462 = tpu.vector_load_idx %arg8[%add3A_460] : memref<320xi32, #tpu.memory_space<vmem>>[vector<16xi32>], vector<16xi32>,
      tpu.vector_store_idx %arg10[%gather3A_462, %and3A_4], %gather3A_461 {add = true} : memref<10008x8xf32, #tpu.memory_space<vmem>>[vector<16xi32>, vector<16xi32>], vector<16xf32>,
      %add3A_463 = arith.constant 176 : i32
      %add3A_464 = vector.broadcast %add3A_463 : i32 to vector<16xi32>
      %add3A_465 = arith.addi %shift_right_arithmetic3A_6, %add3A_464 : vector<16xi32>
      %gather3A_466 = tpu.vector_load_idx %arg9[%add3A_465, %and3A_4] : memref<320x8xf32, #tpu.memory_space<vmem>>[vector<16xi32>, vector<16xi32>], vector<16xf32>,
      %gather3A_467 = tpu.vector_load_idx %arg8[%add3A_465] : memref<320xi32, #tpu.memory_space<vmem>>[vector<16xi32>], vector<16xi32>,
      tpu.vector_store_idx %arg10[%gather3A_467, %and3A_4], %gather3A_466 {add = true} : memref<10008x8xf32, #tpu.memory_space<vmem>>[vector<16xi32>, vector<16xi32>], vector<16xf32>,
      %add3A_468 = arith.constant 178 : i32
      %add3A_469 = vector.broadcast %add3A_468 : i32 to vector<16xi32>
      %add3A_470 = arith.addi %shift_right_arithmetic3A_6, %add3A_469 : vector<16xi32>
      %gather3A_471 = tpu.vector_load_idx %arg9[%add3A_470, %and3A_4] : memref<320x8xf32, #tpu.memory_space<vmem>>[vector<16xi32>, vector<16xi32>], vector<16xf32>,
      %gather3A_472 = tpu.vector_load_idx %arg8[%add3A_470] : memref<320xi32, #tpu.memory_space<vmem>>[vector<16xi32>], vector<16xi32>,
      tpu.vector_store_idx %arg10[%gather3A_472, %and3A_4], %gather3A_471 {add = true} : memref<10008x8xf32, #tpu.memory_space<vmem>>[vector<16xi32>, vector<16xi32>], vector<16xf32>,
      %add3A_473 = arith.constant 180 : i32
      %add3A_474 = vector.broadcast %add3A_473 : i32 to vector<16xi32>
      %add3A_475 = arith.addi %shift_right_arithmetic3A_6, %add3A_474 : vector<16xi32>
      %gather3A_476 = tpu.vector_load_idx %arg9[%add3A_475, %and3A_4] : memref<320x8xf32, #tpu.memory_space<vmem>>[vector<16xi32>, vector<16xi32>], vector<16xf32>,
      %gather3A_477 = tpu.vector_load_idx %arg8[%add3A_475] : memref<320xi32, #tpu.memory_space<vmem>>[vector<16xi32>], vector<16xi32>,
      tpu.vector_store_idx %arg10[%gather3A_477, %and3A_4], %gather3A_476 {add = true} : memref<10008x8xf32, #tpu.memory_space<vmem>>[vector<16xi32>, vector<16xi32>], vector<16xf32>,
      %add3A_478 = arith.constant 182 : i32
      %add3A_479 = vector.broadcast %add3A_478 : i32 to vector<16xi32>
      %add3A_480 = arith.addi %shift_right_arithmetic3A_6, %add3A_479 : vector<16xi32>
      %gather3A_481 = tpu.vector_load_idx %arg9[%add3A_480, %and3A_4] : memref<320x8xf32, #tpu.memory_space<vmem>>[vector<16xi32>, vector<16xi32>], vector<16xf32>,
      %gather3A_482 = tpu.vector_load_idx %arg8[%add3A_480] : memref<320xi32, #tpu.memory_space<vmem>>[vector<16xi32>], vector<16xi32>,
      tpu.vector_store_idx %arg10[%gather3A_482, %and3A_4], %gather3A_481 {add = true} : memref<10008x8xf32, #tpu.memory_space<vmem>>[vector<16xi32>, vector<16xi32>], vector<16xf32>,
      %add3A_483 = arith.constant 184 : i32
      %add3A_484 = vector.broadcast %add3A_483 : i32 to vector<16xi32>
      %add3A_485 = arith.addi %shift_right_arithmetic3A_6, %add3A_484 : vector<16xi32>
      %gather3A_486 = tpu.vector_load_idx %arg9[%add3A_485, %and3A_4] : memref<320x8xf32, #tpu.memory_space<vmem>>[vector<16xi32>, vector<16xi32>], vector<16xf32>,
      %gather3A_487 = tpu.vector_load_idx %arg8[%add3A_485] : memref<320xi32, #tpu.memory_space<vmem>>[vector<16xi32>], vector<16xi32>,
      tpu.vector_store_idx %arg10[%gather3A_487, %and3A_4], %gather3A_486 {add = true} : memref<10008x8xf32, #tpu.memory_space<vmem>>[vector<16xi32>, vector<16xi32>], vector<16xf32>,
      %add3A_488 = arith.constant 186 : i32
      %add3A_489 = vector.broadcast %add3A_488 : i32 to vector<16xi32>
      %add3A_490 = arith.addi %shift_right_arithmetic3A_6, %add3A_489 : vector<16xi32>
      %gather3A_491 = tpu.vector_load_idx %arg9[%add3A_490, %and3A_4] : memref<320x8xf32, #tpu.memory_space<vmem>>[vector<16xi32>, vector<16xi32>], vector<16xf32>,
      %gather3A_492 = tpu.vector_load_idx %arg8[%add3A_490] : memref<320xi32, #tpu.memory_space<vmem>>[vector<16xi32>], vector<16xi32>,
      tpu.vector_store_idx %arg10[%gather3A_492, %and3A_4], %gather3A_491 {add = true} : memref<10008x8xf32, #tpu.memory_space<vmem>>[vector<16xi32>, vector<16xi32>], vector<16xf32>,
      %add3A_493 = arith.constant 188 : i32
      %add3A_494 = vector.broadcast %add3A_493 : i32 to vector<16xi32>
      %add3A_495 = arith.addi %shift_right_arithmetic3A_6, %add3A_494 : vector<16xi32>
      %gather3A_496 = tpu.vector_load_idx %arg9[%add3A_495, %and3A_4] : memref<320x8xf32, #tpu.memory_space<vmem>>[vector<16xi32>, vector<16xi32>], vector<16xf32>,
      %gather3A_497 = tpu.vector_load_idx %arg8[%add3A_495] : memref<320xi32, #tpu.memory_space<vmem>>[vector<16xi32>], vector<16xi32>,
      tpu.vector_store_idx %arg10[%gather3A_497, %and3A_4], %gather3A_496 {add = true} : memref<10008x8xf32, #tpu.memory_space<vmem>>[vector<16xi32>, vector<16xi32>], vector<16xf32>,
      %add3A_498 = arith.constant 190 : i32
      %add3A_499 = vector.broadcast %add3A_498 : i32 to vector<16xi32>
      %add3A_500 = arith.addi %shift_right_arithmetic3A_6, %add3A_499 : vector<16xi32>
      %gather3A_501 = tpu.vector_load_idx %arg9[%add3A_500, %and3A_4] : memref<320x8xf32, #tpu.memory_space<vmem>>[vector<16xi32>, vector<16xi32>], vector<16xf32>,
      %gather3A_502 = tpu.vector_load_idx %arg8[%add3A_500] : memref<320xi32, #tpu.memory_space<vmem>>[vector<16xi32>], vector<16xi32>,
      tpu.vector_store_idx %arg10[%gather3A_502, %and3A_4], %gather3A_501 {add = true} : memref<10008x8xf32, #tpu.memory_space<vmem>>[vector<16xi32>, vector<16xi32>], vector<16xf32>,
      %add3A_503 = arith.constant 192 : i32
      %add3A_504 = vector.broadcast %add3A_503 : i32 to vector<16xi32>
      %add3A_505 = arith.addi %shift_right_arithmetic3A_6, %add3A_504 : vector<16xi32>
      %gather3A_506 = tpu.vector_load_idx %arg9[%add3A_505, %and3A_4] : memref<320x8xf32, #tpu.memory_space<vmem>>[vector<16xi32>, vector<16xi32>], vector<16xf32>,
      %gather3A_507 = tpu.vector_load_idx %arg8[%add3A_505] : memref<320xi32, #tpu.memory_space<vmem>>[vector<16xi32>], vector<16xi32>,
      tpu.vector_store_idx %arg10[%gather3A_507, %and3A_4], %gather3A_506 {add = true} : memref<10008x8xf32, #tpu.memory_space<vmem>>[vector<16xi32>, vector<16xi32>], vector<16xf32>,
      %add3A_508 = arith.constant 194 : i32
      %add3A_509 = vector.broadcast %add3A_508 : i32 to vector<16xi32>
      %add3A_510 = arith.addi %shift_right_arithmetic3A_6, %add3A_509 : vector<16xi32>
      %gather3A_511 = tpu.vector_load_idx %arg9[%add3A_510, %and3A_4] : memref<320x8xf32, #tpu.memory_space<vmem>>[vector<16xi32>, vector<16xi32>], vector<16xf32>,
      %gather3A_512 = tpu.vector_load_idx %arg8[%add3A_510] : memref<320xi32, #tpu.memory_space<vmem>>[vector<16xi32>], vector<16xi32>,
      tpu.vector_store_idx %arg10[%gather3A_512, %and3A_4], %gather3A_511 {add = true} : memref<10008x8xf32, #tpu.memory_space<vmem>>[vector<16xi32>, vector<16xi32>], vector<16xf32>,
      %add3A_513 = arith.constant 196 : i32
      %add3A_514 = vector.broadcast %add3A_513 : i32 to vector<16xi32>
      %add3A_515 = arith.addi %shift_right_arithmetic3A_6, %add3A_514 : vector<16xi32>
      %gather3A_516 = tpu.vector_load_idx %arg9[%add3A_515, %and3A_4] : memref<320x8xf32, #tpu.memory_space<vmem>>[vector<16xi32>, vector<16xi32>], vector<16xf32>,
      %gather3A_517 = tpu.vector_load_idx %arg8[%add3A_515] : memref<320xi32, #tpu.memory_space<vmem>>[vector<16xi32>], vector<16xi32>,
      tpu.vector_store_idx %arg10[%gather3A_517, %and3A_4], %gather3A_516 {add = true} : memref<10008x8xf32, #tpu.memory_space<vmem>>[vector<16xi32>, vector<16xi32>], vector<16xf32>,
      %add3A_518 = arith.constant 198 : i32
      %add3A_519 = vector.broadcast %add3A_518 : i32 to vector<16xi32>
      %add3A_520 = arith.addi %shift_right_arithmetic3A_6, %add3A_519 : vector<16xi32>
      %gather3A_521 = tpu.vector_load_idx %arg9[%add3A_520, %and3A_4] : memref<320x8xf32, #tpu.memory_space<vmem>>[vector<16xi32>, vector<16xi32>], vector<16xf32>,
      %gather3A_522 = tpu.vector_load_idx %arg8[%add3A_520] : memref<320xi32, #tpu.memory_space<vmem>>[vector<16xi32>], vector<16xi32>,
      tpu.vector_store_idx %arg10[%gather3A_522, %and3A_4], %gather3A_521 {add = true} : memref<10008x8xf32, #tpu.memory_space<vmem>>[vector<16xi32>, vector<16xi32>], vector<16xf32>,
      %add3A_523 = arith.constant 200 : i32
      %add3A_524 = vector.broadcast %add3A_523 : i32 to vector<16xi32>
      %add3A_525 = arith.addi %shift_right_arithmetic3A_6, %add3A_524 : vector<16xi32>
      %gather3A_526 = tpu.vector_load_idx %arg9[%add3A_525, %and3A_4] : memref<320x8xf32, #tpu.memory_space<vmem>>[vector<16xi32>, vector<16xi32>], vector<16xf32>,
      %gather3A_527 = tpu.vector_load_idx %arg8[%add3A_525] : memref<320xi32, #tpu.memory_space<vmem>>[vector<16xi32>], vector<16xi32>,
      tpu.vector_store_idx %arg10[%gather3A_527, %and3A_4], %gather3A_526 {add = true} : memref<10008x8xf32, #tpu.memory_space<vmem>>[vector<16xi32>, vector<16xi32>], vector<16xf32>,
      %add3A_528 = arith.constant 202 : i32
      %add3A_529 = vector.broadcast %add3A_528 : i32 to vector<16xi32>
      %add3A_530 = arith.addi %shift_right_arithmetic3A_6, %add3A_529 : vector<16xi32>
      %gather3A_531 = tpu.vector_load_idx %arg9[%add3A_530, %and3A_4] : memref<320x8xf32, #tpu.memory_space<vmem>>[vector<16xi32>, vector<16xi32>], vector<16xf32>,
      %gather3A_532 = tpu.vector_load_idx %arg8[%add3A_530] : memref<320xi32, #tpu.memory_space<vmem>>[vector<16xi32>], vector<16xi32>,
      tpu.vector_store_idx %arg10[%gather3A_532, %and3A_4], %gather3A_531 {add = true} : memref<10008x8xf32, #tpu.memory_space<vmem>>[vector<16xi32>, vector<16xi32>], vector<16xf32>,
      %add3A_533 = arith.constant 204 : i32
      %add3A_534 = vector.broadcast %add3A_533 : i32 to vector<16xi32>
      %add3A_535 = arith.addi %shift_right_arithmetic3A_6, %add3A_534 : vector<16xi32>
      %gather3A_536 = tpu.vector_load_idx %arg9[%add3A_535, %and3A_4] : memref<320x8xf32, #tpu.memory_space<vmem>>[vector<16xi32>, vector<16xi32>], vector<16xf32>,
      %gather3A_537 = tpu.vector_load_idx %arg8[%add3A_535] : memref<320xi32, #tpu.memory_space<vmem>>[vector<16xi32>], vector<16xi32>,
      tpu.vector_store_idx %arg10[%gather3A_537, %and3A_4], %gather3A_536 {add = true} : memref<10008x8xf32, #tpu.memory_space<vmem>>[vector<16xi32>, vector<16xi32>], vector<16xf32>,
      %add3A_538 = arith.constant 206 : i32
      %add3A_539 = vector.broadcast %add3A_538 : i32 to vector<16xi32>
      %add3A_540 = arith.addi %shift_right_arithmetic3A_6, %add3A_539 : vector<16xi32>
      %gather3A_541 = tpu.vector_load_idx %arg9[%add3A_540, %and3A_4] : memref<320x8xf32, #tpu.memory_space<vmem>>[vector<16xi32>, vector<16xi32>], vector<16xf32>,
      %gather3A_542 = tpu.vector_load_idx %arg8[%add3A_540] : memref<320xi32, #tpu.memory_space<vmem>>[vector<16xi32>], vector<16xi32>,
      tpu.vector_store_idx %arg10[%gather3A_542, %and3A_4], %gather3A_541 {add = true} : memref<10008x8xf32, #tpu.memory_space<vmem>>[vector<16xi32>, vector<16xi32>], vector<16xf32>,
      %add3A_543 = arith.constant 208 : i32
      %add3A_544 = vector.broadcast %add3A_543 : i32 to vector<16xi32>
      %add3A_545 = arith.addi %shift_right_arithmetic3A_6, %add3A_544 : vector<16xi32>
      %gather3A_546 = tpu.vector_load_idx %arg9[%add3A_545, %and3A_4] : memref<320x8xf32, #tpu.memory_space<vmem>>[vector<16xi32>, vector<16xi32>], vector<16xf32>,
      %gather3A_547 = tpu.vector_load_idx %arg8[%add3A_545] : memref<320xi32, #tpu.memory_space<vmem>>[vector<16xi32>], vector<16xi32>,
      tpu.vector_store_idx %arg10[%gather3A_547, %and3A_4], %gather3A_546 {add = true} : memref<10008x8xf32, #tpu.memory_space<vmem>>[vector<16xi32>, vector<16xi32>], vector<16xf32>,
      %add3A_548 = arith.constant 210 : i32
      %add3A_549 = vector.broadcast %add3A_548 : i32 to vector<16xi32>
      %add3A_550 = arith.addi %shift_right_arithmetic3A_6, %add3A_549 : vector<16xi32>
      %gather3A_551 = tpu.vector_load_idx %arg9[%add3A_550, %and3A_4] : memref<320x8xf32, #tpu.memory_space<vmem>>[vector<16xi32>, vector<16xi32>], vector<16xf32>,
      %gather3A_552 = tpu.vector_load_idx %arg8[%add3A_550] : memref<320xi32, #tpu.memory_space<vmem>>[vector<16xi32>], vector<16xi32>,
      tpu.vector_store_idx %arg10[%gather3A_552, %and3A_4], %gather3A_551 {add = true} : memref<10008x8xf32, #tpu.memory_space<vmem>>[vector<16xi32>, vector<16xi32>], vector<16xf32>,
      %add3A_553 = arith.constant 212 : i32
      %add3A_554 = vector.broadcast %add3A_553 : i32 to vector<16xi32>
      %add3A_555 = arith.addi %shift_right_arithmetic3A_6, %add3A_554 : vector<16xi32>
      %gather3A_556 = tpu.vector_load_idx %arg9[%add3A_555, %and3A_4] : memref<320x8xf32, #tpu.memory_space<vmem>>[vector<16xi32>, vector<16xi32>], vector<16xf32>,
      %gather3A_557 = tpu.vector_load_idx %arg8[%add3A_555] : memref<320xi32, #tpu.memory_space<vmem>>[vector<16xi32>], vector<16xi32>,
      tpu.vector_store_idx %arg10[%gather3A_557, %and3A_4], %gather3A_556 {add = true} : memref<10008x8xf32, #tpu.memory_space<vmem>>[vector<16xi32>, vector<16xi32>], vector<16xf32>,
      %add3A_558 = arith.constant 214 : i32
      %add3A_559 = vector.broadcast %add3A_558 : i32 to vector<16xi32>
      %add3A_560 = arith.addi %shift_right_arithmetic3A_6, %add3A_559 : vector<16xi32>
      %gather3A_561 = tpu.vector_load_idx %arg9[%add3A_560, %and3A_4] : memref<320x8xf32, #tpu.memory_space<vmem>>[vector<16xi32>, vector<16xi32>], vector<16xf32>,
      %gather3A_562 = tpu.vector_load_idx %arg8[%add3A_560] : memref<320xi32, #tpu.memory_space<vmem>>[vector<16xi32>], vector<16xi32>,
      tpu.vector_store_idx %arg10[%gather3A_562, %and3A_4], %gather3A_561 {add = true} : memref<10008x8xf32, #tpu.memory_space<vmem>>[vector<16xi32>, vector<16xi32>], vector<16xf32>,
      %add3A_563 = arith.constant 216 : i32
      %add3A_564 = vector.broadcast %add3A_563 : i32 to vector<16xi32>
      %add3A_565 = arith.addi %shift_right_arithmetic3A_6, %add3A_564 : vector<16xi32>
      %gather3A_566 = tpu.vector_load_idx %arg9[%add3A_565, %and3A_4] : memref<320x8xf32, #tpu.memory_space<vmem>>[vector<16xi32>, vector<16xi32>], vector<16xf32>,
      %gather3A_567 = tpu.vector_load_idx %arg8[%add3A_565] : memref<320xi32, #tpu.memory_space<vmem>>[vector<16xi32>], vector<16xi32>,
      tpu.vector_store_idx %arg10[%gather3A_567, %and3A_4], %gather3A_566 {add = true} : memref<10008x8xf32, #tpu.memory_space<vmem>>[vector<16xi32>, vector<16xi32>], vector<16xf32>,
      %add3A_568 = arith.constant 218 : i32
      %add3A_569 = vector.broadcast %add3A_568 : i32 to vector<16xi32>
      %add3A_570 = arith.addi %shift_right_arithmetic3A_6, %add3A_569 : vector<16xi32>
      %gather3A_571 = tpu.vector_load_idx %arg9[%add3A_570, %and3A_4] : memref<320x8xf32, #tpu.memory_space<vmem>>[vector<16xi32>, vector<16xi32>], vector<16xf32>,
      %gather3A_572 = tpu.vector_load_idx %arg8[%add3A_570] : memref<320xi32, #tpu.memory_space<vmem>>[vector<16xi32>], vector<16xi32>,
      tpu.vector_store_idx %arg10[%gather3A_572, %and3A_4], %gather3A_571 {add = true} : memref<10008x8xf32, #tpu.memory_space<vmem>>[vector<16xi32>, vector<16xi32>], vector<16xf32>,
      %add3A_573 = arith.constant 220 : i32
      %add3A_574 = vector.broadcast %add3A_573 : i32 to vector<16xi32>
      %add3A_575 = arith.addi %shift_right_arithmetic3A_6, %add3A_574 : vector<16xi32>
      %gather3A_576 = tpu.vector_load_idx %arg9[%add3A_575, %and3A_4] : memref<320x8xf32, #tpu.memory_space<vmem>>[vector<16xi32>, vector<16xi32>], vector<16xf32>,
      %gather3A_577 = tpu.vector_load_idx %arg8[%add3A_575] : memref<320xi32, #tpu.memory_space<vmem>>[vector<16xi32>], vector<16xi32>,
      tpu.vector_store_idx %arg10[%gather3A_577, %and3A_4], %gather3A_576 {add = true} : memref<10008x8xf32, #tpu.memory_space<vmem>>[vector<16xi32>, vector<16xi32>], vector<16xf32>,
      %add3A_578 = arith.constant 222 : i32
      %add3A_579 = vector.broadcast %add3A_578 : i32 to vector<16xi32>
      %add3A_580 = arith.addi %shift_right_arithmetic3A_6, %add3A_579 : vector<16xi32>
      %gather3A_581 = tpu.vector_load_idx %arg9[%add3A_580, %and3A_4] : memref<320x8xf32, #tpu.memory_space<vmem>>[vector<16xi32>, vector<16xi32>], vector<16xf32>,
      %gather3A_582 = tpu.vector_load_idx %arg8[%add3A_580] : memref<320xi32, #tpu.memory_space<vmem>>[vector<16xi32>], vector<16xi32>,
      tpu.vector_store_idx %arg10[%gather3A_582, %and3A_4], %gather3A_581 {add = true} : memref<10008x8xf32, #tpu.memory_space<vmem>>[vector<16xi32>, vector<16xi32>], vector<16xf32>,
      %add3A_583 = arith.constant 224 : i32
      %add3A_584 = vector.broadcast %add3A_583 : i32 to vector<16xi32>
      %add3A_585 = arith.addi %shift_right_arithmetic3A_6, %add3A_584 : vector<16xi32>
      %gather3A_586 = tpu.vector_load_idx %arg9[%add3A_585, %and3A_4] : memref<320x8xf32, #tpu.memory_space<vmem>>[vector<16xi32>, vector<16xi32>], vector<16xf32>,
      %gather3A_587 = tpu.vector_load_idx %arg8[%add3A_585] : memref<320xi32, #tpu.memory_space<vmem>>[vector<16xi32>], vector<16xi32>,
      tpu.vector_store_idx %arg10[%gather3A_587, %and3A_4], %gather3A_586 {add = true} : memref<10008x8xf32, #tpu.memory_space<vmem>>[vector<16xi32>, vector<16xi32>], vector<16xf32>,
      %add3A_588 = arith.constant 226 : i32
      %add3A_589 = vector.broadcast %add3A_588 : i32 to vector<16xi32>
      %add3A_590 = arith.addi %shift_right_arithmetic3A_6, %add3A_589 : vector<16xi32>
      %gather3A_591 = tpu.vector_load_idx %arg9[%add3A_590, %and3A_4] : memref<320x8xf32, #tpu.memory_space<vmem>>[vector<16xi32>, vector<16xi32>], vector<16xf32>,
      %gather3A_592 = tpu.vector_load_idx %arg8[%add3A_590] : memref<320xi32, #tpu.memory_space<vmem>>[vector<16xi32>], vector<16xi32>,
      tpu.vector_store_idx %arg10[%gather3A_592, %and3A_4], %gather3A_591 {add = true} : memref<10008x8xf32, #tpu.memory_space<vmem>>[vector<16xi32>, vector<16xi32>], vector<16xf32>,
      %add3A_593 = arith.constant 228 : i32
      %add3A_594 = vector.broadcast %add3A_593 : i32 to vector<16xi32>
      %add3A_595 = arith.addi %shift_right_arithmetic3A_6, %add3A_594 : vector<16xi32>
      %gather3A_596 = tpu.vector_load_idx %arg9[%add3A_595, %and3A_4] : memref<320x8xf32, #tpu.memory_space<vmem>>[vector<16xi32>, vector<16xi32>], vector<16xf32>,
      %gather3A_597 = tpu.vector_load_idx %arg8[%add3A_595] : memref<320xi32, #tpu.memory_space<vmem>>[vector<16xi32>], vector<16xi32>,
      tpu.vector_store_idx %arg10[%gather3A_597, %and3A_4], %gather3A_596 {add = true} : memref<10008x8xf32, #tpu.memory_space<vmem>>[vector<16xi32>, vector<16xi32>], vector<16xf32>,
      %add3A_598 = arith.constant 230 : i32
      %add3A_599 = vector.broadcast %add3A_598 : i32 to vector<16xi32>
      %add3A_600 = arith.addi %shift_right_arithmetic3A_6, %add3A_599 : vector<16xi32>
      %gather3A_601 = tpu.vector_load_idx %arg9[%add3A_600, %and3A_4] : memref<320x8xf32, #tpu.memory_space<vmem>>[vector<16xi32>, vector<16xi32>], vector<16xf32>,
      %gather3A_602 = tpu.vector_load_idx %arg8[%add3A_600] : memref<320xi32, #tpu.memory_space<vmem>>[vector<16xi32>], vector<16xi32>,
      tpu.vector_store_idx %arg10[%gather3A_602, %and3A_4], %gather3A_601 {add = true} : memref<10008x8xf32, #tpu.memory_space<vmem>>[vector<16xi32>, vector<16xi32>], vector<16xf32>,
      %add3A_603 = arith.constant 232 : i32
      %add3A_604 = vector.broadcast %add3A_603 : i32 to vector<16xi32>
      %add3A_605 = arith.addi %shift_right_arithmetic3A_6, %add3A_604 : vector<16xi32>
      %gather3A_606 = tpu.vector_load_idx %arg9[%add3A_605, %and3A_4] : memref<320x8xf32, #tpu.memory_space<vmem>>[vector<16xi32>, vector<16xi32>], vector<16xf32>,
      %gather3A_607 = tpu.vector_load_idx %arg8[%add3A_605] : memref<320xi32, #tpu.memory_space<vmem>>[vector<16xi32>], vector<16xi32>,
      tpu.vector_store_idx %arg10[%gather3A_607, %and3A_4], %gather3A_606 {add = true} : memref<10008x8xf32, #tpu.memory_space<vmem>>[vector<16xi32>, vector<16xi32>], vector<16xf32>,
      %add3A_608 = arith.constant 234 : i32
      %add3A_609 = vector.broadcast %add3A_608 : i32 to vector<16xi32>
      %add3A_610 = arith.addi %shift_right_arithmetic3A_6, %add3A_609 : vector<16xi32>
      %gather3A_611 = tpu.vector_load_idx %arg9[%add3A_610, %and3A_4] : memref<320x8xf32, #tpu.memory_space<vmem>>[vector<16xi32>, vector<16xi32>], vector<16xf32>,
      %gather3A_612 = tpu.vector_load_idx %arg8[%add3A_610] : memref<320xi32, #tpu.memory_space<vmem>>[vector<16xi32>], vector<16xi32>,
      tpu.vector_store_idx %arg10[%gather3A_612, %and3A_4], %gather3A_611 {add = true} : memref<10008x8xf32, #tpu.memory_space<vmem>>[vector<16xi32>, vector<16xi32>], vector<16xf32>,
      %add3A_613 = arith.constant 236 : i32
      %add3A_614 = vector.broadcast %add3A_613 : i32 to vector<16xi32>
      %add3A_615 = arith.addi %shift_right_arithmetic3A_6, %add3A_614 : vector<16xi32>
      %gather3A_616 = tpu.vector_load_idx %arg9[%add3A_615, %and3A_4] : memref<320x8xf32, #tpu.memory_space<vmem>>[vector<16xi32>, vector<16xi32>], vector<16xf32>,
      %gather3A_617 = tpu.vector_load_idx %arg8[%add3A_615] : memref<320xi32, #tpu.memory_space<vmem>>[vector<16xi32>], vector<16xi32>,
      tpu.vector_store_idx %arg10[%gather3A_617, %and3A_4], %gather3A_616 {add = true} : memref<10008x8xf32, #tpu.memory_space<vmem>>[vector<16xi32>, vector<16xi32>], vector<16xf32>,
      %add3A_618 = arith.constant 238 : i32
      %add3A_619 = vector.broadcast %add3A_618 : i32 to vector<16xi32>
      %add3A_620 = arith.addi %shift_right_arithmetic3A_6, %add3A_619 : vector<16xi32>
      %gather3A_621 = tpu.vector_load_idx %arg9[%add3A_620, %and3A_4] : memref<320x8xf32, #tpu.memory_space<vmem>>[vector<16xi32>, vector<16xi32>], vector<16xf32>,
      %gather3A_622 = tpu.vector_load_idx %arg8[%add3A_620] : memref<320xi32, #tpu.memory_space<vmem>>[vector<16xi32>], vector<16xi32>,
      tpu.vector_store_idx %arg10[%gather3A_622, %and3A_4], %gather3A_621 {add = true} : memref<10008x8xf32, #tpu.memory_space<vmem>>[vector<16xi32>, vector<16xi32>], vector<16xf32>,
      %add3A_623 = arith.constant 240 : i32
      %add3A_624 = vector.broadcast %add3A_623 : i32 to vector<16xi32>
      %add3A_625 = arith.addi %shift_right_arithmetic3A_6, %add3A_624 : vector<16xi32>
      %gather3A_626 = tpu.vector_load_idx %arg9[%add3A_625, %and3A_4] : memref<320x8xf32, #tpu.memory_space<vmem>>[vector<16xi32>, vector<16xi32>], vector<16xf32>,
      %gather3A_627 = tpu.vector_load_idx %arg8[%add3A_625] : memref<320xi32, #tpu.memory_space<vmem>>[vector<16xi32>], vector<16xi32>,
      tpu.vector_store_idx %arg10[%gather3A_627, %and3A_4], %gather3A_626 {add = true} : memref<10008x8xf32, #tpu.memory_space<vmem>>[vector<16xi32>, vector<16xi32>], vector<16xf32>,
      %add3A_628 = arith.constant 242 : i32
      %add3A_629 = vector.broadcast %add3A_628 : i32 to vector<16xi32>
      %add3A_630 = arith.addi %shift_right_arithmetic3A_6, %add3A_629 : vector<16xi32>
      %gather3A_631 = tpu.vector_load_idx %arg9[%add3A_630, %and3A_4] : memref<320x8xf32, #tpu.memory_space<vmem>>[vector<16xi32>, vector<16xi32>], vector<16xf32>,
      %gather3A_632 = tpu.vector_load_idx %arg8[%add3A_630] : memref<320xi32, #tpu.memory_space<vmem>>[vector<16xi32>], vector<16xi32>,
      tpu.vector_store_idx %arg10[%gather3A_632, %and3A_4], %gather3A_631 {add = true} : memref<10008x8xf32, #tpu.memory_space<vmem>>[vector<16xi32>, vector<16xi32>], vector<16xf32>,
      %add3A_633 = arith.constant 244 : i32
      %add3A_634 = vector.broadcast %add3A_633 : i32 to vector<16xi32>
      %add3A_635 = arith.addi %shift_right_arithmetic3A_6, %add3A_634 : vector<16xi32>
      %gather3A_636 = tpu.vector_load_idx %arg9[%add3A_635, %and3A_4] : memref<320x8xf32, #tpu.memory_space<vmem>>[vector<16xi32>, vector<16xi32>], vector<16xf32>,
      %gather3A_637 = tpu.vector_load_idx %arg8[%add3A_635] : memref<320xi32, #tpu.memory_space<vmem>>[vector<16xi32>], vector<16xi32>,
      tpu.vector_store_idx %arg10[%gather3A_637, %and3A_4], %gather3A_636 {add = true} : memref<10008x8xf32, #tpu.memory_space<vmem>>[vector<16xi32>, vector<16xi32>], vector<16xf32>,
      %add3A_638 = arith.constant 246 : i32
      %add3A_639 = vector.broadcast %add3A_638 : i32 to vector<16xi32>
      %add3A_640 = arith.addi %shift_right_arithmetic3A_6, %add3A_639 : vector<16xi32>
      %gather3A_641 = tpu.vector_load_idx %arg9[%add3A_640, %and3A_4] : memref<320x8xf32, #tpu.memory_space<vmem>>[vector<16xi32>, vector<16xi32>], vector<16xf32>,
      %gather3A_642 = tpu.vector_load_idx %arg8[%add3A_640] : memref<320xi32, #tpu.memory_space<vmem>>[vector<16xi32>], vector<16xi32>,
      tpu.vector_store_idx %arg10[%gather3A_642, %and3A_4], %gather3A_641 {add = true} : memref<10008x8xf32, #tpu.memory_space<vmem>>[vector<16xi32>, vector<16xi32>], vector<16xf32>,
      %add3A_643 = arith.constant 248 : i32
      %add3A_644 = vector.broadcast %add3A_643 : i32 to vector<16xi32>
      %add3A_645 = arith.addi %shift_right_arithmetic3A_6, %add3A_644 : vector<16xi32>
      %gather3A_646 = tpu.vector_load_idx %arg9[%add3A_645, %and3A_4] : memref<320x8xf32, #tpu.memory_space<vmem>>[vector<16xi32>, vector<16xi32>], vector<16xf32>,
      %gather3A_647 = tpu.vector_load_idx %arg8[%add3A_645] : memref<320xi32, #tpu.memory_space<vmem>>[vector<16xi32>], vector<16xi32>,
      tpu.vector_store_idx %arg10[%gather3A_647, %and3A_4], %gather3A_646 {add = true} : memref<10008x8xf32, #tpu.memory_space<vmem>>[vector<16xi32>, vector<16xi32>], vector<16xf32>,
      %add3A_648 = arith.constant 250 : i32
      %add3A_649 = vector.broadcast %add3A_648 : i32 to vector<16xi32>
      %add3A_650 = arith.addi %shift_right_arithmetic3A_6, %add3A_649 : vector<16xi32>
      %gather3A_651 = tpu.vector_load_idx %arg9[%add3A_650, %and3A_4] : memref<320x8xf32, #tpu.memory_space<vmem>>[vector<16xi32>, vector<16xi32>], vector<16xf32>,
      %gather3A_652 = tpu.vector_load_idx %arg8[%add3A_650] : memref<320xi32, #tpu.memory_space<vmem>>[vector<16xi32>], vector<16xi32>,
      tpu.vector_store_idx %arg10[%gather3A_652, %and3A_4], %gather3A_651 {add = true} : memref<10008x8xf32, #tpu.memory_space<vmem>>[vector<16xi32>, vector<16xi32>], vector<16xf32>,
      %add3A_653 = arith.constant 252 : i32
      %add3A_654 = vector.broadcast %add3A_653 : i32 to vector<16xi32>
      %add3A_655 = arith.addi %shift_right_arithmetic3A_6, %add3A_654 : vector<16xi32>
      %gather3A_656 = tpu.vector_load_idx %arg9[%add3A_655, %and3A_4] : memref<320x8xf32, #tpu.memory_space<vmem>>[vector<16xi32>, vector<16xi32>], vector<16xf32>,
      %gather3A_657 = tpu.vector_load_idx %arg8[%add3A_655] : memref<320xi32, #tpu.memory_space<vmem>>[vector<16xi32>], vector<16xi32>,
      tpu.vector_store_idx %arg10[%gather3A_657, %and3A_4], %gather3A_656 {add = true} : memref<10008x8xf32, #tpu.memory_space<vmem>>[vector<16xi32>, vector<16xi32>], vector<16xf32>,
      %add3A_658 = arith.constant 254 : i32
      %add3A_659 = vector.broadcast %add3A_658 : i32 to vector<16xi32>
      %add3A_660 = arith.addi %shift_right_arithmetic3A_6, %add3A_659 : vector<16xi32>
      %gather3A_661 = tpu.vector_load_idx %arg9[%add3A_660, %and3A_4] : memref<320x8xf32, #tpu.memory_space<vmem>>[vector<16xi32>, vector<16xi32>], vector<16xf32>,
      %gather3A_662 = tpu.vector_load_idx %arg8[%add3A_660] : memref<320xi32, #tpu.memory_space<vmem>>[vector<16xi32>], vector<16xi32>,
      tpu.vector_store_idx %arg10[%gather3A_662, %and3A_4], %gather3A_661 {add = true} : memref<10008x8xf32, #tpu.memory_space<vmem>>[vector<16xi32>, vector<16xi32>], vector<16xf32>,
      %add3A_663 = arith.constant 256 : i32
      %add3A_664 = vector.broadcast %add3A_663 : i32 to vector<16xi32>
      %add3A_665 = arith.addi %shift_right_arithmetic3A_6, %add3A_664 : vector<16xi32>
      %gather3A_666 = tpu.vector_load_idx %arg9[%add3A_665, %and3A_4] : memref<320x8xf32, #tpu.memory_space<vmem>>[vector<16xi32>, vector<16xi32>], vector<16xf32>,
      %gather3A_667 = tpu.vector_load_idx %arg8[%add3A_665] : memref<320xi32, #tpu.memory_space<vmem>>[vector<16xi32>], vector<16xi32>,
      tpu.vector_store_idx %arg10[%gather3A_667, %and3A_4], %gather3A_666 {add = true} : memref<10008x8xf32, #tpu.memory_space<vmem>>[vector<16xi32>, vector<16xi32>], vector<16xf32>,
      %add3A_668 = arith.constant 258 : i32
      %add3A_669 = vector.broadcast %add3A_668 : i32 to vector<16xi32>
      %add3A_670 = arith.addi %shift_right_arithmetic3A_6, %add3A_669 : vector<16xi32>
      %gather3A_671 = tpu.vector_load_idx %arg9[%add3A_670, %and3A_4] : memref<320x8xf32, #tpu.memory_space<vmem>>[vector<16xi32>, vector<16xi32>], vector<16xf32>,
      %gather3A_672 = tpu.vector_load_idx %arg8[%add3A_670] : memref<320xi32, #tpu.memory_space<vmem>>[vector<16xi32>], vector<16xi32>,
      tpu.vector_store_idx %arg10[%gather3A_672, %and3A_4], %gather3A_671 {add = true} : memref<10008x8xf32, #tpu.memory_space<vmem>>[vector<16xi32>, vector<16xi32>], vector<16xf32>,
      %add3A_673 = arith.constant 260 : i32
      %add3A_674 = vector.broadcast %add3A_673 : i32 to vector<16xi32>
      %add3A_675 = arith.addi %shift_right_arithmetic3A_6, %add3A_674 : vector<16xi32>
      %gather3A_676 = tpu.vector_load_idx %arg9[%add3A_675, %and3A_4] : memref<320x8xf32, #tpu.memory_space<vmem>>[vector<16xi32>, vector<16xi32>], vector<16xf32>,
      %gather3A_677 = tpu.vector_load_idx %arg8[%add3A_675] : memref<320xi32, #tpu.memory_space<vmem>>[vector<16xi32>], vector<16xi32>,
      tpu.vector_store_idx %arg10[%gather3A_677, %and3A_4], %gather3A_676 {add = true} : memref<10008x8xf32, #tpu.memory_space<vmem>>[vector<16xi32>, vector<16xi32>], vector<16xf32>,
      %add3A_678 = arith.constant 262 : i32
      %add3A_679 = vector.broadcast %add3A_678 : i32 to vector<16xi32>
      %add3A_680 = arith.addi %shift_right_arithmetic3A_6, %add3A_679 : vector<16xi32>
      %gather3A_681 = tpu.vector_load_idx %arg9[%add3A_680, %and3A_4] : memref<320x8xf32, #tpu.memory_space<vmem>>[vector<16xi32>, vector<16xi32>], vector<16xf32>,
      %gather3A_682 = tpu.vector_load_idx %arg8[%add3A_680] : memref<320xi32, #tpu.memory_space<vmem>>[vector<16xi32>], vector<16xi32>,
      tpu.vector_store_idx %arg10[%gather3A_682, %and3A_4], %gather3A_681 {add = true} : memref<10008x8xf32, #tpu.memory_space<vmem>>[vector<16xi32>, vector<16xi32>], vector<16xf32>,
      %add3A_683 = arith.constant 264 : i32
      %add3A_684 = vector.broadcast %add3A_683 : i32 to vector<16xi32>
      %add3A_685 = arith.addi %shift_right_arithmetic3A_6, %add3A_684 : vector<16xi32>
      %gather3A_686 = tpu.vector_load_idx %arg9[%add3A_685, %and3A_4] : memref<320x8xf32, #tpu.memory_space<vmem>>[vector<16xi32>, vector<16xi32>], vector<16xf32>,
      %gather3A_687 = tpu.vector_load_idx %arg8[%add3A_685] : memref<320xi32, #tpu.memory_space<vmem>>[vector<16xi32>], vector<16xi32>,
      tpu.vector_store_idx %arg10[%gather3A_687, %and3A_4], %gather3A_686 {add = true} : memref<10008x8xf32, #tpu.memory_space<vmem>>[vector<16xi32>, vector<16xi32>], vector<16xf32>,
      %add3A_688 = arith.constant 266 : i32
      %add3A_689 = vector.broadcast %add3A_688 : i32 to vector<16xi32>
      %add3A_690 = arith.addi %shift_right_arithmetic3A_6, %add3A_689 : vector<16xi32>
      %gather3A_691 = tpu.vector_load_idx %arg9[%add3A_690, %and3A_4] : memref<320x8xf32, #tpu.memory_space<vmem>>[vector<16xi32>, vector<16xi32>], vector<16xf32>,
      %gather3A_692 = tpu.vector_load_idx %arg8[%add3A_690] : memref<320xi32, #tpu.memory_space<vmem>>[vector<16xi32>], vector<16xi32>,
      tpu.vector_store_idx %arg10[%gather3A_692, %and3A_4], %gather3A_691 {add = true} : memref<10008x8xf32, #tpu.memory_space<vmem>>[vector<16xi32>, vector<16xi32>], vector<16xf32>,
      %add3A_693 = arith.constant 268 : i32
      %add3A_694 = vector.broadcast %add3A_693 : i32 to vector<16xi32>
      %add3A_695 = arith.addi %shift_right_arithmetic3A_6, %add3A_694 : vector<16xi32>
      %gather3A_696 = tpu.vector_load_idx %arg9[%add3A_695, %and3A_4] : memref<320x8xf32, #tpu.memory_space<vmem>>[vector<16xi32>, vector<16xi32>], vector<16xf32>,
      %gather3A_697 = tpu.vector_load_idx %arg8[%add3A_695] : memref<320xi32, #tpu.memory_space<vmem>>[vector<16xi32>], vector<16xi32>,
      tpu.vector_store_idx %arg10[%gather3A_697, %and3A_4], %gather3A_696 {add = true} : memref<10008x8xf32, #tpu.memory_space<vmem>>[vector<16xi32>, vector<16xi32>], vector<16xf32>,
      %add3A_698 = arith.constant 270 : i32
      %add3A_699 = vector.broadcast %add3A_698 : i32 to vector<16xi32>
      %add3A_700 = arith.addi %shift_right_arithmetic3A_6, %add3A_699 : vector<16xi32>
      %gather3A_701 = tpu.vector_load_idx %arg9[%add3A_700, %and3A_4] : memref<320x8xf32, #tpu.memory_space<vmem>>[vector<16xi32>, vector<16xi32>], vector<16xf32>,
      %gather3A_702 = tpu.vector_load_idx %arg8[%add3A_700] : memref<320xi32, #tpu.memory_space<vmem>>[vector<16xi32>], vector<16xi32>,
      tpu.vector_store_idx %arg10[%gather3A_702, %and3A_4], %gather3A_701 {add = true} : memref<10008x8xf32, #tpu.memory_space<vmem>>[vector<16xi32>, vector<16xi32>], vector<16xf32>,
      %add3A_703 = arith.constant 272 : i32
      %add3A_704 = vector.broadcast %add3A_703 : i32 to vector<16xi32>
      %add3A_705 = arith.addi %shift_right_arithmetic3A_6, %add3A_704 : vector<16xi32>
      %gather3A_706 = tpu.vector_load_idx %arg9[%add3A_705, %and3A_4] : memref<320x8xf32, #tpu.memory_space<vmem>>[vector<16xi32>, vector<16xi32>], vector<16xf32>,
      %gather3A_707 = tpu.vector_load_idx %arg8[%add3A_705] : memref<320xi32, #tpu.memory_space<vmem>>[vector<16xi32>], vector<16xi32>,
      tpu.vector_store_idx %arg10[%gather3A_707, %and3A_4], %gather3A_706 {add = true} : memref<10008x8xf32, #tpu.memory_space<vmem>>[vector<16xi32>, vector<16xi32>], vector<16xf32>,
      %add3A_708 = arith.constant 274 : i32
      %add3A_709 = vector.broadcast %add3A_708 : i32 to vector<16xi32>
      %add3A_710 = arith.addi %shift_right_arithmetic3A_6, %add3A_709 : vector<16xi32>
      %gather3A_711 = tpu.vector_load_idx %arg9[%add3A_710, %and3A_4] : memref<320x8xf32, #tpu.memory_space<vmem>>[vector<16xi32>, vector<16xi32>], vector<16xf32>,
      %gather3A_712 = tpu.vector_load_idx %arg8[%add3A_710] : memref<320xi32, #tpu.memory_space<vmem>>[vector<16xi32>], vector<16xi32>,
      tpu.vector_store_idx %arg10[%gather3A_712, %and3A_4], %gather3A_711 {add = true} : memref<10008x8xf32, #tpu.memory_space<vmem>>[vector<16xi32>, vector<16xi32>], vector<16xf32>,
      %add3A_713 = arith.constant 276 : i32
      %add3A_714 = vector.broadcast %add3A_713 : i32 to vector<16xi32>
      %add3A_715 = arith.addi %shift_right_arithmetic3A_6, %add3A_714 : vector<16xi32>
      %gather3A_716 = tpu.vector_load_idx %arg9[%add3A_715, %and3A_4] : memref<320x8xf32, #tpu.memory_space<vmem>>[vector<16xi32>, vector<16xi32>], vector<16xf32>,
      %gather3A_717 = tpu.vector_load_idx %arg8[%add3A_715] : memref<320xi32, #tpu.memory_space<vmem>>[vector<16xi32>], vector<16xi32>,
      tpu.vector_store_idx %arg10[%gather3A_717, %and3A_4], %gather3A_716 {add = true} : memref<10008x8xf32, #tpu.memory_space<vmem>>[vector<16xi32>, vector<16xi32>], vector<16xf32>,
      %add3A_718 = arith.constant 278 : i32
      %add3A_719 = vector.broadcast %add3A_718 : i32 to vector<16xi32>
      %add3A_720 = arith.addi %shift_right_arithmetic3A_6, %add3A_719 : vector<16xi32>
      %gather3A_721 = tpu.vector_load_idx %arg9[%add3A_720, %and3A_4] : memref<320x8xf32, #tpu.memory_space<vmem>>[vector<16xi32>, vector<16xi32>], vector<16xf32>,
      %gather3A_722 = tpu.vector_load_idx %arg8[%add3A_720] : memref<320xi32, #tpu.memory_space<vmem>>[vector<16xi32>], vector<16xi32>,
      tpu.vector_store_idx %arg10[%gather3A_722, %and3A_4], %gather3A_721 {add = true} : memref<10008x8xf32, #tpu.memory_space<vmem>>[vector<16xi32>, vector<16xi32>], vector<16xf32>,
      %add3A_723 = arith.constant 280 : i32
      %add3A_724 = vector.broadcast %add3A_723 : i32 to vector<16xi32>
      %add3A_725 = arith.addi %shift_right_arithmetic3A_6, %add3A_724 : vector<16xi32>
      %gather3A_726 = tpu.vector_load_idx %arg9[%add3A_725, %and3A_4] : memref<320x8xf32, #tpu.memory_space<vmem>>[vector<16xi32>, vector<16xi32>], vector<16xf32>,
      %gather3A_727 = tpu.vector_load_idx %arg8[%add3A_725] : memref<320xi32, #tpu.memory_space<vmem>>[vector<16xi32>], vector<16xi32>,
      tpu.vector_store_idx %arg10[%gather3A_727, %and3A_4], %gather3A_726 {add = true} : memref<10008x8xf32, #tpu.memory_space<vmem>>[vector<16xi32>, vector<16xi32>], vector<16xf32>,
      %add3A_728 = arith.constant 282 : i32
      %add3A_729 = vector.broadcast %add3A_728 : i32 to vector<16xi32>
      %add3A_730 = arith.addi %shift_right_arithmetic3A_6, %add3A_729 : vector<16xi32>
      %gather3A_731 = tpu.vector_load_idx %arg9[%add3A_730, %and3A_4] : memref<320x8xf32, #tpu.memory_space<vmem>>[vector<16xi32>, vector<16xi32>], vector<16xf32>,
      %gather3A_732 = tpu.vector_load_idx %arg8[%add3A_730] : memref<320xi32, #tpu.memory_space<vmem>>[vector<16xi32>], vector<16xi32>,
      tpu.vector_store_idx %arg10[%gather3A_732, %and3A_4], %gather3A_731 {add = true} : memref<10008x8xf32, #tpu.memory_space<vmem>>[vector<16xi32>, vector<16xi32>], vector<16xf32>,
      %add3A_733 = arith.constant 284 : i32
      %add3A_734 = vector.broadcast %add3A_733 : i32 to vector<16xi32>
      %add3A_735 = arith.addi %shift_right_arithmetic3A_6, %add3A_734 : vector<16xi32>
      %gather3A_736 = tpu.vector_load_idx %arg9[%add3A_735, %and3A_4] : memref<320x8xf32, #tpu.memory_space<vmem>>[vector<16xi32>, vector<16xi32>], vector<16xf32>,
      %gather3A_737 = tpu.vector_load_idx %arg8[%add3A_735] : memref<320xi32, #tpu.memory_space<vmem>>[vector<16xi32>], vector<16xi32>,
      tpu.vector_store_idx %arg10[%gather3A_737, %and3A_4], %gather3A_736 {add = true} : memref<10008x8xf32, #tpu.memory_space<vmem>>[vector<16xi32>, vector<16xi32>], vector<16xf32>,
      %add3A_738 = arith.constant 286 : i32
      %add3A_739 = vector.broadcast %add3A_738 : i32 to vector<16xi32>
      %add3A_740 = arith.addi %shift_right_arithmetic3A_6, %add3A_739 : vector<16xi32>
      %gather3A_741 = tpu.vector_load_idx %arg9[%add3A_740, %and3A_4] : memref<320x8xf32, #tpu.memory_space<vmem>>[vector<16xi32>, vector<16xi32>], vector<16xf32>,
      %gather3A_742 = tpu.vector_load_idx %arg8[%add3A_740] : memref<320xi32, #tpu.memory_space<vmem>>[vector<16xi32>], vector<16xi32>,
      tpu.vector_store_idx %arg10[%gather3A_742, %and3A_4], %gather3A_741 {add = true} : memref<10008x8xf32, #tpu.memory_space<vmem>>[vector<16xi32>, vector<16xi32>], vector<16xf32>,
      %add3A_743 = arith.constant 288 : i32
      %add3A_744 = vector.broadcast %add3A_743 : i32 to vector<16xi32>
      %add3A_745 = arith.addi %shift_right_arithmetic3A_6, %add3A_744 : vector<16xi32>
      %gather3A_746 = tpu.vector_load_idx %arg9[%add3A_745, %and3A_4] : memref<320x8xf32, #tpu.memory_space<vmem>>[vector<16xi32>, vector<16xi32>], vector<16xf32>,
      %gather3A_747 = tpu.vector_load_idx %arg8[%add3A_745] : memref<320xi32, #tpu.memory_space<vmem>>[vector<16xi32>], vector<16xi32>,
      tpu.vector_store_idx %arg10[%gather3A_747, %and3A_4], %gather3A_746 {add = true} : memref<10008x8xf32, #tpu.memory_space<vmem>>[vector<16xi32>, vector<16xi32>], vector<16xf32>,
      %add3A_748 = arith.constant 290 : i32
      %add3A_749 = vector.broadcast %add3A_748 : i32 to vector<16xi32>
      %add3A_750 = arith.addi %shift_right_arithmetic3A_6, %add3A_749 : vector<16xi32>
      %gather3A_751 = tpu.vector_load_idx %arg9[%add3A_750, %and3A_4] : memref<320x8xf32, #tpu.memory_space<vmem>>[vector<16xi32>, vector<16xi32>], vector<16xf32>,
      %gather3A_752 = tpu.vector_load_idx %arg8[%add3A_750] : memref<320xi32, #tpu.memory_space<vmem>>[vector<16xi32>], vector<16xi32>,
      tpu.vector_store_idx %arg10[%gather3A_752, %and3A_4], %gather3A_751 {add = true} : memref<10008x8xf32, #tpu.memory_space<vmem>>[vector<16xi32>, vector<16xi32>], vector<16xf32>,
      %add3A_753 = arith.constant 292 : i32
      %add3A_754 = vector.broadcast %add3A_753 : i32 to vector<16xi32>
      %add3A_755 = arith.addi %shift_right_arithmetic3A_6, %add3A_754 : vector<16xi32>
      %gather3A_756 = tpu.vector_load_idx %arg9[%add3A_755, %and3A_4] : memref<320x8xf32, #tpu.memory_space<vmem>>[vector<16xi32>, vector<16xi32>], vector<16xf32>,
      %gather3A_757 = tpu.vector_load_idx %arg8[%add3A_755] : memref<320xi32, #tpu.memory_space<vmem>>[vector<16xi32>], vector<16xi32>,
      tpu.vector_store_idx %arg10[%gather3A_757, %and3A_4], %gather3A_756 {add = true} : memref<10008x8xf32, #tpu.memory_space<vmem>>[vector<16xi32>, vector<16xi32>], vector<16xf32>,
      %add3A_758 = arith.constant 294 : i32
      %add3A_759 = vector.broadcast %add3A_758 : i32 to vector<16xi32>
      %add3A_760 = arith.addi %shift_right_arithmetic3A_6, %add3A_759 : vector<16xi32>
      %gather3A_761 = tpu.vector_load_idx %arg9[%add3A_760, %and3A_4] : memref<320x8xf32, #tpu.memory_space<vmem>>[vector<16xi32>, vector<16xi32>], vector<16xf32>,
      %gather3A_762 = tpu.vector_load_idx %arg8[%add3A_760] : memref<320xi32, #tpu.memory_space<vmem>>[vector<16xi32>], vector<16xi32>,
      tpu.vector_store_idx %arg10[%gather3A_762, %and3A_4], %gather3A_761 {add = true} : memref<10008x8xf32, #tpu.memory_space<vmem>>[vector<16xi32>, vector<16xi32>], vector<16xf32>,
      %add3A_763 = arith.constant 296 : i32
      %add3A_764 = vector.broadcast %add3A_763 : i32 to vector<16xi32>
      %add3A_765 = arith.addi %shift_right_arithmetic3A_6, %add3A_764 : vector<16xi32>
      %gather3A_766 = tpu.vector_load_idx %arg9[%add3A_765, %and3A_4] : memref<320x8xf32, #tpu.memory_space<vmem>>[vector<16xi32>, vector<16xi32>], vector<16xf32>,
      %gather3A_767 = tpu.vector_load_idx %arg8[%add3A_765] : memref<320xi32, #tpu.memory_space<vmem>>[vector<16xi32>], vector<16xi32>,
      tpu.vector_store_idx %arg10[%gather3A_767, %and3A_4], %gather3A_766 {add = true} : memref<10008x8xf32, #tpu.memory_space<vmem>>[vector<16xi32>, vector<16xi32>], vector<16xf32>,
      %add3A_768 = arith.constant 298 : i32
      %add3A_769 = vector.broadcast %add3A_768 : i32 to vector<16xi32>
      %add3A_770 = arith.addi %shift_right_arithmetic3A_6, %add3A_769 : vector<16xi32>
      %gather3A_771 = tpu.vector_load_idx %arg9[%add3A_770, %and3A_4] : memref<320x8xf32, #tpu.memory_space<vmem>>[vector<16xi32>, vector<16xi32>], vector<16xf32>,
      %gather3A_772 = tpu.vector_load_idx %arg8[%add3A_770] : memref<320xi32, #tpu.memory_space<vmem>>[vector<16xi32>], vector<16xi32>,
      tpu.vector_store_idx %arg10[%gather3A_772, %and3A_4], %gather3A_771 {add = true} : memref<10008x8xf32, #tpu.memory_space<vmem>>[vector<16xi32>, vector<16xi32>], vector<16xf32>,
      %add3A_773 = arith.constant 300 : i32
      %add3A_774 = vector.broadcast %add3A_773 : i32 to vector<16xi32>
      %add3A_775 = arith.addi %shift_right_arithmetic3A_6, %add3A_774 : vector<16xi32>
      %gather3A_776 = tpu.vector_load_idx %arg9[%add3A_775, %and3A_4] : memref<320x8xf32, #tpu.memory_space<vmem>>[vector<16xi32>, vector<16xi32>], vector<16xf32>,
      %gather3A_777 = tpu.vector_load_idx %arg8[%add3A_775] : memref<320xi32, #tpu.memory_space<vmem>>[vector<16xi32>], vector<16xi32>,
      tpu.vector_store_idx %arg10[%gather3A_777, %and3A_4], %gather3A_776 {add = true} : memref<10008x8xf32, #tpu.memory_space<vmem>>[vector<16xi32>, vector<16xi32>], vector<16xf32>,
      %add3A_778 = arith.constant 302 : i32
      %add3A_779 = vector.broadcast %add3A_778 : i32 to vector<16xi32>
      %add3A_780 = arith.addi %shift_right_arithmetic3A_6, %add3A_779 : vector<16xi32>
      %gather3A_781 = tpu.vector_load_idx %arg9[%add3A_780, %and3A_4] : memref<320x8xf32, #tpu.memory_space<vmem>>[vector<16xi32>, vector<16xi32>], vector<16xf32>,
      %gather3A_782 = tpu.vector_load_idx %arg8[%add3A_780] : memref<320xi32, #tpu.memory_space<vmem>>[vector<16xi32>], vector<16xi32>,
      tpu.vector_store_idx %arg10[%gather3A_782, %and3A_4], %gather3A_781 {add = true} : memref<10008x8xf32, #tpu.memory_space<vmem>>[vector<16xi32>, vector<16xi32>], vector<16xf32>,
      %add3A_783 = arith.constant 304 : i32
      %add3A_784 = vector.broadcast %add3A_783 : i32 to vector<16xi32>
      %add3A_785 = arith.addi %shift_right_arithmetic3A_6, %add3A_784 : vector<16xi32>
      %gather3A_786 = tpu.vector_load_idx %arg9[%add3A_785, %and3A_4] : memref<320x8xf32, #tpu.memory_space<vmem>>[vector<16xi32>, vector<16xi32>], vector<16xf32>,
      %gather3A_787 = tpu.vector_load_idx %arg8[%add3A_785] : memref<320xi32, #tpu.memory_space<vmem>>[vector<16xi32>], vector<16xi32>,
      tpu.vector_store_idx %arg10[%gather3A_787, %and3A_4], %gather3A_786 {add = true} : memref<10008x8xf32, #tpu.memory_space<vmem>>[vector<16xi32>, vector<16xi32>], vector<16xf32>,
      %add3A_788 = arith.constant 306 : i32
      %add3A_789 = vector.broadcast %add3A_788 : i32 to vector<16xi32>
      %add3A_790 = arith.addi %shift_right_arithmetic3A_6, %add3A_789 : vector<16xi32>
      %gather3A_791 = tpu.vector_load_idx %arg9[%add3A_790, %and3A_4] : memref<320x8xf32, #tpu.memory_space<vmem>>[vector<16xi32>, vector<16xi32>], vector<16xf32>,
      %gather3A_792 = tpu.vector_load_idx %arg8[%add3A_790] : memref<320xi32, #tpu.memory_space<vmem>>[vector<16xi32>], vector<16xi32>,
      tpu.vector_store_idx %arg10[%gather3A_792, %and3A_4], %gather3A_791 {add = true} : memref<10008x8xf32, #tpu.memory_space<vmem>>[vector<16xi32>, vector<16xi32>], vector<16xf32>,
      %add3A_793 = arith.constant 308 : i32
      %add3A_794 = vector.broadcast %add3A_793 : i32 to vector<16xi32>
      %add3A_795 = arith.addi %shift_right_arithmetic3A_6, %add3A_794 : vector<16xi32>
      %gather3A_796 = tpu.vector_load_idx %arg9[%add3A_795, %and3A_4] : memref<320x8xf32, #tpu.memory_space<vmem>>[vector<16xi32>, vector<16xi32>], vector<16xf32>,
      %gather3A_797 = tpu.vector_load_idx %arg8[%add3A_795] : memref<320xi32, #tpu.memory_space<vmem>>[vector<16xi32>], vector<16xi32>,
      tpu.vector_store_idx %arg10[%gather3A_797, %and3A_4], %gather3A_796 {add = true} : memref<10008x8xf32, #tpu.memory_space<vmem>>[vector<16xi32>, vector<16xi32>], vector<16xf32>,
      %add3A_798 = arith.constant 310 : i32
      %add3A_799 = vector.broadcast %add3A_798 : i32 to vector<16xi32>
      %add3A_800 = arith.addi %shift_right_arithmetic3A_6, %add3A_799 : vector<16xi32>
      %gather3A_801 = tpu.vector_load_idx %arg9[%add3A_800, %and3A_4] : memref<320x8xf32, #tpu.memory_space<vmem>>[vector<16xi32>, vector<16xi32>], vector<16xf32>,
      %gather3A_802 = tpu.vector_load_idx %arg8[%add3A_800] : memref<320xi32, #tpu.memory_space<vmem>>[vector<16xi32>], vector<16xi32>,
      tpu.vector_store_idx %arg10[%gather3A_802, %and3A_4], %gather3A_801 {add = true} : memref<10008x8xf32, #tpu.memory_space<vmem>>[vector<16xi32>, vector<16xi32>], vector<16xf32>,
      %add3A_803 = arith.constant 312 : i32
      %add3A_804 = vector.broadcast %add3A_803 : i32 to vector<16xi32>
      %add3A_805 = arith.addi %shift_right_arithmetic3A_6, %add3A_804 : vector<16xi32>
      %gather3A_806 = tpu.vector_load_idx %arg9[%add3A_805, %and3A_4] : memref<320x8xf32, #tpu.memory_space<vmem>>[vector<16xi32>, vector<16xi32>], vector<16xf32>,
      %gather3A_807 = tpu.vector_load_idx %arg8[%add3A_805] : memref<320xi32, #tpu.memory_space<vmem>>[vector<16xi32>], vector<16xi32>,
      tpu.vector_store_idx %arg10[%gather3A_807, %and3A_4], %gather3A_806 {add = true} : memref<10008x8xf32, #tpu.memory_space<vmem>>[vector<16xi32>, vector<16xi32>], vector<16xf32>,
      %add3A_808 = arith.constant 314 : i32
      %add3A_809 = vector.broadcast %add3A_808 : i32 to vector<16xi32>
      %add3A_810 = arith.addi %shift_right_arithmetic3A_6, %add3A_809 : vector<16xi32>
      %gather3A_811 = tpu.vector_load_idx %arg9[%add3A_810, %and3A_4] : memref<320x8xf32, #tpu.memory_space<vmem>>[vector<16xi32>, vector<16xi32>], vector<16xf32>,
      %gather3A_812 = tpu.vector_load_idx %arg8[%add3A_810] : memref<320xi32, #tpu.memory_space<vmem>>[vector<16xi32>], vector<16xi32>,
      tpu.vector_store_idx %arg10[%gather3A_812, %and3A_4], %gather3A_811 {add = true} : memref<10008x8xf32, #tpu.memory_space<vmem>>[vector<16xi32>, vector<16xi32>], vector<16xf32>,
      %add3A_813 = arith.constant 316 : i32
      %add3A_814 = vector.broadcast %add3A_813 : i32 to vector<16xi32>
      %add3A_815 = arith.addi %shift_right_arithmetic3A_6, %add3A_814 : vector<16xi32>
      %gather3A_816 = tpu.vector_load_idx %arg9[%add3A_815, %and3A_4] : memref<320x8xf32, #tpu.memory_space<vmem>>[vector<16xi32>, vector<16xi32>], vector<16xf32>,
      %gather3A_817 = tpu.vector_load_idx %arg8[%add3A_815] : memref<320xi32, #tpu.memory_space<vmem>>[vector<16xi32>], vector<16xi32>,
      tpu.vector_store_idx %arg10[%gather3A_817, %and3A_4], %gather3A_816 {add = true} : memref<10008x8xf32, #tpu.memory_space<vmem>>[vector<16xi32>, vector<16xi32>], vector<16xf32>,
      %add3A_818 = arith.constant 318 : i32
      %add3A_819 = vector.broadcast %add3A_818 : i32 to vector<16xi32>
      %add3A_820 = arith.addi %shift_right_arithmetic3A_6, %add3A_819 : vector<16xi32>
      %gather3A_821 = tpu.vector_load_idx %arg9[%add3A_820, %and3A_4] : memref<320x8xf32, #tpu.memory_space<vmem>>[vector<16xi32>, vector<16xi32>], vector<16xf32>,
      %gather3A_822 = tpu.vector_load_idx %arg8[%add3A_820] : memref<320xi32, #tpu.memory_space<vmem>>[vector<16xi32>], vector<16xi32>,
      tpu.vector_store_idx %arg10[%gather3A_822, %and3A_4], %gather3A_821 {add = true} : memref<10008x8xf32, #tpu.memory_space<vmem>>[vector<16xi32>, vector<16xi32>], vector<16xf32>,
    }
    %scan3A_11 = arith.constant 500 : i32
    "tpu.region"() ({
      %run_scoped3A = tpu.sem_alloc : memref<!tpu.dma_semaphore, #tpu.memory_space<semaphore_mem>>
      %dma_start3A = arith.constant 0 : i32
      %dma_start3A_20 = arith.constant 0 : i32
      %dma_start3A_21 = tpu.memref_slice %arg10[%dma_start3A, %dma_start3A_20] : memref<10008x8xf32, #tpu.memory_space<vmem>> -> memref<10000x8xf32, #tpu.memory_space<vmem>>
      %dma_start3A_22 = arith.constant 0 : i32
      %dma_start3A_23 = arith.constant 0 : i32
      %dma_start3A_24 = tpu.memref_slice %arg6[%add3A, %dma_start3A_22, %dma_start3A_23] : memref<32x10000x8xf32, #tpu.memory_space<hbm>> -> memref<1x10000x8xf32, #tpu.memory_space<hbm>>
      %dma_start3A_25 = tpu.memref_squeeze %dma_start3A_24 : memref<1x10000x8xf32, #tpu.memory_space<hbm>> -> memref<10000x8xf32, #tpu.memory_space<hbm>>
      %dma_start3A_26 = arith.constant 0 : i32
      %dma_start3A_27 = arith.constant 0 : i32
      %dma_start3A_28 = tpu.memref_slice %arg6[%add3A, %dma_start3A_26, %dma_start3A_27] : memref<32x10000x8xf32, #tpu.memory_space<hbm>> -> memref<1x10000x8xf32, #tpu.memory_space<hbm>>
      %dma_start3A_29 = tpu.memref_squeeze %dma_start3A_28 : memref<1x10000x8xf32, #tpu.memory_space<hbm>> -> memref<10000x8xf32, #tpu.memory_space<hbm>>
      %dma_start3A_30 = arith.constant 0 : i32
      %dma_start3A_31 = arith.constant 0 : i32
      %dma_start3A_32 = tpu.memref_slice %arg10[%dma_start3A_30, %dma_start3A_31] : memref<10008x8xf32, #tpu.memory_space<vmem>> -> memref<10000x8xf32, #tpu.memory_space<vmem>>
      tpu.enqueue_dma source(%dma_start3A_32 : memref<10000x8xf32, #tpu.memory_space<vmem>>) target(%dma_start3A_29 : memref<10000x8xf32, #tpu.memory_space<hbm>>) target_semaphore(%run_scoped3A : memref<!tpu.dma_semaphore, #tpu.memory_space<semaphore_mem>>)
      %dma_wait3A = arith.constant 0 : i32
      %dma_wait3A_33 = arith.constant 0 : i32
      %dma_wait3A_34 = tpu.memref_slice %arg10[%dma_wait3A, %dma_wait3A_33] : memref<10008x8xf32, #tpu.memory_space<vmem>> -> memref<10000x8xf32, #tpu.memory_space<vmem>>
      %dma_wait3A_35 = arith.constant 0 : i32
      %dma_wait3A_36 = arith.constant 0 : i32
      %dma_wait3A_37 = tpu.memref_slice %arg6[%add3A, %dma_wait3A_35, %dma_wait3A_36] : memref<32x10000x8xf32, #tpu.memory_space<hbm>> -> memref<1x10000x8xf32, #tpu.memory_space<hbm>>
      %dma_wait3A_38 = tpu.memref_squeeze %dma_wait3A_37 : memref<1x10000x8xf32, #tpu.memory_space<hbm>> -> memref<10000x8xf32, #tpu.memory_space<hbm>>
      %dma_wait3A_39 = arith.constant 0 : i32
      %dma_wait3A_40 = arith.constant 0 : i32
      %dma_wait3A_41 = tpu.memref_slice %arg6[%add3A, %dma_wait3A_39, %dma_wait3A_40] : memref<32x10000x8xf32, #tpu.memory_space<hbm>> -> memref<1x10000x8xf32, #tpu.memory_space<hbm>>
      %dma_wait3A_42 = tpu.memref_squeeze %dma_wait3A_41 : memref<1x10000x8xf32, #tpu.memory_space<hbm>> -> memref<10000x8xf32, #tpu.memory_space<hbm>>
      %dma_wait3A_43 = arith.constant 0 : i32
      %dma_wait3A_44 = arith.constant 0 : i32
      %dma_wait3A_45 = tpu.memref_slice %arg10[%dma_wait3A_43, %dma_wait3A_44] : memref<10008x8xf32, #tpu.memory_space<vmem>> -> memref<10000x8xf32, #tpu.memory_space<vmem>>
      tpu.wait_dma2 semaphore(%run_scoped3A : memref<!tpu.dma_semaphore, #tpu.memory_space<semaphore_mem>>) src(%dma_wait3A_45 : memref<10000x8xf32, #tpu.memory_space<vmem>>) dst(%dma_wait3A_42 : memref<10000x8xf32, #tpu.memory_space<hbm>>)
      tpu.yield
    }) : () -> ()
    "tpu.region"() ({
      %run_scoped3A = tpu.sem_alloc : memref<!tpu.dma_semaphore, #tpu.memory_space<semaphore_mem>>
      tpu.enqueue_dma source(%arg5 : memref<10008x8xf32, #tpu.memory_space<hbm>>) target(%arg10 : memref<10008x8xf32, #tpu.memory_space<vmem>>) target_semaphore(%run_scoped3A : memref<!tpu.dma_semaphore, #tpu.memory_space<semaphore_mem>>)
      tpu.wait_dma2 semaphore(%run_scoped3A : memref<!tpu.dma_semaphore, #tpu.memory_space<semaphore_mem>>) src(%arg5 : memref<10008x8xf32, #tpu.memory_space<hbm>>) dst(%arg10 : memref<10008x8xf32, #tpu.memory_space<vmem>>)
      tpu.yield
    }) : () -> ()
    %mul3A_12 = arith.constant 5000 : i32
    %mul3A_13 = arith.muli %add3A, %mul3A_12 : i32
    %scan3A_14 = arith.constant 0 : i32
    %scan3A_15 = arith.constant 0 : i32
    %scan3A_16 = arith.constant 25 : i32
    %scan3A_17 = arith.addi %scan3A_15, %scan3A_16 : i32
    %scan3A_18 = arith.constant 1 : i32
    scf.for %scan3A_20 = %scan3A_15 to %scan3A_17 step %scan3A_18  : i32 {
      %mul3A_21 = arith.constant 200 : i32
      %mul3A_22 = arith.muli %scan3A_20, %mul3A_21 : i32
      %add3A_23 = arith.addi %mul3A_13, %mul3A_22 : i32
      %multiple_of3A_24 = tpu.assume_multiple %add3A_23, 8 : i32
      "tpu.region"() ({
        %run_scoped3A = tpu.sem_alloc : memref<!tpu.dma_semaphore, #tpu.memory_space<semaphore_mem>>
        %dma_start3A = arith.constant 0 : i32
        %dma_start3A_524 = tpu.memref_slice %arg8[%dma_start3A] : memref<320xi32, #tpu.memory_space<vmem>> -> memref<200xi32, #tpu.memory_space<vmem>>
        %dma_start3A_525 = tpu.memref_slice %arg4[%multiple_of3A_24] : memref<160000xi32, #tpu.memory_space<hbm>> -> memref<200xi32, #tpu.memory_space<hbm>>
        %dma_start3A_526 = arith.constant 0 : i32
        %dma_start3A_527 = tpu.memref_slice %arg8[%dma_start3A_526] : memref<320xi32, #tpu.memory_space<vmem>> -> memref<200xi32, #tpu.memory_space<vmem>>
        %dma_start3A_528 = tpu.memref_slice %arg4[%multiple_of3A_24] : memref<160000xi32, #tpu.memory_space<hbm>> -> memref<200xi32, #tpu.memory_space<hbm>>
        tpu.enqueue_dma source(%dma_start3A_528 : memref<200xi32, #tpu.memory_space<hbm>>) target(%dma_start3A_527 : memref<200xi32, #tpu.memory_space<vmem>>) target_semaphore(%run_scoped3A : memref<!tpu.dma_semaphore, #tpu.memory_space<semaphore_mem>>)
        %dma_wait3A = arith.constant 0 : i32
        %dma_wait3A_529 = tpu.memref_slice %arg8[%dma_wait3A] : memref<320xi32, #tpu.memory_space<vmem>> -> memref<200xi32, #tpu.memory_space<vmem>>
        %dma_wait3A_530 = tpu.memref_slice %arg4[%multiple_of3A_24] : memref<160000xi32, #tpu.memory_space<hbm>> -> memref<200xi32, #tpu.memory_space<hbm>>
        %dma_wait3A_531 = arith.constant 0 : i32
        %dma_wait3A_532 = tpu.memref_slice %arg8[%dma_wait3A_531] : memref<320xi32, #tpu.memory_space<vmem>> -> memref<200xi32, #tpu.memory_space<vmem>>
        %dma_wait3A_533 = tpu.memref_slice %arg4[%multiple_of3A_24] : memref<160000xi32, #tpu.memory_space<hbm>> -> memref<200xi32, #tpu.memory_space<hbm>>
        tpu.wait_dma2 semaphore(%run_scoped3A : memref<!tpu.dma_semaphore, #tpu.memory_space<semaphore_mem>>) src(%dma_wait3A_533 : memref<200xi32, #tpu.memory_space<hbm>>) dst(%dma_wait3A_532 : memref<200xi32, #tpu.memory_space<vmem>>)
        tpu.yield
      }) : () -> ()
      "tpu.region"() ({
        %run_scoped3A = tpu.sem_alloc : memref<!tpu.dma_semaphore, #tpu.memory_space<semaphore_mem>>
        %dma_start3A = arith.constant 0 : i32
        %dma_start3A_524 = arith.constant 0 : i32
        %dma_start3A_525 = tpu.memref_slice %arg9[%dma_start3A, %dma_start3A_524] : memref<320x8xf32, #tpu.memory_space<vmem>> -> memref<200x8xf32, #tpu.memory_space<vmem>>
        %dma_start3A_526 = arith.constant 0 : i32
        %dma_start3A_527 = tpu.memref_slice %arg3[%multiple_of3A_24, %dma_start3A_526] : memref<160000x128xf32, #tpu.memory_space<hbm>> -> memref<200x8xf32, #tpu.memory_space<hbm>>
        %dma_start3A_528 = arith.constant 0 : i32
        %dma_start3A_529 = arith.constant 0 : i32
        %dma_start3A_530 = tpu.memref_slice %arg9[%dma_start3A_528, %dma_start3A_529] : memref<320x8xf32, #tpu.memory_space<vmem>> -> memref<200x8xf32, #tpu.memory_space<vmem>>
        %dma_start3A_531 = arith.constant 0 : i32
        %dma_start3A_532 = tpu.memref_slice %arg3[%multiple_of3A_24, %dma_start3A_531] : memref<160000x128xf32, #tpu.memory_space<hbm>> -> memref<200x8xf32, #tpu.memory_space<hbm>>
        tpu.enqueue_dma source(%dma_start3A_532 : memref<200x8xf32, #tpu.memory_space<hbm>>) target(%dma_start3A_530 : memref<200x8xf32, #tpu.memory_space<vmem>>) target_semaphore(%run_scoped3A : memref<!tpu.dma_semaphore, #tpu.memory_space<semaphore_mem>>)
        %dma_wait3A = arith.constant 0 : i32
        %dma_wait3A_533 = arith.constant 0 : i32
        %dma_wait3A_534 = tpu.memref_slice %arg9[%dma_wait3A, %dma_wait3A_533] : memref<320x8xf32, #tpu.memory_space<vmem>> -> memref<200x8xf32, #tpu.memory_space<vmem>>
        %dma_wait3A_535 = arith.constant 0 : i32
        %dma_wait3A_536 = tpu.memref_slice %arg3[%multiple_of3A_24, %dma_wait3A_535] : memref<160000x128xf32, #tpu.memory_space<hbm>> -> memref<200x8xf32, #tpu.memory_space<hbm>>
        %dma_wait3A_537 = arith.constant 0 : i32
        %dma_wait3A_538 = arith.constant 0 : i32
        %dma_wait3A_539 = tpu.memref_slice %arg9[%dma_wait3A_537, %dma_wait3A_538] : memref<320x8xf32, #tpu.memory_space<vmem>> -> memref<200x8xf32, #tpu.memory_space<vmem>>
        %dma_wait3A_540 = arith.constant 0 : i32
        %dma_wait3A_541 = tpu.memref_slice %arg3[%multiple_of3A_24, %dma_wait3A_540] : memref<160000x128xf32, #tpu.memory_space<hbm>> -> memref<200x8xf32, #tpu.memory_space<hbm>>
        tpu.wait_dma2 semaphore(%run_scoped3A : memref<!tpu.dma_semaphore, #tpu.memory_space<semaphore_mem>>) src(%dma_wait3A_541 : memref<200x8xf32, #tpu.memory_space<hbm>>) dst(%dma_wait3A_539 : memref<200x8xf32, #tpu.memory_space<vmem>>)
        tpu.yield
      }) : () -> ()
      %add3A_25 = arith.constant 0 : i32
      %add3A_26 = vector.broadcast %add3A_25 : i32 to vector<16xi32>
      %add3A_27 = arith.addi %shift_right_arithmetic3A_6, %add3A_26 : vector<16xi32>
      %gather3A = tpu.vector_load_idx %arg9[%add3A_27, %and3A_4] : memref<320x8xf32, #tpu.memory_space<vmem>>[vector<16xi32>, vector<16xi32>], vector<16xf32>,
      %gather3A_28 = tpu.vector_load_idx %arg8[%add3A_27] : memref<320xi32, #tpu.memory_space<vmem>>[vector<16xi32>], vector<16xi32>,
      tpu.vector_store_idx %arg10[%gather3A_28, %and3A_4], %gather3A {add = true} : memref<10008x8xf32, #tpu.memory_space<vmem>>[vector<16xi32>, vector<16xi32>], vector<16xf32>,
      %add3A_29 = arith.constant 2 : i32
      %add3A_30 = vector.broadcast %add3A_29 : i32 to vector<16xi32>
      %add3A_31 = arith.addi %shift_right_arithmetic3A_6, %add3A_30 : vector<16xi32>
      %gather3A_32 = tpu.vector_load_idx %arg9[%add3A_31, %and3A_4] : memref<320x8xf32, #tpu.memory_space<vmem>>[vector<16xi32>, vector<16xi32>], vector<16xf32>,
      %gather3A_33 = tpu.vector_load_idx %arg8[%add3A_31] : memref<320xi32, #tpu.memory_space<vmem>>[vector<16xi32>], vector<16xi32>,
      tpu.vector_store_idx %arg10[%gather3A_33, %and3A_4], %gather3A_32 {add = true} : memref<10008x8xf32, #tpu.memory_space<vmem>>[vector<16xi32>, vector<16xi32>], vector<16xf32>,
      %add3A_34 = arith.constant 4 : i32
      %add3A_35 = vector.broadcast %add3A_34 : i32 to vector<16xi32>
      %add3A_36 = arith.addi %shift_right_arithmetic3A_6, %add3A_35 : vector<16xi32>
      %gather3A_37 = tpu.vector_load_idx %arg9[%add3A_36, %and3A_4] : memref<320x8xf32, #tpu.memory_space<vmem>>[vector<16xi32>, vector<16xi32>], vector<16xf32>,
      %gather3A_38 = tpu.vector_load_idx %arg8[%add3A_36] : memref<320xi32, #tpu.memory_space<vmem>>[vector<16xi32>], vector<16xi32>,
      tpu.vector_store_idx %arg10[%gather3A_38, %and3A_4], %gather3A_37 {add = true} : memref<10008x8xf32, #tpu.memory_space<vmem>>[vector<16xi32>, vector<16xi32>], vector<16xf32>,
      %add3A_39 = arith.constant 6 : i32
      %add3A_40 = vector.broadcast %add3A_39 : i32 to vector<16xi32>
      %add3A_41 = arith.addi %shift_right_arithmetic3A_6, %add3A_40 : vector<16xi32>
      %gather3A_42 = tpu.vector_load_idx %arg9[%add3A_41, %and3A_4] : memref<320x8xf32, #tpu.memory_space<vmem>>[vector<16xi32>, vector<16xi32>], vector<16xf32>,
      %gather3A_43 = tpu.vector_load_idx %arg8[%add3A_41] : memref<320xi32, #tpu.memory_space<vmem>>[vector<16xi32>], vector<16xi32>,
      tpu.vector_store_idx %arg10[%gather3A_43, %and3A_4], %gather3A_42 {add = true} : memref<10008x8xf32, #tpu.memory_space<vmem>>[vector<16xi32>, vector<16xi32>], vector<16xf32>,
      %add3A_44 = arith.constant 8 : i32
      %add3A_45 = vector.broadcast %add3A_44 : i32 to vector<16xi32>
      %add3A_46 = arith.addi %shift_right_arithmetic3A_6, %add3A_45 : vector<16xi32>
      %gather3A_47 = tpu.vector_load_idx %arg9[%add3A_46, %and3A_4] : memref<320x8xf32, #tpu.memory_space<vmem>>[vector<16xi32>, vector<16xi32>], vector<16xf32>,
      %gather3A_48 = tpu.vector_load_idx %arg8[%add3A_46] : memref<320xi32, #tpu.memory_space<vmem>>[vector<16xi32>], vector<16xi32>,
      tpu.vector_store_idx %arg10[%gather3A_48, %and3A_4], %gather3A_47 {add = true} : memref<10008x8xf32, #tpu.memory_space<vmem>>[vector<16xi32>, vector<16xi32>], vector<16xf32>,
      %add3A_49 = arith.constant 10 : i32
      %add3A_50 = vector.broadcast %add3A_49 : i32 to vector<16xi32>
      %add3A_51 = arith.addi %shift_right_arithmetic3A_6, %add3A_50 : vector<16xi32>
      %gather3A_52 = tpu.vector_load_idx %arg9[%add3A_51, %and3A_4] : memref<320x8xf32, #tpu.memory_space<vmem>>[vector<16xi32>, vector<16xi32>], vector<16xf32>,
      %gather3A_53 = tpu.vector_load_idx %arg8[%add3A_51] : memref<320xi32, #tpu.memory_space<vmem>>[vector<16xi32>], vector<16xi32>,
      tpu.vector_store_idx %arg10[%gather3A_53, %and3A_4], %gather3A_52 {add = true} : memref<10008x8xf32, #tpu.memory_space<vmem>>[vector<16xi32>, vector<16xi32>], vector<16xf32>,
      %add3A_54 = arith.constant 12 : i32
      %add3A_55 = vector.broadcast %add3A_54 : i32 to vector<16xi32>
      %add3A_56 = arith.addi %shift_right_arithmetic3A_6, %add3A_55 : vector<16xi32>
      %gather3A_57 = tpu.vector_load_idx %arg9[%add3A_56, %and3A_4] : memref<320x8xf32, #tpu.memory_space<vmem>>[vector<16xi32>, vector<16xi32>], vector<16xf32>,
      %gather3A_58 = tpu.vector_load_idx %arg8[%add3A_56] : memref<320xi32, #tpu.memory_space<vmem>>[vector<16xi32>], vector<16xi32>,
      tpu.vector_store_idx %arg10[%gather3A_58, %and3A_4], %gather3A_57 {add = true} : memref<10008x8xf32, #tpu.memory_space<vmem>>[vector<16xi32>, vector<16xi32>], vector<16xf32>,
      %add3A_59 = arith.constant 14 : i32
      %add3A_60 = vector.broadcast %add3A_59 : i32 to vector<16xi32>
      %add3A_61 = arith.addi %shift_right_arithmetic3A_6, %add3A_60 : vector<16xi32>
      %gather3A_62 = tpu.vector_load_idx %arg9[%add3A_61, %and3A_4] : memref<320x8xf32, #tpu.memory_space<vmem>>[vector<16xi32>, vector<16xi32>], vector<16xf32>,
      %gather3A_63 = tpu.vector_load_idx %arg8[%add3A_61] : memref<320xi32, #tpu.memory_space<vmem>>[vector<16xi32>], vector<16xi32>,
      tpu.vector_store_idx %arg10[%gather3A_63, %and3A_4], %gather3A_62 {add = true} : memref<10008x8xf32, #tpu.memory_space<vmem>>[vector<16xi32>, vector<16xi32>], vector<16xf32>,
      %add3A_64 = arith.constant 16 : i32
      %add3A_65 = vector.broadcast %add3A_64 : i32 to vector<16xi32>
      %add3A_66 = arith.addi %shift_right_arithmetic3A_6, %add3A_65 : vector<16xi32>
      %gather3A_67 = tpu.vector_load_idx %arg9[%add3A_66, %and3A_4] : memref<320x8xf32, #tpu.memory_space<vmem>>[vector<16xi32>, vector<16xi32>], vector<16xf32>,
      %gather3A_68 = tpu.vector_load_idx %arg8[%add3A_66] : memref<320xi32, #tpu.memory_space<vmem>>[vector<16xi32>], vector<16xi32>,
      tpu.vector_store_idx %arg10[%gather3A_68, %and3A_4], %gather3A_67 {add = true} : memref<10008x8xf32, #tpu.memory_space<vmem>>[vector<16xi32>, vector<16xi32>], vector<16xf32>,
      %add3A_69 = arith.constant 18 : i32
      %add3A_70 = vector.broadcast %add3A_69 : i32 to vector<16xi32>
      %add3A_71 = arith.addi %shift_right_arithmetic3A_6, %add3A_70 : vector<16xi32>
      %gather3A_72 = tpu.vector_load_idx %arg9[%add3A_71, %and3A_4] : memref<320x8xf32, #tpu.memory_space<vmem>>[vector<16xi32>, vector<16xi32>], vector<16xf32>,
      %gather3A_73 = tpu.vector_load_idx %arg8[%add3A_71] : memref<320xi32, #tpu.memory_space<vmem>>[vector<16xi32>], vector<16xi32>,
      tpu.vector_store_idx %arg10[%gather3A_73, %and3A_4], %gather3A_72 {add = true} : memref<10008x8xf32, #tpu.memory_space<vmem>>[vector<16xi32>, vector<16xi32>], vector<16xf32>,
      %add3A_74 = arith.constant 20 : i32
      %add3A_75 = vector.broadcast %add3A_74 : i32 to vector<16xi32>
      %add3A_76 = arith.addi %shift_right_arithmetic3A_6, %add3A_75 : vector<16xi32>
      %gather3A_77 = tpu.vector_load_idx %arg9[%add3A_76, %and3A_4] : memref<320x8xf32, #tpu.memory_space<vmem>>[vector<16xi32>, vector<16xi32>], vector<16xf32>,
      %gather3A_78 = tpu.vector_load_idx %arg8[%add3A_76] : memref<320xi32, #tpu.memory_space<vmem>>[vector<16xi32>], vector<16xi32>,
      tpu.vector_store_idx %arg10[%gather3A_78, %and3A_4], %gather3A_77 {add = true} : memref<10008x8xf32, #tpu.memory_space<vmem>>[vector<16xi32>, vector<16xi32>], vector<16xf32>,
      %add3A_79 = arith.constant 22 : i32
      %add3A_80 = vector.broadcast %add3A_79 : i32 to vector<16xi32>
      %add3A_81 = arith.addi %shift_right_arithmetic3A_6, %add3A_80 : vector<16xi32>
      %gather3A_82 = tpu.vector_load_idx %arg9[%add3A_81, %and3A_4] : memref<320x8xf32, #tpu.memory_space<vmem>>[vector<16xi32>, vector<16xi32>], vector<16xf32>,
      %gather3A_83 = tpu.vector_load_idx %arg8[%add3A_81] : memref<320xi32, #tpu.memory_space<vmem>>[vector<16xi32>], vector<16xi32>,
      tpu.vector_store_idx %arg10[%gather3A_83, %and3A_4], %gather3A_82 {add = true} : memref<10008x8xf32, #tpu.memory_space<vmem>>[vector<16xi32>, vector<16xi32>], vector<16xf32>,
      %add3A_84 = arith.constant 24 : i32
      %add3A_85 = vector.broadcast %add3A_84 : i32 to vector<16xi32>
      %add3A_86 = arith.addi %shift_right_arithmetic3A_6, %add3A_85 : vector<16xi32>
      %gather3A_87 = tpu.vector_load_idx %arg9[%add3A_86, %and3A_4] : memref<320x8xf32, #tpu.memory_space<vmem>>[vector<16xi32>, vector<16xi32>], vector<16xf32>,
      %gather3A_88 = tpu.vector_load_idx %arg8[%add3A_86] : memref<320xi32, #tpu.memory_space<vmem>>[vector<16xi32>], vector<16xi32>,
      tpu.vector_store_idx %arg10[%gather3A_88, %and3A_4], %gather3A_87 {add = true} : memref<10008x8xf32, #tpu.memory_space<vmem>>[vector<16xi32>, vector<16xi32>], vector<16xf32>,
      %add3A_89 = arith.constant 26 : i32
      %add3A_90 = vector.broadcast %add3A_89 : i32 to vector<16xi32>
      %add3A_91 = arith.addi %shift_right_arithmetic3A_6, %add3A_90 : vector<16xi32>
      %gather3A_92 = tpu.vector_load_idx %arg9[%add3A_91, %and3A_4] : memref<320x8xf32, #tpu.memory_space<vmem>>[vector<16xi32>, vector<16xi32>], vector<16xf32>,
      %gather3A_93 = tpu.vector_load_idx %arg8[%add3A_91] : memref<320xi32, #tpu.memory_space<vmem>>[vector<16xi32>], vector<16xi32>,
      tpu.vector_store_idx %arg10[%gather3A_93, %and3A_4], %gather3A_92 {add = true} : memref<10008x8xf32, #tpu.memory_space<vmem>>[vector<16xi32>, vector<16xi32>], vector<16xf32>,
      %add3A_94 = arith.constant 28 : i32
      %add3A_95 = vector.broadcast %add3A_94 : i32 to vector<16xi32>
      %add3A_96 = arith.addi %shift_right_arithmetic3A_6, %add3A_95 : vector<16xi32>
      %gather3A_97 = tpu.vector_load_idx %arg9[%add3A_96, %and3A_4] : memref<320x8xf32, #tpu.memory_space<vmem>>[vector<16xi32>, vector<16xi32>], vector<16xf32>,
      %gather3A_98 = tpu.vector_load_idx %arg8[%add3A_96] : memref<320xi32, #tpu.memory_space<vmem>>[vector<16xi32>], vector<16xi32>,
      tpu.vector_store_idx %arg10[%gather3A_98, %and3A_4], %gather3A_97 {add = true} : memref<10008x8xf32, #tpu.memory_space<vmem>>[vector<16xi32>, vector<16xi32>], vector<16xf32>,
      %add3A_99 = arith.constant 30 : i32
      %add3A_100 = vector.broadcast %add3A_99 : i32 to vector<16xi32>
      %add3A_101 = arith.addi %shift_right_arithmetic3A_6, %add3A_100 : vector<16xi32>
      %gather3A_102 = tpu.vector_load_idx %arg9[%add3A_101, %and3A_4] : memref<320x8xf32, #tpu.memory_space<vmem>>[vector<16xi32>, vector<16xi32>], vector<16xf32>,
      %gather3A_103 = tpu.vector_load_idx %arg8[%add3A_101] : memref<320xi32, #tpu.memory_space<vmem>>[vector<16xi32>], vector<16xi32>,
      tpu.vector_store_idx %arg10[%gather3A_103, %and3A_4], %gather3A_102 {add = true} : memref<10008x8xf32, #tpu.memory_space<vmem>>[vector<16xi32>, vector<16xi32>], vector<16xf32>,
      %add3A_104 = arith.constant 32 : i32
      %add3A_105 = vector.broadcast %add3A_104 : i32 to vector<16xi32>
      %add3A_106 = arith.addi %shift_right_arithmetic3A_6, %add3A_105 : vector<16xi32>
      %gather3A_107 = tpu.vector_load_idx %arg9[%add3A_106, %and3A_4] : memref<320x8xf32, #tpu.memory_space<vmem>>[vector<16xi32>, vector<16xi32>], vector<16xf32>,
      %gather3A_108 = tpu.vector_load_idx %arg8[%add3A_106] : memref<320xi32, #tpu.memory_space<vmem>>[vector<16xi32>], vector<16xi32>,
      tpu.vector_store_idx %arg10[%gather3A_108, %and3A_4], %gather3A_107 {add = true} : memref<10008x8xf32, #tpu.memory_space<vmem>>[vector<16xi32>, vector<16xi32>], vector<16xf32>,
      %add3A_109 = arith.constant 34 : i32
      %add3A_110 = vector.broadcast %add3A_109 : i32 to vector<16xi32>
      %add3A_111 = arith.addi %shift_right_arithmetic3A_6, %add3A_110 : vector<16xi32>
      %gather3A_112 = tpu.vector_load_idx %arg9[%add3A_111, %and3A_4] : memref<320x8xf32, #tpu.memory_space<vmem>>[vector<16xi32>, vector<16xi32>], vector<16xf32>,
      %gather3A_113 = tpu.vector_load_idx %arg8[%add3A_111] : memref<320xi32, #tpu.memory_space<vmem>>[vector<16xi32>], vector<16xi32>,
      tpu.vector_store_idx %arg10[%gather3A_113, %and3A_4], %gather3A_112 {add = true} : memref<10008x8xf32, #tpu.memory_space<vmem>>[vector<16xi32>, vector<16xi32>], vector<16xf32>,
      %add3A_114 = arith.constant 36 : i32
      %add3A_115 = vector.broadcast %add3A_114 : i32 to vector<16xi32>
      %add3A_116 = arith.addi %shift_right_arithmetic3A_6, %add3A_115 : vector<16xi32>
      %gather3A_117 = tpu.vector_load_idx %arg9[%add3A_116, %and3A_4] : memref<320x8xf32, #tpu.memory_space<vmem>>[vector<16xi32>, vector<16xi32>], vector<16xf32>,
      %gather3A_118 = tpu.vector_load_idx %arg8[%add3A_116] : memref<320xi32, #tpu.memory_space<vmem>>[vector<16xi32>], vector<16xi32>,
      tpu.vector_store_idx %arg10[%gather3A_118, %and3A_4], %gather3A_117 {add = true} : memref<10008x8xf32, #tpu.memory_space<vmem>>[vector<16xi32>, vector<16xi32>], vector<16xf32>,
      %add3A_119 = arith.constant 38 : i32
      %add3A_120 = vector.broadcast %add3A_119 : i32 to vector<16xi32>
      %add3A_121 = arith.addi %shift_right_arithmetic3A_6, %add3A_120 : vector<16xi32>
      %gather3A_122 = tpu.vector_load_idx %arg9[%add3A_121, %and3A_4] : memref<320x8xf32, #tpu.memory_space<vmem>>[vector<16xi32>, vector<16xi32>], vector<16xf32>,
      %gather3A_123 = tpu.vector_load_idx %arg8[%add3A_121] : memref<320xi32, #tpu.memory_space<vmem>>[vector<16xi32>], vector<16xi32>,
      tpu.vector_store_idx %arg10[%gather3A_123, %and3A_4], %gather3A_122 {add = true} : memref<10008x8xf32, #tpu.memory_space<vmem>>[vector<16xi32>, vector<16xi32>], vector<16xf32>,
      %add3A_124 = arith.constant 40 : i32
      %add3A_125 = vector.broadcast %add3A_124 : i32 to vector<16xi32>
      %add3A_126 = arith.addi %shift_right_arithmetic3A_6, %add3A_125 : vector<16xi32>
      %gather3A_127 = tpu.vector_load_idx %arg9[%add3A_126, %and3A_4] : memref<320x8xf32, #tpu.memory_space<vmem>>[vector<16xi32>, vector<16xi32>], vector<16xf32>,
      %gather3A_128 = tpu.vector_load_idx %arg8[%add3A_126] : memref<320xi32, #tpu.memory_space<vmem>>[vector<16xi32>], vector<16xi32>,
      tpu.vector_store_idx %arg10[%gather3A_128, %and3A_4], %gather3A_127 {add = true} : memref<10008x8xf32, #tpu.memory_space<vmem>>[vector<16xi32>, vector<16xi32>], vector<16xf32>,
      %add3A_129 = arith.constant 42 : i32
      %add3A_130 = vector.broadcast %add3A_129 : i32 to vector<16xi32>
      %add3A_131 = arith.addi %shift_right_arithmetic3A_6, %add3A_130 : vector<16xi32>
      %gather3A_132 = tpu.vector_load_idx %arg9[%add3A_131, %and3A_4] : memref<320x8xf32, #tpu.memory_space<vmem>>[vector<16xi32>, vector<16xi32>], vector<16xf32>,
      %gather3A_133 = tpu.vector_load_idx %arg8[%add3A_131] : memref<320xi32, #tpu.memory_space<vmem>>[vector<16xi32>], vector<16xi32>,
      tpu.vector_store_idx %arg10[%gather3A_133, %and3A_4], %gather3A_132 {add = true} : memref<10008x8xf32, #tpu.memory_space<vmem>>[vector<16xi32>, vector<16xi32>], vector<16xf32>,
      %add3A_134 = arith.constant 44 : i32
      %add3A_135 = vector.broadcast %add3A_134 : i32 to vector<16xi32>
      %add3A_136 = arith.addi %shift_right_arithmetic3A_6, %add3A_135 : vector<16xi32>
      %gather3A_137 = tpu.vector_load_idx %arg9[%add3A_136, %and3A_4] : memref<320x8xf32, #tpu.memory_space<vmem>>[vector<16xi32>, vector<16xi32>], vector<16xf32>,
      %gather3A_138 = tpu.vector_load_idx %arg8[%add3A_136] : memref<320xi32, #tpu.memory_space<vmem>>[vector<16xi32>], vector<16xi32>,
      tpu.vector_store_idx %arg10[%gather3A_138, %and3A_4], %gather3A_137 {add = true} : memref<10008x8xf32, #tpu.memory_space<vmem>>[vector<16xi32>, vector<16xi32>], vector<16xf32>,
      %add3A_139 = arith.constant 46 : i32
      %add3A_140 = vector.broadcast %add3A_139 : i32 to vector<16xi32>
      %add3A_141 = arith.addi %shift_right_arithmetic3A_6, %add3A_140 : vector<16xi32>
      %gather3A_142 = tpu.vector_load_idx %arg9[%add3A_141, %and3A_4] : memref<320x8xf32, #tpu.memory_space<vmem>>[vector<16xi32>, vector<16xi32>], vector<16xf32>,
      %gather3A_143 = tpu.vector_load_idx %arg8[%add3A_141] : memref<320xi32, #tpu.memory_space<vmem>>[vector<16xi32>], vector<16xi32>,
      tpu.vector_store_idx %arg10[%gather3A_143, %and3A_4], %gather3A_142 {add = true} : memref<10008x8xf32, #tpu.memory_space<vmem>>[vector<16xi32>, vector<16xi32>], vector<16xf32>,
      %add3A_144 = arith.constant 48 : i32
      %add3A_145 = vector.broadcast %add3A_144 : i32 to vector<16xi32>
      %add3A_146 = arith.addi %shift_right_arithmetic3A_6, %add3A_145 : vector<16xi32>
      %gather3A_147 = tpu.vector_load_idx %arg9[%add3A_146, %and3A_4] : memref<320x8xf32, #tpu.memory_space<vmem>>[vector<16xi32>, vector<16xi32>], vector<16xf32>,
      %gather3A_148 = tpu.vector_load_idx %arg8[%add3A_146] : memref<320xi32, #tpu.memory_space<vmem>>[vector<16xi32>], vector<16xi32>,
      tpu.vector_store_idx %arg10[%gather3A_148, %and3A_4], %gather3A_147 {add = true} : memref<10008x8xf32, #tpu.memory_space<vmem>>[vector<16xi32>, vector<16xi32>], vector<16xf32>,
      %add3A_149 = arith.constant 50 : i32
      %add3A_150 = vector.broadcast %add3A_149 : i32 to vector<16xi32>
      %add3A_151 = arith.addi %shift_right_arithmetic3A_6, %add3A_150 : vector<16xi32>
      %gather3A_152 = tpu.vector_load_idx %arg9[%add3A_151, %and3A_4] : memref<320x8xf32, #tpu.memory_space<vmem>>[vector<16xi32>, vector<16xi32>], vector<16xf32>,
      %gather3A_153 = tpu.vector_load_idx %arg8[%add3A_151] : memref<320xi32, #tpu.memory_space<vmem>>[vector<16xi32>], vector<16xi32>,
      tpu.vector_store_idx %arg10[%gather3A_153, %and3A_4], %gather3A_152 {add = true} : memref<10008x8xf32, #tpu.memory_space<vmem>>[vector<16xi32>, vector<16xi32>], vector<16xf32>,
      %add3A_154 = arith.constant 52 : i32
      %add3A_155 = vector.broadcast %add3A_154 : i32 to vector<16xi32>
      %add3A_156 = arith.addi %shift_right_arithmetic3A_6, %add3A_155 : vector<16xi32>
      %gather3A_157 = tpu.vector_load_idx %arg9[%add3A_156, %and3A_4] : memref<320x8xf32, #tpu.memory_space<vmem>>[vector<16xi32>, vector<16xi32>], vector<16xf32>,
      %gather3A_158 = tpu.vector_load_idx %arg8[%add3A_156] : memref<320xi32, #tpu.memory_space<vmem>>[vector<16xi32>], vector<16xi32>,
      tpu.vector_store_idx %arg10[%gather3A_158, %and3A_4], %gather3A_157 {add = true} : memref<10008x8xf32, #tpu.memory_space<vmem>>[vector<16xi32>, vector<16xi32>], vector<16xf32>,
      %add3A_159 = arith.constant 54 : i32
      %add3A_160 = vector.broadcast %add3A_159 : i32 to vector<16xi32>
      %add3A_161 = arith.addi %shift_right_arithmetic3A_6, %add3A_160 : vector<16xi32>
      %gather3A_162 = tpu.vector_load_idx %arg9[%add3A_161, %and3A_4] : memref<320x8xf32, #tpu.memory_space<vmem>>[vector<16xi32>, vector<16xi32>], vector<16xf32>,
      %gather3A_163 = tpu.vector_load_idx %arg8[%add3A_161] : memref<320xi32, #tpu.memory_space<vmem>>[vector<16xi32>], vector<16xi32>,
      tpu.vector_store_idx %arg10[%gather3A_163, %and3A_4], %gather3A_162 {add = true} : memref<10008x8xf32, #tpu.memory_space<vmem>>[vector<16xi32>, vector<16xi32>], vector<16xf32>,
      %add3A_164 = arith.constant 56 : i32
      %add3A_165 = vector.broadcast %add3A_164 : i32 to vector<16xi32>
      %add3A_166 = arith.addi %shift_right_arithmetic3A_6, %add3A_165 : vector<16xi32>
      %gather3A_167 = tpu.vector_load_idx %arg9[%add3A_166, %and3A_4] : memref<320x8xf32, #tpu.memory_space<vmem>>[vector<16xi32>, vector<16xi32>], vector<16xf32>,
      %gather3A_168 = tpu.vector_load_idx %arg8[%add3A_166] : memref<320xi32, #tpu.memory_space<vmem>>[vector<16xi32>], vector<16xi32>,
      tpu.vector_store_idx %arg10[%gather3A_168, %and3A_4], %gather3A_167 {add = true} : memref<10008x8xf32, #tpu.memory_space<vmem>>[vector<16xi32>, vector<16xi32>], vector<16xf32>,
      %add3A_169 = arith.constant 58 : i32
      %add3A_170 = vector.broadcast %add3A_169 : i32 to vector<16xi32>
      %add3A_171 = arith.addi %shift_right_arithmetic3A_6, %add3A_170 : vector<16xi32>
      %gather3A_172 = tpu.vector_load_idx %arg9[%add3A_171, %and3A_4] : memref<320x8xf32, #tpu.memory_space<vmem>>[vector<16xi32>, vector<16xi32>], vector<16xf32>,
      %gather3A_173 = tpu.vector_load_idx %arg8[%add3A_171] : memref<320xi32, #tpu.memory_space<vmem>>[vector<16xi32>], vector<16xi32>,
      tpu.vector_store_idx %arg10[%gather3A_173, %and3A_4], %gather3A_172 {add = true} : memref<10008x8xf32, #tpu.memory_space<vmem>>[vector<16xi32>, vector<16xi32>], vector<16xf32>,
      %add3A_174 = arith.constant 60 : i32
      %add3A_175 = vector.broadcast %add3A_174 : i32 to vector<16xi32>
      %add3A_176 = arith.addi %shift_right_arithmetic3A_6, %add3A_175 : vector<16xi32>
      %gather3A_177 = tpu.vector_load_idx %arg9[%add3A_176, %and3A_4] : memref<320x8xf32, #tpu.memory_space<vmem>>[vector<16xi32>, vector<16xi32>], vector<16xf32>,
      %gather3A_178 = tpu.vector_load_idx %arg8[%add3A_176] : memref<320xi32, #tpu.memory_space<vmem>>[vector<16xi32>], vector<16xi32>,
      tpu.vector_store_idx %arg10[%gather3A_178, %and3A_4], %gather3A_177 {add = true} : memref<10008x8xf32, #tpu.memory_space<vmem>>[vector<16xi32>, vector<16xi32>], vector<16xf32>,
      %add3A_179 = arith.constant 62 : i32
      %add3A_180 = vector.broadcast %add3A_179 : i32 to vector<16xi32>
      %add3A_181 = arith.addi %shift_right_arithmetic3A_6, %add3A_180 : vector<16xi32>
      %gather3A_182 = tpu.vector_load_idx %arg9[%add3A_181, %and3A_4] : memref<320x8xf32, #tpu.memory_space<vmem>>[vector<16xi32>, vector<16xi32>], vector<16xf32>,
      %gather3A_183 = tpu.vector_load_idx %arg8[%add3A_181] : memref<320xi32, #tpu.memory_space<vmem>>[vector<16xi32>], vector<16xi32>,
      tpu.vector_store_idx %arg10[%gather3A_183, %and3A_4], %gather3A_182 {add = true} : memref<10008x8xf32, #tpu.memory_space<vmem>>[vector<16xi32>, vector<16xi32>], vector<16xf32>,
      %add3A_184 = arith.constant 64 : i32
      %add3A_185 = vector.broadcast %add3A_184 : i32 to vector<16xi32>
      %add3A_186 = arith.addi %shift_right_arithmetic3A_6, %add3A_185 : vector<16xi32>
      %gather3A_187 = tpu.vector_load_idx %arg9[%add3A_186, %and3A_4] : memref<320x8xf32, #tpu.memory_space<vmem>>[vector<16xi32>, vector<16xi32>], vector<16xf32>,
      %gather3A_188 = tpu.vector_load_idx %arg8[%add3A_186] : memref<320xi32, #tpu.memory_space<vmem>>[vector<16xi32>], vector<16xi32>,
      tpu.vector_store_idx %arg10[%gather3A_188, %and3A_4], %gather3A_187 {add = true} : memref<10008x8xf32, #tpu.memory_space<vmem>>[vector<16xi32>, vector<16xi32>], vector<16xf32>,
      %add3A_189 = arith.constant 66 : i32
      %add3A_190 = vector.broadcast %add3A_189 : i32 to vector<16xi32>
      %add3A_191 = arith.addi %shift_right_arithmetic3A_6, %add3A_190 : vector<16xi32>
      %gather3A_192 = tpu.vector_load_idx %arg9[%add3A_191, %and3A_4] : memref<320x8xf32, #tpu.memory_space<vmem>>[vector<16xi32>, vector<16xi32>], vector<16xf32>,
      %gather3A_193 = tpu.vector_load_idx %arg8[%add3A_191] : memref<320xi32, #tpu.memory_space<vmem>>[vector<16xi32>], vector<16xi32>,
      tpu.vector_store_idx %arg10[%gather3A_193, %and3A_4], %gather3A_192 {add = true} : memref<10008x8xf32, #tpu.memory_space<vmem>>[vector<16xi32>, vector<16xi32>], vector<16xf32>,
      %add3A_194 = arith.constant 68 : i32
      %add3A_195 = vector.broadcast %add3A_194 : i32 to vector<16xi32>
      %add3A_196 = arith.addi %shift_right_arithmetic3A_6, %add3A_195 : vector<16xi32>
      %gather3A_197 = tpu.vector_load_idx %arg9[%add3A_196, %and3A_4] : memref<320x8xf32, #tpu.memory_space<vmem>>[vector<16xi32>, vector<16xi32>], vector<16xf32>,
      %gather3A_198 = tpu.vector_load_idx %arg8[%add3A_196] : memref<320xi32, #tpu.memory_space<vmem>>[vector<16xi32>], vector<16xi32>,
      tpu.vector_store_idx %arg10[%gather3A_198, %and3A_4], %gather3A_197 {add = true} : memref<10008x8xf32, #tpu.memory_space<vmem>>[vector<16xi32>, vector<16xi32>], vector<16xf32>,
      %add3A_199 = arith.constant 70 : i32
      %add3A_200 = vector.broadcast %add3A_199 : i32 to vector<16xi32>
      %add3A_201 = arith.addi %shift_right_arithmetic3A_6, %add3A_200 : vector<16xi32>
      %gather3A_202 = tpu.vector_load_idx %arg9[%add3A_201, %and3A_4] : memref<320x8xf32, #tpu.memory_space<vmem>>[vector<16xi32>, vector<16xi32>], vector<16xf32>,
      %gather3A_203 = tpu.vector_load_idx %arg8[%add3A_201] : memref<320xi32, #tpu.memory_space<vmem>>[vector<16xi32>], vector<16xi32>,
      tpu.vector_store_idx %arg10[%gather3A_203, %and3A_4], %gather3A_202 {add = true} : memref<10008x8xf32, #tpu.memory_space<vmem>>[vector<16xi32>, vector<16xi32>], vector<16xf32>,
      %add3A_204 = arith.constant 72 : i32
      %add3A_205 = vector.broadcast %add3A_204 : i32 to vector<16xi32>
      %add3A_206 = arith.addi %shift_right_arithmetic3A_6, %add3A_205 : vector<16xi32>
      %gather3A_207 = tpu.vector_load_idx %arg9[%add3A_206, %and3A_4] : memref<320x8xf32, #tpu.memory_space<vmem>>[vector<16xi32>, vector<16xi32>], vector<16xf32>,
      %gather3A_208 = tpu.vector_load_idx %arg8[%add3A_206] : memref<320xi32, #tpu.memory_space<vmem>>[vector<16xi32>], vector<16xi32>,
      tpu.vector_store_idx %arg10[%gather3A_208, %and3A_4], %gather3A_207 {add = true} : memref<10008x8xf32, #tpu.memory_space<vmem>>[vector<16xi32>, vector<16xi32>], vector<16xf32>,
      %add3A_209 = arith.constant 74 : i32
      %add3A_210 = vector.broadcast %add3A_209 : i32 to vector<16xi32>
      %add3A_211 = arith.addi %shift_right_arithmetic3A_6, %add3A_210 : vector<16xi32>
      %gather3A_212 = tpu.vector_load_idx %arg9[%add3A_211, %and3A_4] : memref<320x8xf32, #tpu.memory_space<vmem>>[vector<16xi32>, vector<16xi32>], vector<16xf32>,
      %gather3A_213 = tpu.vector_load_idx %arg8[%add3A_211] : memref<320xi32, #tpu.memory_space<vmem>>[vector<16xi32>], vector<16xi32>,
      tpu.vector_store_idx %arg10[%gather3A_213, %and3A_4], %gather3A_212 {add = true} : memref<10008x8xf32, #tpu.memory_space<vmem>>[vector<16xi32>, vector<16xi32>], vector<16xf32>,
      %add3A_214 = arith.constant 76 : i32
      %add3A_215 = vector.broadcast %add3A_214 : i32 to vector<16xi32>
      %add3A_216 = arith.addi %shift_right_arithmetic3A_6, %add3A_215 : vector<16xi32>
      %gather3A_217 = tpu.vector_load_idx %arg9[%add3A_216, %and3A_4] : memref<320x8xf32, #tpu.memory_space<vmem>>[vector<16xi32>, vector<16xi32>], vector<16xf32>,
      %gather3A_218 = tpu.vector_load_idx %arg8[%add3A_216] : memref<320xi32, #tpu.memory_space<vmem>>[vector<16xi32>], vector<16xi32>,
      tpu.vector_store_idx %arg10[%gather3A_218, %and3A_4], %gather3A_217 {add = true} : memref<10008x8xf32, #tpu.memory_space<vmem>>[vector<16xi32>, vector<16xi32>], vector<16xf32>,
      %add3A_219 = arith.constant 78 : i32
      %add3A_220 = vector.broadcast %add3A_219 : i32 to vector<16xi32>
      %add3A_221 = arith.addi %shift_right_arithmetic3A_6, %add3A_220 : vector<16xi32>
      %gather3A_222 = tpu.vector_load_idx %arg9[%add3A_221, %and3A_4] : memref<320x8xf32, #tpu.memory_space<vmem>>[vector<16xi32>, vector<16xi32>], vector<16xf32>,
      %gather3A_223 = tpu.vector_load_idx %arg8[%add3A_221] : memref<320xi32, #tpu.memory_space<vmem>>[vector<16xi32>], vector<16xi32>,
      tpu.vector_store_idx %arg10[%gather3A_223, %and3A_4], %gather3A_222 {add = true} : memref<10008x8xf32, #tpu.memory_space<vmem>>[vector<16xi32>, vector<16xi32>], vector<16xf32>,
      %add3A_224 = arith.constant 80 : i32
      %add3A_225 = vector.broadcast %add3A_224 : i32 to vector<16xi32>
      %add3A_226 = arith.addi %shift_right_arithmetic3A_6, %add3A_225 : vector<16xi32>
      %gather3A_227 = tpu.vector_load_idx %arg9[%add3A_226, %and3A_4] : memref<320x8xf32, #tpu.memory_space<vmem>>[vector<16xi32>, vector<16xi32>], vector<16xf32>,
      %gather3A_228 = tpu.vector_load_idx %arg8[%add3A_226] : memref<320xi32, #tpu.memory_space<vmem>>[vector<16xi32>], vector<16xi32>,
      tpu.vector_store_idx %arg10[%gather3A_228, %and3A_4], %gather3A_227 {add = true} : memref<10008x8xf32, #tpu.memory_space<vmem>>[vector<16xi32>, vector<16xi32>], vector<16xf32>,
      %add3A_229 = arith.constant 82 : i32
      %add3A_230 = vector.broadcast %add3A_229 : i32 to vector<16xi32>
      %add3A_231 = arith.addi %shift_right_arithmetic3A_6, %add3A_230 : vector<16xi32>
      %gather3A_232 = tpu.vector_load_idx %arg9[%add3A_231, %and3A_4] : memref<320x8xf32, #tpu.memory_space<vmem>>[vector<16xi32>, vector<16xi32>], vector<16xf32>,
      %gather3A_233 = tpu.vector_load_idx %arg8[%add3A_231] : memref<320xi32, #tpu.memory_space<vmem>>[vector<16xi32>], vector<16xi32>,
      tpu.vector_store_idx %arg10[%gather3A_233, %and3A_4], %gather3A_232 {add = true} : memref<10008x8xf32, #tpu.memory_space<vmem>>[vector<16xi32>, vector<16xi32>], vector<16xf32>,
      %add3A_234 = arith.constant 84 : i32
      %add3A_235 = vector.broadcast %add3A_234 : i32 to vector<16xi32>
      %add3A_236 = arith.addi %shift_right_arithmetic3A_6, %add3A_235 : vector<16xi32>
      %gather3A_237 = tpu.vector_load_idx %arg9[%add3A_236, %and3A_4] : memref<320x8xf32, #tpu.memory_space<vmem>>[vector<16xi32>, vector<16xi32>], vector<16xf32>,
      %gather3A_238 = tpu.vector_load_idx %arg8[%add3A_236] : memref<320xi32, #tpu.memory_space<vmem>>[vector<16xi32>], vector<16xi32>,
      tpu.vector_store_idx %arg10[%gather3A_238, %and3A_4], %gather3A_237 {add = true} : memref<10008x8xf32, #tpu.memory_space<vmem>>[vector<16xi32>, vector<16xi32>], vector<16xf32>,
      %add3A_239 = arith.constant 86 : i32
      %add3A_240 = vector.broadcast %add3A_239 : i32 to vector<16xi32>
      %add3A_241 = arith.addi %shift_right_arithmetic3A_6, %add3A_240 : vector<16xi32>
      %gather3A_242 = tpu.vector_load_idx %arg9[%add3A_241, %and3A_4] : memref<320x8xf32, #tpu.memory_space<vmem>>[vector<16xi32>, vector<16xi32>], vector<16xf32>,
      %gather3A_243 = tpu.vector_load_idx %arg8[%add3A_241] : memref<320xi32, #tpu.memory_space<vmem>>[vector<16xi32>], vector<16xi32>,
      tpu.vector_store_idx %arg10[%gather3A_243, %and3A_4], %gather3A_242 {add = true} : memref<10008x8xf32, #tpu.memory_space<vmem>>[vector<16xi32>, vector<16xi32>], vector<16xf32>,
      %add3A_244 = arith.constant 88 : i32
      %add3A_245 = vector.broadcast %add3A_244 : i32 to vector<16xi32>
      %add3A_246 = arith.addi %shift_right_arithmetic3A_6, %add3A_245 : vector<16xi32>
      %gather3A_247 = tpu.vector_load_idx %arg9[%add3A_246, %and3A_4] : memref<320x8xf32, #tpu.memory_space<vmem>>[vector<16xi32>, vector<16xi32>], vector<16xf32>,
      %gather3A_248 = tpu.vector_load_idx %arg8[%add3A_246] : memref<320xi32, #tpu.memory_space<vmem>>[vector<16xi32>], vector<16xi32>,
      tpu.vector_store_idx %arg10[%gather3A_248, %and3A_4], %gather3A_247 {add = true} : memref<10008x8xf32, #tpu.memory_space<vmem>>[vector<16xi32>, vector<16xi32>], vector<16xf32>,
      %add3A_249 = arith.constant 90 : i32
      %add3A_250 = vector.broadcast %add3A_249 : i32 to vector<16xi32>
      %add3A_251 = arith.addi %shift_right_arithmetic3A_6, %add3A_250 : vector<16xi32>
      %gather3A_252 = tpu.vector_load_idx %arg9[%add3A_251, %and3A_4] : memref<320x8xf32, #tpu.memory_space<vmem>>[vector<16xi32>, vector<16xi32>], vector<16xf32>,
      %gather3A_253 = tpu.vector_load_idx %arg8[%add3A_251] : memref<320xi32, #tpu.memory_space<vmem>>[vector<16xi32>], vector<16xi32>,
      tpu.vector_store_idx %arg10[%gather3A_253, %and3A_4], %gather3A_252 {add = true} : memref<10008x8xf32, #tpu.memory_space<vmem>>[vector<16xi32>, vector<16xi32>], vector<16xf32>,
      %add3A_254 = arith.constant 92 : i32
      %add3A_255 = vector.broadcast %add3A_254 : i32 to vector<16xi32>
      %add3A_256 = arith.addi %shift_right_arithmetic3A_6, %add3A_255 : vector<16xi32>
      %gather3A_257 = tpu.vector_load_idx %arg9[%add3A_256, %and3A_4] : memref<320x8xf32, #tpu.memory_space<vmem>>[vector<16xi32>, vector<16xi32>], vector<16xf32>,
      %gather3A_258 = tpu.vector_load_idx %arg8[%add3A_256] : memref<320xi32, #tpu.memory_space<vmem>>[vector<16xi32>], vector<16xi32>,
      tpu.vector_store_idx %arg10[%gather3A_258, %and3A_4], %gather3A_257 {add = true} : memref<10008x8xf32, #tpu.memory_space<vmem>>[vector<16xi32>, vector<16xi32>], vector<16xf32>,
      %add3A_259 = arith.constant 94 : i32
      %add3A_260 = vector.broadcast %add3A_259 : i32 to vector<16xi32>
      %add3A_261 = arith.addi %shift_right_arithmetic3A_6, %add3A_260 : vector<16xi32>
      %gather3A_262 = tpu.vector_load_idx %arg9[%add3A_261, %and3A_4] : memref<320x8xf32, #tpu.memory_space<vmem>>[vector<16xi32>, vector<16xi32>], vector<16xf32>,
      %gather3A_263 = tpu.vector_load_idx %arg8[%add3A_261] : memref<320xi32, #tpu.memory_space<vmem>>[vector<16xi32>], vector<16xi32>,
      tpu.vector_store_idx %arg10[%gather3A_263, %and3A_4], %gather3A_262 {add = true} : memref<10008x8xf32, #tpu.memory_space<vmem>>[vector<16xi32>, vector<16xi32>], vector<16xf32>,
      %add3A_264 = arith.constant 96 : i32
      %add3A_265 = vector.broadcast %add3A_264 : i32 to vector<16xi32>
      %add3A_266 = arith.addi %shift_right_arithmetic3A_6, %add3A_265 : vector<16xi32>
      %gather3A_267 = tpu.vector_load_idx %arg9[%add3A_266, %and3A_4] : memref<320x8xf32, #tpu.memory_space<vmem>>[vector<16xi32>, vector<16xi32>], vector<16xf32>,
      %gather3A_268 = tpu.vector_load_idx %arg8[%add3A_266] : memref<320xi32, #tpu.memory_space<vmem>>[vector<16xi32>], vector<16xi32>,
      tpu.vector_store_idx %arg10[%gather3A_268, %and3A_4], %gather3A_267 {add = true} : memref<10008x8xf32, #tpu.memory_space<vmem>>[vector<16xi32>, vector<16xi32>], vector<16xf32>,
      %add3A_269 = arith.constant 98 : i32
      %add3A_270 = vector.broadcast %add3A_269 : i32 to vector<16xi32>
      %add3A_271 = arith.addi %shift_right_arithmetic3A_6, %add3A_270 : vector<16xi32>
      %gather3A_272 = tpu.vector_load_idx %arg9[%add3A_271, %and3A_4] : memref<320x8xf32, #tpu.memory_space<vmem>>[vector<16xi32>, vector<16xi32>], vector<16xf32>,
      %gather3A_273 = tpu.vector_load_idx %arg8[%add3A_271] : memref<320xi32, #tpu.memory_space<vmem>>[vector<16xi32>], vector<16xi32>,
      tpu.vector_store_idx %arg10[%gather3A_273, %and3A_4], %gather3A_272 {add = true} : memref<10008x8xf32, #tpu.memory_space<vmem>>[vector<16xi32>, vector<16xi32>], vector<16xf32>,
      %add3A_274 = arith.constant 100 : i32
      %add3A_275 = vector.broadcast %add3A_274 : i32 to vector<16xi32>
      %add3A_276 = arith.addi %shift_right_arithmetic3A_6, %add3A_275 : vector<16xi32>
      %gather3A_277 = tpu.vector_load_idx %arg9[%add3A_276, %and3A_4] : memref<320x8xf32, #tpu.memory_space<vmem>>[vector<16xi32>, vector<16xi32>], vector<16xf32>,
      %gather3A_278 = tpu.vector_load_idx %arg8[%add3A_276] : memref<320xi32, #tpu.memory_space<vmem>>[vector<16xi32>], vector<16xi32>,
      tpu.vector_store_idx %arg10[%gather3A_278, %and3A_4], %gather3A_277 {add = true} : memref<10008x8xf32, #tpu.memory_space<vmem>>[vector<16xi32>, vector<16xi32>], vector<16xf32>,
      %add3A_279 = arith.constant 102 : i32
      %add3A_280 = vector.broadcast %add3A_279 : i32 to vector<16xi32>
      %add3A_281 = arith.addi %shift_right_arithmetic3A_6, %add3A_280 : vector<16xi32>
      %gather3A_282 = tpu.vector_load_idx %arg9[%add3A_281, %and3A_4] : memref<320x8xf32, #tpu.memory_space<vmem>>[vector<16xi32>, vector<16xi32>], vector<16xf32>,
      %gather3A_283 = tpu.vector_load_idx %arg8[%add3A_281] : memref<320xi32, #tpu.memory_space<vmem>>[vector<16xi32>], vector<16xi32>,
      tpu.vector_store_idx %arg10[%gather3A_283, %and3A_4], %gather3A_282 {add = true} : memref<10008x8xf32, #tpu.memory_space<vmem>>[vector<16xi32>, vector<16xi32>], vector<16xf32>,
      %add3A_284 = arith.constant 104 : i32
      %add3A_285 = vector.broadcast %add3A_284 : i32 to vector<16xi32>
      %add3A_286 = arith.addi %shift_right_arithmetic3A_6, %add3A_285 : vector<16xi32>
      %gather3A_287 = tpu.vector_load_idx %arg9[%add3A_286, %and3A_4] : memref<320x8xf32, #tpu.memory_space<vmem>>[vector<16xi32>, vector<16xi32>], vector<16xf32>,
      %gather3A_288 = tpu.vector_load_idx %arg8[%add3A_286] : memref<320xi32, #tpu.memory_space<vmem>>[vector<16xi32>], vector<16xi32>,
      tpu.vector_store_idx %arg10[%gather3A_288, %and3A_4], %gather3A_287 {add = true} : memref<10008x8xf32, #tpu.memory_space<vmem>>[vector<16xi32>, vector<16xi32>], vector<16xf32>,
      %add3A_289 = arith.constant 106 : i32
      %add3A_290 = vector.broadcast %add3A_289 : i32 to vector<16xi32>
      %add3A_291 = arith.addi %shift_right_arithmetic3A_6, %add3A_290 : vector<16xi32>
      %gather3A_292 = tpu.vector_load_idx %arg9[%add3A_291, %and3A_4] : memref<320x8xf32, #tpu.memory_space<vmem>>[vector<16xi32>, vector<16xi32>], vector<16xf32>,
      %gather3A_293 = tpu.vector_load_idx %arg8[%add3A_291] : memref<320xi32, #tpu.memory_space<vmem>>[vector<16xi32>], vector<16xi32>,
      tpu.vector_store_idx %arg10[%gather3A_293, %and3A_4], %gather3A_292 {add = true} : memref<10008x8xf32, #tpu.memory_space<vmem>>[vector<16xi32>, vector<16xi32>], vector<16xf32>,
      %add3A_294 = arith.constant 108 : i32
      %add3A_295 = vector.broadcast %add3A_294 : i32 to vector<16xi32>
      %add3A_296 = arith.addi %shift_right_arithmetic3A_6, %add3A_295 : vector<16xi32>
      %gather3A_297 = tpu.vector_load_idx %arg9[%add3A_296, %and3A_4] : memref<320x8xf32, #tpu.memory_space<vmem>>[vector<16xi32>, vector<16xi32>], vector<16xf32>,
      %gather3A_298 = tpu.vector_load_idx %arg8[%add3A_296] : memref<320xi32, #tpu.memory_space<vmem>>[vector<16xi32>], vector<16xi32>,
      tpu.vector_store_idx %arg10[%gather3A_298, %and3A_4], %gather3A_297 {add = true} : memref<10008x8xf32, #tpu.memory_space<vmem>>[vector<16xi32>, vector<16xi32>], vector<16xf32>,
      %add3A_299 = arith.constant 110 : i32
      %add3A_300 = vector.broadcast %add3A_299 : i32 to vector<16xi32>
      %add3A_301 = arith.addi %shift_right_arithmetic3A_6, %add3A_300 : vector<16xi32>
      %gather3A_302 = tpu.vector_load_idx %arg9[%add3A_301, %and3A_4] : memref<320x8xf32, #tpu.memory_space<vmem>>[vector<16xi32>, vector<16xi32>], vector<16xf32>,
      %gather3A_303 = tpu.vector_load_idx %arg8[%add3A_301] : memref<320xi32, #tpu.memory_space<vmem>>[vector<16xi32>], vector<16xi32>,
      tpu.vector_store_idx %arg10[%gather3A_303, %and3A_4], %gather3A_302 {add = true} : memref<10008x8xf32, #tpu.memory_space<vmem>>[vector<16xi32>, vector<16xi32>], vector<16xf32>,
      %add3A_304 = arith.constant 112 : i32
      %add3A_305 = vector.broadcast %add3A_304 : i32 to vector<16xi32>
      %add3A_306 = arith.addi %shift_right_arithmetic3A_6, %add3A_305 : vector<16xi32>
      %gather3A_307 = tpu.vector_load_idx %arg9[%add3A_306, %and3A_4] : memref<320x8xf32, #tpu.memory_space<vmem>>[vector<16xi32>, vector<16xi32>], vector<16xf32>,
      %gather3A_308 = tpu.vector_load_idx %arg8[%add3A_306] : memref<320xi32, #tpu.memory_space<vmem>>[vector<16xi32>], vector<16xi32>,
      tpu.vector_store_idx %arg10[%gather3A_308, %and3A_4], %gather3A_307 {add = true} : memref<10008x8xf32, #tpu.memory_space<vmem>>[vector<16xi32>, vector<16xi32>], vector<16xf32>,
      %add3A_309 = arith.constant 114 : i32
      %add3A_310 = vector.broadcast %add3A_309 : i32 to vector<16xi32>
      %add3A_311 = arith.addi %shift_right_arithmetic3A_6, %add3A_310 : vector<16xi32>
      %gather3A_312 = tpu.vector_load_idx %arg9[%add3A_311, %and3A_4] : memref<320x8xf32, #tpu.memory_space<vmem>>[vector<16xi32>, vector<16xi32>], vector<16xf32>,
      %gather3A_313 = tpu.vector_load_idx %arg8[%add3A_311] : memref<320xi32, #tpu.memory_space<vmem>>[vector<16xi32>], vector<16xi32>,
      tpu.vector_store_idx %arg10[%gather3A_313, %and3A_4], %gather3A_312 {add = true} : memref<10008x8xf32, #tpu.memory_space<vmem>>[vector<16xi32>, vector<16xi32>], vector<16xf32>,
      %add3A_314 = arith.constant 116 : i32
      %add3A_315 = vector.broadcast %add3A_314 : i32 to vector<16xi32>
      %add3A_316 = arith.addi %shift_right_arithmetic3A_6, %add3A_315 : vector<16xi32>
      %gather3A_317 = tpu.vector_load_idx %arg9[%add3A_316, %and3A_4] : memref<320x8xf32, #tpu.memory_space<vmem>>[vector<16xi32>, vector<16xi32>], vector<16xf32>,
      %gather3A_318 = tpu.vector_load_idx %arg8[%add3A_316] : memref<320xi32, #tpu.memory_space<vmem>>[vector<16xi32>], vector<16xi32>,
      tpu.vector_store_idx %arg10[%gather3A_318, %and3A_4], %gather3A_317 {add = true} : memref<10008x8xf32, #tpu.memory_space<vmem>>[vector<16xi32>, vector<16xi32>], vector<16xf32>,
      %add3A_319 = arith.constant 118 : i32
      %add3A_320 = vector.broadcast %add3A_319 : i32 to vector<16xi32>
      %add3A_321 = arith.addi %shift_right_arithmetic3A_6, %add3A_320 : vector<16xi32>
      %gather3A_322 = tpu.vector_load_idx %arg9[%add3A_321, %and3A_4] : memref<320x8xf32, #tpu.memory_space<vmem>>[vector<16xi32>, vector<16xi32>], vector<16xf32>,
      %gather3A_323 = tpu.vector_load_idx %arg8[%add3A_321] : memref<320xi32, #tpu.memory_space<vmem>>[vector<16xi32>], vector<16xi32>,
      tpu.vector_store_idx %arg10[%gather3A_323, %and3A_4], %gather3A_322 {add = true} : memref<10008x8xf32, #tpu.memory_space<vmem>>[vector<16xi32>, vector<16xi32>], vector<16xf32>,
      %add3A_324 = arith.constant 120 : i32
      %add3A_325 = vector.broadcast %add3A_324 : i32 to vector<16xi32>
      %add3A_326 = arith.addi %shift_right_arithmetic3A_6, %add3A_325 : vector<16xi32>
      %gather3A_327 = tpu.vector_load_idx %arg9[%add3A_326, %and3A_4] : memref<320x8xf32, #tpu.memory_space<vmem>>[vector<16xi32>, vector<16xi32>], vector<16xf32>,
      %gather3A_328 = tpu.vector_load_idx %arg8[%add3A_326] : memref<320xi32, #tpu.memory_space<vmem>>[vector<16xi32>], vector<16xi32>,
      tpu.vector_store_idx %arg10[%gather3A_328, %and3A_4], %gather3A_327 {add = true} : memref<10008x8xf32, #tpu.memory_space<vmem>>[vector<16xi32>, vector<16xi32>], vector<16xf32>,
      %add3A_329 = arith.constant 122 : i32
      %add3A_330 = vector.broadcast %add3A_329 : i32 to vector<16xi32>
      %add3A_331 = arith.addi %shift_right_arithmetic3A_6, %add3A_330 : vector<16xi32>
      %gather3A_332 = tpu.vector_load_idx %arg9[%add3A_331, %and3A_4] : memref<320x8xf32, #tpu.memory_space<vmem>>[vector<16xi32>, vector<16xi32>], vector<16xf32>,
      %gather3A_333 = tpu.vector_load_idx %arg8[%add3A_331] : memref<320xi32, #tpu.memory_space<vmem>>[vector<16xi32>], vector<16xi32>,
      tpu.vector_store_idx %arg10[%gather3A_333, %and3A_4], %gather3A_332 {add = true} : memref<10008x8xf32, #tpu.memory_space<vmem>>[vector<16xi32>, vector<16xi32>], vector<16xf32>,
      %add3A_334 = arith.constant 124 : i32
      %add3A_335 = vector.broadcast %add3A_334 : i32 to vector<16xi32>
      %add3A_336 = arith.addi %shift_right_arithmetic3A_6, %add3A_335 : vector<16xi32>
      %gather3A_337 = tpu.vector_load_idx %arg9[%add3A_336, %and3A_4] : memref<320x8xf32, #tpu.memory_space<vmem>>[vector<16xi32>, vector<16xi32>], vector<16xf32>,
      %gather3A_338 = tpu.vector_load_idx %arg8[%add3A_336] : memref<320xi32, #tpu.memory_space<vmem>>[vector<16xi32>], vector<16xi32>,
      tpu.vector_store_idx %arg10[%gather3A_338, %and3A_4], %gather3A_337 {add = true} : memref<10008x8xf32, #tpu.memory_space<vmem>>[vector<16xi32>, vector<16xi32>], vector<16xf32>,
      %add3A_339 = arith.constant 126 : i32
      %add3A_340 = vector.broadcast %add3A_339 : i32 to vector<16xi32>
      %add3A_341 = arith.addi %shift_right_arithmetic3A_6, %add3A_340 : vector<16xi32>
      %gather3A_342 = tpu.vector_load_idx %arg9[%add3A_341, %and3A_4] : memref<320x8xf32, #tpu.memory_space<vmem>>[vector<16xi32>, vector<16xi32>], vector<16xf32>,
      %gather3A_343 = tpu.vector_load_idx %arg8[%add3A_341] : memref<320xi32, #tpu.memory_space<vmem>>[vector<16xi32>], vector<16xi32>,
      tpu.vector_store_idx %arg10[%gather3A_343, %and3A_4], %gather3A_342 {add = true} : memref<10008x8xf32, #tpu.memory_space<vmem>>[vector<16xi32>, vector<16xi32>], vector<16xf32>,
      %add3A_344 = arith.constant 128 : i32
      %add3A_345 = vector.broadcast %add3A_344 : i32 to vector<16xi32>
      %add3A_346 = arith.addi %shift_right_arithmetic3A_6, %add3A_345 : vector<16xi32>
      %gather3A_347 = tpu.vector_load_idx %arg9[%add3A_346, %and3A_4] : memref<320x8xf32, #tpu.memory_space<vmem>>[vector<16xi32>, vector<16xi32>], vector<16xf32>,
      %gather3A_348 = tpu.vector_load_idx %arg8[%add3A_346] : memref<320xi32, #tpu.memory_space<vmem>>[vector<16xi32>], vector<16xi32>,
      tpu.vector_store_idx %arg10[%gather3A_348, %and3A_4], %gather3A_347 {add = true} : memref<10008x8xf32, #tpu.memory_space<vmem>>[vector<16xi32>, vector<16xi32>], vector<16xf32>,
      %add3A_349 = arith.constant 130 : i32
      %add3A_350 = vector.broadcast %add3A_349 : i32 to vector<16xi32>
      %add3A_351 = arith.addi %shift_right_arithmetic3A_6, %add3A_350 : vector<16xi32>
      %gather3A_352 = tpu.vector_load_idx %arg9[%add3A_351, %and3A_4] : memref<320x8xf32, #tpu.memory_space<vmem>>[vector<16xi32>, vector<16xi32>], vector<16xf32>,
      %gather3A_353 = tpu.vector_load_idx %arg8[%add3A_351] : memref<320xi32, #tpu.memory_space<vmem>>[vector<16xi32>], vector<16xi32>,
      tpu.vector_store_idx %arg10[%gather3A_353, %and3A_4], %gather3A_352 {add = true} : memref<10008x8xf32, #tpu.memory_space<vmem>>[vector<16xi32>, vector<16xi32>], vector<16xf32>,
      %add3A_354 = arith.constant 132 : i32
      %add3A_355 = vector.broadcast %add3A_354 : i32 to vector<16xi32>
      %add3A_356 = arith.addi %shift_right_arithmetic3A_6, %add3A_355 : vector<16xi32>
      %gather3A_357 = tpu.vector_load_idx %arg9[%add3A_356, %and3A_4] : memref<320x8xf32, #tpu.memory_space<vmem>>[vector<16xi32>, vector<16xi32>], vector<16xf32>,
      %gather3A_358 = tpu.vector_load_idx %arg8[%add3A_356] : memref<320xi32, #tpu.memory_space<vmem>>[vector<16xi32>], vector<16xi32>,
      tpu.vector_store_idx %arg10[%gather3A_358, %and3A_4], %gather3A_357 {add = true} : memref<10008x8xf32, #tpu.memory_space<vmem>>[vector<16xi32>, vector<16xi32>], vector<16xf32>,
      %add3A_359 = arith.constant 134 : i32
      %add3A_360 = vector.broadcast %add3A_359 : i32 to vector<16xi32>
      %add3A_361 = arith.addi %shift_right_arithmetic3A_6, %add3A_360 : vector<16xi32>
      %gather3A_362 = tpu.vector_load_idx %arg9[%add3A_361, %and3A_4] : memref<320x8xf32, #tpu.memory_space<vmem>>[vector<16xi32>, vector<16xi32>], vector<16xf32>,
      %gather3A_363 = tpu.vector_load_idx %arg8[%add3A_361] : memref<320xi32, #tpu.memory_space<vmem>>[vector<16xi32>], vector<16xi32>,
      tpu.vector_store_idx %arg10[%gather3A_363, %and3A_4], %gather3A_362 {add = true} : memref<10008x8xf32, #tpu.memory_space<vmem>>[vector<16xi32>, vector<16xi32>], vector<16xf32>,
      %add3A_364 = arith.constant 136 : i32
      %add3A_365 = vector.broadcast %add3A_364 : i32 to vector<16xi32>
      %add3A_366 = arith.addi %shift_right_arithmetic3A_6, %add3A_365 : vector<16xi32>
      %gather3A_367 = tpu.vector_load_idx %arg9[%add3A_366, %and3A_4] : memref<320x8xf32, #tpu.memory_space<vmem>>[vector<16xi32>, vector<16xi32>], vector<16xf32>,
      %gather3A_368 = tpu.vector_load_idx %arg8[%add3A_366] : memref<320xi32, #tpu.memory_space<vmem>>[vector<16xi32>], vector<16xi32>,
      tpu.vector_store_idx %arg10[%gather3A_368, %and3A_4], %gather3A_367 {add = true} : memref<10008x8xf32, #tpu.memory_space<vmem>>[vector<16xi32>, vector<16xi32>], vector<16xf32>,
      %add3A_369 = arith.constant 138 : i32
      %add3A_370 = vector.broadcast %add3A_369 : i32 to vector<16xi32>
      %add3A_371 = arith.addi %shift_right_arithmetic3A_6, %add3A_370 : vector<16xi32>
      %gather3A_372 = tpu.vector_load_idx %arg9[%add3A_371, %and3A_4] : memref<320x8xf32, #tpu.memory_space<vmem>>[vector<16xi32>, vector<16xi32>], vector<16xf32>,
      %gather3A_373 = tpu.vector_load_idx %arg8[%add3A_371] : memref<320xi32, #tpu.memory_space<vmem>>[vector<16xi32>], vector<16xi32>,
      tpu.vector_store_idx %arg10[%gather3A_373, %and3A_4], %gather3A_372 {add = true} : memref<10008x8xf32, #tpu.memory_space<vmem>>[vector<16xi32>, vector<16xi32>], vector<16xf32>,
      %add3A_374 = arith.constant 140 : i32
      %add3A_375 = vector.broadcast %add3A_374 : i32 to vector<16xi32>
      %add3A_376 = arith.addi %shift_right_arithmetic3A_6, %add3A_375 : vector<16xi32>
      %gather3A_377 = tpu.vector_load_idx %arg9[%add3A_376, %and3A_4] : memref<320x8xf32, #tpu.memory_space<vmem>>[vector<16xi32>, vector<16xi32>], vector<16xf32>,
      %gather3A_378 = tpu.vector_load_idx %arg8[%add3A_376] : memref<320xi32, #tpu.memory_space<vmem>>[vector<16xi32>], vector<16xi32>,
      tpu.vector_store_idx %arg10[%gather3A_378, %and3A_4], %gather3A_377 {add = true} : memref<10008x8xf32, #tpu.memory_space<vmem>>[vector<16xi32>, vector<16xi32>], vector<16xf32>,
      %add3A_379 = arith.constant 142 : i32
      %add3A_380 = vector.broadcast %add3A_379 : i32 to vector<16xi32>
      %add3A_381 = arith.addi %shift_right_arithmetic3A_6, %add3A_380 : vector<16xi32>
      %gather3A_382 = tpu.vector_load_idx %arg9[%add3A_381, %and3A_4] : memref<320x8xf32, #tpu.memory_space<vmem>>[vector<16xi32>, vector<16xi32>], vector<16xf32>,
      %gather3A_383 = tpu.vector_load_idx %arg8[%add3A_381] : memref<320xi32, #tpu.memory_space<vmem>>[vector<16xi32>], vector<16xi32>,
      tpu.vector_store_idx %arg10[%gather3A_383, %and3A_4], %gather3A_382 {add = true} : memref<10008x8xf32, #tpu.memory_space<vmem>>[vector<16xi32>, vector<16xi32>], vector<16xf32>,
      %add3A_384 = arith.constant 144 : i32
      %add3A_385 = vector.broadcast %add3A_384 : i32 to vector<16xi32>
      %add3A_386 = arith.addi %shift_right_arithmetic3A_6, %add3A_385 : vector<16xi32>
      %gather3A_387 = tpu.vector_load_idx %arg9[%add3A_386, %and3A_4] : memref<320x8xf32, #tpu.memory_space<vmem>>[vector<16xi32>, vector<16xi32>], vector<16xf32>,
      %gather3A_388 = tpu.vector_load_idx %arg8[%add3A_386] : memref<320xi32, #tpu.memory_space<vmem>>[vector<16xi32>], vector<16xi32>,
      tpu.vector_store_idx %arg10[%gather3A_388, %and3A_4], %gather3A_387 {add = true} : memref<10008x8xf32, #tpu.memory_space<vmem>>[vector<16xi32>, vector<16xi32>], vector<16xf32>,
      %add3A_389 = arith.constant 146 : i32
      %add3A_390 = vector.broadcast %add3A_389 : i32 to vector<16xi32>
      %add3A_391 = arith.addi %shift_right_arithmetic3A_6, %add3A_390 : vector<16xi32>
      %gather3A_392 = tpu.vector_load_idx %arg9[%add3A_391, %and3A_4] : memref<320x8xf32, #tpu.memory_space<vmem>>[vector<16xi32>, vector<16xi32>], vector<16xf32>,
      %gather3A_393 = tpu.vector_load_idx %arg8[%add3A_391] : memref<320xi32, #tpu.memory_space<vmem>>[vector<16xi32>], vector<16xi32>,
      tpu.vector_store_idx %arg10[%gather3A_393, %and3A_4], %gather3A_392 {add = true} : memref<10008x8xf32, #tpu.memory_space<vmem>>[vector<16xi32>, vector<16xi32>], vector<16xf32>,
      %add3A_394 = arith.constant 148 : i32
      %add3A_395 = vector.broadcast %add3A_394 : i32 to vector<16xi32>
      %add3A_396 = arith.addi %shift_right_arithmetic3A_6, %add3A_395 : vector<16xi32>
      %gather3A_397 = tpu.vector_load_idx %arg9[%add3A_396, %and3A_4] : memref<320x8xf32, #tpu.memory_space<vmem>>[vector<16xi32>, vector<16xi32>], vector<16xf32>,
      %gather3A_398 = tpu.vector_load_idx %arg8[%add3A_396] : memref<320xi32, #tpu.memory_space<vmem>>[vector<16xi32>], vector<16xi32>,
      tpu.vector_store_idx %arg10[%gather3A_398, %and3A_4], %gather3A_397 {add = true} : memref<10008x8xf32, #tpu.memory_space<vmem>>[vector<16xi32>, vector<16xi32>], vector<16xf32>,
      %add3A_399 = arith.constant 150 : i32
      %add3A_400 = vector.broadcast %add3A_399 : i32 to vector<16xi32>
      %add3A_401 = arith.addi %shift_right_arithmetic3A_6, %add3A_400 : vector<16xi32>
      %gather3A_402 = tpu.vector_load_idx %arg9[%add3A_401, %and3A_4] : memref<320x8xf32, #tpu.memory_space<vmem>>[vector<16xi32>, vector<16xi32>], vector<16xf32>,
      %gather3A_403 = tpu.vector_load_idx %arg8[%add3A_401] : memref<320xi32, #tpu.memory_space<vmem>>[vector<16xi32>], vector<16xi32>,
      tpu.vector_store_idx %arg10[%gather3A_403, %and3A_4], %gather3A_402 {add = true} : memref<10008x8xf32, #tpu.memory_space<vmem>>[vector<16xi32>, vector<16xi32>], vector<16xf32>,
      %add3A_404 = arith.constant 152 : i32
      %add3A_405 = vector.broadcast %add3A_404 : i32 to vector<16xi32>
      %add3A_406 = arith.addi %shift_right_arithmetic3A_6, %add3A_405 : vector<16xi32>
      %gather3A_407 = tpu.vector_load_idx %arg9[%add3A_406, %and3A_4] : memref<320x8xf32, #tpu.memory_space<vmem>>[vector<16xi32>, vector<16xi32>], vector<16xf32>,
      %gather3A_408 = tpu.vector_load_idx %arg8[%add3A_406] : memref<320xi32, #tpu.memory_space<vmem>>[vector<16xi32>], vector<16xi32>,
      tpu.vector_store_idx %arg10[%gather3A_408, %and3A_4], %gather3A_407 {add = true} : memref<10008x8xf32, #tpu.memory_space<vmem>>[vector<16xi32>, vector<16xi32>], vector<16xf32>,
      %add3A_409 = arith.constant 154 : i32
      %add3A_410 = vector.broadcast %add3A_409 : i32 to vector<16xi32>
      %add3A_411 = arith.addi %shift_right_arithmetic3A_6, %add3A_410 : vector<16xi32>
      %gather3A_412 = tpu.vector_load_idx %arg9[%add3A_411, %and3A_4] : memref<320x8xf32, #tpu.memory_space<vmem>>[vector<16xi32>, vector<16xi32>], vector<16xf32>,
      %gather3A_413 = tpu.vector_load_idx %arg8[%add3A_411] : memref<320xi32, #tpu.memory_space<vmem>>[vector<16xi32>], vector<16xi32>,
      tpu.vector_store_idx %arg10[%gather3A_413, %and3A_4], %gather3A_412 {add = true} : memref<10008x8xf32, #tpu.memory_space<vmem>>[vector<16xi32>, vector<16xi32>], vector<16xf32>,
      %add3A_414 = arith.constant 156 : i32
      %add3A_415 = vector.broadcast %add3A_414 : i32 to vector<16xi32>
      %add3A_416 = arith.addi %shift_right_arithmetic3A_6, %add3A_415 : vector<16xi32>
      %gather3A_417 = tpu.vector_load_idx %arg9[%add3A_416, %and3A_4] : memref<320x8xf32, #tpu.memory_space<vmem>>[vector<16xi32>, vector<16xi32>], vector<16xf32>,
      %gather3A_418 = tpu.vector_load_idx %arg8[%add3A_416] : memref<320xi32, #tpu.memory_space<vmem>>[vector<16xi32>], vector<16xi32>,
      tpu.vector_store_idx %arg10[%gather3A_418, %and3A_4], %gather3A_417 {add = true} : memref<10008x8xf32, #tpu.memory_space<vmem>>[vector<16xi32>, vector<16xi32>], vector<16xf32>,
      %add3A_419 = arith.constant 158 : i32
      %add3A_420 = vector.broadcast %add3A_419 : i32 to vector<16xi32>
      %add3A_421 = arith.addi %shift_right_arithmetic3A_6, %add3A_420 : vector<16xi32>
      %gather3A_422 = tpu.vector_load_idx %arg9[%add3A_421, %and3A_4] : memref<320x8xf32, #tpu.memory_space<vmem>>[vector<16xi32>, vector<16xi32>], vector<16xf32>,
      %gather3A_423 = tpu.vector_load_idx %arg8[%add3A_421] : memref<320xi32, #tpu.memory_space<vmem>>[vector<16xi32>], vector<16xi32>,
      tpu.vector_store_idx %arg10[%gather3A_423, %and3A_4], %gather3A_422 {add = true} : memref<10008x8xf32, #tpu.memory_space<vmem>>[vector<16xi32>, vector<16xi32>], vector<16xf32>,
      %add3A_424 = arith.constant 160 : i32
      %add3A_425 = vector.broadcast %add3A_424 : i32 to vector<16xi32>
      %add3A_426 = arith.addi %shift_right_arithmetic3A_6, %add3A_425 : vector<16xi32>
      %gather3A_427 = tpu.vector_load_idx %arg9[%add3A_426, %and3A_4] : memref<320x8xf32, #tpu.memory_space<vmem>>[vector<16xi32>, vector<16xi32>], vector<16xf32>,
      %gather3A_428 = tpu.vector_load_idx %arg8[%add3A_426] : memref<320xi32, #tpu.memory_space<vmem>>[vector<16xi32>], vector<16xi32>,
      tpu.vector_store_idx %arg10[%gather3A_428, %and3A_4], %gather3A_427 {add = true} : memref<10008x8xf32, #tpu.memory_space<vmem>>[vector<16xi32>, vector<16xi32>], vector<16xf32>,
      %add3A_429 = arith.constant 162 : i32
      %add3A_430 = vector.broadcast %add3A_429 : i32 to vector<16xi32>
      %add3A_431 = arith.addi %shift_right_arithmetic3A_6, %add3A_430 : vector<16xi32>
      %gather3A_432 = tpu.vector_load_idx %arg9[%add3A_431, %and3A_4] : memref<320x8xf32, #tpu.memory_space<vmem>>[vector<16xi32>, vector<16xi32>], vector<16xf32>,
      %gather3A_433 = tpu.vector_load_idx %arg8[%add3A_431] : memref<320xi32, #tpu.memory_space<vmem>>[vector<16xi32>], vector<16xi32>,
      tpu.vector_store_idx %arg10[%gather3A_433, %and3A_4], %gather3A_432 {add = true} : memref<10008x8xf32, #tpu.memory_space<vmem>>[vector<16xi32>, vector<16xi32>], vector<16xf32>,
      %add3A_434 = arith.constant 164 : i32
      %add3A_435 = vector.broadcast %add3A_434 : i32 to vector<16xi32>
      %add3A_436 = arith.addi %shift_right_arithmetic3A_6, %add3A_435 : vector<16xi32>
      %gather3A_437 = tpu.vector_load_idx %arg9[%add3A_436, %and3A_4] : memref<320x8xf32, #tpu.memory_space<vmem>>[vector<16xi32>, vector<16xi32>], vector<16xf32>,
      %gather3A_438 = tpu.vector_load_idx %arg8[%add3A_436] : memref<320xi32, #tpu.memory_space<vmem>>[vector<16xi32>], vector<16xi32>,
      tpu.vector_store_idx %arg10[%gather3A_438, %and3A_4], %gather3A_437 {add = true} : memref<10008x8xf32, #tpu.memory_space<vmem>>[vector<16xi32>, vector<16xi32>], vector<16xf32>,
      %add3A_439 = arith.constant 166 : i32
      %add3A_440 = vector.broadcast %add3A_439 : i32 to vector<16xi32>
      %add3A_441 = arith.addi %shift_right_arithmetic3A_6, %add3A_440 : vector<16xi32>
      %gather3A_442 = tpu.vector_load_idx %arg9[%add3A_441, %and3A_4] : memref<320x8xf32, #tpu.memory_space<vmem>>[vector<16xi32>, vector<16xi32>], vector<16xf32>,
      %gather3A_443 = tpu.vector_load_idx %arg8[%add3A_441] : memref<320xi32, #tpu.memory_space<vmem>>[vector<16xi32>], vector<16xi32>,
      tpu.vector_store_idx %arg10[%gather3A_443, %and3A_4], %gather3A_442 {add = true} : memref<10008x8xf32, #tpu.memory_space<vmem>>[vector<16xi32>, vector<16xi32>], vector<16xf32>,
      %add3A_444 = arith.constant 168 : i32
      %add3A_445 = vector.broadcast %add3A_444 : i32 to vector<16xi32>
      %add3A_446 = arith.addi %shift_right_arithmetic3A_6, %add3A_445 : vector<16xi32>
      %gather3A_447 = tpu.vector_load_idx %arg9[%add3A_446, %and3A_4] : memref<320x8xf32, #tpu.memory_space<vmem>>[vector<16xi32>, vector<16xi32>], vector<16xf32>,
      %gather3A_448 = tpu.vector_load_idx %arg8[%add3A_446] : memref<320xi32, #tpu.memory_space<vmem>>[vector<16xi32>], vector<16xi32>,
      tpu.vector_store_idx %arg10[%gather3A_448, %and3A_4], %gather3A_447 {add = true} : memref<10008x8xf32, #tpu.memory_space<vmem>>[vector<16xi32>, vector<16xi32>], vector<16xf32>,
      %add3A_449 = arith.constant 170 : i32
      %add3A_450 = vector.broadcast %add3A_449 : i32 to vector<16xi32>
      %add3A_451 = arith.addi %shift_right_arithmetic3A_6, %add3A_450 : vector<16xi32>
      %gather3A_452 = tpu.vector_load_idx %arg9[%add3A_451, %and3A_4] : memref<320x8xf32, #tpu.memory_space<vmem>>[vector<16xi32>, vector<16xi32>], vector<16xf32>,
      %gather3A_453 = tpu.vector_load_idx %arg8[%add3A_451] : memref<320xi32, #tpu.memory_space<vmem>>[vector<16xi32>], vector<16xi32>,
      tpu.vector_store_idx %arg10[%gather3A_453, %and3A_4], %gather3A_452 {add = true} : memref<10008x8xf32, #tpu.memory_space<vmem>>[vector<16xi32>, vector<16xi32>], vector<16xf32>,
      %add3A_454 = arith.constant 172 : i32
      %add3A_455 = vector.broadcast %add3A_454 : i32 to vector<16xi32>
      %add3A_456 = arith.addi %shift_right_arithmetic3A_6, %add3A_455 : vector<16xi32>
      %gather3A_457 = tpu.vector_load_idx %arg9[%add3A_456, %and3A_4] : memref<320x8xf32, #tpu.memory_space<vmem>>[vector<16xi32>, vector<16xi32>], vector<16xf32>,
      %gather3A_458 = tpu.vector_load_idx %arg8[%add3A_456] : memref<320xi32, #tpu.memory_space<vmem>>[vector<16xi32>], vector<16xi32>,
      tpu.vector_store_idx %arg10[%gather3A_458, %and3A_4], %gather3A_457 {add = true} : memref<10008x8xf32, #tpu.memory_space<vmem>>[vector<16xi32>, vector<16xi32>], vector<16xf32>,
      %add3A_459 = arith.constant 174 : i32
      %add3A_460 = vector.broadcast %add3A_459 : i32 to vector<16xi32>
      %add3A_461 = arith.addi %shift_right_arithmetic3A_6, %add3A_460 : vector<16xi32>
      %gather3A_462 = tpu.vector_load_idx %arg9[%add3A_461, %and3A_4] : memref<320x8xf32, #tpu.memory_space<vmem>>[vector<16xi32>, vector<16xi32>], vector<16xf32>,
      %gather3A_463 = tpu.vector_load_idx %arg8[%add3A_461] : memref<320xi32, #tpu.memory_space<vmem>>[vector<16xi32>], vector<16xi32>,
      tpu.vector_store_idx %arg10[%gather3A_463, %and3A_4], %gather3A_462 {add = true} : memref<10008x8xf32, #tpu.memory_space<vmem>>[vector<16xi32>, vector<16xi32>], vector<16xf32>,
      %add3A_464 = arith.constant 176 : i32
      %add3A_465 = vector.broadcast %add3A_464 : i32 to vector<16xi32>
      %add3A_466 = arith.addi %shift_right_arithmetic3A_6, %add3A_465 : vector<16xi32>
      %gather3A_467 = tpu.vector_load_idx %arg9[%add3A_466, %and3A_4] : memref<320x8xf32, #tpu.memory_space<vmem>>[vector<16xi32>, vector<16xi32>], vector<16xf32>,
      %gather3A_468 = tpu.vector_load_idx %arg8[%add3A_466] : memref<320xi32, #tpu.memory_space<vmem>>[vector<16xi32>], vector<16xi32>,
      tpu.vector_store_idx %arg10[%gather3A_468, %and3A_4], %gather3A_467 {add = true} : memref<10008x8xf32, #tpu.memory_space<vmem>>[vector<16xi32>, vector<16xi32>], vector<16xf32>,
      %add3A_469 = arith.constant 178 : i32
      %add3A_470 = vector.broadcast %add3A_469 : i32 to vector<16xi32>
      %add3A_471 = arith.addi %shift_right_arithmetic3A_6, %add3A_470 : vector<16xi32>
      %gather3A_472 = tpu.vector_load_idx %arg9[%add3A_471, %and3A_4] : memref<320x8xf32, #tpu.memory_space<vmem>>[vector<16xi32>, vector<16xi32>], vector<16xf32>,
      %gather3A_473 = tpu.vector_load_idx %arg8[%add3A_471] : memref<320xi32, #tpu.memory_space<vmem>>[vector<16xi32>], vector<16xi32>,
      tpu.vector_store_idx %arg10[%gather3A_473, %and3A_4], %gather3A_472 {add = true} : memref<10008x8xf32, #tpu.memory_space<vmem>>[vector<16xi32>, vector<16xi32>], vector<16xf32>,
      %add3A_474 = arith.constant 180 : i32
      %add3A_475 = vector.broadcast %add3A_474 : i32 to vector<16xi32>
      %add3A_476 = arith.addi %shift_right_arithmetic3A_6, %add3A_475 : vector<16xi32>
      %gather3A_477 = tpu.vector_load_idx %arg9[%add3A_476, %and3A_4] : memref<320x8xf32, #tpu.memory_space<vmem>>[vector<16xi32>, vector<16xi32>], vector<16xf32>,
      %gather3A_478 = tpu.vector_load_idx %arg8[%add3A_476] : memref<320xi32, #tpu.memory_space<vmem>>[vector<16xi32>], vector<16xi32>,
      tpu.vector_store_idx %arg10[%gather3A_478, %and3A_4], %gather3A_477 {add = true} : memref<10008x8xf32, #tpu.memory_space<vmem>>[vector<16xi32>, vector<16xi32>], vector<16xf32>,
      %add3A_479 = arith.constant 182 : i32
      %add3A_480 = vector.broadcast %add3A_479 : i32 to vector<16xi32>
      %add3A_481 = arith.addi %shift_right_arithmetic3A_6, %add3A_480 : vector<16xi32>
      %gather3A_482 = tpu.vector_load_idx %arg9[%add3A_481, %and3A_4] : memref<320x8xf32, #tpu.memory_space<vmem>>[vector<16xi32>, vector<16xi32>], vector<16xf32>,
      %gather3A_483 = tpu.vector_load_idx %arg8[%add3A_481] : memref<320xi32, #tpu.memory_space<vmem>>[vector<16xi32>], vector<16xi32>,
      tpu.vector_store_idx %arg10[%gather3A_483, %and3A_4], %gather3A_482 {add = true} : memref<10008x8xf32, #tpu.memory_space<vmem>>[vector<16xi32>, vector<16xi32>], vector<16xf32>,
      %add3A_484 = arith.constant 184 : i32
      %add3A_485 = vector.broadcast %add3A_484 : i32 to vector<16xi32>
      %add3A_486 = arith.addi %shift_right_arithmetic3A_6, %add3A_485 : vector<16xi32>
      %gather3A_487 = tpu.vector_load_idx %arg9[%add3A_486, %and3A_4] : memref<320x8xf32, #tpu.memory_space<vmem>>[vector<16xi32>, vector<16xi32>], vector<16xf32>,
      %gather3A_488 = tpu.vector_load_idx %arg8[%add3A_486] : memref<320xi32, #tpu.memory_space<vmem>>[vector<16xi32>], vector<16xi32>,
      tpu.vector_store_idx %arg10[%gather3A_488, %and3A_4], %gather3A_487 {add = true} : memref<10008x8xf32, #tpu.memory_space<vmem>>[vector<16xi32>, vector<16xi32>], vector<16xf32>,
      %add3A_489 = arith.constant 186 : i32
      %add3A_490 = vector.broadcast %add3A_489 : i32 to vector<16xi32>
      %add3A_491 = arith.addi %shift_right_arithmetic3A_6, %add3A_490 : vector<16xi32>
      %gather3A_492 = tpu.vector_load_idx %arg9[%add3A_491, %and3A_4] : memref<320x8xf32, #tpu.memory_space<vmem>>[vector<16xi32>, vector<16xi32>], vector<16xf32>,
      %gather3A_493 = tpu.vector_load_idx %arg8[%add3A_491] : memref<320xi32, #tpu.memory_space<vmem>>[vector<16xi32>], vector<16xi32>,
      tpu.vector_store_idx %arg10[%gather3A_493, %and3A_4], %gather3A_492 {add = true} : memref<10008x8xf32, #tpu.memory_space<vmem>>[vector<16xi32>, vector<16xi32>], vector<16xf32>,
      %add3A_494 = arith.constant 188 : i32
      %add3A_495 = vector.broadcast %add3A_494 : i32 to vector<16xi32>
      %add3A_496 = arith.addi %shift_right_arithmetic3A_6, %add3A_495 : vector<16xi32>
      %gather3A_497 = tpu.vector_load_idx %arg9[%add3A_496, %and3A_4] : memref<320x8xf32, #tpu.memory_space<vmem>>[vector<16xi32>, vector<16xi32>], vector<16xf32>,
      %gather3A_498 = tpu.vector_load_idx %arg8[%add3A_496] : memref<320xi32, #tpu.memory_space<vmem>>[vector<16xi32>], vector<16xi32>,
      tpu.vector_store_idx %arg10[%gather3A_498, %and3A_4], %gather3A_497 {add = true} : memref<10008x8xf32, #tpu.memory_space<vmem>>[vector<16xi32>, vector<16xi32>], vector<16xf32>,
      %add3A_499 = arith.constant 190 : i32
      %add3A_500 = vector.broadcast %add3A_499 : i32 to vector<16xi32>
      %add3A_501 = arith.addi %shift_right_arithmetic3A_6, %add3A_500 : vector<16xi32>
      %gather3A_502 = tpu.vector_load_idx %arg9[%add3A_501, %and3A_4] : memref<320x8xf32, #tpu.memory_space<vmem>>[vector<16xi32>, vector<16xi32>], vector<16xf32>,
      %gather3A_503 = tpu.vector_load_idx %arg8[%add3A_501] : memref<320xi32, #tpu.memory_space<vmem>>[vector<16xi32>], vector<16xi32>,
      tpu.vector_store_idx %arg10[%gather3A_503, %and3A_4], %gather3A_502 {add = true} : memref<10008x8xf32, #tpu.memory_space<vmem>>[vector<16xi32>, vector<16xi32>], vector<16xf32>,
      %add3A_504 = arith.constant 192 : i32
      %add3A_505 = vector.broadcast %add3A_504 : i32 to vector<16xi32>
      %add3A_506 = arith.addi %shift_right_arithmetic3A_6, %add3A_505 : vector<16xi32>
      %gather3A_507 = tpu.vector_load_idx %arg9[%add3A_506, %and3A_4] : memref<320x8xf32, #tpu.memory_space<vmem>>[vector<16xi32>, vector<16xi32>], vector<16xf32>,
      %gather3A_508 = tpu.vector_load_idx %arg8[%add3A_506] : memref<320xi32, #tpu.memory_space<vmem>>[vector<16xi32>], vector<16xi32>,
      tpu.vector_store_idx %arg10[%gather3A_508, %and3A_4], %gather3A_507 {add = true} : memref<10008x8xf32, #tpu.memory_space<vmem>>[vector<16xi32>, vector<16xi32>], vector<16xf32>,
      %add3A_509 = arith.constant 194 : i32
      %add3A_510 = vector.broadcast %add3A_509 : i32 to vector<16xi32>
      %add3A_511 = arith.addi %shift_right_arithmetic3A_6, %add3A_510 : vector<16xi32>
      %gather3A_512 = tpu.vector_load_idx %arg9[%add3A_511, %and3A_4] : memref<320x8xf32, #tpu.memory_space<vmem>>[vector<16xi32>, vector<16xi32>], vector<16xf32>,
      %gather3A_513 = tpu.vector_load_idx %arg8[%add3A_511] : memref<320xi32, #tpu.memory_space<vmem>>[vector<16xi32>], vector<16xi32>,
      tpu.vector_store_idx %arg10[%gather3A_513, %and3A_4], %gather3A_512 {add = true} : memref<10008x8xf32, #tpu.memory_space<vmem>>[vector<16xi32>, vector<16xi32>], vector<16xf32>,
      %add3A_514 = arith.constant 196 : i32
      %add3A_515 = vector.broadcast %add3A_514 : i32 to vector<16xi32>
      %add3A_516 = arith.addi %shift_right_arithmetic3A_6, %add3A_515 : vector<16xi32>
      %gather3A_517 = tpu.vector_load_idx %arg9[%add3A_516, %and3A_4] : memref<320x8xf32, #tpu.memory_space<vmem>>[vector<16xi32>, vector<16xi32>], vector<16xf32>,
      %gather3A_518 = tpu.vector_load_idx %arg8[%add3A_516] : memref<320xi32, #tpu.memory_space<vmem>>[vector<16xi32>], vector<16xi32>,
      tpu.vector_store_idx %arg10[%gather3A_518, %and3A_4], %gather3A_517 {add = true} : memref<10008x8xf32, #tpu.memory_space<vmem>>[vector<16xi32>, vector<16xi32>], vector<16xf32>,
      %add3A_519 = arith.constant 198 : i32
      %add3A_520 = vector.broadcast %add3A_519 : i32 to vector<16xi32>
      %add3A_521 = arith.addi %shift_right_arithmetic3A_6, %add3A_520 : vector<16xi32>
      %gather3A_522 = tpu.vector_load_idx %arg9[%add3A_521, %and3A_4] : memref<320x8xf32, #tpu.memory_space<vmem>>[vector<16xi32>, vector<16xi32>], vector<16xf32>,
      %gather3A_523 = tpu.vector_load_idx %arg8[%add3A_521] : memref<320xi32, #tpu.memory_space<vmem>>[vector<16xi32>], vector<16xi32>,
      tpu.vector_store_idx %arg10[%gather3A_523, %and3A_4], %gather3A_522 {add = true} : memref<10008x8xf32, #tpu.memory_space<vmem>>[vector<16xi32>, vector<16xi32>], vector<16xf32>,
    }
    %scan3A_19 = arith.constant 25 : i32
    "tpu.region"() ({
      %run_scoped3A = tpu.sem_alloc : memref<!tpu.dma_semaphore, #tpu.memory_space<semaphore_mem>>
      %dma_start3A = arith.constant 0 : i32
      %dma_start3A_20 = arith.constant 0 : i32
      %dma_start3A_21 = tpu.memref_slice %arg10[%dma_start3A, %dma_start3A_20] : memref<10008x8xf32, #tpu.memory_space<vmem>> -> memref<10000x8xf32, #tpu.memory_space<vmem>>
      %dma_start3A_22 = arith.constant 0 : i32
      %dma_start3A_23 = arith.constant 0 : i32
      %dma_start3A_24 = tpu.memref_slice %arg7[%add3A, %dma_start3A_22, %dma_start3A_23] : memref<32x10000x8xf32, #tpu.memory_space<hbm>> -> memref<1x10000x8xf32, #tpu.memory_space<hbm>>
      %dma_start3A_25 = tpu.memref_squeeze %dma_start3A_24 : memref<1x10000x8xf32, #tpu.memory_space<hbm>> -> memref<10000x8xf32, #tpu.memory_space<hbm>>
      %dma_start3A_26 = arith.constant 0 : i32
      %dma_start3A_27 = arith.constant 0 : i32
      %dma_start3A_28 = tpu.memref_slice %arg7[%add3A, %dma_start3A_26, %dma_start3A_27] : memref<32x10000x8xf32, #tpu.memory_space<hbm>> -> memref<1x10000x8xf32, #tpu.memory_space<hbm>>
      %dma_start3A_29 = tpu.memref_squeeze %dma_start3A_28 : memref<1x10000x8xf32, #tpu.memory_space<hbm>> -> memref<10000x8xf32, #tpu.memory_space<hbm>>
      %dma_start3A_30 = arith.constant 0 : i32
      %dma_start3A_31 = arith.constant 0 : i32
      %dma_start3A_32 = tpu.memref_slice %arg10[%dma_start3A_30, %dma_start3A_31] : memref<10008x8xf32, #tpu.memory_space<vmem>> -> memref<10000x8xf32, #tpu.memory_space<vmem>>
      tpu.enqueue_dma source(%dma_start3A_32 : memref<10000x8xf32, #tpu.memory_space<vmem>>) target(%dma_start3A_29 : memref<10000x8xf32, #tpu.memory_space<hbm>>) target_semaphore(%run_scoped3A : memref<!tpu.dma_semaphore, #tpu.memory_space<semaphore_mem>>)
      %dma_wait3A = arith.constant 0 : i32
      %dma_wait3A_33 = arith.constant 0 : i32
      %dma_wait3A_34 = tpu.memref_slice %arg10[%dma_wait3A, %dma_wait3A_33] : memref<10008x8xf32, #tpu.memory_space<vmem>> -> memref<10000x8xf32, #tpu.memory_space<vmem>>
      %dma_wait3A_35 = arith.constant 0 : i32
      %dma_wait3A_36 = arith.constant 0 : i32
      %dma_wait3A_37 = tpu.memref_slice %arg7[%add3A, %dma_wait3A_35, %dma_wait3A_36] : memref<32x10000x8xf32, #tpu.memory_space<hbm>> -> memref<1x10000x8xf32, #tpu.memory_space<hbm>>
      %dma_wait3A_38 = tpu.memref_squeeze %dma_wait3A_37 : memref<1x10000x8xf32, #tpu.memory_space<hbm>> -> memref<10000x8xf32, #tpu.memory_space<hbm>>
      %dma_wait3A_39 = arith.constant 0 : i32
      %dma_wait3A_40 = arith.constant 0 : i32
      %dma_wait3A_41 = tpu.memref_slice %arg7[%add3A, %dma_wait3A_39, %dma_wait3A_40] : memref<32x10000x8xf32, #tpu.memory_space<hbm>> -> memref<1x10000x8xf32, #tpu.memory_space<hbm>>
      %dma_wait3A_42 = tpu.memref_squeeze %dma_wait3A_41 : memref<1x10000x8xf32, #tpu.memory_space<hbm>> -> memref<10000x8xf32, #tpu.memory_space<hbm>>
      %dma_wait3A_43 = arith.constant 0 : i32
      %dma_wait3A_44 = arith.constant 0 : i32
      %dma_wait3A_45 = tpu.memref_slice %arg10[%dma_wait3A_43, %dma_wait3A_44] : memref<10008x8xf32, #tpu.memory_space<vmem>> -> memref<10000x8xf32, #tpu.memory_space<vmem>>
      tpu.wait_dma2 semaphore(%run_scoped3A : memref<!tpu.dma_semaphore, #tpu.memory_space<semaphore_mem>>) src(%dma_wait3A_45 : memref<10000x8xf32, #tpu.memory_space<vmem>>) dst(%dma_wait3A_42 : memref<10000x8xf32, #tpu.memory_space<hbm>>)
      tpu.yield
    }) : () -> ()
    return
  }
}

module attributes {stable_mosaic.version = 14 : i64} {
  func.func @_node_body(%arg0: i32, %arg1: memref<1000x256xf32, #tpu.memory_space<vmem>>, %arg2: memref<256x512xf32, #tpu.memory_space<vmem>>, %arg3: memref<1x512xf32, #tpu.memory_space<vmem>>, %arg4: memref<512x256xf32, #tpu.memory_space<vmem>>, %arg5: memref<1x256xf32, #tpu.memory_space<vmem>>, %arg6: memref<1000x512xf32, #tpu.memory_space<vmem>>) attributes {dimension_semantics = [#tpu.dimension_semantics<arbitrary>], iteration_bounds = array<i64: 10>, scalar_prefetch = 0 : i64, scratch_operands = 0 : i64, tpu.core_type = #tpu.core_type<tc>, window_params = [{transform_indices = @transform_0, window_bounds = array<i64: 1000, 256>}, {pipeline_mode = #tpu.pipeline_mode<synchronous>, transform_indices = @transform_1, window_bounds = array<i64: 256, 512>}, {pipeline_mode = #tpu.pipeline_mode<synchronous>, transform_indices = @transform_2, window_bounds = array<i64: 1, 512>}, {pipeline_mode = #tpu.pipeline_mode<synchronous>, transform_indices = @transform_3, window_bounds = array<i64: 512, 256>}, {pipeline_mode = #tpu.pipeline_mode<synchronous>, transform_indices = @transform_4, window_bounds = array<i64: 1, 256>}, {transform_indices = @transform_5, window_bounds = array<i64: 1000, 512>}]} {
    %get3A = arith.constant 0 : index
    %get3A_0 = arith.constant 0 : index
    %get3A_1 = vector.load %arg1[%get3A, %get3A_0] : memref<1000x256xf32, #tpu.memory_space<vmem>>, vector<1000x256xf32>
    %get3A_2 = arith.constant 0 : index
    %get3A_3 = arith.constant 0 : index
    %get3A_4 = vector.load %arg2[%get3A_2, %get3A_3] : memref<256x512xf32, #tpu.memory_space<vmem>>, vector<256x512xf32>
    %dot_general3A = arith.constant dense<0.000000e+00> : vector<1000x512xf32>
    %dot_general3A_5 = tpu.matmul %get3A_1, %get3A_4, %dot_general3A {dimension_numbers = #tpu.dot_dimension_numbers<[1], [0], [0], [1], [0, 0, 1, 1], [], []>, transpose_lhs_hint = false} : vector<1000x256xf32>, vector<256x512xf32>, vector<1000x512xf32> -> vector<1000x512xf32>
    %get3A_6 = arith.constant 0 : index
    %get3A_7 = arith.constant 0 : index
    %get3A_8 = vector.load %arg3[%get3A_6, %get3A_7] : memref<1x512xf32, #tpu.memory_space<vmem>>, vector<1x512xf32>
    %add3A = vector.broadcast %get3A_8 : vector<1x512xf32> to vector<1000x512xf32>
    %add3A_9 = arith.addf %dot_general3A_5, %add3A : vector<1000x512xf32>
    %max3A = arith.constant 0.000000e+00 : f32
    %max3A_10 = vector.broadcast %max3A : f32 to vector<1000x512xf32>
    %max3A_11 = arith.maximumf %add3A_9, %max3A_10 : vector<1000x512xf32>
    %get3A_12 = arith.constant 0 : index
    %get3A_13 = arith.constant 0 : index
    %get3A_14 = vector.load %arg4[%get3A_12, %get3A_13] : memref<512x256xf32, #tpu.memory_space<vmem>>, vector<512x256xf32>
    %dot_general3A_15 = arith.constant dense<0.000000e+00> : vector<1000x256xf32>
    %dot_general3A_16 = tpu.matmul %max3A_11, %get3A_14, %dot_general3A_15 {dimension_numbers = #tpu.dot_dimension_numbers<[1], [0], [0], [1], [0, 0, 1, 1], [], []>, transpose_lhs_hint = false} : vector<1000x512xf32>, vector<512x256xf32>, vector<1000x256xf32> -> vector<1000x256xf32>
    %get3A_17 = arith.constant 0 : index
    %get3A_18 = arith.constant 0 : index
    %get3A_19 = vector.load %arg5[%get3A_17, %get3A_18] : memref<1x256xf32, #tpu.memory_space<vmem>>, vector<1x256xf32>
    %add3A_20 = vector.broadcast %get3A_19 : vector<1x256xf32> to vector<1000x256xf32>
    %add3A_21 = arith.addf %dot_general3A_16, %add3A_20 : vector<1000x256xf32>
    %mul3A = arith.constant 0.176776692 : f32
    %mul3A_22 = vector.broadcast %mul3A : f32 to vector<1000x256xf32>
    %mul3A_23 = arith.mulf %add3A_21, %mul3A_22 : vector<1000x256xf32>
    %concatenate3A = tpu.concatenate %get3A_1, %mul3A_23 in 1 : vector<1000x256xf32>, vector<1000x256xf32> -> vector<1000x512xf32>
    %swap3A = arith.constant 0 : index
    %swap3A_24 = arith.constant 0 : index
    %swap3A_25 = vector.load %arg6[%swap3A, %swap3A_24] : memref<1000x512xf32, #tpu.memory_space<vmem>>, vector<1000x512xf32>
    tpu.vector_store %arg6[%swap3A, %swap3A_24], %concatenate3A {strides = array<i32>} : memref<1000x512xf32, #tpu.memory_space<vmem>>, vector<1000x512xf32>,
    return
  }
  func.func @transform_0(%arg0: i32) -> (i32, i32) {
    %c0_i32 = arith.constant 0 : i32
    %c0_i32_0 = arith.constant 0 : i32
    return %arg0, %c0_i32 : i32, i32
  }
  func.func @transform_1(%arg0: i32) -> (i32, i32) {
    %c0_i32 = arith.constant 0 : i32
    %c0_i32_0 = arith.constant 0 : i32
    %c0_i32_1 = arith.constant 0 : i32
    return %c0_i32, %c0_i32_0 : i32, i32
  }
  func.func @transform_2(%arg0: i32) -> (i32, i32) {
    %c0_i32 = arith.constant 0 : i32
    %c0_i32_0 = arith.constant 0 : i32
    %c0_i32_1 = arith.constant 0 : i32
    return %c0_i32, %c0_i32_0 : i32, i32
  }
  func.func @transform_3(%arg0: i32) -> (i32, i32) {
    %c0_i32 = arith.constant 0 : i32
    %c0_i32_0 = arith.constant 0 : i32
    %c0_i32_1 = arith.constant 0 : i32
    return %c0_i32, %c0_i32_0 : i32, i32
  }
  func.func @transform_4(%arg0: i32) -> (i32, i32) {
    %c0_i32 = arith.constant 0 : i32
    %c0_i32_0 = arith.constant 0 : i32
    %c0_i32_1 = arith.constant 0 : i32
    return %c0_i32, %c0_i32_0 : i32, i32
  }
  func.func @transform_5(%arg0: i32) -> (i32, i32) {
    %c0_i32 = arith.constant 0 : i32
    %c0_i32_0 = arith.constant 0 : i32
    return %arg0, %c0_i32 : i32, i32
  }
}

module attributes {stable_mosaic.version = 14 : i64} {
  func.func @_edge_body(%arg0: i32, %arg1: memref<1000x512xf32, #tpu.memory_space<vmem>>, %arg2: memref<1000x256xf32, #tpu.memory_space<vmem>>, %arg3: memref<1000x16xf32, #tpu.memory_space<vmem>>, %arg4: memref<1000x1xf32, #tpu.memory_space<vmem>>, %arg5: memref<256x512xbf16, #tpu.memory_space<vmem>>, %arg6: memref<256x512xbf16, #tpu.memory_space<vmem>>, %arg7: memref<16x512xbf16, #tpu.memory_space<vmem>>, %arg8: memref<1x512xf32, #tpu.memory_space<vmem>>, %arg9: memref<512x256xbf16, #tpu.memory_space<vmem>>, %arg10: memref<1x256xf32, #tpu.memory_space<vmem>>, %arg11: memref<256x512xbf16, #tpu.memory_space<vmem>>, %arg12: memref<256x512xbf16, #tpu.memory_space<vmem>>, %arg13: memref<16x512xbf16, #tpu.memory_space<vmem>>, %arg14: memref<1x512xf32, #tpu.memory_space<vmem>>, %arg15: memref<512x256xbf16, #tpu.memory_space<vmem>>, %arg16: memref<1x256xf32, #tpu.memory_space<vmem>>, %arg17: memref<256x128xbf16, #tpu.memory_space<vmem>>, %arg18: memref<128x256xbf16, #tpu.memory_space<vmem>>, %arg19: memref<1000x256xf32, #tpu.memory_space<vmem>>, %arg20: memref<1000x128xf32, #tpu.memory_space<vmem>>) attributes {dimension_semantics = [#tpu.dimension_semantics<arbitrary>], iteration_bounds = array<i64: 160>, scalar_prefetch = 0 : i64, scratch_operands = 0 : i64, tpu.core_type = #tpu.core_type<tc>, window_params = [{transform_indices = @transform_0, window_bounds = array<i64: 1000, 512>}, {transform_indices = @transform_1, window_bounds = array<i64: 1000, 256>}, {transform_indices = @transform_2, window_bounds = array<i64: 1000, 16>}, {transform_indices = @transform_3, window_bounds = array<i64: 1000, 1>}, {pipeline_mode = #tpu.pipeline_mode<synchronous>, transform_indices = @transform_4, window_bounds = array<i64: 256, 512>}, {pipeline_mode = #tpu.pipeline_mode<synchronous>, transform_indices = @transform_5, window_bounds = array<i64: 256, 512>}, {pipeline_mode = #tpu.pipeline_mode<synchronous>, transform_indices = @transform_6, window_bounds = array<i64: 16, 512>}, {pipeline_mode = #tpu.pipeline_mode<synchronous>, transform_indices = @transform_7, window_bounds = array<i64: 1, 512>}, {pipeline_mode = #tpu.pipeline_mode<synchronous>, transform_indices = @transform_8, window_bounds = array<i64: 512, 256>}, {pipeline_mode = #tpu.pipeline_mode<synchronous>, transform_indices = @transform_9, window_bounds = array<i64: 1, 256>}, {pipeline_mode = #tpu.pipeline_mode<synchronous>, transform_indices = @transform_10, window_bounds = array<i64: 256, 512>}, {pipeline_mode = #tpu.pipeline_mode<synchronous>, transform_indices = @transform_11, window_bounds = array<i64: 256, 512>}, {pipeline_mode = #tpu.pipeline_mode<synchronous>, transform_indices = @transform_12, window_bounds = array<i64: 16, 512>}, {pipeline_mode = #tpu.pipeline_mode<synchronous>, transform_indices = @transform_13, window_bounds = array<i64: 1, 512>}, {pipeline_mode = #tpu.pipeline_mode<synchronous>, transform_indices = @transform_14, window_bounds = array<i64: 512, 256>}, {pipeline_mode = #tpu.pipeline_mode<synchronous>, transform_indices = @transform_15, window_bounds = array<i64: 1, 256>}, {pipeline_mode = #tpu.pipeline_mode<synchronous>, transform_indices = @transform_16, window_bounds = array<i64: 256, 128>}, {pipeline_mode = #tpu.pipeline_mode<synchronous>, transform_indices = @transform_17, window_bounds = array<i64: 128, 256>}, {transform_indices = @transform_18, window_bounds = array<i64: 1000, 256>}, {transform_indices = @transform_19, window_bounds = array<i64: 1000, 128>}]} {
    %get3A = arith.constant 0 : index
    %get3A_0 = arith.constant 0 : index
    %get3A_1 = vector.load %arg1[%get3A, %get3A_0] : memref<1000x512xf32, #tpu.memory_space<vmem>>, vector<1000x256xf32>
    %convert_element_type3A = arith.truncf %get3A_1 : vector<1000x256xf32> to vector<1000x256xbf16>
    %get3A_2 = arith.constant 0 : index
    %get3A_3 = arith.constant 256 : index
    %get3A_4 = vector.load %arg1[%get3A_2, %get3A_3] : memref<1000x512xf32, #tpu.memory_space<vmem>>, vector<1000x256xf32>
    %get3A_5 = arith.constant 0 : index
    %get3A_6 = arith.constant 0 : index
    %get3A_7 = vector.load %arg2[%get3A_5, %get3A_6] : memref<1000x256xf32, #tpu.memory_space<vmem>>, vector<1000x256xf32>
    %convert_element_type3A_8 = arith.truncf %get3A_7 : vector<1000x256xf32> to vector<1000x256xbf16>
    %get3A_9 = arith.constant 0 : index
    %get3A_10 = arith.constant 0 : index
    %get3A_11 = vector.load %arg3[%get3A_9, %get3A_10] : memref<1000x16xf32, #tpu.memory_space<vmem>>, vector<1000x16xf32>
    %convert_element_type3A_12 = arith.truncf %get3A_11 : vector<1000x16xf32> to vector<1000x16xbf16>
    %get3A_13 = arith.constant 0 : index
    %get3A_14 = arith.constant 0 : index
    %get3A_15 = vector.load %arg5[%get3A_13, %get3A_14] : memref<256x512xbf16, #tpu.memory_space<vmem>>, vector<256x512xbf16>
    %get3A_16 = arith.constant 0 : index
    %get3A_17 = arith.constant 0 : index
    %get3A_18 = vector.load %arg6[%get3A_16, %get3A_17] : memref<256x512xbf16, #tpu.memory_space<vmem>>, vector<256x512xbf16>
    %get3A_19 = arith.constant 0 : index
    %get3A_20 = arith.constant 0 : index
    %get3A_21 = vector.load %arg7[%get3A_19, %get3A_20] : memref<16x512xbf16, #tpu.memory_space<vmem>>, vector<16x512xbf16>
    %get3A_22 = arith.constant 0 : index
    %get3A_23 = arith.constant 0 : index
    %get3A_24 = vector.load %arg8[%get3A_22, %get3A_23] : memref<1x512xf32, #tpu.memory_space<vmem>>, vector<1x512xf32>
    %get3A_25 = arith.constant 0 : index
    %get3A_26 = arith.constant 0 : index
    %get3A_27 = vector.load %arg9[%get3A_25, %get3A_26] : memref<512x256xbf16, #tpu.memory_space<vmem>>, vector<512x256xbf16>
    %get3A_28 = arith.constant 0 : index
    %get3A_29 = arith.constant 0 : index
    %get3A_30 = vector.load %arg10[%get3A_28, %get3A_29] : memref<1x256xf32, #tpu.memory_space<vmem>>, vector<1x256xf32>
    %dot_general3A = arith.constant dense<0.000000e+00> : vector<1000x512xf32>
    %dot_general3A_31 = tpu.matmul %convert_element_type3A, %get3A_15, %dot_general3A {dimension_numbers = #tpu.dot_dimension_numbers<[1], [0], [0], [1], [0, 0, 1, 1], [], []>, transpose_lhs_hint = false} : vector<1000x256xbf16>, vector<256x512xbf16>, vector<1000x512xf32> -> vector<1000x512xf32>
    %dot_general3A_32 = arith.constant dense<0.000000e+00> : vector<1000x512xf32>
    %dot_general3A_33 = tpu.matmul %convert_element_type3A_8, %get3A_18, %dot_general3A_32 {dimension_numbers = #tpu.dot_dimension_numbers<[1], [0], [0], [1], [0, 0, 1, 1], [], []>, transpose_lhs_hint = false} : vector<1000x256xbf16>, vector<256x512xbf16>, vector<1000x512xf32> -> vector<1000x512xf32>
    %add3A = arith.addf %dot_general3A_31, %dot_general3A_33 : vector<1000x512xf32>
    %dot_general3A_34 = arith.constant dense<0.000000e+00> : vector<1000x512xf32>
    %dot_general3A_35 = tpu.matmul %convert_element_type3A_12, %get3A_21, %dot_general3A_34 {dimension_numbers = #tpu.dot_dimension_numbers<[1], [0], [0], [1], [0, 0, 1, 1], [], []>, transpose_lhs_hint = false} : vector<1000x16xbf16>, vector<16x512xbf16>, vector<1000x512xf32> -> vector<1000x512xf32>
    %add3A_36 = arith.addf %add3A, %dot_general3A_35 : vector<1000x512xf32>
    %add3A_37 = vector.broadcast %get3A_24 : vector<1x512xf32> to vector<1000x512xf32>
    %add3A_38 = arith.addf %add3A_36, %add3A_37 : vector<1000x512xf32>
    %max3A = arith.constant 0.000000e+00 : f32
    %max3A_39 = vector.broadcast %max3A : f32 to vector<1000x512xf32>
    %max3A_40 = arith.maximumf %add3A_38, %max3A_39 : vector<1000x512xf32>
    %convert_element_type3A_41 = arith.truncf %max3A_40 : vector<1000x512xf32> to vector<1000x512xbf16>
    %dot_general3A_42 = arith.constant dense<0.000000e+00> : vector<1000x256xf32>
    %dot_general3A_43 = tpu.matmul %convert_element_type3A_41, %get3A_27, %dot_general3A_42 {dimension_numbers = #tpu.dot_dimension_numbers<[1], [0], [0], [1], [0, 0, 1, 1], [], []>, transpose_lhs_hint = false} : vector<1000x512xbf16>, vector<512x256xbf16>, vector<1000x256xf32> -> vector<1000x256xf32>
    %add3A_44 = vector.broadcast %get3A_30 : vector<1x256xf32> to vector<1000x256xf32>
    %add3A_45 = arith.addf %dot_general3A_43, %add3A_44 : vector<1000x256xf32>
    %get3A_46 = arith.constant 0 : index
    %get3A_47 = arith.constant 0 : index
    %get3A_48 = vector.load %arg11[%get3A_46, %get3A_47] : memref<256x512xbf16, #tpu.memory_space<vmem>>, vector<256x512xbf16>
    %get3A_49 = arith.constant 0 : index
    %get3A_50 = arith.constant 0 : index
    %get3A_51 = vector.load %arg12[%get3A_49, %get3A_50] : memref<256x512xbf16, #tpu.memory_space<vmem>>, vector<256x512xbf16>
    %get3A_52 = arith.constant 0 : index
    %get3A_53 = arith.constant 0 : index
    %get3A_54 = vector.load %arg13[%get3A_52, %get3A_53] : memref<16x512xbf16, #tpu.memory_space<vmem>>, vector<16x512xbf16>
    %get3A_55 = arith.constant 0 : index
    %get3A_56 = arith.constant 0 : index
    %get3A_57 = vector.load %arg14[%get3A_55, %get3A_56] : memref<1x512xf32, #tpu.memory_space<vmem>>, vector<1x512xf32>
    %get3A_58 = arith.constant 0 : index
    %get3A_59 = arith.constant 0 : index
    %get3A_60 = vector.load %arg15[%get3A_58, %get3A_59] : memref<512x256xbf16, #tpu.memory_space<vmem>>, vector<512x256xbf16>
    %get3A_61 = arith.constant 0 : index
    %get3A_62 = arith.constant 0 : index
    %get3A_63 = vector.load %arg16[%get3A_61, %get3A_62] : memref<1x256xf32, #tpu.memory_space<vmem>>, vector<1x256xf32>
    %dot_general3A_64 = arith.constant dense<0.000000e+00> : vector<1000x512xf32>
    %dot_general3A_65 = tpu.matmul %convert_element_type3A, %get3A_48, %dot_general3A_64 {dimension_numbers = #tpu.dot_dimension_numbers<[1], [0], [0], [1], [0, 0, 1, 1], [], []>, transpose_lhs_hint = false} : vector<1000x256xbf16>, vector<256x512xbf16>, vector<1000x512xf32> -> vector<1000x512xf32>
    %dot_general3A_66 = arith.constant dense<0.000000e+00> : vector<1000x512xf32>
    %dot_general3A_67 = tpu.matmul %convert_element_type3A_8, %get3A_51, %dot_general3A_66 {dimension_numbers = #tpu.dot_dimension_numbers<[1], [0], [0], [1], [0, 0, 1, 1], [], []>, transpose_lhs_hint = false} : vector<1000x256xbf16>, vector<256x512xbf16>, vector<1000x512xf32> -> vector<1000x512xf32>
    %add3A_68 = arith.addf %dot_general3A_65, %dot_general3A_67 : vector<1000x512xf32>
    %dot_general3A_69 = arith.constant dense<0.000000e+00> : vector<1000x512xf32>
    %dot_general3A_70 = tpu.matmul %convert_element_type3A_12, %get3A_54, %dot_general3A_69 {dimension_numbers = #tpu.dot_dimension_numbers<[1], [0], [0], [1], [0, 0, 1, 1], [], []>, transpose_lhs_hint = false} : vector<1000x16xbf16>, vector<16x512xbf16>, vector<1000x512xf32> -> vector<1000x512xf32>
    %add3A_71 = arith.addf %add3A_68, %dot_general3A_70 : vector<1000x512xf32>
    %add3A_72 = vector.broadcast %get3A_57 : vector<1x512xf32> to vector<1000x512xf32>
    %add3A_73 = arith.addf %add3A_71, %add3A_72 : vector<1000x512xf32>
    %max3A_74 = arith.constant 0.000000e+00 : f32
    %max3A_75 = vector.broadcast %max3A_74 : f32 to vector<1000x512xf32>
    %max3A_76 = arith.maximumf %add3A_73, %max3A_75 : vector<1000x512xf32>
    %convert_element_type3A_77 = arith.truncf %max3A_76 : vector<1000x512xf32> to vector<1000x512xbf16>
    %dot_general3A_78 = arith.constant dense<0.000000e+00> : vector<1000x256xf32>
    %dot_general3A_79 = tpu.matmul %convert_element_type3A_77, %get3A_60, %dot_general3A_78 {dimension_numbers = #tpu.dot_dimension_numbers<[1], [0], [0], [1], [0, 0, 1, 1], [], []>, transpose_lhs_hint = false} : vector<1000x512xbf16>, vector<512x256xbf16>, vector<1000x256xf32> -> vector<1000x256xf32>
    %add3A_80 = vector.broadcast %get3A_63 : vector<1x256xf32> to vector<1000x256xf32>
    %add3A_81 = arith.addf %dot_general3A_79, %add3A_80 : vector<1000x256xf32>
    %mul3A = arith.mulf %get3A_4, %add3A_45 : vector<1000x256xf32>
    %convert_element_type3A_82 = arith.truncf %mul3A : vector<1000x256xf32> to vector<1000x256xbf16>
    %get3A_83 = arith.constant 0 : index
    %get3A_84 = arith.constant 0 : index
    %get3A_85 = vector.load %arg17[%get3A_83, %get3A_84] : memref<256x128xbf16, #tpu.memory_space<vmem>>, vector<256x128xbf16>
    %dot_general3A_86 = arith.constant dense<0.000000e+00> : vector<1000x128xf32>
    %dot_general3A_87 = tpu.matmul %convert_element_type3A_82, %get3A_85, %dot_general3A_86 {dimension_numbers = #tpu.dot_dimension_numbers<[1], [0], [0], [1], [0, 0, 1, 1], [], []>, transpose_lhs_hint = false} : vector<1000x256xbf16>, vector<256x128xbf16>, vector<1000x128xf32> -> vector<1000x128xf32>
    %exp3A = math.exp %dot_general3A_87 : vector<1000x128xf32>
    %convert_element_type3A_88 = arith.truncf %exp3A : vector<1000x128xf32> to vector<1000x128xbf16>
    %get3A_89 = arith.constant 0 : index
    %get3A_90 = arith.constant 0 : index
    %get3A_91 = vector.load %arg18[%get3A_89, %get3A_90] : memref<128x256xbf16, #tpu.memory_space<vmem>>, vector<128x256xbf16>
    %dot_general3A_92 = arith.constant dense<0.000000e+00> : vector<1000x256xf32>
    %dot_general3A_93 = tpu.matmul %convert_element_type3A_88, %get3A_91, %dot_general3A_92 {dimension_numbers = #tpu.dot_dimension_numbers<[1], [0], [0], [1], [0, 0, 1, 1], [], []>, transpose_lhs_hint = false} : vector<1000x128xbf16>, vector<128x256xbf16>, vector<1000x256xf32> -> vector<1000x256xf32>
    %mul3A_94 = arith.mulf %add3A_81, %dot_general3A_93 : vector<1000x256xf32>
    %get3A_95 = arith.constant 0 : index
    %get3A_96 = arith.constant 0 : index
    %get3A_97 = vector.load %arg4[%get3A_95, %get3A_96] : memref<1000x1xf32, #tpu.memory_space<vmem>>, vector<1000x1xf32>
    %roll3A = arith.constant 999 : i32
    %roll3A_98 = tpu.dynamic_rotate %mul3A_94 by %roll3A dim 0 : vector<1000x256xf32>, i32 -> vector<1000x256xf32>
    %mul3A_99 = vector.broadcast %get3A_97 : vector<1000x1xf32> to vector<1000x256xf32>
    %mul3A_100 = arith.mulf %mul3A_99, %roll3A_98 : vector<1000x256xf32>
    %add3A_101 = arith.addf %mul3A_94, %mul3A_100 : vector<1000x256xf32>
    %swap3A = arith.constant 0 : index
    %swap3A_102 = arith.constant 0 : index
    %swap3A_103 = vector.load %arg19[%swap3A, %swap3A_102] : memref<1000x256xf32, #tpu.memory_space<vmem>>, vector<1000x256xf32>
    tpu.vector_store %arg19[%swap3A, %swap3A_102], %add3A_101 {strides = array<i32>} : memref<1000x256xf32, #tpu.memory_space<vmem>>, vector<1000x256xf32>,
    %roll3A_104 = arith.constant 999 : i32
    %roll3A_105 = tpu.dynamic_rotate %exp3A by %roll3A_104 dim 0 : vector<1000x128xf32>, i32 -> vector<1000x128xf32>
    %mul3A_106 = vector.broadcast %get3A_97 : vector<1000x1xf32> to vector<1000x128xf32>
    %mul3A_107 = arith.mulf %mul3A_106, %roll3A_105 : vector<1000x128xf32>
    %add3A_108 = arith.addf %exp3A, %mul3A_107 : vector<1000x128xf32>
    %swap3A_109 = arith.constant 0 : index
    %swap3A_110 = arith.constant 0 : index
    %swap3A_111 = vector.load %arg20[%swap3A_109, %swap3A_110] : memref<1000x128xf32, #tpu.memory_space<vmem>>, vector<1000x128xf32>
    tpu.vector_store %arg20[%swap3A_109, %swap3A_110], %add3A_108 {strides = array<i32>} : memref<1000x128xf32, #tpu.memory_space<vmem>>, vector<1000x128xf32>,
    return
  }
  func.func @transform_0(%arg0: i32) -> (i32, i32) {
    %c0_i32 = arith.constant 0 : i32
    %c0_i32_0 = arith.constant 0 : i32
    return %arg0, %c0_i32 : i32, i32
  }
  func.func @transform_1(%arg0: i32) -> (i32, i32) {
    %c0_i32 = arith.constant 0 : i32
    %c0_i32_0 = arith.constant 0 : i32
    return %arg0, %c0_i32 : i32, i32
  }
  func.func @transform_2(%arg0: i32) -> (i32, i32) {
    %c0_i32 = arith.constant 0 : i32
    %c0_i32_0 = arith.constant 0 : i32
    return %arg0, %c0_i32 : i32, i32
  }
  func.func @transform_3(%arg0: i32) -> (i32, i32) {
    %c0_i32 = arith.constant 0 : i32
    %c0_i32_0 = arith.constant 0 : i32
    return %arg0, %c0_i32 : i32, i32
  }
  func.func @transform_4(%arg0: i32) -> (i32, i32) {
    %c0_i32 = arith.constant 0 : i32
    %c0_i32_0 = arith.constant 0 : i32
    %c0_i32_1 = arith.constant 0 : i32
    return %c0_i32, %c0_i32_0 : i32, i32
  }
  func.func @transform_5(%arg0: i32) -> (i32, i32) {
    %c0_i32 = arith.constant 0 : i32
    %c0_i32_0 = arith.constant 0 : i32
    %c0_i32_1 = arith.constant 0 : i32
    return %c0_i32, %c0_i32_0 : i32, i32
  }
  func.func @transform_6(%arg0: i32) -> (i32, i32) {
    %c0_i32 = arith.constant 0 : i32
    %c0_i32_0 = arith.constant 0 : i32
    %c0_i32_1 = arith.constant 0 : i32
    return %c0_i32, %c0_i32_0 : i32, i32
  }
  func.func @transform_7(%arg0: i32) -> (i32, i32) {
    %c0_i32 = arith.constant 0 : i32
    %c0_i32_0 = arith.constant 0 : i32
    %c0_i32_1 = arith.constant 0 : i32
    return %c0_i32, %c0_i32_0 : i32, i32
  }
  func.func @transform_8(%arg0: i32) -> (i32, i32) {
    %c0_i32 = arith.constant 0 : i32
    %c0_i32_0 = arith.constant 0 : i32
    %c0_i32_1 = arith.constant 0 : i32
    return %c0_i32, %c0_i32_0 : i32, i32
  }
  func.func @transform_9(%arg0: i32) -> (i32, i32) {
    %c0_i32 = arith.constant 0 : i32
    %c0_i32_0 = arith.constant 0 : i32
    %c0_i32_1 = arith.constant 0 : i32
    return %c0_i32, %c0_i32_0 : i32, i32
  }
  func.func @transform_10(%arg0: i32) -> (i32, i32) {
    %c0_i32 = arith.constant 0 : i32
    %c0_i32_0 = arith.constant 0 : i32
    %c0_i32_1 = arith.constant 0 : i32
    return %c0_i32, %c0_i32_0 : i32, i32
  }
  func.func @transform_11(%arg0: i32) -> (i32, i32) {
    %c0_i32 = arith.constant 0 : i32
    %c0_i32_0 = arith.constant 0 : i32
    %c0_i32_1 = arith.constant 0 : i32
    return %c0_i32, %c0_i32_0 : i32, i32
  }
  func.func @transform_12(%arg0: i32) -> (i32, i32) {
    %c0_i32 = arith.constant 0 : i32
    %c0_i32_0 = arith.constant 0 : i32
    %c0_i32_1 = arith.constant 0 : i32
    return %c0_i32, %c0_i32_0 : i32, i32
  }
  func.func @transform_13(%arg0: i32) -> (i32, i32) {
    %c0_i32 = arith.constant 0 : i32
    %c0_i32_0 = arith.constant 0 : i32
    %c0_i32_1 = arith.constant 0 : i32
    return %c0_i32, %c0_i32_0 : i32, i32
  }
  func.func @transform_14(%arg0: i32) -> (i32, i32) {
    %c0_i32 = arith.constant 0 : i32
    %c0_i32_0 = arith.constant 0 : i32
    %c0_i32_1 = arith.constant 0 : i32
    return %c0_i32, %c0_i32_0 : i32, i32
  }
  func.func @transform_15(%arg0: i32) -> (i32, i32) {
    %c0_i32 = arith.constant 0 : i32
    %c0_i32_0 = arith.constant 0 : i32
    %c0_i32_1 = arith.constant 0 : i32
    return %c0_i32, %c0_i32_0 : i32, i32
  }
  func.func @transform_16(%arg0: i32) -> (i32, i32) {
    %c0_i32 = arith.constant 0 : i32
    %c0_i32_0 = arith.constant 0 : i32
    %c0_i32_1 = arith.constant 0 : i32
    return %c0_i32, %c0_i32_0 : i32, i32
  }
  func.func @transform_17(%arg0: i32) -> (i32, i32) {
    %c0_i32 = arith.constant 0 : i32
    %c0_i32_0 = arith.constant 0 : i32
    %c0_i32_1 = arith.constant 0 : i32
    return %c0_i32, %c0_i32_0 : i32, i32
  }
  func.func @transform_18(%arg0: i32) -> (i32, i32) {
    %c0_i32 = arith.constant 0 : i32
    %c0_i32_0 = arith.constant 0 : i32
    return %arg0, %c0_i32 : i32, i32
  }
  func.func @transform_19(%arg0: i32) -> (i32, i32) {
    %c0_i32 = arith.constant 0 : i32
    %c0_i32_0 = arith.constant 0 : i32
    return %arg0, %c0_i32 : i32, i32
  }
}

module attributes {stable_mosaic.version = 14 : i64} {
  func.func @_f1_body(%arg0: i32, %arg1: memref<32x400x8xf32, #tpu.memory_space<vmem>>, %arg2: memref<32x400x8xf32, #tpu.memory_space<vmem>>, %arg3: memref<400x256xf32, #tpu.memory_space<vmem>>, %arg4: memref<256x256xf32, #tpu.memory_space<vmem>>, %arg5: memref<1x256xf32, #tpu.memory_space<vmem>>, %arg6: memref<8x256xf32, #tpu.memory_space<vmem>>, %arg7: memref<400x256xf32, #tpu.memory_space<vmem>>, %arg8: memref<8x256xf32, #tpu.memory_space<vmem>>) attributes {dimension_semantics = [#tpu.dimension_semantics<arbitrary>], iteration_bounds = array<i64: 25>, scalar_prefetch = 0 : i64, scratch_operands = 0 : i64, tpu.core_type = #tpu.core_type<tc>, window_params = [{transform_indices = @transform_0, window_bounds = array<i64: 32, 400, 8>}, {transform_indices = @transform_1, window_bounds = array<i64: 32, 400, 8>}, {transform_indices = @transform_2, window_bounds = array<i64: 400, 256>}, {pipeline_mode = #tpu.pipeline_mode<synchronous>, transform_indices = @transform_3, window_bounds = array<i64: 256, 256>}, {pipeline_mode = #tpu.pipeline_mode<synchronous>, transform_indices = @transform_4, window_bounds = array<i64: 1, 256>}, {pipeline_mode = #tpu.pipeline_mode<synchronous>, transform_indices = @transform_5, window_bounds = array<i64: 8, 256>}, {transform_indices = @transform_6, window_bounds = array<i64: 400, 256>}, {pipeline_mode = #tpu.pipeline_mode<synchronous>, transform_indices = @transform_7, window_bounds = array<i64: 8, 256>}]} {
    %get3A = arith.constant 0 : index
    %get3A_0 = arith.constant 0 : index
    %get3A_1 = arith.constant 0 : index
    %get3A_2 = vector.load %arg1[%get3A, %get3A_0, %get3A_1] : memref<32x400x8xf32, #tpu.memory_space<vmem>>, vector<32x400x8xf32>
    %slice3A = vector.extract_strided_slice %get3A_2 {offsets = [0, 0, 0], sizes = [1, 400, 8], strides = [1, 1, 1]} : vector<32x400x8xf32> to vector<1x400x8xf32>
    %squeeze3A = vector.shape_cast %slice3A : vector<1x400x8xf32> to vector<400x8xf32>
    %slice3A_3 = vector.extract_strided_slice %get3A_2 {offsets = [1, 0, 0], sizes = [1, 400, 8], strides = [1, 1, 1]} : vector<32x400x8xf32> to vector<1x400x8xf32>
    %squeeze3A_4 = vector.shape_cast %slice3A_3 : vector<1x400x8xf32> to vector<400x8xf32>
    %slice3A_5 = vector.extract_strided_slice %get3A_2 {offsets = [2, 0, 0], sizes = [1, 400, 8], strides = [1, 1, 1]} : vector<32x400x8xf32> to vector<1x400x8xf32>
    %squeeze3A_6 = vector.shape_cast %slice3A_5 : vector<1x400x8xf32> to vector<400x8xf32>
    %slice3A_7 = vector.extract_strided_slice %get3A_2 {offsets = [3, 0, 0], sizes = [1, 400, 8], strides = [1, 1, 1]} : vector<32x400x8xf32> to vector<1x400x8xf32>
    %squeeze3A_8 = vector.shape_cast %slice3A_7 : vector<1x400x8xf32> to vector<400x8xf32>
    %slice3A_9 = vector.extract_strided_slice %get3A_2 {offsets = [4, 0, 0], sizes = [1, 400, 8], strides = [1, 1, 1]} : vector<32x400x8xf32> to vector<1x400x8xf32>
    %squeeze3A_10 = vector.shape_cast %slice3A_9 : vector<1x400x8xf32> to vector<400x8xf32>
    %slice3A_11 = vector.extract_strided_slice %get3A_2 {offsets = [5, 0, 0], sizes = [1, 400, 8], strides = [1, 1, 1]} : vector<32x400x8xf32> to vector<1x400x8xf32>
    %squeeze3A_12 = vector.shape_cast %slice3A_11 : vector<1x400x8xf32> to vector<400x8xf32>
    %slice3A_13 = vector.extract_strided_slice %get3A_2 {offsets = [6, 0, 0], sizes = [1, 400, 8], strides = [1, 1, 1]} : vector<32x400x8xf32> to vector<1x400x8xf32>
    %squeeze3A_14 = vector.shape_cast %slice3A_13 : vector<1x400x8xf32> to vector<400x8xf32>
    %slice3A_15 = vector.extract_strided_slice %get3A_2 {offsets = [7, 0, 0], sizes = [1, 400, 8], strides = [1, 1, 1]} : vector<32x400x8xf32> to vector<1x400x8xf32>
    %squeeze3A_16 = vector.shape_cast %slice3A_15 : vector<1x400x8xf32> to vector<400x8xf32>
    %slice3A_17 = vector.extract_strided_slice %get3A_2 {offsets = [8, 0, 0], sizes = [1, 400, 8], strides = [1, 1, 1]} : vector<32x400x8xf32> to vector<1x400x8xf32>
    %squeeze3A_18 = vector.shape_cast %slice3A_17 : vector<1x400x8xf32> to vector<400x8xf32>
    %slice3A_19 = vector.extract_strided_slice %get3A_2 {offsets = [9, 0, 0], sizes = [1, 400, 8], strides = [1, 1, 1]} : vector<32x400x8xf32> to vector<1x400x8xf32>
    %squeeze3A_20 = vector.shape_cast %slice3A_19 : vector<1x400x8xf32> to vector<400x8xf32>
    %slice3A_21 = vector.extract_strided_slice %get3A_2 {offsets = [10, 0, 0], sizes = [1, 400, 8], strides = [1, 1, 1]} : vector<32x400x8xf32> to vector<1x400x8xf32>
    %squeeze3A_22 = vector.shape_cast %slice3A_21 : vector<1x400x8xf32> to vector<400x8xf32>
    %slice3A_23 = vector.extract_strided_slice %get3A_2 {offsets = [11, 0, 0], sizes = [1, 400, 8], strides = [1, 1, 1]} : vector<32x400x8xf32> to vector<1x400x8xf32>
    %squeeze3A_24 = vector.shape_cast %slice3A_23 : vector<1x400x8xf32> to vector<400x8xf32>
    %slice3A_25 = vector.extract_strided_slice %get3A_2 {offsets = [12, 0, 0], sizes = [1, 400, 8], strides = [1, 1, 1]} : vector<32x400x8xf32> to vector<1x400x8xf32>
    %squeeze3A_26 = vector.shape_cast %slice3A_25 : vector<1x400x8xf32> to vector<400x8xf32>
    %slice3A_27 = vector.extract_strided_slice %get3A_2 {offsets = [13, 0, 0], sizes = [1, 400, 8], strides = [1, 1, 1]} : vector<32x400x8xf32> to vector<1x400x8xf32>
    %squeeze3A_28 = vector.shape_cast %slice3A_27 : vector<1x400x8xf32> to vector<400x8xf32>
    %slice3A_29 = vector.extract_strided_slice %get3A_2 {offsets = [14, 0, 0], sizes = [1, 400, 8], strides = [1, 1, 1]} : vector<32x400x8xf32> to vector<1x400x8xf32>
    %squeeze3A_30 = vector.shape_cast %slice3A_29 : vector<1x400x8xf32> to vector<400x8xf32>
    %slice3A_31 = vector.extract_strided_slice %get3A_2 {offsets = [15, 0, 0], sizes = [1, 400, 8], strides = [1, 1, 1]} : vector<32x400x8xf32> to vector<1x400x8xf32>
    %squeeze3A_32 = vector.shape_cast %slice3A_31 : vector<1x400x8xf32> to vector<400x8xf32>
    %slice3A_33 = vector.extract_strided_slice %get3A_2 {offsets = [16, 0, 0], sizes = [1, 400, 8], strides = [1, 1, 1]} : vector<32x400x8xf32> to vector<1x400x8xf32>
    %squeeze3A_34 = vector.shape_cast %slice3A_33 : vector<1x400x8xf32> to vector<400x8xf32>
    %slice3A_35 = vector.extract_strided_slice %get3A_2 {offsets = [17, 0, 0], sizes = [1, 400, 8], strides = [1, 1, 1]} : vector<32x400x8xf32> to vector<1x400x8xf32>
    %squeeze3A_36 = vector.shape_cast %slice3A_35 : vector<1x400x8xf32> to vector<400x8xf32>
    %slice3A_37 = vector.extract_strided_slice %get3A_2 {offsets = [18, 0, 0], sizes = [1, 400, 8], strides = [1, 1, 1]} : vector<32x400x8xf32> to vector<1x400x8xf32>
    %squeeze3A_38 = vector.shape_cast %slice3A_37 : vector<1x400x8xf32> to vector<400x8xf32>
    %slice3A_39 = vector.extract_strided_slice %get3A_2 {offsets = [19, 0, 0], sizes = [1, 400, 8], strides = [1, 1, 1]} : vector<32x400x8xf32> to vector<1x400x8xf32>
    %squeeze3A_40 = vector.shape_cast %slice3A_39 : vector<1x400x8xf32> to vector<400x8xf32>
    %slice3A_41 = vector.extract_strided_slice %get3A_2 {offsets = [20, 0, 0], sizes = [1, 400, 8], strides = [1, 1, 1]} : vector<32x400x8xf32> to vector<1x400x8xf32>
    %squeeze3A_42 = vector.shape_cast %slice3A_41 : vector<1x400x8xf32> to vector<400x8xf32>
    %slice3A_43 = vector.extract_strided_slice %get3A_2 {offsets = [21, 0, 0], sizes = [1, 400, 8], strides = [1, 1, 1]} : vector<32x400x8xf32> to vector<1x400x8xf32>
    %squeeze3A_44 = vector.shape_cast %slice3A_43 : vector<1x400x8xf32> to vector<400x8xf32>
    %slice3A_45 = vector.extract_strided_slice %get3A_2 {offsets = [22, 0, 0], sizes = [1, 400, 8], strides = [1, 1, 1]} : vector<32x400x8xf32> to vector<1x400x8xf32>
    %squeeze3A_46 = vector.shape_cast %slice3A_45 : vector<1x400x8xf32> to vector<400x8xf32>
    %slice3A_47 = vector.extract_strided_slice %get3A_2 {offsets = [23, 0, 0], sizes = [1, 400, 8], strides = [1, 1, 1]} : vector<32x400x8xf32> to vector<1x400x8xf32>
    %squeeze3A_48 = vector.shape_cast %slice3A_47 : vector<1x400x8xf32> to vector<400x8xf32>
    %slice3A_49 = vector.extract_strided_slice %get3A_2 {offsets = [24, 0, 0], sizes = [1, 400, 8], strides = [1, 1, 1]} : vector<32x400x8xf32> to vector<1x400x8xf32>
    %squeeze3A_50 = vector.shape_cast %slice3A_49 : vector<1x400x8xf32> to vector<400x8xf32>
    %slice3A_51 = vector.extract_strided_slice %get3A_2 {offsets = [25, 0, 0], sizes = [1, 400, 8], strides = [1, 1, 1]} : vector<32x400x8xf32> to vector<1x400x8xf32>
    %squeeze3A_52 = vector.shape_cast %slice3A_51 : vector<1x400x8xf32> to vector<400x8xf32>
    %slice3A_53 = vector.extract_strided_slice %get3A_2 {offsets = [26, 0, 0], sizes = [1, 400, 8], strides = [1, 1, 1]} : vector<32x400x8xf32> to vector<1x400x8xf32>
    %squeeze3A_54 = vector.shape_cast %slice3A_53 : vector<1x400x8xf32> to vector<400x8xf32>
    %slice3A_55 = vector.extract_strided_slice %get3A_2 {offsets = [27, 0, 0], sizes = [1, 400, 8], strides = [1, 1, 1]} : vector<32x400x8xf32> to vector<1x400x8xf32>
    %squeeze3A_56 = vector.shape_cast %slice3A_55 : vector<1x400x8xf32> to vector<400x8xf32>
    %slice3A_57 = vector.extract_strided_slice %get3A_2 {offsets = [28, 0, 0], sizes = [1, 400, 8], strides = [1, 1, 1]} : vector<32x400x8xf32> to vector<1x400x8xf32>
    %squeeze3A_58 = vector.shape_cast %slice3A_57 : vector<1x400x8xf32> to vector<400x8xf32>
    %slice3A_59 = vector.extract_strided_slice %get3A_2 {offsets = [29, 0, 0], sizes = [1, 400, 8], strides = [1, 1, 1]} : vector<32x400x8xf32> to vector<1x400x8xf32>
    %squeeze3A_60 = vector.shape_cast %slice3A_59 : vector<1x400x8xf32> to vector<400x8xf32>
    %slice3A_61 = vector.extract_strided_slice %get3A_2 {offsets = [30, 0, 0], sizes = [1, 400, 8], strides = [1, 1, 1]} : vector<32x400x8xf32> to vector<1x400x8xf32>
    %squeeze3A_62 = vector.shape_cast %slice3A_61 : vector<1x400x8xf32> to vector<400x8xf32>
    %slice3A_63 = vector.extract_strided_slice %get3A_2 {offsets = [31, 0, 0], sizes = [1, 400, 8], strides = [1, 1, 1]} : vector<32x400x8xf32> to vector<1x400x8xf32>
    %squeeze3A_64 = vector.shape_cast %slice3A_63 : vector<1x400x8xf32> to vector<400x8xf32>
    %concatenate3A = tpu.concatenate %squeeze3A, %squeeze3A_4, %squeeze3A_6, %squeeze3A_8, %squeeze3A_10, %squeeze3A_12, %squeeze3A_14, %squeeze3A_16, %squeeze3A_18, %squeeze3A_20, %squeeze3A_22, %squeeze3A_24, %squeeze3A_26, %squeeze3A_28, %squeeze3A_30, %squeeze3A_32, %squeeze3A_34, %squeeze3A_36, %squeeze3A_38, %squeeze3A_40, %squeeze3A_42, %squeeze3A_44, %squeeze3A_46, %squeeze3A_48, %squeeze3A_50, %squeeze3A_52, %squeeze3A_54, %squeeze3A_56, %squeeze3A_58, %squeeze3A_60, %squeeze3A_62, %squeeze3A_64 in 1 : vector<400x8xf32>, vector<400x8xf32>, vector<400x8xf32>, vector<400x8xf32>, vector<400x8xf32>, vector<400x8xf32>, vector<400x8xf32>, vector<400x8xf32>, vector<400x8xf32>, vector<400x8xf32>, vector<400x8xf32>, vector<400x8xf32>, vector<400x8xf32>, vector<400x8xf32>, vector<400x8xf32>, vector<400x8xf32>, vector<400x8xf32>, vector<400x8xf32>, vector<400x8xf32>, vector<400x8xf32>, vector<400x8xf32>, vector<400x8xf32>, vector<400x8xf32>, vector<400x8xf32>, vector<400x8xf32>, vector<400x8xf32>, vector<400x8xf32>, vector<400x8xf32>, vector<400x8xf32>, vector<400x8xf32>, vector<400x8xf32>, vector<400x8xf32> -> vector<400x256xf32>
    %get3A_65 = arith.constant 0 : index
    %get3A_66 = arith.constant 0 : index
    %get3A_67 = arith.constant 0 : index
    %get3A_68 = vector.load %arg2[%get3A_65, %get3A_66, %get3A_67] : memref<32x400x8xf32, #tpu.memory_space<vmem>>, vector<32x400x8xf32>
    %reduce_sum3A = arith.constant dense<0.000000e+00> : vector<400x8xf32>
    %reduce_sum3A_69 = vector.multi_reduction <add>, %get3A_68, %reduce_sum3A [0] : vector<32x400x8xf32> to vector<400x8xf32>
    %get3A_70 = arith.constant 0 : index
    %get3A_71 = arith.constant 0 : index
    %get3A_72 = vector.load %arg6[%get3A_70, %get3A_71] : memref<8x256xf32, #tpu.memory_space<vmem>>, vector<8x256xf32>
    %dot_general3A = arith.constant dense<0.000000e+00> : vector<400x256xf32>
    %dot_general3A_73 = tpu.matmul %reduce_sum3A_69, %get3A_72, %dot_general3A {dimension_numbers = #tpu.dot_dimension_numbers<[1], [0], [0], [1], [0, 0, 1, 1], [], []>, transpose_lhs_hint = false} : vector<400x8xf32>, vector<8x256xf32>, vector<400x256xf32> -> vector<400x256xf32>
    %gt3A = arith.constant 0.000000e+00 : f32
    %gt3A_74 = vector.broadcast %gt3A : f32 to vector<400x256xf32>
    %gt3A_75 = arith.cmpf ogt, %dot_general3A_73, %gt3A_74 : vector<400x256xf32>
    %div3A = arith.divf %concatenate3A, %dot_general3A_73 : vector<400x256xf32>
    %jit3A = arith.constant 0.000000e+00 : f32
    %broadcast_in_dim3A = vector.broadcast %jit3A : f32 to vector<400x256xf32>
    %select_n3A = arith.select %gt3A_75, %div3A, %broadcast_in_dim3A : vector<400x256xi1>, vector<400x256xf32>
    %get3A_76 = arith.constant 0 : index
    %get3A_77 = arith.constant 0 : index
    %get3A_78 = vector.load %arg4[%get3A_76, %get3A_77] : memref<256x256xf32, #tpu.memory_space<vmem>>, vector<256x256xf32>
    %dot_general3A_79 = arith.constant dense<0.000000e+00> : vector<400x256xf32>
    %dot_general3A_80 = tpu.matmul %select_n3A, %get3A_78, %dot_general3A_79 {dimension_numbers = #tpu.dot_dimension_numbers<[1], [0], [0], [1], [0, 0, 1, 1], [], []>, transpose_lhs_hint = false} : vector<400x256xf32>, vector<256x256xf32>, vector<400x256xf32> -> vector<400x256xf32>
    %get3A_81 = arith.constant 0 : index
    %get3A_82 = arith.constant 0 : index
    %get3A_83 = vector.load %arg5[%get3A_81, %get3A_82] : memref<1x256xf32, #tpu.memory_space<vmem>>, vector<1x256xf32>
    %add3A = vector.broadcast %get3A_83 : vector<1x256xf32> to vector<400x256xf32>
    %add3A_84 = arith.addf %dot_general3A_80, %add3A : vector<400x256xf32>
    %get3A_85 = arith.constant 0 : index
    %get3A_86 = arith.constant 0 : index
    %get3A_87 = vector.load %arg3[%get3A_85, %get3A_86] : memref<400x256xf32, #tpu.memory_space<vmem>>, vector<400x256xf32>
    %add3A_88 = arith.addf %add3A_84, %get3A_87 : vector<400x256xf32>
    %swap3A = arith.constant 0 : index
    %swap3A_89 = arith.constant 0 : index
    %swap3A_90 = vector.load %arg7[%swap3A, %swap3A_89] : memref<400x256xf32, #tpu.memory_space<vmem>>, vector<400x256xf32>
    tpu.vector_store %arg7[%swap3A, %swap3A_89], %add3A_88 {strides = array<i32>} : memref<400x256xf32, #tpu.memory_space<vmem>>, vector<400x256xf32>,
    %eq3A = arith.constant 0 : i32
    %eq3A_91 = arith.cmpi eq, %arg0, %eq3A : i32
    %convert_element_type3A = arith.extui %eq3A_91 : i1 to i32
    %cond3A = arith.constant 0 : i32
    %cond3A_92 = arith.cmpi ne, %convert_element_type3A, %cond3A : i32
    scf.if %cond3A_92 {
      %broadcast_in_dim3A_109 = arith.constant 0.000000e+00 : f32
      %broadcast_in_dim3A_110 = vector.broadcast %broadcast_in_dim3A_109 : f32 to vector<8x256xf32>
      %swap3A_111 = arith.constant 0 : index
      %swap3A_112 = arith.constant 0 : index
      %swap3A_113 = vector.load %arg8[%swap3A_111, %swap3A_112] : memref<8x256xf32, #tpu.memory_space<vmem>>, vector<8x256xf32>
      tpu.vector_store %arg8[%swap3A_111, %swap3A_112], %broadcast_in_dim3A_110 {strides = array<i32>} : memref<8x256xf32, #tpu.memory_space<vmem>>, vector<8x256xf32>,
    } else {
    }
    %reduce_sum3A_93 = arith.constant dense<0.000000e+00> : vector<256xf32>
    %reduce_sum3A_94 = vector.multi_reduction <add>, %add3A_88, %reduce_sum3A_93 [0] : vector<400x256xf32> to vector<256xf32>
    %broadcast_in_dim3A_95 = vector.shape_cast %reduce_sum3A_94 : vector<256xf32> to vector<1x256xf32>
    %mul3A = arith.mulf %add3A_88, %add3A_88 : vector<400x256xf32>
    %reduce_sum3A_96 = arith.constant dense<0.000000e+00> : vector<256xf32>
    %reduce_sum3A_97 = vector.multi_reduction <add>, %mul3A, %reduce_sum3A_96 [0] : vector<400x256xf32> to vector<256xf32>
    %broadcast_in_dim3A_98 = vector.shape_cast %reduce_sum3A_97 : vector<256xf32> to vector<1x256xf32>
    %broadcast_in_dim3A_99 = arith.constant 0.000000e+00 : f32
    %broadcast_in_dim3A_100 = vector.broadcast %broadcast_in_dim3A_99 : f32 to vector<6x256xf32>
    %concatenate3A_101 = tpu.concatenate %broadcast_in_dim3A_95, %broadcast_in_dim3A_98, %broadcast_in_dim3A_100 in 0 : vector<1x256xf32>, vector<1x256xf32>, vector<6x256xf32> -> vector<8x256xf32>
    %get3A_102 = arith.constant 0 : index
    %get3A_103 = arith.constant 0 : index
    %get3A_104 = vector.load %arg8[%get3A_102, %get3A_103] : memref<8x256xf32, #tpu.memory_space<vmem>>, vector<8x256xf32>
    %add3A_105 = arith.addf %get3A_104, %concatenate3A_101 : vector<8x256xf32>
    %swap3A_106 = arith.constant 0 : index
    %swap3A_107 = arith.constant 0 : index
    %swap3A_108 = vector.load %arg8[%swap3A_106, %swap3A_107] : memref<8x256xf32, #tpu.memory_space<vmem>>, vector<8x256xf32>
    tpu.vector_store %arg8[%swap3A_106, %swap3A_107], %add3A_105 {strides = array<i32>} : memref<8x256xf32, #tpu.memory_space<vmem>>, vector<8x256xf32>,
    return
  }
  func.func @transform_0(%arg0: i32) -> (i32, i32, i32) {
    %c0_i32 = arith.constant 0 : i32
    %c0_i32_0 = arith.constant 0 : i32
    %c0_i32_1 = arith.constant 0 : i32
    return %c0_i32, %arg0, %c0_i32_0 : i32, i32, i32
  }
  func.func @transform_1(%arg0: i32) -> (i32, i32, i32) {
    %c0_i32 = arith.constant 0 : i32
    %c0_i32_0 = arith.constant 0 : i32
    %c0_i32_1 = arith.constant 0 : i32
    return %c0_i32, %arg0, %c0_i32_0 : i32, i32, i32
  }
  func.func @transform_2(%arg0: i32) -> (i32, i32) {
    %c0_i32 = arith.constant 0 : i32
    %c0_i32_0 = arith.constant 0 : i32
    return %arg0, %c0_i32 : i32, i32
  }
  func.func @transform_3(%arg0: i32) -> (i32, i32) {
    %c0_i32 = arith.constant 0 : i32
    %c0_i32_0 = arith.constant 0 : i32
    %c0_i32_1 = arith.constant 0 : i32
    return %c0_i32, %c0_i32_0 : i32, i32
  }
  func.func @transform_4(%arg0: i32) -> (i32, i32) {
    %c0_i32 = arith.constant 0 : i32
    %c0_i32_0 = arith.constant 0 : i32
    %c0_i32_1 = arith.constant 0 : i32
    return %c0_i32, %c0_i32_0 : i32, i32
  }
  func.func @transform_5(%arg0: i32) -> (i32, i32) {
    %c0_i32 = arith.constant 0 : i32
    %c0_i32_0 = arith.constant 0 : i32
    %c0_i32_1 = arith.constant 0 : i32
    return %c0_i32, %c0_i32_0 : i32, i32
  }
  func.func @transform_6(%arg0: i32) -> (i32, i32) {
    %c0_i32 = arith.constant 0 : i32
    %c0_i32_0 = arith.constant 0 : i32
    return %arg0, %c0_i32 : i32, i32
  }
  func.func @transform_7(%arg0: i32) -> (i32, i32) {
    %c0_i32 = arith.constant 0 : i32
    %c0_i32_0 = arith.constant 0 : i32
    %c0_i32_1 = arith.constant 0 : i32
    return %c0_i32, %c0_i32_0 : i32, i32
  }
}

module attributes {stable_mosaic.version = 14 : i64} {
  func.func @_f2_body(%arg0: i32, %arg1: memref<400x256xf32, #tpu.memory_space<vmem>>, %arg2: memref<8x256xf32, #tpu.memory_space<vmem>>, %arg3: memref<1x256xf32, #tpu.memory_space<vmem>>, %arg4: memref<1x256xf32, #tpu.memory_space<vmem>>, %arg5: memref<256x512xf32, #tpu.memory_space<vmem>>, %arg6: memref<1x512xf32, #tpu.memory_space<vmem>>, %arg7: memref<512x256xf32, #tpu.memory_space<vmem>>, %arg8: memref<1x256xf32, #tpu.memory_space<vmem>>, %arg9: memref<400x256xf32, #tpu.memory_space<vmem>>, %arg10: memref<8x256xf32, #tpu.memory_space<vmem>>) attributes {dimension_semantics = [#tpu.dimension_semantics<arbitrary>], iteration_bounds = array<i64: 25>, scalar_prefetch = 0 : i64, scratch_operands = 0 : i64, tpu.core_type = #tpu.core_type<tc>, window_params = [{transform_indices = @transform_0, window_bounds = array<i64: 400, 256>}, {pipeline_mode = #tpu.pipeline_mode<synchronous>, transform_indices = @transform_1, window_bounds = array<i64: 8, 256>}, {pipeline_mode = #tpu.pipeline_mode<synchronous>, transform_indices = @transform_2, window_bounds = array<i64: 1, 256>}, {pipeline_mode = #tpu.pipeline_mode<synchronous>, transform_indices = @transform_3, window_bounds = array<i64: 1, 256>}, {pipeline_mode = #tpu.pipeline_mode<synchronous>, transform_indices = @transform_4, window_bounds = array<i64: 256, 512>}, {pipeline_mode = #tpu.pipeline_mode<synchronous>, transform_indices = @transform_5, window_bounds = array<i64: 1, 512>}, {pipeline_mode = #tpu.pipeline_mode<synchronous>, transform_indices = @transform_6, window_bounds = array<i64: 512, 256>}, {pipeline_mode = #tpu.pipeline_mode<synchronous>, transform_indices = @transform_7, window_bounds = array<i64: 1, 256>}, {transform_indices = @transform_8, window_bounds = array<i64: 400, 256>}, {pipeline_mode = #tpu.pipeline_mode<synchronous>, transform_indices = @transform_9, window_bounds = array<i64: 8, 256>}]} {
    %get3A = arith.constant 0 : index
    %get3A_0 = arith.constant 0 : index
    %get3A_1 = vector.load %arg2[%get3A, %get3A_0] : memref<8x256xf32, #tpu.memory_space<vmem>>, vector<1x256xf32>
    %mul3A = arith.constant 9.99999974E-5 : f32
    %mul3A_2 = vector.broadcast %mul3A : f32 to vector<1x256xf32>
    %mul3A_3 = arith.mulf %get3A_1, %mul3A_2 : vector<1x256xf32>
    %get3A_4 = arith.constant 1 : index
    %get3A_5 = arith.constant 0 : index
    %get3A_6 = vector.load %arg2[%get3A_4, %get3A_5] : memref<8x256xf32, #tpu.memory_space<vmem>>, vector<1x256xf32>
    %mul3A_7 = arith.constant 9.99999974E-5 : f32
    %mul3A_8 = vector.broadcast %mul3A_7 : f32 to vector<1x256xf32>
    %mul3A_9 = arith.mulf %get3A_6, %mul3A_8 : vector<1x256xf32>
    %mul3A_10 = arith.mulf %mul3A_3, %mul3A_3 : vector<1x256xf32>
    %sub3A = arith.subf %mul3A_9, %mul3A_10 : vector<1x256xf32>
    %get3A_11 = arith.constant 0 : index
    %get3A_12 = arith.constant 0 : index
    %get3A_13 = vector.load %arg1[%get3A_11, %get3A_12] : memref<400x256xf32, #tpu.memory_space<vmem>>, vector<400x256xf32>
    %sub3A_14 = vector.broadcast %mul3A_3 : vector<1x256xf32> to vector<400x256xf32>
    %sub3A_15 = arith.subf %get3A_13, %sub3A_14 : vector<400x256xf32>
    %add3A = arith.constant 9.99999974E-6 : f32
    %add3A_16 = vector.broadcast %add3A : f32 to vector<1x256xf32>
    %add3A_17 = arith.addf %sub3A, %add3A_16 : vector<1x256xf32>
    %rsqrt3A = math.rsqrt %add3A_17 : vector<1x256xf32>
    %mul3A_18 = vector.broadcast %rsqrt3A : vector<1x256xf32> to vector<400x256xf32>
    %mul3A_19 = arith.mulf %sub3A_15, %mul3A_18 : vector<400x256xf32>
    %get3A_20 = arith.constant 0 : index
    %get3A_21 = arith.constant 0 : index
    %get3A_22 = vector.load %arg3[%get3A_20, %get3A_21] : memref<1x256xf32, #tpu.memory_space<vmem>>, vector<1x256xf32>
    %mul3A_23 = vector.broadcast %get3A_22 : vector<1x256xf32> to vector<400x256xf32>
    %mul3A_24 = arith.mulf %mul3A_19, %mul3A_23 : vector<400x256xf32>
    %get3A_25 = arith.constant 0 : index
    %get3A_26 = arith.constant 0 : index
    %get3A_27 = vector.load %arg4[%get3A_25, %get3A_26] : memref<1x256xf32, #tpu.memory_space<vmem>>, vector<1x256xf32>
    %add3A_28 = vector.broadcast %get3A_27 : vector<1x256xf32> to vector<400x256xf32>
    %add3A_29 = arith.addf %mul3A_24, %add3A_28 : vector<400x256xf32>
    %get3A_30 = arith.constant 0 : index
    %get3A_31 = arith.constant 0 : index
    %get3A_32 = vector.load %arg5[%get3A_30, %get3A_31] : memref<256x512xf32, #tpu.memory_space<vmem>>, vector<256x512xf32>
    %dot_general3A = arith.constant dense<0.000000e+00> : vector<400x512xf32>
    %dot_general3A_33 = tpu.matmul %add3A_29, %get3A_32, %dot_general3A {dimension_numbers = #tpu.dot_dimension_numbers<[1], [0], [0], [1], [0, 0, 1, 1], [], []>, transpose_lhs_hint = false} : vector<400x256xf32>, vector<256x512xf32>, vector<400x512xf32> -> vector<400x512xf32>
    %get3A_34 = arith.constant 0 : index
    %get3A_35 = arith.constant 0 : index
    %get3A_36 = vector.load %arg6[%get3A_34, %get3A_35] : memref<1x512xf32, #tpu.memory_space<vmem>>, vector<1x512xf32>
    %add3A_37 = vector.broadcast %get3A_36 : vector<1x512xf32> to vector<400x512xf32>
    %add3A_38 = arith.addf %dot_general3A_33, %add3A_37 : vector<400x512xf32>
    %max3A = arith.constant 0.000000e+00 : f32
    %max3A_39 = vector.broadcast %max3A : f32 to vector<400x512xf32>
    %max3A_40 = arith.maximumf %add3A_38, %max3A_39 : vector<400x512xf32>
    %get3A_41 = arith.constant 0 : index
    %get3A_42 = arith.constant 0 : index
    %get3A_43 = vector.load %arg7[%get3A_41, %get3A_42] : memref<512x256xf32, #tpu.memory_space<vmem>>, vector<512x256xf32>
    %dot_general3A_44 = arith.constant dense<0.000000e+00> : vector<400x256xf32>
    %dot_general3A_45 = tpu.matmul %max3A_40, %get3A_43, %dot_general3A_44 {dimension_numbers = #tpu.dot_dimension_numbers<[1], [0], [0], [1], [0, 0, 1, 1], [], []>, transpose_lhs_hint = false} : vector<400x512xf32>, vector<512x256xf32>, vector<400x256xf32> -> vector<400x256xf32>
    %get3A_46 = arith.constant 0 : index
    %get3A_47 = arith.constant 0 : index
    %get3A_48 = vector.load %arg8[%get3A_46, %get3A_47] : memref<1x256xf32, #tpu.memory_space<vmem>>, vector<1x256xf32>
    %add3A_49 = vector.broadcast %get3A_48 : vector<1x256xf32> to vector<400x256xf32>
    %add3A_50 = arith.addf %dot_general3A_45, %add3A_49 : vector<400x256xf32>
    %add3A_51 = arith.addf %add3A_29, %add3A_50 : vector<400x256xf32>
    %swap3A = arith.constant 0 : index
    %swap3A_52 = arith.constant 0 : index
    %swap3A_53 = vector.load %arg9[%swap3A, %swap3A_52] : memref<400x256xf32, #tpu.memory_space<vmem>>, vector<400x256xf32>
    tpu.vector_store %arg9[%swap3A, %swap3A_52], %add3A_51 {strides = array<i32>} : memref<400x256xf32, #tpu.memory_space<vmem>>, vector<400x256xf32>,
    %eq3A = arith.constant 0 : i32
    %eq3A_54 = arith.cmpi eq, %arg0, %eq3A : i32
    %convert_element_type3A = arith.extui %eq3A_54 : i1 to i32
    %cond3A = arith.constant 0 : i32
    %cond3A_55 = arith.cmpi ne, %convert_element_type3A, %cond3A : i32
    scf.if %cond3A_55 {
      %broadcast_in_dim3A_70 = arith.constant 0.000000e+00 : f32
      %broadcast_in_dim3A_71 = vector.broadcast %broadcast_in_dim3A_70 : f32 to vector<8x256xf32>
      %swap3A_72 = arith.constant 0 : index
      %swap3A_73 = arith.constant 0 : index
      %swap3A_74 = vector.load %arg10[%swap3A_72, %swap3A_73] : memref<8x256xf32, #tpu.memory_space<vmem>>, vector<8x256xf32>
      tpu.vector_store %arg10[%swap3A_72, %swap3A_73], %broadcast_in_dim3A_71 {strides = array<i32>} : memref<8x256xf32, #tpu.memory_space<vmem>>, vector<8x256xf32>,
    } else {
    }
    %reduce_sum3A = arith.constant dense<0.000000e+00> : vector<256xf32>
    %reduce_sum3A_56 = vector.multi_reduction <add>, %add3A_51, %reduce_sum3A [0] : vector<400x256xf32> to vector<256xf32>
    %broadcast_in_dim3A = vector.shape_cast %reduce_sum3A_56 : vector<256xf32> to vector<1x256xf32>
    %mul3A_57 = arith.mulf %add3A_51, %add3A_51 : vector<400x256xf32>
    %reduce_sum3A_58 = arith.constant dense<0.000000e+00> : vector<256xf32>
    %reduce_sum3A_59 = vector.multi_reduction <add>, %mul3A_57, %reduce_sum3A_58 [0] : vector<400x256xf32> to vector<256xf32>
    %broadcast_in_dim3A_60 = vector.shape_cast %reduce_sum3A_59 : vector<256xf32> to vector<1x256xf32>
    %broadcast_in_dim3A_61 = arith.constant 0.000000e+00 : f32
    %broadcast_in_dim3A_62 = vector.broadcast %broadcast_in_dim3A_61 : f32 to vector<6x256xf32>
    %concatenate3A = tpu.concatenate %broadcast_in_dim3A, %broadcast_in_dim3A_60, %broadcast_in_dim3A_62 in 0 : vector<1x256xf32>, vector<1x256xf32>, vector<6x256xf32> -> vector<8x256xf32>
    %get3A_63 = arith.constant 0 : index
    %get3A_64 = arith.constant 0 : index
    %get3A_65 = vector.load %arg10[%get3A_63, %get3A_64] : memref<8x256xf32, #tpu.memory_space<vmem>>, vector<8x256xf32>
    %add3A_66 = arith.addf %get3A_65, %concatenate3A : vector<8x256xf32>
    %swap3A_67 = arith.constant 0 : index
    %swap3A_68 = arith.constant 0 : index
    %swap3A_69 = vector.load %arg10[%swap3A_67, %swap3A_68] : memref<8x256xf32, #tpu.memory_space<vmem>>, vector<8x256xf32>
    tpu.vector_store %arg10[%swap3A_67, %swap3A_68], %add3A_66 {strides = array<i32>} : memref<8x256xf32, #tpu.memory_space<vmem>>, vector<8x256xf32>,
    return
  }
  func.func @transform_0(%arg0: i32) -> (i32, i32) {
    %c0_i32 = arith.constant 0 : i32
    %c0_i32_0 = arith.constant 0 : i32
    return %arg0, %c0_i32 : i32, i32
  }
  func.func @transform_1(%arg0: i32) -> (i32, i32) {
    %c0_i32 = arith.constant 0 : i32
    %c0_i32_0 = arith.constant 0 : i32
    %c0_i32_1 = arith.constant 0 : i32
    return %c0_i32, %c0_i32_0 : i32, i32
  }
  func.func @transform_2(%arg0: i32) -> (i32, i32) {
    %c0_i32 = arith.constant 0 : i32
    %c0_i32_0 = arith.constant 0 : i32
    %c0_i32_1 = arith.constant 0 : i32
    return %c0_i32, %c0_i32_0 : i32, i32
  }
  func.func @transform_3(%arg0: i32) -> (i32, i32) {
    %c0_i32 = arith.constant 0 : i32
    %c0_i32_0 = arith.constant 0 : i32
    %c0_i32_1 = arith.constant 0 : i32
    return %c0_i32, %c0_i32_0 : i32, i32
  }
  func.func @transform_4(%arg0: i32) -> (i32, i32) {
    %c0_i32 = arith.constant 0 : i32
    %c0_i32_0 = arith.constant 0 : i32
    %c0_i32_1 = arith.constant 0 : i32
    return %c0_i32, %c0_i32_0 : i32, i32
  }
  func.func @transform_5(%arg0: i32) -> (i32, i32) {
    %c0_i32 = arith.constant 0 : i32
    %c0_i32_0 = arith.constant 0 : i32
    %c0_i32_1 = arith.constant 0 : i32
    return %c0_i32, %c0_i32_0 : i32, i32
  }
  func.func @transform_6(%arg0: i32) -> (i32, i32) {
    %c0_i32 = arith.constant 0 : i32
    %c0_i32_0 = arith.constant 0 : i32
    %c0_i32_1 = arith.constant 0 : i32
    return %c0_i32, %c0_i32_0 : i32, i32
  }
  func.func @transform_7(%arg0: i32) -> (i32, i32) {
    %c0_i32 = arith.constant 0 : i32
    %c0_i32_0 = arith.constant 0 : i32
    %c0_i32_1 = arith.constant 0 : i32
    return %c0_i32, %c0_i32_0 : i32, i32
  }
  func.func @transform_8(%arg0: i32) -> (i32, i32) {
    %c0_i32 = arith.constant 0 : i32
    %c0_i32_0 = arith.constant 0 : i32
    return %arg0, %c0_i32 : i32, i32
  }
  func.func @transform_9(%arg0: i32) -> (i32, i32) {
    %c0_i32 = arith.constant 0 : i32
    %c0_i32_0 = arith.constant 0 : i32
    %c0_i32_1 = arith.constant 0 : i32
    return %c0_i32, %c0_i32_0 : i32, i32
  }
}

module attributes {stable_mosaic.version = 14 : i64} {
  func.func @_f3_body(%arg0: i32, %arg1: memref<400x256xf32, #tpu.memory_space<vmem>>, %arg2: memref<8x256xf32, #tpu.memory_space<vmem>>, %arg3: memref<1x256xf32, #tpu.memory_space<vmem>>, %arg4: memref<1x256xf32, #tpu.memory_space<vmem>>, %arg5: memref<400x256xf32, #tpu.memory_space<vmem>>) attributes {dimension_semantics = [#tpu.dimension_semantics<arbitrary>], iteration_bounds = array<i64: 25>, scalar_prefetch = 0 : i64, scratch_operands = 0 : i64, tpu.core_type = #tpu.core_type<tc>, window_params = [{transform_indices = @transform_0, window_bounds = array<i64: 400, 256>}, {pipeline_mode = #tpu.pipeline_mode<synchronous>, transform_indices = @transform_1, window_bounds = array<i64: 8, 256>}, {pipeline_mode = #tpu.pipeline_mode<synchronous>, transform_indices = @transform_2, window_bounds = array<i64: 1, 256>}, {pipeline_mode = #tpu.pipeline_mode<synchronous>, transform_indices = @transform_3, window_bounds = array<i64: 1, 256>}, {transform_indices = @transform_4, window_bounds = array<i64: 400, 256>}]} {
    %get3A = arith.constant 0 : index
    %get3A_0 = arith.constant 0 : index
    %get3A_1 = vector.load %arg2[%get3A, %get3A_0] : memref<8x256xf32, #tpu.memory_space<vmem>>, vector<1x256xf32>
    %mul3A = arith.constant 9.99999974E-5 : f32
    %mul3A_2 = vector.broadcast %mul3A : f32 to vector<1x256xf32>
    %mul3A_3 = arith.mulf %get3A_1, %mul3A_2 : vector<1x256xf32>
    %get3A_4 = arith.constant 1 : index
    %get3A_5 = arith.constant 0 : index
    %get3A_6 = vector.load %arg2[%get3A_4, %get3A_5] : memref<8x256xf32, #tpu.memory_space<vmem>>, vector<1x256xf32>
    %mul3A_7 = arith.constant 9.99999974E-5 : f32
    %mul3A_8 = vector.broadcast %mul3A_7 : f32 to vector<1x256xf32>
    %mul3A_9 = arith.mulf %get3A_6, %mul3A_8 : vector<1x256xf32>
    %mul3A_10 = arith.mulf %mul3A_3, %mul3A_3 : vector<1x256xf32>
    %sub3A = arith.subf %mul3A_9, %mul3A_10 : vector<1x256xf32>
    %get3A_11 = arith.constant 0 : index
    %get3A_12 = arith.constant 0 : index
    %get3A_13 = vector.load %arg1[%get3A_11, %get3A_12] : memref<400x256xf32, #tpu.memory_space<vmem>>, vector<400x256xf32>
    %sub3A_14 = vector.broadcast %mul3A_3 : vector<1x256xf32> to vector<400x256xf32>
    %sub3A_15 = arith.subf %get3A_13, %sub3A_14 : vector<400x256xf32>
    %add3A = arith.constant 9.99999974E-6 : f32
    %add3A_16 = vector.broadcast %add3A : f32 to vector<1x256xf32>
    %add3A_17 = arith.addf %sub3A, %add3A_16 : vector<1x256xf32>
    %rsqrt3A = math.rsqrt %add3A_17 : vector<1x256xf32>
    %mul3A_18 = vector.broadcast %rsqrt3A : vector<1x256xf32> to vector<400x256xf32>
    %mul3A_19 = arith.mulf %sub3A_15, %mul3A_18 : vector<400x256xf32>
    %get3A_20 = arith.constant 0 : index
    %get3A_21 = arith.constant 0 : index
    %get3A_22 = vector.load %arg3[%get3A_20, %get3A_21] : memref<1x256xf32, #tpu.memory_space<vmem>>, vector<1x256xf32>
    %mul3A_23 = vector.broadcast %get3A_22 : vector<1x256xf32> to vector<400x256xf32>
    %mul3A_24 = arith.mulf %mul3A_19, %mul3A_23 : vector<400x256xf32>
    %get3A_25 = arith.constant 0 : index
    %get3A_26 = arith.constant 0 : index
    %get3A_27 = vector.load %arg4[%get3A_25, %get3A_26] : memref<1x256xf32, #tpu.memory_space<vmem>>, vector<1x256xf32>
    %add3A_28 = vector.broadcast %get3A_27 : vector<1x256xf32> to vector<400x256xf32>
    %add3A_29 = arith.addf %mul3A_24, %add3A_28 : vector<400x256xf32>
    %swap3A = arith.constant 0 : index
    %swap3A_30 = arith.constant 0 : index
    %swap3A_31 = vector.load %arg5[%swap3A, %swap3A_30] : memref<400x256xf32, #tpu.memory_space<vmem>>, vector<400x256xf32>
    tpu.vector_store %arg5[%swap3A, %swap3A_30], %add3A_29 {strides = array<i32>} : memref<400x256xf32, #tpu.memory_space<vmem>>, vector<400x256xf32>,
    return
  }
  func.func @transform_0(%arg0: i32) -> (i32, i32) {
    %c0_i32 = arith.constant 0 : i32
    %c0_i32_0 = arith.constant 0 : i32
    return %arg0, %c0_i32 : i32, i32
  }
  func.func @transform_1(%arg0: i32) -> (i32, i32) {
    %c0_i32 = arith.constant 0 : i32
    %c0_i32_0 = arith.constant 0 : i32
    %c0_i32_1 = arith.constant 0 : i32
    return %c0_i32, %c0_i32_0 : i32, i32
  }
  func.func @transform_2(%arg0: i32) -> (i32, i32) {
    %c0_i32 = arith.constant 0 : i32
    %c0_i32_0 = arith.constant 0 : i32
    %c0_i32_1 = arith.constant 0 : i32
    return %c0_i32, %c0_i32_0 : i32, i32
  }
  func.func @transform_3(%arg0: i32) -> (i32, i32) {
    %c0_i32 = arith.constant 0 : i32
    %c0_i32_0 = arith.constant 0 : i32
    %c0_i32_1 = arith.constant 0 : i32
    return %c0_i32, %c0_i32_0 : i32, i32
  }
  func.func @transform_4(%arg0: i32) -> (i32, i32) {
    %c0_i32 = arith.constant 0 : i32
    %c0_i32_0 = arith.constant 0 : i32
    return %arg0, %c0_i32 : i32, i32
  }
}

</mosaic_0001>

<sc_bundles>
// kernel: kernel.12.cloned.1.call-start
scs
__scs_entry_jumppad:
0x0: {  	(pc) =	sbr.rel $0x88, $3  }
0x1: {  	(tag) =	ssettag $0x0;
	lr =	simm.s32 $0x1  }
0x2: {  	[smem:$0x3F88] =	sst lr;
	_ =	strace $0xD0000000  }
0x3: {  	_ = 	snop  }
0x4: {  	_ = 	snop  }
0x5: {  	_ = 	snop  }
0x6: {  	_ = 	snop  }
0x7: {  	_ = 	snop  }
__scs_overlays_trampoline_lowered:
0x8: {  	[smem:$0x3F97] =	sst s0  }
0x9: {  	[smem:$0x3F98] =	sst s1  }
0xa: {  	[smem:$0x3F99] =	sst s2  }
0xb: {  	[smem:$0x3F9A] =	sst s3  }
0xc: {  	[smem:$0x3F9B] =	sst s4  }
0xd: {  	[smem:$0x3F9C] =	sst s5  }
0xe: {  	[smem:$0x3F9D] =	sst s6  }
0xf: {  	[smem:$0x3F9E] =	sst s7  }
0x10: {  	[smem:$0x3F9F] =	sst s8  }
0x11: {  	[smem:$0x3FA0] =	sst s9;
	s0 =	simm.s32 @!p0 $0x0  }
0x12: {  	s1 =	sld [smem:$0x3F86];
	s0 =	simm.s32 @p0 $0x1  }
0x13: {  	[smem:$0x3FA1] =	sst s0;
	s0 =	simm.s32 @!p1 $0x0  }
0x14: {  	s2 =	sld [smem:$0x3F85];
	s0 =	simm.s32 @p1 $0x1  }
0x15: {  	[smem:$0x3FA2] =	sst s0;
	s0 =	simm.s32 @!p2 $0x0  }
0x16: {  	s3 =	sld [smem:$0x3FDB];
	s0 =	simm.s32 @p2 $0x1  }
0x17: {  	s4 =	simm.s32 $0x1BF5;
	[smem:$0x3FA4] =	sst s0  }
0x18: {  	s0 =	sld [smem:$0x3F87];
	_ =	swait.ge [sflag:s4], $0x0  }
0x19: {  	s7 =	sld [smem:$0x3F88]  }
0x1a: {  	s8 =	sadd.s32 $0xFFFFE003, lr  }
0x1b: {  	s9 =	sadd.s32 $0xFFFFFEF7, lr;
	s5 =	simm.s32 $0xFFFFFFFF;
	p2 =	slt.u32 s8, $0xFFFFF086  }
0x1c: {  	p1 =	slt.u32 s9, $0xF7A;
	s5 =	simm.s32 @!p2 $0x0  }
0x1d: {  	s5 =	simm.s32 @p1 $0x1;
	p0 =	seq.s32 s7, s2  }
0x1e: {  	s7 =	smul.u32 @!p0 $0xF7A, s2;
	p2 =	seq.s32 @!p0 s5, $0x0  }
0x1f: {  	s9 =	smul.u32 $0xF7A, s1;
	s8 =	simm.s32 @!p0 $0x1BF5;
	p2 =	por !p2, p0  }
0x20: {  	[sflag:s8] =	ssyncset.s32 @!p0 $0xFFFFF086;
	s6 =	sadd.s32 @!p0 s3, s7;
	s7 =	simm.s32 @!p0 $0x108  }
0x21: {  	s3 =	sadd.s32 s3, s9;
	s6 =	sadd.s32 @!p0 $0x88, s6;
	s7 =	simm.s32 @p2 $0x1082  }
0x22: {  	[simem:s7], [sflag:s8] =	dma.local @!p0 [hbm:s6], $0xF7A  }
0x23: {  	s9 =	sor.u32 $0xD0000000, s2;
	s6 =	simm.s32 $0x108;
	_ =	swait.ge @!p0 [sflag:s8], $0x0  }
0x24: {  	s3 =	sadd.s32 $0x88, s3;
	s6 =	simm.s32 @!p1 $0x1082;
	[sflag:s4] =	ssyncset.s32 $0xFFFFF086  }
0x25: {  	[simem:s6], [sflag:s4] =	dma.local [hbm:s3], $0xF7A  }
0x26: {  	[smem:$0x3F88] =	sst s1;
	(tag) =	ssettag s2;
	_ =	strace s9  }
0x27: {  	s1 =	sld [smem:$0x3F98]  }
0x28: {  	s2 =	sld [smem:$0x3F99]  }
0x29: {  	s4 =	sld [smem:$0x3F9B]  }
0x2a: {  	p0 =	seq.s32 s5, $0x0;
	s5 =	sld [smem:$0x3F9C]  }
0x2b: {  	s6 =	sld [smem:$0x3F9D]  }
0x2c: {  	s7 =	sld [smem:$0x3F9E]  }
0x2d: {  	s3 =	simm.s32 $0x108;
	s8 =	sld [smem:$0x3F9F]  }
0x2e: {  	s3 =	simm.s32 @!p0 $0x1082;
	s9 =	sld [smem:$0x3FA0]  }
0x2f: {  	lr =	sadd.s32 s0, s3;
	s0 =	sld [smem:$0x3F97]  }
0x30: {  	s3 =	sld [smem:$0x3F9A]  }
0x31: {  	[smem:$0x3FA3] =	sst s10  }
0x32: {  	s10 =	sld [smem:$0x3FA1];
	_ =	sdelay $0x3  }
0x33: {  	p0 =	seq.s32 s10, $0x1;
	s10 =	sld [smem:$0x3FA3];
	_ =	sdelay $0x3  }
0x34: {  	[smem:$0x3FA3] =	sst s10  }
0x35: {  	s10 =	sld [smem:$0x3FA2];
	_ =	sdelay $0x3  }
0x36: {  	p1 =	seq.s32 s10, $0x1;
	s10 =	sld [smem:$0x3FA3];
	_ =	sdelay $0x3  }
0x37: {  	[smem:$0x3FA3] =	sst s10  }
0x38: {  	s10 =	sld [smem:$0x3FA4]  }
0x39: {  	_ = 	snop;
	(pc) =	sbr.ind lr, $3  }
0x3a: {  	_ = 	snop  }
0x3b: {  	_ = 	snop  }
0x3c: {  	p2 =	seq.s32 s10, $0x1;
	s10 =	sld [smem:$0x3FA3]  }
0x3d: {  	_ =	shalt  }
0x3e: {  	_ =	shalt  }
0x3f: {  	_ =	shalt  }
0x40: {  	_ =	shalt  }
0x41: {  	_ =	shalt  }
0x42: {  	_ =	shalt  }
0x43: {  	_ =	shalt  }
0x44: {  	_ =	shalt  }
0x45: {  	_ =	shalt  }
0x46: {  	_ =	shalt  }
0x47: {  	_ =	shalt  }
0x48: {  	_ =	shalt  }
0x49: {  	_ =	shalt  }
0x4a: {  	_ =	shalt  }
0x4b: {  	_ =	shalt  }
0x4c: {  	_ =	shalt  }
0x4d: {  	_ =	shalt  }
0x4e: {  	_ =	shalt  }
0x4f: {  	_ =	shalt  }
0x50: {  	_ =	shalt  }
0x51: {  	_ =	shalt  }
0x52: {  	_ =	shalt  }
0x53: {  	_ =	shalt  }
0x54: {  	_ =	shalt  }
0x55: {  	_ =	shalt  }
0x56: {  	_ =	shalt  }
0x57: {  	_ =	shalt  }
0x58: {  	_ =	shalt  }
0x59: {  	_ =	shalt  }
0x5a: {  	_ =	shalt  }
0x5b: {  	_ =	shalt  }
0x5c: {  	_ =	shalt  }
0x5d: {  	_ =	shalt  }
0x5e: {  	_ =	shalt  }
0x5f: {  	_ =	shalt  }
0x60: {  	_ =	shalt  }
0x61: {  	_ =	shalt  }
0x62: {  	_ =	shalt  }
0x63: {  	_ =	shalt  }
0x64: {  	_ =	shalt  }
0x65: {  	_ =	shalt  }
0x66: {  	_ =	shalt  }
0x67: {  	_ =	shalt  }
0x68: {  	_ =	shalt  }
0x69: {  	_ =	shalt  }
0x6a: {  	_ =	shalt  }
0x6b: {  	_ =	shalt  }
0x6c: {  	_ =	shalt  }
0x6d: {  	_ =	shalt  }
0x6e: {  	_ =	shalt  }
0x6f: {  	_ =	shalt  }
0x70: {  	_ =	shalt  }
0x71: {  	_ =	shalt  }
0x72: {  	_ =	shalt  }
0x73: {  	_ =	shalt  }
0x74: {  	_ =	shalt  }
0x75: {  	_ =	shalt  }
0x76: {  	_ =	shalt  }
0x77: {  	_ =	shalt  }
0x78: {  	_ =	shalt  }
0x79: {  	_ =	shalt  }
0x7a: {  	_ =	shalt  }
0x7b: {  	_ =	shalt  }
0x7c: {  	_ =	shalt  }
0x7d: {  	_ =	shalt  }
0x7e: {  	_ =	shalt  }
0x7f: {  	_ =	shalt  }
0x80: {  	_ =	shalt  }
0x81: {  	_ =	shalt  }
0x82: {  	_ =	shalt  }
0x83: {  	_ =	shalt  }
0x84: {  	_ =	shalt  }
0x85: {  	_ =	shalt  }
0x86: {  	_ =	shalt  }
0x87: {  	_ =	shalt  }
.Lfunc_end0:
.L_simem_size_0:
called_computation.2_lowered:
.L_overlay_start_0:
0x88: {  	s2 =	sld [smem:$0x3FD9]  }
0x89: {  	s3 =	sld [smem:$0x3FFE];
	_ =	sdelay $0x1  }
0x8a: {  	s1 =	srdreg.scid  }
0x8b: {  	s0 =	sand.u32 $0x1, s1  }
0x8c: {  	s17 =	sshll.u32 s0, $0xA;
	s2 =	sadd.s32 s3, s2  }
0x8d: {  	s2 =	sadd.s32 s2, s17  }
0x8e: {  	[smem:$0x3FAF] =	sst s2  }
0x8f: {  	_ = 	snop  }
0x90: {  	s2 =	sld [smem:$0x3FD0];
	(tm) =	ssettm $0x1  }
0x91: {  	s18 =	sld [smem:$0x3FFB];
	_ =	sdelay $0x3  }
0x92: {  	_ =	strace s18  }
0x93: {  	s3 =	sld [smem:$0x3FFC];
	_ =	sdelay $0x3  }
0x94: {  	_ =	strace s3  }
0x95: {  	s3 =	sld [smem:$0x3FFD];
	_ =	sdelay $0x3  }
0x96: {  	_ =	strace s3  }
0x97: {  	_ =	strace $0x8FFFFFFF  }
0x98: {  	s19 =	sld [smem:$0x3FDB];
	_ =	sdelay $0x1  }
0x99: {  	s4 =	simm.s32 $_scs_section_size  }
0x9a: {  	s5 =	simm.s32 $_size__tile_overlayer_lowered;
	s6 =	simm.s32 $_tile_overlayer_lowered  }
0x9b: {  	s22 =	simm.s32 $0x1BFF;
	s21 =	sshll.u32 s6, $0x1;
	s3 =	sadd.s32 s4, s19  }
0x9c: {  	s7 =	simm.s32 $0x0;
	s20 =	sshll.u32 s5, $0x1;
	s5 =	sadd.s32 s21, s3  }
0x9d: {  	[timem:s7], [sflag:s22] =	dma.local [hbm:s5], s20  }
0x9e: {  	_ =	swait.ge [sflag:s22], s20  }
0x9f: {  	s4 =	ssub.s32 $0x0, s20;
	[sflag:s22] =	ssyncset.done $0x0  }
0xa0: {  	[sflag:s22] =	ssyncadd.s32 s4;
	_ =	sdelay $0x1  }
0xa1: {  	s23 =	simm.s32 $0x1B8B  }
0xa2: {  	_ =	swait.ge [sflag:s23], $0x1  }
0xa3: {  	[sflag:s23] =	ssyncset.done $0x0  }
0xa4: {  	s25 =	simm.s32 $0x1B8E;
	s24 =	sld [smem:$0x3FFE];
	[sflag:s23] =	ssyncadd.s32 $0xFFFFFFFF  }
0xa5: {  	s26 =	simm.s32 $execute0_lowered;
	[smem:$0x3FD2] =	sst s25  }
0xa6: {  	s5 =	sshll.u32 s26, $0x1;
	_ =	strace $0x8000004C;
	[dreg:$0x1] =	wrdreg $0xFFFFFFFF  }
0xa7: {  	s28 =	simm.s32 $_size_execute0_lowered;
	s3 =	sadd.s32 s3, s5;
	[dreg:$0x0] =	wrdreg $0x0  }
0xa8: {  	s5 =	sshll.u32 s28, $0x1;
	[dreg:$0x2] =	wrdreg s3  }
0xa9: {  	[dreg:$0x3] =	wrdreg s5  }
0xaa: {  	[dreg:$0x4] =	wrdreg $0xC0  }
0xab: {  	_ =	task [dreg:s7], $0x5FFFF  }
0xac: {  	[dreg:$0x1] =	wrdreg $0xFFFFFFFF  }
0xad: {  	[dreg:$0x0] =	wrdreg $0x60  }
0xae: {  	[dreg:$0x2] =	wrdreg s24  }
0xaf: {  	[dreg:$0x3] =	wrdreg s2  }
0xb0: {  	[dreg:$0x4] =	wrdreg $0x9  }
0xb1: {  	_ =	task.clear_ibuf [dreg:s7], $0x5FFFF;
	_ =	strace $0x9000004C  }
0xb2: {  	s29 =	simm.s32 $0x9;
	_ =	strace $0x8000004E  }
0xb3: {  	_ =	swait.ge [sflag:s29], $0x1  }
0xb4: {  	[sflag:s29] =	ssyncadd.s32 $0xFFFFFFFF  }
0xb5: {  	_ =	strace $0x9000004E  }
0xb6: {  	_ =	sfence  }
0xb7: {  	s30 =	sld [smem:$0x0];
	_ =	sdelay $0x2  }
0xb8: {  	s31 =	sshll.u32 s1, $0xD;
	s1 =	sshrl.u32 s1, $0x2  }
0xb9: {  	s3 =	sand.u32 $0x4000, s31;
	s1 =	sadd.s32 s1, s30  }
0xba: {  	s0 =	sor.u32 s3, s0;
	s1 =	sshll.u32 s1, $0x11  }
0xbb: {  	s0 =	sor.u32 s1, s0  }
0xbc: {  	s0 =	sadd.s32 $0x8F2B, s0  }
0xbd: {  	[sflag:s0] =	ssyncadd.remote.s32 $0x1  }
0xbe: {  	_ =	sfence.sel $0xFFFF  }
0xbf: {  	[dreg:$0x0] =	wrdreg $0xFFFFFFFF;
	(pc) =	sbr.abs _section_cstart, $3  }
0xc0: {  	[dreg:$0x1] =	wrdreg $0xFFFFFFFF  }
0xc1: {  	_ =	task.clear_ibuf [dreg:s7], $0x2FFFF;
	_ =	strace $0x9FFFFFFF  }
0xc2: {  	(tm) =	ssettm $0x7FFFFFFF  }
0xc3: {  	_ =	shalt  }
tec
execute0_lowered:
.L_overlay_start_1:
0x0: {  	(tag) =	ssettag $0x1  }
0x1: {  	v0 =	vlaneseq.u32  }
0x2: {  	v1 =	vshrl.u32 v0, $0x3  }
0x3: {  	v3 =	vor.u32 $0x16, v1  }
0x4: {  	[tilespmem:$0x1FD70] =	vst v3;
	v3 =	vor.u32 $0xC0, v0  }
0x5: {  	[tilespmem:$0x1FD80] =	vst v3;
	v3 =	vor.u32 $0x18, v1  }
0x6: {  	[tilespmem:$0x1FD90] =	vst v3;
	v3 =	vor.u32 $0xD0, v0  }
0x7: {  	[tilespmem:$0x1FDA0] =	vst v3;
	v3 =	vor.u32 $0x1A, v1  }
0x8: {  	s5 =	rddreg [dreg:$0x0];
	[tilespmem:$0x1FDB0] =	vst v3;
	v3 =	vor.u32 $0xE0, v0  }
0x9: {  	s6 =	rddreg [dreg:$0x1];
	s1 =	simm.s32 $0x0;
	[tilespmem:$0x1FDC0] =	vst v3;
	v3 =	vor.u32 $0x1C, v1  }
0xa: {  	[smem:$0x7FF] =	sst s1;
	[tilespmem:$0x1FDD0] =	vst v3;
	v3 =	vor.u32 $0xF0, v0  }
0xb: {  	s0 =	rddreg [dreg:$0x2];
	v40 =	vor.u32 $0xB0, v0;
	_ =	strace $0x8000004D;
	[tilespmem:$0x1FDE0] =	vst v3  }
0xc: {  	v3 =	vor.u32 $0x1E, v1;
	[tilespmem:$0x1FFF0] =	vst v40  }
0xd: {  	[tilespmem:$0x1FDF0] =	vst v3;
	v3 =	vor.u32 $0x100, v0  }
0xe: {  	[tilespmem:$0x1FE00] =	vst v3;
	v3 =	vor.u32 $0x20, v1  }
0xf: {  	[tilespmem:$0x1FE10] =	vst v3;
	v3 =	vor.u32 $0x110, v0  }
0x10: {  	[tilespmem:$0x1FE20] =	vst v3;
	v3 =	vor.u32 $0x22, v1  }
0x11: {  	[tilespmem:$0x1FE30] =	vst v3;
	v3 =	vor.u32 $0x120, v0  }
0x12: {  	[tilespmem:$0x1FE40] =	vst v3;
	v3 =	vor.u32 $0x24, v1  }
0x13: {  	[tilespmem:$0x1FE50] =	vst v3;
	v3 =	vor.u32 $0x130, v0  }
0x14: {  	[tilespmem:$0x1FE60] =	vst v3;
	v3 =	vor.u32 $0x26, v1  }
0x15: {  	[tilespmem:$0x1FE70] =	vst v3;
	v3 =	vor.u32 $0x140, v0  }
0x16: {  	[tilespmem:$0x1FE80] =	vst v3;
	v3 =	vor.u32 $0x28, v1  }
0x17: {  	[tilespmem:$0x1FE90] =	vst v3;
	v3 =	vor.u32 $0x150, v0  }
0x18: {  	[tilespmem:$0x1FEA0] =	vst v3;
	v3 =	vor.u32 $0x2A, v1  }
0x19: {  	[tilespmem:$0x1FEB0] =	vst v3;
	v3 =	vor.u32 $0x160, v0  }
0x1a: {  	[tilespmem:$0x1FEC0] =	vst v3;
	v3 =	vor.u32 $0x2C, v1  }
0x1b: {  	[tilespmem:$0x1FED0] =	vst v3;
	v3 =	vor.u32 $0x170, v0  }
0x1c: {  	[tilespmem:$0x1FEE0] =	vst v3;
	v3 =	vor.u32 $0x2E, v1  }
0x1d: {  	[tilespmem:$0x1FEF0] =	vst v3;
	v3 =	vor.u32 $0x180, v0  }
0x1e: {  	[tilespmem:$0x1FF00] =	vst v3;
	v3 =	vor.u32 $0x30, v1  }
0x1f: {  	[tilespmem:$0x1FF10] =	vst v3;
	v3 =	vor.u32 $0x190, v0  }
0x20: {  	[tilespmem:$0x1FF20] =	vst v3;
	v3 =	vor.u32 $0x32, v1  }
0x21: {  	s2 =	stileid.u32;
	s4 =	srdreg.scid;
	[tilespmem:$0x1FF30] =	vst v3;
	v3 =	vor.u32 $0x1A0, v0  }
0x22: {  	s15 =	simm.s32 $0x140;
	s16 =	simm.s32 $0x80;
	s3 =	smul.u32 $0x27100, s2;
	[tilespmem:$0x1FF40] =	vst v3;
	v3 =	vor.u32 $0x34, v1  }
0x23: {  	v20 =	vor.u32 $0x10, v0;
	v22 =	vor.u32 $0x20, v0;
	s7 =	sshll.u32 s2, $0x1;
	s8 =	sand.u32 $0x1, s4;
	s13 =	smul.u32 $0x2710, s2;
	[tilespmem:$0x1FF50] =	vst v3;
	v3 =	vor.u32 $0x1B0, v0  }
0x24: {  	s17 =	simm.s32 $0x0;
	v24 =	vor.u32 $0x30, v0;
	v26 =	vor.u32 $0x40, v0;
	s9 =	sadd.s32 s7, s5;
	s28 =	smul.u32 $0x1388, s8;
	[tilespmem:$0x1FF60] =	vst v3;
	v3 =	vor.u32 $0x36, v1  }
0x25: {  	v28 =	vor.u32 $0x50, v0;
	v30 =	vor.u32 $0x60, v0;
	s4 =	sor.u32 s8, s7;
	s11 =	ssub.s32 $0x2, s8;
	s29 =	smul.u32 $0x13880, s8;
	[tilespmem:$0x1FF70] =	vst v3;
	v3 =	vor.u32 $0x1C0, v0  }
0x26: {  	v2 =	vand.u32 $0x7, v0;
	v32 =	vor.u32 $0x70, v0;
	s10 =	sadd.s32 s3, s5;
	s3 =	sadd.s32 $0x1434E00, s5;
	s7 =	smul.u32 $0x2710, s4;
	[tilespmem:$0x1FF80] =	vst v3;
	v3 =	vor.u32 $0x38, v1  }
0x27: {  	v34 =	vor.u32 $0x80, v0;
	v36 =	vor.u32 $0x90, v0;
	s4 =	sadd.s32 $0x1439E00, s5;
	s12 =	sshrl.u32 s11, $0x1;
	s8 =	sadd.s32 s8, s9;
	[tilespmem:$0x1FF90] =	vst v3;
	v3 =	vor.u32 $0x1D0, v0  }
0x28: {  	v38 =	vor.u32 $0xA0, v0;
	v21 =	vor.u32 $0x2, v1;
	s11 =	ssub.s32 s11, s12;
	s30 =	sadd.s32 s28, s13;
	s8 =	sadd.s32 $0xF52E00, s8;
	[tilespmem:$0x1FFA0] =	vst v3;
	v3 =	vor.u32 $0x3A, v1  }
0x29: {  	v23 =	vor.u32 $0x4, v1;
	v25 =	vor.u32 $0x6, v1;
	s10 =	sadd.s32 s29, s10;
	s12 =	simm.s32 $0x1;
	s13 =	simm.s32 $0x8;
	[tilespmem:$0x1FFB0] =	vst v3;
	v3 =	vor.u32 $0x1E0, v0  }
0x2a: {  	v29 =	vor.u32 $0xA, v1;
	v31 =	vor.u32 $0xC, v1;
	s14 =	sadd.s32 s7, s5;
	s5 =	sadd.s32 s6, s7;
	s7 =	smax.u32 s11, $0x1;
	[tilespmem:$0x1FFC0] =	vst v3;
	v3 =	vor.u32 $0x3C, v1  }
0x2b: {  	v27 =	vor.u32 $0x8, v1;
	v33 =	vor.u32 $0xE, v1;
	s31 =	sshrl.u32 s30, $0x3;
	s9 =	sadd.s32 $0x1A4F400, s10;
	s11 =	simm.s32 $0xB40;
	[tilespmem:$0x1FFD0] =	vst v3;
	v3 =	vor.u32 $0x1F0, v0  }
0x2c: {  	v35 =	vor.u32 $0x10, v1;
	v37 =	vor.u32 $0x12, v1;
	v39 =	vor.u32 $0x14, v1;
	s6 =	sadd.s32 $0x143C600, s14;
	s10 =	sadd.s32 s31, s3;
	s14 =	simm.s32 $0x100;
	[tilespmem:$0x1FFE0] =	vst v3  }
.LBB2_1:
0x2d: {  	[tilespmem:s11], [sflag:$0x1] =	stream.linear.gather [hbm4b:s4+s1], $0x138C0, $0x38;
	[tilespmem:$0x14400] =	vst v63  }
0x2e: {  	_ =	swait.ge [sflag:s12], $0x138C0  }
0x2f: {  	[sflag:s12] =	ssyncset.done $0x0  }
0x30: {  	s18 =	smov.u32 s8;
	s19 =	simm.s32 $0x0;
	[sflag:s12] =	ssyncadd.s32 $0xFFFEC740  }
.LBB2_2:
0x31: {  	s20 =	sadd.s32 s19, s3  }
0x32: {  	[tilespmem:s1], [sflag:$0x1] =	stream.linear.gather [hbm4b:s20+s1], $0x140, $0x38;
	[tilespmem:$0x14400] =	vst v63  }
0x33: {  	_ =	swait.ge [sflag:s12], $0x140  }
0x34: {  	[sflag:s12] =	ssyncset.done $0x0  }
0x35: {  	[sflag:s12] =	ssyncadd.s32 $0xFFFFFEC0  }
0x36: {  	[tilespmem:s15], [sflag:$0x1] =	stream.strided.gather [hbm4b:s18+s13], $0xA00, s14, s13, $0x38;
	[tilespmem:$0x14400] =	vst v63  }
0x37: {  	_ =	swait.ge [sflag:s12], $0xA00  }
0x38: {  	[sflag:s12] =	ssyncset.done $0x0  }
0x39: {  	[sflag:s12] =	ssyncadd.s32 $0xFFFFF600  }
0x3a: {  	v3 =	vld.idx.msk [tilespmem:v1+s1+$0x0], $0xffff;
	_ =	sdelay $0x4  }
0x3b: {  	v3 =	vshll.u32 v3, $0x3  }
0x3c: {  	v4 =	vld.idx.msk [tilespmem:v0+s15+$0x0], $0xffff;
	v3 =	vor.u32 v2, v3;
	_ =	sdelay $0x4  }
0x3d: {  	[tilespmem:v3+s11+$0x0] =	vst.idx.add.f32.msk $0xffff, v4  }
0x3e: {  	v3 =	vld.idx.msk [tilespmem:v21+s1+$0x0], $0xffff;
	_ =	sdelay $0x4  }
0x3f: {  	v3 =	vshll.u32 v3, $0x3  }
0x40: {  	v4 =	vld.idx.msk [tilespmem:v20+s15+$0x0], $0xffff;
	v3 =	vor.u32 v2, v3;
	_ =	sdelay $0x4  }
0x41: {  	[tilespmem:v3+s11+$0x0] =	vst.idx.add.f32.msk $0xffff, v4  }
0x42: {  	v3 =	vld.idx.msk [tilespmem:v23+s1+$0x0], $0xffff;
	_ =	sdelay $0x4  }
0x43: {  	v3 =	vshll.u32 v3, $0x3  }
0x44: {  	v4 =	vld.idx.msk [tilespmem:v22+s15+$0x0], $0xffff;
	v3 =	vor.u32 v2, v3;
	_ =	sdelay $0x4  }
0x45: {  	[tilespmem:v3+s11+$0x0] =	vst.idx.add.f32.msk $0xffff, v4  }
0x46: {  	v3 =	vld.idx.msk [tilespmem:v25+s1+$0x0], $0xffff;
	_ =	sdelay $0x4  }
0x47: {  	v3 =	vshll.u32 v3, $0x3  }
0x48: {  	v4 =	vld.idx.msk [tilespmem:v24+s15+$0x0], $0xffff;
	v3 =	vor.u32 v2, v3;
	_ =	sdelay $0x4  }
0x49: {  	[tilespmem:v3+s11+$0x0] =	vst.idx.add.f32.msk $0xffff, v4  }
0x4a: {  	v3 =	vld.idx.msk [tilespmem:v27+s1+$0x0], $0xffff;
	_ =	sdelay $0x4  }
0x4b: {  	v3 =	vshll.u32 v3, $0x3  }
0x4c: {  	v4 =	vld.idx.msk [tilespmem:v26+s15+$0x0], $0xffff;
	v3 =	vor.u32 v2, v3;
	_ =	sdelay $0x4  }
0x4d: {  	[tilespmem:v3+s11+$0x0] =	vst.idx.add.f32.msk $0xffff, v4  }
0x4e: {  	v3 =	vld.idx.msk [tilespmem:v29+s1+$0x0], $0xffff;
	_ =	sdelay $0x4  }
0x4f: {  	v3 =	vshll.u32 v3, $0x3  }
0x50: {  	v4 =	vld.idx.msk [tilespmem:v28+s15+$0x0], $0xffff;
	v3 =	vor.u32 v2, v3;
	_ =	sdelay $0x4  }
0x51: {  	[tilespmem:v3+s11+$0x0] =	vst.idx.add.f32.msk $0xffff, v4  }
0x52: {  	v3 =	vld.idx.msk [tilespmem:v31+s1+$0x0], $0xffff;
	_ =	sdelay $0x4  }
0x53: {  	v3 =	vshll.u32 v3, $0x3  }
0x54: {  	v4 =	vld.idx.msk [tilespmem:v30+s15+$0x0], $0xffff;
	v3 =	vor.u32 v2, v3;
	_ =	sdelay $0x4  }
0x55: {  	[tilespmem:v3+s11+$0x0] =	vst.idx.add.f32.msk $0xffff, v4  }
0x56: {  	v3 =	vld.idx.msk [tilespmem:v33+s1+$0x0], $0xffff;
	_ =	sdelay $0x4  }
0x57: {  	v3 =	vshll.u32 v3, $0x3  }
0x58: {  	v4 =	vld.idx.msk [tilespmem:v32+s15+$0x0], $0xffff;
	v3 =	vor.u32 v2, v3;
	_ =	sdelay $0x4  }
0x59: {  	[tilespmem:v3+s11+$0x0] =	vst.idx.add.f32.msk $0xffff, v4  }
0x5a: {  	v3 =	vld.idx.msk [tilespmem:v35+s1+$0x0], $0xffff;
	_ =	sdelay $0x4  }
0x5b: {  	v3 =	vshll.u32 v3, $0x3  }
0x5c: {  	v4 =	vld.idx.msk [tilespmem:v34+s15+$0x0], $0xffff;
	v3 =	vor.u32 v2, v3;
	_ =	sdelay $0x4  }
0x5d: {  	[tilespmem:v3+s11+$0x0] =	vst.idx.add.f32.msk $0xffff, v4  }
0x5e: {  	v3 =	vld.idx.msk [tilespmem:v37+s1+$0x0], $0xffff;
	_ =	sdelay $0x4  }
0x5f: {  	v3 =	vshll.u32 v3, $0x3  }
0x60: {  	v4 =	vld.idx.msk [tilespmem:v36+s15+$0x0], $0xffff;
	v3 =	vor.u32 v2, v3;
	_ =	sdelay $0x4  }
0x61: {  	[tilespmem:v3+s11+$0x0] =	vst.idx.add.f32.msk $0xffff, v4  }
0x62: {  	v3 =	vld.idx.msk [tilespmem:v39+s1+$0x0], $0xffff;
	_ =	sdelay $0x4  }
0x63: {  	v3 =	vshll.u32 v3, $0x3  }
0x64: {  	v4 =	vld.idx.msk [tilespmem:v38+s15+$0x0], $0xffff;
	v3 =	vor.u32 v2, v3;
	_ =	sdelay $0x4  }
0x65: {  	[tilespmem:v3+s11+$0x0] =	vst.idx.add.f32.msk $0xffff, v4  }
0x66: {  	v3 =	vld [tilespmem:$0x1FD70];
	_ =	sdelay $0x7  }
0x67: {  	v3 =	vld.idx.msk [tilespmem:v3+s1+$0x0], $0xffff;
	_ =	sdelay $0x4  }
0x68: {  	v3 =	vshll.u32 v3, $0x3  }
0x69: {  	v4 =	vld.idx.msk [tilespmem:v40+s15+$0x0], $0xffff;
	v3 =	vor.u32 v2, v3;
	_ =	sdelay $0x4  }
0x6a: {  	[tilespmem:v3+s11+$0x0] =	vst.idx.add.f32.msk $0xffff, v4  }
0x6b: {  	v3 =	vld [tilespmem:$0x1FD90];
	_ =	sdelay $0x5  }
0x6c: {  	v4 =	vld [tilespmem:$0x1FD80];
	_ =	sdelay $0x1  }
0x6d: {  	v3 =	vld.idx.msk [tilespmem:v3+s1+$0x0], $0xffff;
	_ =	sdelay $0x4  }
0x6e: {  	v3 =	vshll.u32 v3, $0x3  }
0x6f: {  	v4 =	vld.idx.msk [tilespmem:v4+s15+$0x0], $0xffff;
	v3 =	vor.u32 v2, v3;
	_ =	sdelay $0x4  }
0x70: {  	[tilespmem:v3+s11+$0x0] =	vst.idx.add.f32.msk $0xffff, v4  }
0x71: {  	v3 =	vld [tilespmem:$0x1FDB0];
	_ =	sdelay $0x5  }
0x72: {  	v4 =	vld [tilespmem:$0x1FDA0];
	_ =	sdelay $0x1  }
0x73: {  	v3 =	vld.idx.msk [tilespmem:v3+s1+$0x0], $0xffff;
	_ =	sdelay $0x4  }
0x74: {  	v3 =	vshll.u32 v3, $0x3  }
0x75: {  	v4 =	vld.idx.msk [tilespmem:v4+s15+$0x0], $0xffff;
	v3 =	vor.u32 v2, v3;
	_ =	sdelay $0x4  }
0x76: {  	[tilespmem:v3+s11+$0x0] =	vst.idx.add.f32.msk $0xffff, v4  }
0x77: {  	v3 =	vld [tilespmem:$0x1FDD0];
	_ =	sdelay $0x5  }
0x78: {  	v4 =	vld [tilespmem:$0x1FDC0];
	_ =	sdelay $0x1  }
0x79: {  	v3 =	vld.idx.msk [tilespmem:v3+s1+$0x0], $0xffff;
	_ =	sdelay $0x4  }
0x7a: {  	v3 =	vshll.u32 v3, $0x3  }
0x7b: {  	v4 =	vld.idx.msk [tilespmem:v4+s15+$0x0], $0xffff;
	v3 =	vor.u32 v2, v3;
	_ =	sdelay $0x4  }
0x7c: {  	[tilespmem:v3+s11+$0x0] =	vst.idx.add.f32.msk $0xffff, v4  }
0x7d: {  	v3 =	vld [tilespmem:$0x1FDF0];
	_ =	sdelay $0x5  }
0x7e: {  	v4 =	vld [tilespmem:$0x1FDE0];
	_ =	sdelay $0x1  }
0x7f: {  	v3 =	vld.idx.msk [tilespmem:v3+s1+$0x0], $0xffff;
	_ =	sdelay $0x4  }
0x80: {  	v3 =	vshll.u32 v3, $0x3  }
0x81: {  	v4 =	vld.idx.msk [tilespmem:v4+s15+$0x0], $0xffff;
	v3 =	vor.u32 v2, v3;
	_ =	sdelay $0x4  }
0x82: {  	[tilespmem:v3+s11+$0x0] =	vst.idx.add.f32.msk $0xffff, v4  }
0x83: {  	v3 =	vld [tilespmem:$0x1FE10];
	_ =	sdelay $0x5  }
0x84: {  	v4 =	vld [tilespmem:$0x1FE00];
	_ =	sdelay $0x1  }
0x85: {  	v3 =	vld.idx.msk [tilespmem:v3+s1+$0x0], $0xffff;
	_ =	sdelay $0x4  }
0x86: {  	v3 =	vshll.u32 v3, $0x3  }
0x87: {  	v4 =	vld.idx.msk [tilespmem:v4+s15+$0x0], $0xffff;
	v3 =	vor.u32 v2, v3;
	_ =	sdelay $0x4  }
0x88: {  	[tilespmem:v3+s11+$0x0] =	vst.idx.add.f32.msk $0xffff, v4  }
0x89: {  	v3 =	vld [tilespmem:$0x1FE30];
	_ =	sdelay $0x5  }
0x8a: {  	v4 =	vld [tilespmem:$0x1FE20];
	_ =	sdelay $0x1  }
0x8b: {  	v3 =	vld.idx.msk [tilespmem:v3+s1+$0x0], $0xffff;
	_ =	sdelay $0x4  }
0x8c: {  	v3 =	vshll.u32 v3, $0x3  }
0x8d: {  	v4 =	vld.idx.msk [tilespmem:v4+s15+$0x0], $0xffff;
	v3 =	vor.u32 v2, v3;
	_ =	sdelay $0x4  }
0x8e: {  	[tilespmem:v3+s11+$0x0] =	vst.idx.add.f32.msk $0xffff, v4  }
0x8f: {  	v3 =	vld [tilespmem:$0x1FE50];
	_ =	sdelay $0x5  }
0x90: {  	v4 =	vld [tilespmem:$0x1FE40];
	_ =	sdelay $0x1  }
0x91: {  	v3 =	vld.idx.msk [tilespmem:v3+s1+$0x0], $0xffff;
	_ =	sdelay $0x4  }
0x92: {  	v3 =	vshll.u32 v3, $0x3  }
0x93: {  	v4 =	vld.idx.msk [tilespmem:v4+s15+$0x0], $0xffff;
	v3 =	vor.u32 v2, v3;
	_ =	sdelay $0x4  }
0x94: {  	[tilespmem:v3+s11+$0x0] =	vst.idx.add.f32.msk $0xffff, v4  }
0x95: {  	v3 =	vld [tilespmem:$0x1FE70];
	_ =	sdelay $0x5  }
0x96: {  	v4 =	vld [tilespmem:$0x1FE60];
	_ =	sdelay $0x1  }
0x97: {  	v3 =	vld.idx.msk [tilespmem:v3+s1+$0x0], $0xffff;
	_ =	sdelay $0x4  }
0x98: {  	v3 =	vshll.u32 v3, $0x3  }
0x99: {  	v4 =	vld.idx.msk [tilespmem:v4+s15+$0x0], $0xffff;
	v3 =	vor.u32 v2, v3;
	_ =	sdelay $0x4  }
0x9a: {  	[tilespmem:v3+s11+$0x0] =	vst.idx.add.f32.msk $0xffff, v4  }
0x9b: {  	v3 =	vld [tilespmem:$0x1FE90];
	_ =	sdelay $0x5  }
0x9c: {  	v4 =	vld [tilespmem:$0x1FE80];
	_ =	sdelay $0x1  }
0x9d: {  	v3 =	vld.idx.msk [tilespmem:v3+s1+$0x0], $0xffff;
	_ =	sdelay $0x4  }
0x9e: {  	v3 =	vshll.u32 v3, $0x3  }
0x9f: {  	v4 =	vld.idx.msk [tilespmem:v4+s15+$0x0], $0xffff;
	v3 =	vor.u32 v2, v3;
	_ =	sdelay $0x4  }
0xa0: {  	[tilespmem:v3+s11+$0x0] =	vst.idx.add.f32.msk $0xffff, v4  }
0xa1: {  	v3 =	vld [tilespmem:$0x1FEB0];
	_ =	sdelay $0x5  }
0xa2: {  	v4 =	vld [tilespmem:$0x1FEA0];
	_ =	sdelay $0x1  }
0xa3: {  	v3 =	vld.idx.msk [tilespmem:v3+s1+$0x0], $0xffff;
	_ =	sdelay $0x4  }
0xa4: {  	v3 =	vshll.u32 v3, $0x3  }
0xa5: {  	v4 =	vld.idx.msk [tilespmem:v4+s15+$0x0], $0xffff;
	v3 =	vor.u32 v2, v3;
	_ =	sdelay $0x4  }
0xa6: {  	[tilespmem:v3+s11+$0x0] =	vst.idx.add.f32.msk $0xffff, v4  }
0xa7: {  	v3 =	vld [tilespmem:$0x1FED0];
	_ =	sdelay $0x5  }
0xa8: {  	v4 =	vld [tilespmem:$0x1FEC0];
	_ =	sdelay $0x1  }
0xa9: {  	v3 =	vld.idx.msk [tilespmem:v3+s1+$0x0], $0xffff;
	_ =	sdelay $0x4  }
0xaa: {  	v3 =	vshll.u32 v3, $0x3  }
0xab: {  	v4 =	vld.idx.msk [tilespmem:v4+s15+$0x0], $0xffff;
	v3 =	vor.u32 v2, v3;
	_ =	sdelay $0x4  }
0xac: {  	[tilespmem:v3+s11+$0x0] =	vst.idx.add.f32.msk $0xffff, v4  }
0xad: {  	v3 =	vld [tilespmem:$0x1FEF0];
	_ =	sdelay $0x5  }
0xae: {  	v4 =	vld [tilespmem:$0x1FEE0];
	_ =	sdelay $0x1  }
0xaf: {  	v3 =	vld.idx.msk [tilespmem:v3+s1+$0x0], $0xffff;
	_ =	sdelay $0x4  }
0xb0: {  	v3 =	vshll.u32 v3, $0x3  }
0xb1: {  	v4 =	vld.idx.msk [tilespmem:v4+s15+$0x0], $0xffff;
	v3 =	vor.u32 v2, v3;
	_ =	sdelay $0x4  }
0xb2: {  	[tilespmem:v3+s11+$0x0] =	vst.idx.add.f32.msk $0xffff, v4  }
0xb3: {  	v3 =	vld [tilespmem:$0x1FF10];
	_ =	sdelay $0x5  }
0xb4: {  	v4 =	vld [tilespmem:$0x1FF00];
	_ =	sdelay $0x1  }
0xb5: {  	v3 =	vld.idx.msk [tilespmem:v3+s1+$0x0], $0xffff;
	_ =	sdelay $0x4  }
0xb6: {  	v3 =	vshll.u32 v3, $0x3  }
0xb7: {  	v4 =	vld.idx.msk [tilespmem:v4+s15+$0x0], $0xffff;
	v3 =	vor.u32 v2, v3;
	_ =	sdelay $0x4  }
0xb8: {  	[tilespmem:v3+s11+$0x0] =	vst.idx.add.f32.msk $0xffff, v4  }
0xb9: {  	v3 =	vld [tilespmem:$0x1FF30];
	_ =	sdelay $0x5  }
0xba: {  	v4 =	vld [tilespmem:$0x1FF20];
	_ =	sdelay $0x1  }
0xbb: {  	v3 =	vld.idx.msk [tilespmem:v3+s1+$0x0], $0xffff;
	_ =	sdelay $0x4  }
0xbc: {  	v3 =	vshll.u32 v3, $0x3  }
0xbd: {  	v4 =	vld.idx.msk [tilespmem:v4+s15+$0x0], $0xffff;
	v3 =	vor.u32 v2, v3;
	_ =	sdelay $0x4  }
0xbe: {  	[tilespmem:v3+s11+$0x0] =	vst.idx.add.f32.msk $0xffff, v4  }
0xbf: {  	v3 =	vld [tilespmem:$0x1FF50];
	_ =	sdelay $0x5  }
0xc0: {  	v4 =	vld [tilespmem:$0x1FF40];
	_ =	sdelay $0x1  }
0xc1: {  	v3 =	vld.idx.msk [tilespmem:v3+s1+$0x0], $0xffff;
	_ =	sdelay $0x4  }
0xc2: {  	v3 =	vshll.u32 v3, $0x3  }
0xc3: {  	v4 =	vld.idx.msk [tilespmem:v4+s15+$0x0], $0xffff;
	v3 =	vor.u32 v2, v3;
	_ =	sdelay $0x4  }
0xc4: {  	[tilespmem:v3+s11+$0x0] =	vst.idx.add.f32.msk $0xffff, v4  }
0xc5: {  	v3 =	vld [tilespmem:$0x1FF70];
	_ =	sdelay $0x5  }
0xc6: {  	v4 =	vld [tilespmem:$0x1FF60];
	_ =	sdelay $0x1  }
0xc7: {  	v3 =	vld.idx.msk [tilespmem:v3+s1+$0x0], $0xffff;
	_ =	sdelay $0x4  }
0xc8: {  	v3 =	vshll.u32 v3, $0x3  }
0xc9: {  	v4 =	vld.idx.msk [tilespmem:v4+s15+$0x0], $0xffff;
	v3 =	vor.u32 v2, v3;
	_ =	sdelay $0x4  }
0xca: {  	[tilespmem:v3+s11+$0x0] =	vst.idx.add.f32.msk $0xffff, v4  }
0xcb: {  	v3 =	vld [tilespmem:$0x1FF90];
	_ =	sdelay $0x5  }
0xcc: {  	v4 =	vld [tilespmem:$0x1FF80];
	_ =	sdelay $0x1  }
0xcd: {  	v3 =	vld.idx.msk [tilespmem:v3+s1+$0x0], $0xffff;
	_ =	sdelay $0x4  }
0xce: {  	v3 =	vshll.u32 v3, $0x3  }
0xcf: {  	v4 =	vld.idx.msk [tilespmem:v4+s15+$0x0], $0xffff;
	v3 =	vor.u32 v2, v3;
	_ =	sdelay $0x4  }
0xd0: {  	[tilespmem:v3+s11+$0x0] =	vst.idx.add.f32.msk $0xffff, v4  }
0xd1: {  	v3 =	vld [tilespmem:$0x1FFB0];
	_ =	sdelay $0x5  }
0xd2: {  	v4 =	vld [tilespmem:$0x1FFA0];
	_ =	sdelay $0x1  }
0xd3: {  	v3 =	vld.idx.msk [tilespmem:v3+s1+$0x0], $0xffff;
	_ =	sdelay $0x4  }
0xd4: {  	v3 =	vshll.u32 v3, $0x3  }
0xd5: {  	v4 =	vld.idx.msk [tilespmem:v4+s15+$0x0], $0xffff;
	v3 =	vor.u32 v2, v3;
	_ =	sdelay $0x4  }
0xd6: {  	[tilespmem:v3+s11+$0x0] =	vst.idx.add.f32.msk $0xffff, v4  }
0xd7: {  	v3 =	vld [tilespmem:$0x1FFD0];
	_ =	sdelay $0x5  }
0xd8: {  	v4 =	vld [tilespmem:$0x1FFC0];
	_ =	sdelay $0x1  }
0xd9: {  	v3 =	vld.idx.msk [tilespmem:v3+s1+$0x0], $0xffff;
	_ =	sdelay $0x4  }
0xda: {  	v3 =	vshll.u32 v3, $0x3  }
0xdb: {  	v4 =	vld.idx.msk [tilespmem:v4+s15+$0x0], $0xffff;
	v3 =	vor.u32 v2, v3;
	_ =	sdelay $0x2  }
0xdc: {  	v5 =	vor.u32 $0x3E, v1;
	_ =	sdelay $0x1  }
0xdd: {  	[tilespmem:v3+s11+$0x0] =	vst.idx.add.f32.msk $0xffff, v4  }
0xde: {  	v4 =	vld [tilespmem:$0x1FFE0];
	_ =	sdelay $0x1  }
0xdf: {  	v3 =	vld.idx.msk [tilespmem:v5+s1+$0x0], $0xffff;
	_ =	sdelay $0x4  }
0xe0: {  	v3 =	vshll.u32 v3, $0x3  }
0xe1: {  	v3 =	vor.u32 v2, v3;
	v4 =	vld.idx.msk [tilespmem:v4+s15+$0x0], $0xffff  }
0xe2: {  	[tilespmem:$0x1F740] =	vst v5;
	v5 =	vor.u32 $0x40, v1;
	_ =	sdelay $0x3  }
0xe3: {  	[tilespmem:v3+s11+$0x0] =	vst.idx.add.f32.msk $0xffff, v4  }
0xe4: {  	v3 =	vld.idx.msk [tilespmem:v5+s1+$0x0], $0xffff  }
0xe5: {  	v4 =	vor.u32 $0x200, v0;
	_ =	sdelay $0x3  }
0xe6: {  	v3 =	vshll.u32 v3, $0x3  }
0xe7: {  	[tilespmem:$0x1F760] =	vst v4;
	v4 =	vld.idx.msk [tilespmem:v4+s15+$0x0], $0xffff;
	v3 =	vor.u32 v2, v3  }
0xe8: {  	[tilespmem:$0x1F750] =	vst v5;
	v5 =	vor.u32 $0x42, v1;
	_ =	sdelay $0x3  }
0xe9: {  	[tilespmem:v3+s11+$0x0] =	vst.idx.add.f32.msk $0xffff, v4  }
0xea: {  	v3 =	vld.idx.msk [tilespmem:v5+s1+$0x0], $0xffff  }
0xeb: {  	v4 =	vor.u32 $0x210, v0;
	_ =	sdelay $0x3  }
0xec: {  	v3 =	vshll.u32 v3, $0x3  }
0xed: {  	[tilespmem:$0x1F780] =	vst v4;
	v4 =	vld.idx.msk [tilespmem:v4+s15+$0x0], $0xffff;
	v3 =	vor.u32 v2, v3  }
0xee: {  	[tilespmem:$0x1F770] =	vst v5;
	v5 =	vor.u32 $0x44, v1;
	_ =	sdelay $0x3  }
0xef: {  	[tilespmem:v3+s11+$0x0] =	vst.idx.add.f32.msk $0xffff, v4  }
0xf0: {  	v3 =	vld.idx.msk [tilespmem:v5+s1+$0x0], $0xffff  }
0xf1: {  	v4 =	vor.u32 $0x220, v0;
	_ =	sdelay $0x3  }
0xf2: {  	v3 =	vshll.u32 v3, $0x3  }
0xf3: {  	[tilespmem:$0x1F7A0] =	vst v4;
	v4 =	vld.idx.msk [tilespmem:v4+s15+$0x0], $0xffff;
	v3 =	vor.u32 v2, v3  }
0xf4: {  	[tilespmem:$0x1F790] =	vst v5;
	v5 =	vor.u32 $0x46, v1;
	_ =	sdelay $0x3  }
0xf5: {  	[tilespmem:v3+s11+$0x0] =	vst.idx.add.f32.msk $0xffff, v4  }
0xf6: {  	v3 =	vld.idx.msk [tilespmem:v5+s1+$0x0], $0xffff  }
0xf7: {  	v4 =	vor.u32 $0x230, v0;
	_ =	sdelay $0x3  }
0xf8: {  	v3 =	vshll.u32 v3, $0x3  }
0xf9: {  	[tilespmem:$0x1F7C0] =	vst v4;
	v4 =	vld.idx.msk [tilespmem:v4+s15+$0x0], $0xffff;
	v3 =	vor.u32 v2, v3  }
0xfa: {  	[tilespmem:$0x1F7B0] =	vst v5;
	v5 =	vor.u32 $0x48, v1;
	_ =	sdelay $0x3  }
0xfb: {  	[tilespmem:v3+s11+$0x0] =	vst.idx.add.f32.msk $0xffff, v4  }
0xfc: {  	v3 =	vld.idx.msk [tilespmem:v5+s1+$0x0], $0xffff  }
0xfd: {  	v4 =	vor.u32 $0x240, v0;
	_ =	sdelay $0x3  }
0xfe: {  	v3 =	vshll.u32 v3, $0x3  }
0xff: {  	[tilespmem:$0x1F7E0] =	vst v4;
	v4 =	vld.idx.msk [tilespmem:v4+s15+$0x0], $0xffff;
	v3 =	vor.u32 v2, v3  }
0x100: {  	[tilespmem:$0x1F7D0] =	vst v5;
	v5 =	vor.u32 $0x4A, v1;
	_ =	sdelay $0x3  }
0x101: {  	[tilespmem:v3+s11+$0x0] =	vst.idx.add.f32.msk $0xffff, v4  }
0x102: {  	v3 =	vld.idx.msk [tilespmem:v5+s1+$0x0], $0xffff  }
0x103: {  	v4 =	vor.u32 $0x250, v0;
	_ =	sdelay $0x3  }
0x104: {  	v3 =	vshll.u32 v3, $0x3  }
0x105: {  	[tilespmem:$0x1F800] =	vst v4;
	v4 =	vld.idx.msk [tilespmem:v4+s15+$0x0], $0xffff;
	v3 =	vor.u32 v2, v3  }
0x106: {  	[tilespmem:$0x1F7F0] =	vst v5;
	v5 =	vor.u32 $0x4C, v1;
	_ =	sdelay $0x3  }
0x107: {  	[tilespmem:v3+s11+$0x0] =	vst.idx.add.f32.msk $0xffff, v4  }
0x108: {  	v3 =	vld.idx.msk [tilespmem:v5+s1+$0x0], $0xffff  }
0x109: {  	v4 =	vor.u32 $0x260, v0;
	_ =	sdelay $0x3  }
0x10a: {  	v3 =	vshll.u32 v3, $0x3  }
0x10b: {  	[tilespmem:$0x1F820] =	vst v4;
	v4 =	vld.idx.msk [tilespmem:v4+s15+$0x0], $0xffff;
	v3 =	vor.u32 v2, v3  }
0x10c: {  	[tilespmem:$0x1F810] =	vst v5;
	v5 =	vor.u32 $0x4E, v1;
	_ =	sdelay $0x3  }
0x10d: {  	[tilespmem:v3+s11+$0x0] =	vst.idx.add.f32.msk $0xffff, v4  }
0x10e: {  	v3 =	vld.idx.msk [tilespmem:v5+s1+$0x0], $0xffff  }
0x10f: {  	v4 =	vor.u32 $0x270, v0;
	_ =	sdelay $0x3  }
0x110: {  	v3 =	vshll.u32 v3, $0x3  }
0x111: {  	[tilespmem:$0x1F840] =	vst v4;
	v4 =	vld.idx.msk [tilespmem:v4+s15+$0x0], $0xffff;
	v3 =	vor.u32 v2, v3  }
0x112: {  	[tilespmem:$0x1F830] =	vst v5;
	v5 =	vor.u32 $0x50, v1;
	_ =	sdelay $0x3  }
0x113: {  	[tilespmem:v3+s11+$0x0] =	vst.idx.add.f32.msk $0xffff, v4  }
0x114: {  	v3 =	vld.idx.msk [tilespmem:v5+s1+$0x0], $0xffff  }
0x115: {  	v4 =	vor.u32 $0x280, v0;
	_ =	sdelay $0x3  }
0x116: {  	v3 =	vshll.u32 v3, $0x3  }
0x117: {  	[tilespmem:$0x1F860] =	vst v4;
	v4 =	vld.idx.msk [tilespmem:v4+s15+$0x0], $0xffff;
	v3 =	vor.u32 v2, v3  }
0x118: {  	[tilespmem:$0x1F850] =	vst v5;
	v5 =	vor.u32 $0x52, v1;
	_ =	sdelay $0x3  }
0x119: {  	[tilespmem:v3+s11+$0x0] =	vst.idx.add.f32.msk $0xffff, v4  }
0x11a: {  	v3 =	vld.idx.msk [tilespmem:v5+s1+$0x0], $0xffff  }
0x11b: {  	v4 =	vor.u32 $0x290, v0;
	_ =	sdelay $0x3  }
0x11c: {  	v3 =	vshll.u32 v3, $0x3  }
0x11d: {  	[tilespmem:$0x1F880] =	vst v4;
	v4 =	vld.idx.msk [tilespmem:v4+s15+$0x0], $0xffff;
	v3 =	vor.u32 v2, v3  }
0x11e: {  	[tilespmem:$0x1F870] =	vst v5;
	v5 =	vor.u32 $0x54, v1;
	_ =	sdelay $0x3  }
0x11f: {  	[tilespmem:v3+s11+$0x0] =	vst.idx.add.f32.msk $0xffff, v4  }
0x120: {  	v3 =	vld.idx.msk [tilespmem:v5+s1+$0x0], $0xffff  }
0x121: {  	v4 =	vor.u32 $0x2A0, v0;
	_ =	sdelay $0x3  }
0x122: {  	v3 =	vshll.u32 v3, $0x3  }
0x123: {  	[tilespmem:$0x1F8A0] =	vst v4;
	v4 =	vld.idx.msk [tilespmem:v4+s15+$0x0], $0xffff;
	v3 =	vor.u32 v2, v3  }
0x124: {  	[tilespmem:$0x1F890] =	vst v5;
	v5 =	vor.u32 $0x56, v1;
	_ =	sdelay $0x3  }
0x125: {  	[tilespmem:v3+s11+$0x0] =	vst.idx.add.f32.msk $0xffff, v4  }
0x126: {  	v3 =	vld.idx.msk [tilespmem:v5+s1+$0x0], $0xffff  }
0x127: {  	v4 =	vor.u32 $0x2B0, v0;
	_ =	sdelay $0x3  }
0x128: {  	v3 =	vshll.u32 v3, $0x3  }
0x129: {  	[tilespmem:$0x1F8C0] =	vst v4;
	v4 =	vld.idx.msk [tilespmem:v4+s15+$0x0], $0xffff;
	v3 =	vor.u32 v2, v3  }
0x12a: {  	[tilespmem:$0x1F8B0] =	vst v5;
	v5 =	vor.u32 $0x58, v1;
	_ =	sdelay $0x3  }
0x12b: {  	[tilespmem:v3+s11+$0x0] =	vst.idx.add.f32.msk $0xffff, v4  }
0x12c: {  	v3 =	vld.idx.msk [tilespmem:v5+s1+$0x0], $0xffff  }
0x12d: {  	v4 =	vor.u32 $0x2C0, v0;
	_ =	sdelay $0x3  }
0x12e: {  	v3 =	vshll.u32 v3, $0x3  }
0x12f: {  	[tilespmem:$0x1F8E0] =	vst v4;
	v4 =	vld.idx.msk [tilespmem:v4+s15+$0x0], $0xffff;
	v3 =	vor.u32 v2, v3  }
0x130: {  	[tilespmem:$0x1F8D0] =	vst v5;
	v5 =	vor.u32 $0x5A, v1;
	_ =	sdelay $0x3  }
0x131: {  	[tilespmem:v3+s11+$0x0] =	vst.idx.add.f32.msk $0xffff, v4  }
0x132: {  	v3 =	vld.idx.msk [tilespmem:v5+s1+$0x0], $0xffff  }
0x133: {  	v4 =	vor.u32 $0x2D0, v0;
	_ =	sdelay $0x3  }
0x134: {  	v3 =	vshll.u32 v3, $0x3  }
0x135: {  	[tilespmem:$0x1F900] =	vst v4;
	v4 =	vld.idx.msk [tilespmem:v4+s15+$0x0], $0xffff;
	v3 =	vor.u32 v2, v3  }
0x136: {  	[tilespmem:$0x1F8F0] =	vst v5;
	v5 =	vor.u32 $0x5C, v1;
	_ =	sdelay $0x3  }
0x137: {  	[tilespmem:v3+s11+$0x0] =	vst.idx.add.f32.msk $0xffff, v4  }
0x138: {  	v3 =	vld.idx.msk [tilespmem:v5+s1+$0x0], $0xffff  }
0x139: {  	v4 =	vor.u32 $0x2E0, v0;
	_ =	sdelay $0x3  }
0x13a: {  	v3 =	vshll.u32 v3, $0x3  }
0x13b: {  	[tilespmem:$0x1F920] =	vst v4;
	v4 =	vld.idx.msk [tilespmem:v4+s15+$0x0], $0xffff;
	v3 =	vor.u32 v2, v3  }
0x13c: {  	[tilespmem:$0x1F910] =	vst v5;
	v5 =	vor.u32 $0x5E, v1;
	_ =	sdelay $0x3  }
0x13d: {  	[tilespmem:v3+s11+$0x0] =	vst.idx.add.f32.msk $0xffff, v4  }
0x13e: {  	v3 =	vld.idx.msk [tilespmem:v5+s1+$0x0], $0xffff  }
0x13f: {  	v4 =	vor.u32 $0x2F0, v0;
	_ =	sdelay $0x3  }
0x140: {  	v3 =	vshll.u32 v3, $0x3  }
0x141: {  	[tilespmem:$0x1F940] =	vst v4;
	v4 =	vld.idx.msk [tilespmem:v4+s15+$0x0], $0xffff;
	v3 =	vor.u32 v2, v3  }
0x142: {  	[tilespmem:$0x1F930] =	vst v5;
	v5 =	vor.u32 $0x60, v1;
	_ =	sdelay $0x3  }
0x143: {  	[tilespmem:v3+s11+$0x0] =	vst.idx.add.f32.msk $0xffff, v4  }
0x144: {  	v3 =	vld.idx.msk [tilespmem:v5+s1+$0x0], $0xffff  }
0x145: {  	v4 =	vor.u32 $0x300, v0;
	_ =	sdelay $0x3  }
0x146: {  	v3 =	vshll.u32 v3, $0x3  }
0x147: {  	[tilespmem:$0x1F960] =	vst v4;
	v4 =	vld.idx.msk [tilespmem:v4+s15+$0x0], $0xffff;
	v3 =	vor.u32 v2, v3  }
0x148: {  	[tilespmem:$0x1F950] =	vst v5;
	v5 =	vor.u32 $0x62, v1;
	_ =	sdelay $0x3  }
0x149: {  	[tilespmem:v3+s11+$0x0] =	vst.idx.add.f32.msk $0xffff, v4  }
0x14a: {  	v3 =	vld.idx.msk [tilespmem:v5+s1+$0x0], $0xffff  }
0x14b: {  	v4 =	vor.u32 $0x310, v0;
	_ =	sdelay $0x3  }
0x14c: {  	v3 =	vshll.u32 v3, $0x3  }
0x14d: {  	[tilespmem:$0x1F980] =	vst v4;
	v4 =	vld.idx.msk [tilespmem:v4+s15+$0x0], $0xffff;
	v3 =	vor.u32 v2, v3  }
0x14e: {  	[tilespmem:$0x1F970] =	vst v5;
	v5 =	vor.u32 $0x64, v1;
	_ =	sdelay $0x3  }
0x14f: {  	[tilespmem:v3+s11+$0x0] =	vst.idx.add.f32.msk $0xffff, v4  }
0x150: {  	v3 =	vld.idx.msk [tilespmem:v5+s1+$0x0], $0xffff  }
0x151: {  	v4 =	vor.u32 $0x320, v0;
	_ =	sdelay $0x3  }
0x152: {  	v3 =	vshll.u32 v3, $0x3  }
0x153: {  	[tilespmem:$0x1F9A0] =	vst v4;
	v4 =	vld.idx.msk [tilespmem:v4+s15+$0x0], $0xffff;
	v3 =	vor.u32 v2, v3  }
0x154: {  	[tilespmem:$0x1F990] =	vst v5;
	v5 =	vor.u32 $0x66, v1;
	_ =	sdelay $0x3  }
0x155: {  	[tilespmem:v3+s11+$0x0] =	vst.idx.add.f32.msk $0xffff, v4  }
0x156: {  	v3 =	vld.idx.msk [tilespmem:v5+s1+$0x0], $0xffff  }
0x157: {  	v4 =	vor.u32 $0x330, v0;
	_ =	sdelay $0x3  }
0x158: {  	v3 =	vshll.u32 v3, $0x3  }
0x159: {  	[tilespmem:$0x1F9C0] =	vst v4;
	v4 =	vld.idx.msk [tilespmem:v4+s15+$0x0], $0xffff;
	v3 =	vor.u32 v2, v3  }
0x15a: {  	[tilespmem:$0x1F9B0] =	vst v5;
	v5 =	vor.u32 $0x68, v1;
	_ =	sdelay $0x3  }
0x15b: {  	[tilespmem:v3+s11+$0x0] =	vst.idx.add.f32.msk $0xffff, v4  }
0x15c: {  	v3 =	vld.idx.msk [tilespmem:v5+s1+$0x0], $0xffff  }
0x15d: {  	v4 =	vor.u32 $0x340, v0;
	_ =	sdelay $0x3  }
0x15e: {  	v3 =	vshll.u32 v3, $0x3  }
0x15f: {  	[tilespmem:$0x1F9E0] =	vst v4;
	v4 =	vld.idx.msk [tilespmem:v4+s15+$0x0], $0xffff;
	v3 =	vor.u32 v2, v3  }
0x160: {  	[tilespmem:$0x1F9D0] =	vst v5;
	v5 =	vor.u32 $0x6A, v1;
	_ =	sdelay $0x3  }
0x161: {  	[tilespmem:v3+s11+$0x0] =	vst.idx.add.f32.msk $0xffff, v4  }
0x162: {  	v3 =	vld.idx.msk [tilespmem:v5+s1+$0x0], $0xffff  }
0x163: {  	v4 =	vor.u32 $0x350, v0;
	_ =	sdelay $0x3  }
0x164: {  	v3 =	vshll.u32 v3, $0x3  }
0x165: {  	[tilespmem:$0x1FA00] =	vst v4;
	v4 =	vld.idx.msk [tilespmem:v4+s15+$0x0], $0xffff;
	v3 =	vor.u32 v2, v3  }
0x166: {  	[tilespmem:$0x1F9F0] =	vst v5;
	v5 =	vor.u32 $0x6C, v1;
	_ =	sdelay $0x3  }
0x167: {  	[tilespmem:v3+s11+$0x0] =	vst.idx.add.f32.msk $0xffff, v4  }
0x168: {  	v3 =	vld.idx.msk [tilespmem:v5+s1+$0x0], $0xffff  }
0x169: {  	v4 =	vor.u32 $0x360, v0;
	_ =	sdelay $0x3  }
0x16a: {  	v3 =	vshll.u32 v3, $0x3  }
0x16b: {  	[tilespmem:$0x1FA20] =	vst v4;
	v4 =	vld.idx.msk [tilespmem:v4+s15+$0x0], $0xffff;
	v3 =	vor.u32 v2, v3  }
0x16c: {  	[tilespmem:$0x1FA10] =	vst v5;
	v5 =	vor.u32 $0x6E, v1;
	_ =	sdelay $0x3  }
0x16d: {  	[tilespmem:v3+s11+$0x0] =	vst.idx.add.f32.msk $0xffff, v4  }
0x16e: {  	v3 =	vld.idx.msk [tilespmem:v5+s1+$0x0], $0xffff  }
0x16f: {  	v4 =	vor.u32 $0x370, v0;
	_ =	sdelay $0x3  }
0x170: {  	v3 =	vshll.u32 v3, $0x3  }
0x171: {  	[tilespmem:$0x1FA40] =	vst v4;
	v4 =	vld.idx.msk [tilespmem:v4+s15+$0x0], $0xffff;
	v3 =	vor.u32 v2, v3  }
0x172: {  	[tilespmem:$0x1FA30] =	vst v5;
	v5 =	vor.u32 $0x70, v1;
	_ =	sdelay $0x3  }
0x173: {  	[tilespmem:v3+s11+$0x0] =	vst.idx.add.f32.msk $0xffff, v4  }
0x174: {  	v3 =	vld.idx.msk [tilespmem:v5+s1+$0x0], $0xffff  }
0x175: {  	v4 =	vor.u32 $0x380, v0;
	_ =	sdelay $0x3  }
0x176: {  	v3 =	vshll.u32 v3, $0x3  }
0x177: {  	[tilespmem:$0x1FA60] =	vst v4;
	v4 =	vld.idx.msk [tilespmem:v4+s15+$0x0], $0xffff;
	v3 =	vor.u32 v2, v3  }
0x178: {  	[tilespmem:$0x1FA50] =	vst v5;
	v5 =	vor.u32 $0x72, v1;
	_ =	sdelay $0x3  }
0x179: {  	[tilespmem:v3+s11+$0x0] =	vst.idx.add.f32.msk $0xffff, v4  }
0x17a: {  	v3 =	vld.idx.msk [tilespmem:v5+s1+$0x0], $0xffff  }
0x17b: {  	v4 =	vor.u32 $0x390, v0;
	_ =	sdelay $0x3  }
0x17c: {  	v3 =	vshll.u32 v3, $0x3  }
0x17d: {  	[tilespmem:$0x1FA80] =	vst v4;
	v4 =	vld.idx.msk [tilespmem:v4+s15+$0x0], $0xffff;
	v3 =	vor.u32 v2, v3  }
0x17e: {  	[tilespmem:$0x1FA70] =	vst v5;
	v5 =	vor.u32 $0x74, v1;
	_ =	sdelay $0x3  }
0x17f: {  	[tilespmem:v3+s11+$0x0] =	vst.idx.add.f32.msk $0xffff, v4  }
0x180: {  	v3 =	vld.idx.msk [tilespmem:v5+s1+$0x0], $0xffff  }
0x181: {  	v4 =	vor.u32 $0x3A0, v0;
	_ =	sdelay $0x3  }
0x182: {  	v3 =	vshll.u32 v3, $0x3  }
0x183: {  	[tilespmem:$0x1FAA0] =	vst v4;
	v4 =	vld.idx.msk [tilespmem:v4+s15+$0x0], $0xffff;
	v3 =	vor.u32 v2, v3  }
0x184: {  	[tilespmem:$0x1FA90] =	vst v5;
	v5 =	vor.u32 $0x76, v1;
	_ =	sdelay $0x3  }
0x185: {  	[tilespmem:v3+s11+$0x0] =	vst.idx.add.f32.msk $0xffff, v4  }
0x186: {  	v3 =	vld.idx.msk [tilespmem:v5+s1+$0x0], $0xffff  }
0x187: {  	v4 =	vor.u32 $0x3B0, v0;
	_ =	sdelay $0x3  }
0x188: {  	v3 =	vshll.u32 v3, $0x3  }
0x189: {  	[tilespmem:$0x1FAC0] =	vst v4;
	v4 =	vld.idx.msk [tilespmem:v4+s15+$0x0], $0xffff;
	v3 =	vor.u32 v2, v3  }
0x18a: {  	[tilespmem:$0x1FAB0] =	vst v5;
	v5 =	vor.u32 $0x78, v1;
	_ =	sdelay $0x3  }
0x18b: {  	[tilespmem:v3+s11+$0x0] =	vst.idx.add.f32.msk $0xffff, v4  }
0x18c: {  	v3 =	vld.idx.msk [tilespmem:v5+s1+$0x0], $0xffff  }
0x18d: {  	v4 =	vor.u32 $0x3C0, v0;
	_ =	sdelay $0x3  }
0x18e: {  	v3 =	vshll.u32 v3, $0x3  }
0x18f: {  	[tilespmem:$0x1FAE0] =	vst v4;
	v4 =	vld.idx.msk [tilespmem:v4+s15+$0x0], $0xffff;
	v3 =	vor.u32 v2, v3  }
0x190: {  	[tilespmem:$0x1FAD0] =	vst v5;
	v5 =	vor.u32 $0x7A, v1;
	_ =	sdelay $0x3  }
0x191: {  	[tilespmem:v3+s11+$0x0] =	vst.idx.add.f32.msk $0xffff, v4  }
0x192: {  	v3 =	vld.idx.msk [tilespmem:v5+s1+$0x0], $0xffff  }
0x193: {  	v4 =	vor.u32 $0x3D0, v0;
	_ =	sdelay $0x3  }
0x194: {  	v3 =	vshll.u32 v3, $0x3  }
0x195: {  	[tilespmem:$0x1FB00] =	vst v4;
	v4 =	vld.idx.msk [tilespmem:v4+s15+$0x0], $0xffff;
	v3 =	vor.u32 v2, v3  }
0x196: {  	[tilespmem:$0x1FAF0] =	vst v5;
	v5 =	vor.u32 $0x7C, v1;
	_ =	sdelay $0x3  }
0x197: {  	[tilespmem:v3+s11+$0x0] =	vst.idx.add.f32.msk $0xffff, v4  }
0x198: {  	v3 =	vld.idx.msk [tilespmem:v5+s1+$0x0], $0xffff  }
0x199: {  	v4 =	vor.u32 $0x3E0, v0;
	_ =	sdelay $0x3  }
0x19a: {  	v3 =	vshll.u32 v3, $0x3  }
0x19b: {  	[tilespmem:$0x1FB20] =	vst v4;
	v4 =	vld.idx.msk [tilespmem:v4+s15+$0x0], $0xffff;
	v3 =	vor.u32 v2, v3  }
0x19c: {  	[tilespmem:$0x1FB10] =	vst v5;
	v5 =	vor.u32 $0x7E, v1;
	_ =	sdelay $0x3  }
0x19d: {  	[tilespmem:v3+s11+$0x0] =	vst.idx.add.f32.msk $0xffff, v4  }
0x19e: {  	v3 =	vld.idx.msk [tilespmem:v5+s1+$0x0], $0xffff  }
0x19f: {  	v4 =	vor.u32 $0x3F0, v0;
	_ =	sdelay $0x3  }
0x1a0: {  	v3 =	vshll.u32 v3, $0x3  }
0x1a1: {  	[tilespmem:$0x1FB40] =	vst v4;
	v4 =	vld.idx.msk [tilespmem:v4+s15+$0x0], $0xffff;
	v3 =	vor.u32 v2, v3  }
0x1a2: {  	[tilespmem:$0x1FB30] =	vst v5;
	v5 =	vor.u32 $0x80, v1;
	_ =	sdelay $0x3  }
0x1a3: {  	[tilespmem:v3+s11+$0x0] =	vst.idx.add.f32.msk $0xffff, v4  }
0x1a4: {  	v3 =	vld.idx.msk [tilespmem:v5+s1+$0x0], $0xffff  }
0x1a5: {  	v4 =	vor.u32 $0x400, v0;
	_ =	sdelay $0x3  }
0x1a6: {  	v3 =	vshll.u32 v3, $0x3  }
0x1a7: {  	[tilespmem:$0x1FB60] =	vst v4;
	v4 =	vld.idx.msk [tilespmem:v4+s15+$0x0], $0xffff;
	v3 =	vor.u32 v2, v3  }
0x1a8: {  	[tilespmem:$0x1FB50] =	vst v5;
	v5 =	vor.u32 $0x82, v1;
	_ =	sdelay $0x3  }
0x1a9: {  	[tilespmem:v3+s11+$0x0] =	vst.idx.add.f32.msk $0xffff, v4  }
0x1aa: {  	v3 =	vld.idx.msk [tilespmem:v5+s1+$0x0], $0xffff  }
0x1ab: {  	v4 =	vor.u32 $0x410, v0;
	_ =	sdelay $0x3  }
0x1ac: {  	v3 =	vshll.u32 v3, $0x3  }
0x1ad: {  	[tilespmem:$0x1FB80] =	vst v4;
	v4 =	vld.idx.msk [tilespmem:v4+s15+$0x0], $0xffff;
	v3 =	vor.u32 v2, v3  }
0x1ae: {  	[tilespmem:$0x1FB70] =	vst v5;
	v5 =	vor.u32 $0x84, v1;
	_ =	sdelay $0x3  }
0x1af: {  	[tilespmem:v3+s11+$0x0] =	vst.idx.add.f32.msk $0xffff, v4  }
0x1b0: {  	v3 =	vld.idx.msk [tilespmem:v5+s1+$0x0], $0xffff  }
0x1b1: {  	v4 =	vor.u32 $0x420, v0;
	_ =	sdelay $0x3  }
0x1b2: {  	v3 =	vshll.u32 v3, $0x3  }
0x1b3: {  	[tilespmem:$0x1FBA0] =	vst v4;
	v4 =	vld.idx.msk [tilespmem:v4+s15+$0x0], $0xffff;
	v3 =	vor.u32 v2, v3  }
0x1b4: {  	[tilespmem:$0x1FB90] =	vst v5;
	v5 =	vor.u32 $0x86, v1;
	_ =	sdelay $0x3  }
0x1b5: {  	[tilespmem:v3+s11+$0x0] =	vst.idx.add.f32.msk $0xffff, v4  }
0x1b6: {  	v3 =	vld.idx.msk [tilespmem:v5+s1+$0x0], $0xffff  }
0x1b7: {  	v4 =	vor.u32 $0x430, v0;
	_ =	sdelay $0x3  }
0x1b8: {  	v3 =	vshll.u32 v3, $0x3  }
0x1b9: {  	[tilespmem:$0x1FBC0] =	vst v4;
	v4 =	vld.idx.msk [tilespmem:v4+s15+$0x0], $0xffff;
	v3 =	vor.u32 v2, v3  }
0x1ba: {  	[tilespmem:$0x1FBB0] =	vst v5;
	v5 =	vor.u32 $0x88, v1;
	_ =	sdelay $0x3  }
0x1bb: {  	[tilespmem:v3+s11+$0x0] =	vst.idx.add.f32.msk $0xffff, v4  }
0x1bc: {  	v3 =	vld.idx.msk [tilespmem:v5+s1+$0x0], $0xffff  }
0x1bd: {  	v4 =	vor.u32 $0x440, v0;
	_ =	sdelay $0x3  }
0x1be: {  	v3 =	vshll.u32 v3, $0x3  }
0x1bf: {  	[tilespmem:$0x1FBE0] =	vst v4;
	v4 =	vld.idx.msk [tilespmem:v4+s15+$0x0], $0xffff;
	v3 =	vor.u32 v2, v3  }
0x1c0: {  	[tilespmem:$0x1FBD0] =	vst v5;
	v5 =	vor.u32 $0x8A, v1;
	_ =	sdelay $0x3  }
0x1c1: {  	[tilespmem:v3+s11+$0x0] =	vst.idx.add.f32.msk $0xffff, v4  }
0x1c2: {  	v3 =	vld.idx.msk [tilespmem:v5+s1+$0x0], $0xffff  }
0x1c3: {  	v4 =	vor.u32 $0x450, v0;
	_ =	sdelay $0x3  }
0x1c4: {  	v3 =	vshll.u32 v3, $0x3  }
0x1c5: {  	[tilespmem:$0x1FC00] =	vst v4;
	v4 =	vld.idx.msk [tilespmem:v4+s15+$0x0], $0xffff;
	v3 =	vor.u32 v2, v3  }
0x1c6: {  	[tilespmem:$0x1FBF0] =	vst v5;
	v5 =	vor.u32 $0x8C, v1;
	_ =	sdelay $0x3  }
0x1c7: {  	[tilespmem:v3+s11+$0x0] =	vst.idx.add.f32.msk $0xffff, v4  }
0x1c8: {  	v3 =	vld.idx.msk [tilespmem:v5+s1+$0x0], $0xffff  }
0x1c9: {  	v4 =	vor.u32 $0x460, v0;
	_ =	sdelay $0x3  }
0x1ca: {  	v3 =	vshll.u32 v3, $0x3  }
0x1cb: {  	[tilespmem:$0x1FC20] =	vst v4;
	v4 =	vld.idx.msk [tilespmem:v4+s15+$0x0], $0xffff;
	v3 =	vor.u32 v2, v3  }
0x1cc: {  	[tilespmem:$0x1FC10] =	vst v5;
	v5 =	vor.u32 $0x8E, v1;
	_ =	sdelay $0x3  }
0x1cd: {  	[tilespmem:v3+s11+$0x0] =	vst.idx.add.f32.msk $0xffff, v4  }
0x1ce: {  	v3 =	vld.idx.msk [tilespmem:v5+s1+$0x0], $0xffff  }
0x1cf: {  	v4 =	vor.u32 $0x470, v0;
	_ =	sdelay $0x3  }
0x1d0: {  	v3 =	vshll.u32 v3, $0x3  }
0x1d1: {  	[tilespmem:$0x1FC40] =	vst v4;
	v4 =	vld.idx.msk [tilespmem:v4+s15+$0x0], $0xffff;
	v3 =	vor.u32 v2, v3  }
0x1d2: {  	[tilespmem:$0x1FC30] =	vst v5;
	v5 =	vor.u32 $0x90, v1;
	_ =	sdelay $0x3  }
0x1d3: {  	[tilespmem:v3+s11+$0x0] =	vst.idx.add.f32.msk $0xffff, v4  }
0x1d4: {  	v3 =	vld.idx.msk [tilespmem:v5+s1+$0x0], $0xffff  }
0x1d5: {  	v4 =	vor.u32 $0x480, v0;
	_ =	sdelay $0x3  }
0x1d6: {  	v3 =	vshll.u32 v3, $0x3  }
0x1d7: {  	[tilespmem:$0x1FC60] =	vst v4;
	v4 =	vld.idx.msk [tilespmem:v4+s15+$0x0], $0xffff;
	v3 =	vor.u32 v2, v3  }
0x1d8: {  	[tilespmem:$0x1FC50] =	vst v5;
	v5 =	vor.u32 $0x92, v1;
	_ =	sdelay $0x3  }
0x1d9: {  	[tilespmem:v3+s11+$0x0] =	vst.idx.add.f32.msk $0xffff, v4  }
0x1da: {  	v3 =	vld.idx.msk [tilespmem:v5+s1+$0x0], $0xffff  }
0x1db: {  	v4 =	vor.u32 $0x490, v0;
	_ =	sdelay $0x3  }
0x1dc: {  	v3 =	vshll.u32 v3, $0x3  }
0x1dd: {  	[tilespmem:$0x1FC80] =	vst v4;
	v4 =	vld.idx.msk [tilespmem:v4+s15+$0x0], $0xffff;
	v3 =	vor.u32 v2, v3  }
0x1de: {  	[tilespmem:$0x1FC70] =	vst v5;
	v5 =	vor.u32 $0x94, v1;
	_ =	sdelay $0x3  }
0x1df: {  	[tilespmem:v3+s11+$0x0] =	vst.idx.add.f32.msk $0xffff, v4  }
0x1e0: {  	v3 =	vld.idx.msk [tilespmem:v5+s1+$0x0], $0xffff  }
0x1e1: {  	v4 =	vor.u32 $0x4A0, v0;
	_ =	sdelay $0x3  }
0x1e2: {  	v3 =	vshll.u32 v3, $0x3  }
0x1e3: {  	[tilespmem:$0x1FCA0] =	vst v4;
	v4 =	vld.idx.msk [tilespmem:v4+s15+$0x0], $0xffff;
	v3 =	vor.u32 v2, v3  }
0x1e4: {  	[tilespmem:$0x1FC90] =	vst v5;
	v5 =	vor.u32 $0x96, v1;
	_ =	sdelay $0x3  }
0x1e5: {  	[tilespmem:v3+s11+$0x0] =	vst.idx.add.f32.msk $0xffff, v4  }
0x1e6: {  	v3 =	vld.idx.msk [tilespmem:v5+s1+$0x0], $0xffff  }
0x1e7: {  	v4 =	vor.u32 $0x4B0, v0;
	_ =	sdelay $0x3  }
0x1e8: {  	v3 =	vshll.u32 v3, $0x3  }
0x1e9: {  	[tilespmem:$0x1FCC0] =	vst v4;
	v4 =	vld.idx.msk [tilespmem:v4+s15+$0x0], $0xffff;
	v3 =	vor.u32 v2, v3  }
0x1ea: {  	[tilespmem:$0x1FCB0] =	vst v5;
	v5 =	vor.u32 $0x98, v1;
	_ =	sdelay $0x3  }
0x1eb: {  	[tilespmem:v3+s11+$0x0] =	vst.idx.add.f32.msk $0xffff, v4  }
0x1ec: {  	v3 =	vld.idx.msk [tilespmem:v5+s1+$0x0], $0xffff  }
0x1ed: {  	v4 =	vor.u32 $0x4C0, v0;
	_ =	sdelay $0x3  }
0x1ee: {  	v3 =	vshll.u32 v3, $0x3  }
0x1ef: {  	[tilespmem:$0x1FCE0] =	vst v4;
	v4 =	vld.idx.msk [tilespmem:v4+s15+$0x0], $0xffff;
	v3 =	vor.u32 v2, v3  }
0x1f0: {  	[tilespmem:$0x1FCD0] =	vst v5;
	v5 =	vor.u32 $0x9A, v1;
	_ =	sdelay $0x3  }
0x1f1: {  	[tilespmem:v3+s11+$0x0] =	vst.idx.add.f32.msk $0xffff, v4  }
0x1f2: {  	v3 =	vld.idx.msk [tilespmem:v5+s1+$0x0], $0xffff  }
0x1f3: {  	v4 =	vor.u32 $0x4D0, v0;
	_ =	sdelay $0x3  }
0x1f4: {  	v3 =	vshll.u32 v3, $0x3  }
0x1f5: {  	[tilespmem:$0x1FD00] =	vst v4;
	v4 =	vld.idx.msk [tilespmem:v4+s15+$0x0], $0xffff;
	v3 =	vor.u32 v2, v3  }
0x1f6: {  	[tilespmem:$0x1FCF0] =	vst v5;
	v5 =	vor.u32 $0x9C, v1;
	_ =	sdelay $0x3  }
0x1f7: {  	[tilespmem:v3+s11+$0x0] =	vst.idx.add.f32.msk $0xffff, v4  }
0x1f8: {  	v3 =	vld.idx.msk [tilespmem:v5+s1+$0x0], $0xffff  }
0x1f9: {  	v4 =	vor.u32 $0x4E0, v0;
	_ =	sdelay $0x3  }
0x1fa: {  	v3 =	vshll.u32 v3, $0x3  }
0x1fb: {  	[tilespmem:$0x1FD20] =	vst v4;
	v4 =	vld.idx.msk [tilespmem:v4+s15+$0x0], $0xffff;
	v3 =	vor.u32 v2, v3  }
0x1fc: {  	[tilespmem:$0x1FD10] =	vst v5;
	v5 =	vor.u32 $0x9E, v1;
	_ =	sdelay $0x3  }
0x1fd: {  	[tilespmem:v3+s11+$0x0] =	vst.idx.add.f32.msk $0xffff, v4  }
0x1fe: {  	v3 =	vld.idx.msk [tilespmem:v5+s1+$0x0], $0xffff  }
0x1ff: {  	v4 =	vor.u32 $0x4F0, v0;
	_ =	sdelay $0x3  }
0x200: {  	v3 =	vshll.u32 v3, $0x3  }
0x201: {  	[tilespmem:$0x1FD40] =	vst v4;
	v4 =	vld.idx.msk [tilespmem:v4+s15+$0x0], $0xffff;
	v3 =	vor.u32 v2, v3  }
0x202: {  	[tilespmem:$0x1FD30] =	vst v5;
	v5 =	vor.u32 $0xA0, v1;
	_ =	sdelay $0x3  }
0x203: {  	[tilespmem:v3+s11+$0x0] =	vst.idx.add.f32.msk $0xffff, v4  }
0x204: {  	v3 =	vld.idx.msk [tilespmem:v5+s1+$0x0], $0xffff  }
0x205: {  	v4 =	vor.u32 $0x500, v0;
	_ =	sdelay $0x3  }
0x206: {  	v3 =	vshll.u32 v3, $0x3  }
0x207: {  	[tilespmem:$0x1FD60] =	vst v4;
	v4 =	vld.idx.msk [tilespmem:v4+s15+$0x0], $0xffff;
	v3 =	vor.u32 v2, v3  }
0x208: {  	v41 =	vor.u32 $0xA2, v1;
	_ =	sdelay $0x3  }
0x209: {  	[tilespmem:v3+s11+$0x0] =	vst.idx.add.f32.msk $0xffff, v4  }
0x20a: {  	v3 =	vld.idx.msk [tilespmem:v41+s1+$0x0], $0xffff  }
0x20b: {  	v42 =	vor.u32 $0x510, v0;
	_ =	sdelay $0x3  }
0x20c: {  	v3 =	vshll.u32 v3, $0x3  }
0x20d: {  	v4 =	vld.idx.msk [tilespmem:v42+s15+$0x0], $0xffff;
	v3 =	vor.u32 v2, v3  }
0x20e: {  	v43 =	vor.u32 $0xA4, v1;
	_ =	sdelay $0x3  }
0x20f: {  	[tilespmem:v3+s11+$0x0] =	vst.idx.add.f32.msk $0xffff, v4  }
0x210: {  	v3 =	vld.idx.msk [tilespmem:v43+s1+$0x0], $0xffff  }
0x211: {  	v44 =	vor.u32 $0x520, v0;
	_ =	sdelay $0x3  }
0x212: {  	v3 =	vshll.u32 v3, $0x3  }
0x213: {  	v4 =	vld.idx.msk [tilespmem:v44+s15+$0x0], $0xffff;
	v3 =	vor.u32 v2, v3  }
0x214: {  	v45 =	vor.u32 $0xA6, v1;
	_ =	sdelay $0x3  }
0x215: {  	[tilespmem:v3+s11+$0x0] =	vst.idx.add.f32.msk $0xffff, v4  }
0x216: {  	v3 =	vld.idx.msk [tilespmem:v45+s1+$0x0], $0xffff  }
0x217: {  	v46 =	vor.u32 $0x530, v0;
	_ =	sdelay $0x3  }
0x218: {  	v3 =	vshll.u32 v3, $0x3  }
0x219: {  	v4 =	vld.idx.msk [tilespmem:v46+s15+$0x0], $0xffff;
	v3 =	vor.u32 v2, v3  }
0x21a: {  	v47 =	vor.u32 $0xA8, v1;
	_ =	sdelay $0x3  }
0x21b: {  	[tilespmem:v3+s11+$0x0] =	vst.idx.add.f32.msk $0xffff, v4  }
0x21c: {  	v3 =	vld.idx.msk [tilespmem:v47+s1+$0x0], $0xffff  }
0x21d: {  	v48 =	vor.u32 $0x540, v0;
	_ =	sdelay $0x3  }
0x21e: {  	v3 =	vshll.u32 v3, $0x3  }
0x21f: {  	v4 =	vld.idx.msk [tilespmem:v48+s15+$0x0], $0xffff;
	v3 =	vor.u32 v2, v3  }
0x220: {  	v49 =	vor.u32 $0xAA, v1;
	_ =	sdelay $0x3  }
0x221: {  	[tilespmem:v3+s11+$0x0] =	vst.idx.add.f32.msk $0xffff, v4  }
0x222: {  	v3 =	vld.idx.msk [tilespmem:v49+s1+$0x0], $0xffff  }
0x223: {  	v50 =	vor.u32 $0x550, v0;
	_ =	sdelay $0x3  }
0x224: {  	v3 =	vshll.u32 v3, $0x3  }
0x225: {  	v4 =	vld.idx.msk [tilespmem:v50+s15+$0x0], $0xffff;
	v3 =	vor.u32 v2, v3  }
0x226: {  	v51 =	vor.u32 $0xAC, v1;
	_ =	sdelay $0x3  }
0x227: {  	[tilespmem:v3+s11+$0x0] =	vst.idx.add.f32.msk $0xffff, v4  }
0x228: {  	v3 =	vld.idx.msk [tilespmem:v51+s1+$0x0], $0xffff  }
0x229: {  	v52 =	vor.u32 $0x560, v0;
	_ =	sdelay $0x3  }
0x22a: {  	v3 =	vshll.u32 v3, $0x3  }
0x22b: {  	v4 =	vld.idx.msk [tilespmem:v52+s15+$0x0], $0xffff;
	v3 =	vor.u32 v2, v3  }
0x22c: {  	v53 =	vor.u32 $0xAE, v1;
	_ =	sdelay $0x3  }
0x22d: {  	[tilespmem:v3+s11+$0x0] =	vst.idx.add.f32.msk $0xffff, v4  }
0x22e: {  	v3 =	vld.idx.msk [tilespmem:v53+s1+$0x0], $0xffff  }
0x22f: {  	v54 =	vor.u32 $0x570, v0;
	_ =	sdelay $0x3  }
0x230: {  	v3 =	vshll.u32 v3, $0x3  }
0x231: {  	v4 =	vld.idx.msk [tilespmem:v54+s15+$0x0], $0xffff;
	v3 =	vor.u32 v2, v3  }
0x232: {  	v55 =	vor.u32 $0xB0, v1;
	_ =	sdelay $0x3  }
0x233: {  	[tilespmem:v3+s11+$0x0] =	vst.idx.add.f32.msk $0xffff, v4  }
0x234: {  	v3 =	vld.idx.msk [tilespmem:v55+s1+$0x0], $0xffff  }
0x235: {  	v56 =	vor.u32 $0x580, v0;
	_ =	sdelay $0x3  }
0x236: {  	v3 =	vshll.u32 v3, $0x3  }
0x237: {  	v4 =	vld.idx.msk [tilespmem:v56+s15+$0x0], $0xffff;
	v3 =	vor.u32 v2, v3  }
0x238: {  	v57 =	vor.u32 $0xB2, v1;
	_ =	sdelay $0x3  }
0x239: {  	[tilespmem:v3+s11+$0x0] =	vst.idx.add.f32.msk $0xffff, v4  }
0x23a: {  	v3 =	vld.idx.msk [tilespmem:v57+s1+$0x0], $0xffff  }
0x23b: {  	v58 =	vor.u32 $0x590, v0;
	_ =	sdelay $0x3  }
0x23c: {  	v3 =	vshll.u32 v3, $0x3  }
0x23d: {  	v4 =	vld.idx.msk [tilespmem:v58+s15+$0x0], $0xffff;
	v3 =	vor.u32 v2, v3  }
0x23e: {  	v59 =	vor.u32 $0xB4, v1;
	_ =	sdelay $0x3  }
0x23f: {  	[tilespmem:v3+s11+$0x0] =	vst.idx.add.f32.msk $0xffff, v4  }
0x240: {  	v3 =	vld.idx.msk [tilespmem:v59+s1+$0x0], $0xffff  }
0x241: {  	v60 =	vor.u32 $0x5A0, v0;
	_ =	sdelay $0x3  }
0x242: {  	v3 =	vshll.u32 v3, $0x3  }
0x243: {  	v4 =	vld.idx.msk [tilespmem:v60+s15+$0x0], $0xffff;
	v3 =	vor.u32 v2, v3  }
0x244: {  	v61 =	vor.u32 $0xB6, v1;
	_ =	sdelay $0x3  }
0x245: {  	[tilespmem:v3+s11+$0x0] =	vst.idx.add.f32.msk $0xffff, v4  }
0x246: {  	v3 =	vld.idx.msk [tilespmem:v61+s1+$0x0], $0xffff  }
0x247: {  	v62 =	vor.u32 $0x5B0, v0;
	_ =	sdelay $0x3  }
0x248: {  	v3 =	vshll.u32 v3, $0x3  }
0x249: {  	v4 =	vld.idx.msk [tilespmem:v62+s15+$0x0], $0xffff;
	v3 =	vor.u32 v2, v3  }
0x24a: {  	v63 =	vor.u32 $0xB8, v1;
	_ =	sdelay $0x3  }
0x24b: {  	[tilespmem:v3+s11+$0x0] =	vst.idx.add.f32.msk $0xffff, v4  }
0x24c: {  	v4 =	vld.idx.msk [tilespmem:v63+s1+$0x0], $0xffff  }
0x24d: {  	v3 =	vor.u32 $0x5C0, v0;
	_ =	sdelay $0x3  }
0x24e: {  	v4 =	vshll.u32 v4, $0x3  }
0x24f: {  	[tilespmem:$0x1FD50] =	vst v5;
	v6 =	vld.idx.msk [tilespmem:v3+s15+$0x0], $0xffff;
	v5 =	vor.u32 v2, v4  }
0x250: {  	v4 =	vor.u32 $0xBA, v1;
	_ =	sdelay $0x3  }
0x251: {  	[tilespmem:v5+s11+$0x0] =	vst.idx.add.f32.msk $0xffff, v6  }
0x252: {  	v6 =	vld.idx.msk [tilespmem:v4+s1+$0x0], $0xffff  }
0x253: {  	v5 =	vor.u32 $0x5D0, v0;
	_ =	sdelay $0x3  }
0x254: {  	v6 =	vshll.u32 v6, $0x3  }
0x255: {  	v8 =	vld.idx.msk [tilespmem:v5+s15+$0x0], $0xffff;
	v7 =	vor.u32 v2, v6  }
0x256: {  	v6 =	vor.u32 $0xBC, v1;
	_ =	sdelay $0x3  }
0x257: {  	[tilespmem:v7+s11+$0x0] =	vst.idx.add.f32.msk $0xffff, v8  }
0x258: {  	v8 =	vld.idx.msk [tilespmem:v6+s1+$0x0], $0xffff  }
0x259: {  	v7 =	vor.u32 $0x5E0, v0;
	_ =	sdelay $0x3  }
0x25a: {  	v8 =	vshll.u32 v8, $0x3  }
0x25b: {  	v10 =	vld.idx.msk [tilespmem:v7+s15+$0x0], $0xffff;
	v9 =	vor.u32 v2, v8  }
0x25c: {  	v8 =	vor.u32 $0xBE, v1;
	_ =	sdelay $0x3  }
0x25d: {  	[tilespmem:v9+s11+$0x0] =	vst.idx.add.f32.msk $0xffff, v10  }
0x25e: {  	v10 =	vld.idx.msk [tilespmem:v8+s1+$0x0], $0xffff  }
0x25f: {  	v9 =	vor.u32 $0x5F0, v0;
	_ =	sdelay $0x3  }
0x260: {  	v10 =	vshll.u32 v10, $0x3  }
0x261: {  	v12 =	vld.idx.msk [tilespmem:v9+s15+$0x0], $0xffff;
	v11 =	vor.u32 v2, v10  }
0x262: {  	v10 =	vor.u32 $0xC0, v1;
	_ =	sdelay $0x3  }
0x263: {  	[tilespmem:v11+s11+$0x0] =	vst.idx.add.f32.msk $0xffff, v12  }
0x264: {  	v12 =	vld.idx.msk [tilespmem:v10+s1+$0x0], $0xffff  }
0x265: {  	v11 =	vor.u32 $0x600, v0;
	_ =	sdelay $0x3  }
0x266: {  	v12 =	vshll.u32 v12, $0x3  }
0x267: {  	v14 =	vld.idx.msk [tilespmem:v11+s15+$0x0], $0xffff;
	v13 =	vor.u32 v2, v12  }
0x268: {  	v12 =	vor.u32 $0xC2, v1;
	_ =	sdelay $0x3  }
0x269: {  	[tilespmem:v13+s11+$0x0] =	vst.idx.add.f32.msk $0xffff, v14  }
0x26a: {  	v14 =	vld.idx.msk [tilespmem:v12+s1+$0x0], $0xffff  }
0x26b: {  	v13 =	vor.u32 $0x610, v0;
	_ =	sdelay $0x3  }
0x26c: {  	v14 =	vshll.u32 v14, $0x3  }
0x26d: {  	v16 =	vld.idx.msk [tilespmem:v13+s15+$0x0], $0xffff;
	v15 =	vor.u32 v2, v14  }
0x26e: {  	v14 =	vor.u32 $0xC4, v1;
	_ =	sdelay $0x3  }
0x26f: {  	[tilespmem:v15+s11+$0x0] =	vst.idx.add.f32.msk $0xffff, v16  }
0x270: {  	v16 =	vld.idx.msk [tilespmem:v14+s1+$0x0], $0xffff  }
0x271: {  	v15 =	vor.u32 $0x620, v0;
	_ =	sdelay $0x3  }
0x272: {  	v16 =	vshll.u32 v16, $0x3  }
0x273: {  	v18 =	vld.idx.msk [tilespmem:v15+s15+$0x0], $0xffff;
	v17 =	vor.u32 v2, v16  }
0x274: {  	v16 =	vor.u32 $0xC6, v1;
	_ =	sdelay $0x3  }
0x275: {  	[tilespmem:v17+s11+$0x0] =	vst.idx.add.f32.msk $0xffff, v18  }
0x276: {  	v18 =	vld.idx.msk [tilespmem:v16+s1+$0x0], $0xffff  }
0x277: {  	v17 =	vor.u32 $0x630, v0;
	_ =	sdelay $0x1  }
0x278: {  	v40 =	vmov v39;
	v39 =	vmov v38;
	v38 =	vmov v37  }
0x279: {  	v37 =	vmovc v36;
	v36 =	vmovc v35;
	v35 =	vmov v34;
	v34 =	vmov v33;
	v33 =	vmov v32  }
0x27a: {  	v32 =	vmovc v31;
	v31 =	vmovc v30;
	v30 =	vmov v29;
	v29 =	vmov v28;
	v18 =	vshll.u32 v18, $0x3  }
0x27b: {  	v28 =	vmovc v27;
	v27 =	vmovc v26;
	v26 =	vmov v25;
	v25 =	vmov v24;
	v19 =	vld.idx.msk [tilespmem:v17+s15+$0x0], $0xffff;
	v18 =	vor.u32 v2, v18  }
0x27c: {  	v24 =	vmovc v23;
	v23 =	vmovc v22;
	v22 =	vmov v21;
	v21 =	vmov v20;
	v20 =	vor.u32 $0xC8, v1;
	_ =	sdelay $0x3  }
0x27d: {  	[tilespmem:v18+s11+$0x0] =	vst.idx.add.f32.msk $0xffff, v19  }
0x27e: {  	v18 =	vld.idx.msk [tilespmem:v20+s1+$0x0], $0xffff  }
0x27f: {  	v19 =	vor.u32 $0x640, v0;
	_ =	sdelay $0x3  }
0x280: {  	v18 =	vshll.u32 v18, $0x3  }
0x281: {  	v19 =	vld.idx.msk [tilespmem:v19+s15+$0x0], $0xffff;
	v18 =	vor.u32 v2, v18  }
0x282: {  	v20 =	vor.u32 $0xCA, v1;
	_ =	sdelay $0x3  }
0x283: {  	[tilespmem:v18+s11+$0x0] =	vst.idx.add.f32.msk $0xffff, v19  }
0x284: {  	v18 =	vld.idx.msk [tilespmem:v20+s1+$0x0], $0xffff  }
0x285: {  	v19 =	vor.u32 $0x650, v0;
	_ =	sdelay $0x3  }
0x286: {  	v18 =	vshll.u32 v18, $0x3  }
0x287: {  	v19 =	vld.idx.msk [tilespmem:v19+s15+$0x0], $0xffff;
	v18 =	vor.u32 v2, v18  }
0x288: {  	v20 =	vor.u32 $0xCC, v1;
	_ =	sdelay $0x3  }
0x289: {  	[tilespmem:v18+s11+$0x0] =	vst.idx.add.f32.msk $0xffff, v19  }
0x28a: {  	v18 =	vld.idx.msk [tilespmem:v20+s1+$0x0], $0xffff  }
0x28b: {  	v19 =	vor.u32 $0x660, v0;
	_ =	sdelay $0x3  }
0x28c: {  	v18 =	vshll.u32 v18, $0x3  }
0x28d: {  	v19 =	vld.idx.msk [tilespmem:v19+s15+$0x0], $0xffff;
	v18 =	vor.u32 v2, v18  }
0x28e: {  	v20 =	vor.u32 $0xCE, v1;
	_ =	sdelay $0x3  }
0x28f: {  	[tilespmem:v18+s11+$0x0] =	vst.idx.add.f32.msk $0xffff, v19  }
0x290: {  	v18 =	vld.idx.msk [tilespmem:v20+s1+$0x0], $0xffff  }
0x291: {  	v19 =	vor.u32 $0x670, v0;
	_ =	sdelay $0x3  }
0x292: {  	v18 =	vshll.u32 v18, $0x3  }
0x293: {  	v19 =	vld.idx.msk [tilespmem:v19+s15+$0x0], $0xffff;
	v18 =	vor.u32 v2, v18  }
0x294: {  	v20 =	vor.u32 $0xD0, v1;
	_ =	sdelay $0x3  }
0x295: {  	[tilespmem:v18+s11+$0x0] =	vst.idx.add.f32.msk $0xffff, v19  }
0x296: {  	v18 =	vld.idx.msk [tilespmem:v20+s1+$0x0], $0xffff  }
0x297: {  	v19 =	vor.u32 $0x680, v0;
	_ =	sdelay $0x3  }
0x298: {  	v18 =	vshll.u32 v18, $0x3  }
0x299: {  	v19 =	vld.idx.msk [tilespmem:v19+s15+$0x0], $0xffff;
	v18 =	vor.u32 v2, v18  }
0x29a: {  	v20 =	vor.u32 $0xD2, v1;
	_ =	sdelay $0x3  }
0x29b: {  	[tilespmem:v18+s11+$0x0] =	vst.idx.add.f32.msk $0xffff, v19  }
0x29c: {  	v18 =	vld.idx.msk [tilespmem:v20+s1+$0x0], $0xffff  }
0x29d: {  	v19 =	vor.u32 $0x690, v0;
	_ =	sdelay $0x3  }
0x29e: {  	v18 =	vshll.u32 v18, $0x3  }
0x29f: {  	v19 =	vld.idx.msk [tilespmem:v19+s15+$0x0], $0xffff;
	v18 =	vor.u32 v2, v18  }
0x2a0: {  	v20 =	vor.u32 $0xD4, v1;
	_ =	sdelay $0x3  }
0x2a1: {  	[tilespmem:v18+s11+$0x0] =	vst.idx.add.f32.msk $0xffff, v19  }
0x2a2: {  	v18 =	vld.idx.msk [tilespmem:v20+s1+$0x0], $0xffff  }
0x2a3: {  	v19 =	vor.u32 $0x6A0, v0;
	_ =	sdelay $0x3  }
0x2a4: {  	v18 =	vshll.u32 v18, $0x3  }
0x2a5: {  	v19 =	vld.idx.msk [tilespmem:v19+s15+$0x0], $0xffff;
	v18 =	vor.u32 v2, v18  }
0x2a6: {  	v20 =	vor.u32 $0xD6, v1;
	_ =	sdelay $0x3  }
0x2a7: {  	[tilespmem:v18+s11+$0x0] =	vst.idx.add.f32.msk $0xffff, v19  }
0x2a8: {  	v18 =	vld.idx.msk [tilespmem:v20+s1+$0x0], $0xffff  }
0x2a9: {  	v19 =	vor.u32 $0x6B0, v0;
	_ =	sdelay $0x3  }
0x2aa: {  	v18 =	vshll.u32 v18, $0x3  }
0x2ab: {  	v19 =	vld.idx.msk [tilespmem:v19+s15+$0x0], $0xffff;
	v18 =	vor.u32 v2, v18  }
0x2ac: {  	v20 =	vor.u32 $0xD8, v1;
	_ =	sdelay $0x3  }
0x2ad: {  	[tilespmem:v18+s11+$0x0] =	vst.idx.add.f32.msk $0xffff, v19  }
0x2ae: {  	v18 =	vld.idx.msk [tilespmem:v20+s1+$0x0], $0xffff  }
0x2af: {  	v19 =	vor.u32 $0x6C0, v0;
	_ =	sdelay $0x3  }
0x2b0: {  	v18 =	vshll.u32 v18, $0x3  }
0x2b1: {  	v19 =	vld.idx.msk [tilespmem:v19+s15+$0x0], $0xffff;
	v18 =	vor.u32 v2, v18  }
0x2b2: {  	v20 =	vor.u32 $0xDA, v1;
	_ =	sdelay $0x3  }
0x2b3: {  	[tilespmem:v18+s11+$0x0] =	vst.idx.add.f32.msk $0xffff, v19  }
0x2b4: {  	v18 =	vld.idx.msk [tilespmem:v20+s1+$0x0], $0xffff  }
0x2b5: {  	v19 =	vor.u32 $0x6D0, v0;
	_ =	sdelay $0x3  }
0x2b6: {  	v18 =	vshll.u32 v18, $0x3  }
0x2b7: {  	v19 =	vld.idx.msk [tilespmem:v19+s15+$0x0], $0xffff;
	v18 =	vor.u32 v2, v18  }
0x2b8: {  	v20 =	vor.u32 $0xDC, v1;
	_ =	sdelay $0x3  }
0x2b9: {  	[tilespmem:v18+s11+$0x0] =	vst.idx.add.f32.msk $0xffff, v19  }
0x2ba: {  	v18 =	vld.idx.msk [tilespmem:v20+s1+$0x0], $0xffff  }
0x2bb: {  	v19 =	vor.u32 $0x6E0, v0;
	_ =	sdelay $0x3  }
0x2bc: {  	v18 =	vshll.u32 v18, $0x3  }
0x2bd: {  	v19 =	vld.idx.msk [tilespmem:v19+s15+$0x0], $0xffff;
	v18 =	vor.u32 v2, v18  }
0x2be: {  	v20 =	vor.u32 $0xDE, v1;
	_ =	sdelay $0x3  }
0x2bf: {  	[tilespmem:v18+s11+$0x0] =	vst.idx.add.f32.msk $0xffff, v19  }
0x2c0: {  	v18 =	vld.idx.msk [tilespmem:v20+s1+$0x0], $0xffff  }
0x2c1: {  	v19 =	vor.u32 $0x6F0, v0;
	_ =	sdelay $0x3  }
0x2c2: {  	v18 =	vshll.u32 v18, $0x3  }
0x2c3: {  	v19 =	vld.idx.msk [tilespmem:v19+s15+$0x0], $0xffff;
	v18 =	vor.u32 v2, v18  }
0x2c4: {  	v20 =	vor.u32 $0xE0, v1;
	_ =	sdelay $0x3  }
0x2c5: {  	[tilespmem:v18+s11+$0x0] =	vst.idx.add.f32.msk $0xffff, v19  }
0x2c6: {  	v18 =	vld.idx.msk [tilespmem:v20+s1+$0x0], $0xffff  }
0x2c7: {  	v19 =	vor.u32 $0x700, v0;
	_ =	sdelay $0x3  }
0x2c8: {  	v18 =	vshll.u32 v18, $0x3  }
0x2c9: {  	v19 =	vld.idx.msk [tilespmem:v19+s15+$0x0], $0xffff;
	v18 =	vor.u32 v2, v18  }
0x2ca: {  	v20 =	vor.u32 $0xE2, v1;
	_ =	sdelay $0x3  }
0x2cb: {  	[tilespmem:v18+s11+$0x0] =	vst.idx.add.f32.msk $0xffff, v19  }
0x2cc: {  	v18 =	vld.idx.msk [tilespmem:v20+s1+$0x0], $0xffff  }
0x2cd: {  	v19 =	vor.u32 $0x710, v0;
	_ =	sdelay $0x3  }
0x2ce: {  	v18 =	vshll.u32 v18, $0x3  }
0x2cf: {  	v19 =	vld.idx.msk [tilespmem:v19+s15+$0x0], $0xffff;
	v18 =	vor.u32 v2, v18  }
0x2d0: {  	v20 =	vor.u32 $0xE4, v1;
	_ =	sdelay $0x3  }
0x2d1: {  	[tilespmem:v18+s11+$0x0] =	vst.idx.add.f32.msk $0xffff, v19  }
0x2d2: {  	v18 =	vld.idx.msk [tilespmem:v20+s1+$0x0], $0xffff  }
0x2d3: {  	v19 =	vor.u32 $0x720, v0;
	_ =	sdelay $0x3  }
0x2d4: {  	v18 =	vshll.u32 v18, $0x3  }
0x2d5: {  	v19 =	vld.idx.msk [tilespmem:v19+s15+$0x0], $0xffff;
	v18 =	vor.u32 v2, v18  }
0x2d6: {  	v20 =	vor.u32 $0xE6, v1;
	_ =	sdelay $0x3  }
0x2d7: {  	[tilespmem:v18+s11+$0x0] =	vst.idx.add.f32.msk $0xffff, v19  }
0x2d8: {  	v18 =	vld.idx.msk [tilespmem:v20+s1+$0x0], $0xffff  }
0x2d9: {  	v19 =	vor.u32 $0x730, v0;
	_ =	sdelay $0x3  }
0x2da: {  	v18 =	vshll.u32 v18, $0x3  }
0x2db: {  	v19 =	vld.idx.msk [tilespmem:v19+s15+$0x0], $0xffff;
	v18 =	vor.u32 v2, v18  }
0x2dc: {  	v20 =	vor.u32 $0xE8, v1;
	_ =	sdelay $0x3  }
0x2dd: {  	[tilespmem:v18+s11+$0x0] =	vst.idx.add.f32.msk $0xffff, v19  }
0x2de: {  	v18 =	vld.idx.msk [tilespmem:v20+s1+$0x0], $0xffff  }
0x2df: {  	v19 =	vor.u32 $0x740, v0;
	_ =	sdelay $0x3  }
0x2e0: {  	v18 =	vshll.u32 v18, $0x3  }
0x2e1: {  	v19 =	vld.idx.msk [tilespmem:v19+s15+$0x0], $0xffff;
	v18 =	vor.u32 v2, v18  }
0x2e2: {  	v20 =	vor.u32 $0xEA, v1;
	_ =	sdelay $0x3  }
0x2e3: {  	[tilespmem:v18+s11+$0x0] =	vst.idx.add.f32.msk $0xffff, v19  }
0x2e4: {  	v18 =	vld.idx.msk [tilespmem:v20+s1+$0x0], $0xffff  }
0x2e5: {  	v19 =	vor.u32 $0x750, v0;
	_ =	sdelay $0x3  }
0x2e6: {  	v18 =	vshll.u32 v18, $0x3  }
0x2e7: {  	v19 =	vld.idx.msk [tilespmem:v19+s15+$0x0], $0xffff;
	v18 =	vor.u32 v2, v18  }
0x2e8: {  	v20 =	vor.u32 $0xEC, v1;
	_ =	sdelay $0x3  }
0x2e9: {  	[tilespmem:v18+s11+$0x0] =	vst.idx.add.f32.msk $0xffff, v19  }
0x2ea: {  	v18 =	vld.idx.msk [tilespmem:v20+s1+$0x0], $0xffff  }
0x2eb: {  	v19 =	vor.u32 $0x760, v0;
	_ =	sdelay $0x3  }
0x2ec: {  	v18 =	vshll.u32 v18, $0x3  }
0x2ed: {  	v19 =	vld.idx.msk [tilespmem:v19+s15+$0x0], $0xffff;
	v18 =	vor.u32 v2, v18  }
0x2ee: {  	v20 =	vor.u32 $0xEE, v1;
	_ =	sdelay $0x3  }
0x2ef: {  	[tilespmem:v18+s11+$0x0] =	vst.idx.add.f32.msk $0xffff, v19  }
0x2f0: {  	v18 =	vld.idx.msk [tilespmem:v20+s1+$0x0], $0xffff  }
0x2f1: {  	v19 =	vor.u32 $0x770, v0;
	_ =	sdelay $0x3  }
0x2f2: {  	v18 =	vshll.u32 v18, $0x3  }
0x2f3: {  	v19 =	vld.idx.msk [tilespmem:v19+s15+$0x0], $0xffff;
	v18 =	vor.u32 v2, v18  }
0x2f4: {  	v20 =	vor.u32 $0xF0, v1;
	_ =	sdelay $0x3  }
0x2f5: {  	[tilespmem:v18+s11+$0x0] =	vst.idx.add.f32.msk $0xffff, v19  }
0x2f6: {  	v18 =	vld.idx.msk [tilespmem:v20+s1+$0x0], $0xffff  }
0x2f7: {  	v19 =	vor.u32 $0x780, v0;
	_ =	sdelay $0x3  }
0x2f8: {  	v18 =	vshll.u32 v18, $0x3  }
0x2f9: {  	v19 =	vld.idx.msk [tilespmem:v19+s15+$0x0], $0xffff;
	v18 =	vor.u32 v2, v18  }
0x2fa: {  	v20 =	vor.u32 $0xF2, v1;
	_ =	sdelay $0x3  }
0x2fb: {  	[tilespmem:v18+s11+$0x0] =	vst.idx.add.f32.msk $0xffff, v19  }
0x2fc: {  	v18 =	vld.idx.msk [tilespmem:v20+s1+$0x0], $0xffff  }
0x2fd: {  	v19 =	vor.u32 $0x790, v0;
	_ =	sdelay $0x3  }
0x2fe: {  	v18 =	vshll.u32 v18, $0x3  }
0x2ff: {  	v19 =	vld.idx.msk [tilespmem:v19+s15+$0x0], $0xffff;
	v18 =	vor.u32 v2, v18  }
0x300: {  	v20 =	vor.u32 $0xF4, v1;
	_ =	sdelay $0x3  }
0x301: {  	[tilespmem:v18+s11+$0x0] =	vst.idx.add.f32.msk $0xffff, v19  }
0x302: {  	v18 =	vld.idx.msk [tilespmem:v20+s1+$0x0], $0xffff  }
0x303: {  	v19 =	vor.u32 $0x7A0, v0;
	_ =	sdelay $0x3  }
0x304: {  	v18 =	vshll.u32 v18, $0x3  }
0x305: {  	v19 =	vld.idx.msk [tilespmem:v19+s15+$0x0], $0xffff;
	v18 =	vor.u32 v2, v18  }
0x306: {  	v20 =	vor.u32 $0xF6, v1;
	_ =	sdelay $0x3  }
0x307: {  	[tilespmem:v18+s11+$0x0] =	vst.idx.add.f32.msk $0xffff, v19  }
0x308: {  	v18 =	vld.idx.msk [tilespmem:v20+s1+$0x0], $0xffff  }
0x309: {  	v19 =	vor.u32 $0x7B0, v0;
	_ =	sdelay $0x3  }
0x30a: {  	v18 =	vshll.u32 v18, $0x3  }
0x30b: {  	v19 =	vld.idx.msk [tilespmem:v19+s15+$0x0], $0xffff;
	v18 =	vor.u32 v2, v18  }
0x30c: {  	v20 =	vor.u32 $0xF8, v1;
	_ =	sdelay $0x3  }
0x30d: {  	[tilespmem:v18+s11+$0x0] =	vst.idx.add.f32.msk $0xffff, v19  }
0x30e: {  	v18 =	vld.idx.msk [tilespmem:v20+s1+$0x0], $0xffff  }
0x30f: {  	v19 =	vor.u32 $0x7C0, v0;
	_ =	sdelay $0x3  }
0x310: {  	v18 =	vshll.u32 v18, $0x3  }
0x311: {  	v19 =	vld.idx.msk [tilespmem:v19+s15+$0x0], $0xffff;
	v18 =	vor.u32 v2, v18  }
0x312: {  	v20 =	vor.u32 $0xFA, v1;
	_ =	sdelay $0x3  }
0x313: {  	[tilespmem:v18+s11+$0x0] =	vst.idx.add.f32.msk $0xffff, v19  }
0x314: {  	v18 =	vld.idx.msk [tilespmem:v20+s1+$0x0], $0xffff  }
0x315: {  	v19 =	vor.u32 $0x7D0, v0;
	_ =	sdelay $0x3  }
0x316: {  	v18 =	vshll.u32 v18, $0x3  }
0x317: {  	v19 =	vld.idx.msk [tilespmem:v19+s15+$0x0], $0xffff;
	v18 =	vor.u32 v2, v18  }
0x318: {  	v20 =	vor.u32 $0xFC, v1;
	_ =	sdelay $0x3  }
0x319: {  	[tilespmem:v18+s11+$0x0] =	vst.idx.add.f32.msk $0xffff, v19  }
0x31a: {  	v18 =	vld.idx.msk [tilespmem:v20+s1+$0x0], $0xffff  }
0x31b: {  	v19 =	vor.u32 $0x7E0, v0;
	_ =	sdelay $0x3  }
0x31c: {  	v18 =	vshll.u32 v18, $0x3  }
0x31d: {  	v19 =	vld.idx.msk [tilespmem:v19+s15+$0x0], $0xffff;
	v18 =	vor.u32 v2, v18  }
0x31e: {  	v20 =	vor.u32 $0xFE, v1;
	_ =	sdelay $0x3  }
0x31f: {  	[tilespmem:v18+s11+$0x0] =	vst.idx.add.f32.msk $0xffff, v19  }
0x320: {  	v18 =	vld.idx.msk [tilespmem:v20+s1+$0x0], $0xffff  }
0x321: {  	v19 =	vor.u32 $0x7F0, v0;
	_ =	sdelay $0x3  }
0x322: {  	v18 =	vshll.u32 v18, $0x3  }
0x323: {  	v19 =	vld.idx.msk [tilespmem:v19+s15+$0x0], $0xffff;
	v18 =	vor.u32 v2, v18  }
0x324: {  	v20 =	vor.u32 $0x100, v1;
	_ =	sdelay $0x3  }
0x325: {  	[tilespmem:v18+s11+$0x0] =	vst.idx.add.f32.msk $0xffff, v19  }
0x326: {  	v18 =	vld.idx.msk [tilespmem:v20+s1+$0x0], $0xffff  }
0x327: {  	v19 =	vor.u32 $0x800, v0;
	_ =	sdelay $0x3  }
0x328: {  	v18 =	vshll.u32 v18, $0x3  }
0x329: {  	v19 =	vld.idx.msk [tilespmem:v19+s15+$0x0], $0xffff;
	v18 =	vor.u32 v2, v18  }
0x32a: {  	v20 =	vor.u32 $0x102, v1;
	_ =	sdelay $0x3  }
0x32b: {  	[tilespmem:v18+s11+$0x0] =	vst.idx.add.f32.msk $0xffff, v19  }
0x32c: {  	v18 =	vld.idx.msk [tilespmem:v20+s1+$0x0], $0xffff  }
0x32d: {  	v19 =	vor.u32 $0x810, v0;
	_ =	sdelay $0x3  }
0x32e: {  	v18 =	vshll.u32 v18, $0x3  }
0x32f: {  	v19 =	vld.idx.msk [tilespmem:v19+s15+$0x0], $0xffff;
	v18 =	vor.u32 v2, v18  }
0x330: {  	v20 =	vor.u32 $0x104, v1;
	_ =	sdelay $0x3  }
0x331: {  	[tilespmem:v18+s11+$0x0] =	vst.idx.add.f32.msk $0xffff, v19  }
0x332: {  	v18 =	vld.idx.msk [tilespmem:v20+s1+$0x0], $0xffff  }
0x333: {  	v19 =	vor.u32 $0x820, v0;
	_ =	sdelay $0x3  }
0x334: {  	v18 =	vshll.u32 v18, $0x3  }
0x335: {  	v19 =	vld.idx.msk [tilespmem:v19+s15+$0x0], $0xffff;
	v18 =	vor.u32 v2, v18  }
0x336: {  	v20 =	vor.u32 $0x106, v1;
	_ =	sdelay $0x3  }
0x337: {  	[tilespmem:v18+s11+$0x0] =	vst.idx.add.f32.msk $0xffff, v19  }
0x338: {  	v18 =	vld.idx.msk [tilespmem:v20+s1+$0x0], $0xffff  }
0x339: {  	v19 =	vor.u32 $0x830, v0;
	_ =	sdelay $0x3  }
0x33a: {  	v18 =	vshll.u32 v18, $0x3  }
0x33b: {  	v19 =	vld.idx.msk [tilespmem:v19+s15+$0x0], $0xffff;
	v18 =	vor.u32 v2, v18  }
0x33c: {  	v20 =	vor.u32 $0x108, v1;
	_ =	sdelay $0x3  }
0x33d: {  	[tilespmem:v18+s11+$0x0] =	vst.idx.add.f32.msk $0xffff, v19  }
0x33e: {  	v18 =	vld.idx.msk [tilespmem:v20+s1+$0x0], $0xffff  }
0x33f: {  	v19 =	vor.u32 $0x840, v0;
	_ =	sdelay $0x3  }
0x340: {  	v18 =	vshll.u32 v18, $0x3  }
0x341: {  	v19 =	vld.idx.msk [tilespmem:v19+s15+$0x0], $0xffff;
	v18 =	vor.u32 v2, v18  }
0x342: {  	v20 =	vor.u32 $0x10A, v1;
	_ =	sdelay $0x3  }
0x343: {  	[tilespmem:v18+s11+$0x0] =	vst.idx.add.f32.msk $0xffff, v19  }
0x344: {  	v18 =	vld.idx.msk [tilespmem:v20+s1+$0x0], $0xffff  }
0x345: {  	v19 =	vor.u32 $0x850, v0;
	_ =	sdelay $0x3  }
0x346: {  	v18 =	vshll.u32 v18, $0x3  }
0x347: {  	v19 =	vld.idx.msk [tilespmem:v19+s15+$0x0], $0xffff;
	v18 =	vor.u32 v2, v18  }
0x348: {  	v20 =	vor.u32 $0x10C, v1;
	_ =	sdelay $0x3  }
0x349: {  	[tilespmem:v18+s11+$0x0] =	vst.idx.add.f32.msk $0xffff, v19  }
0x34a: {  	v18 =	vld.idx.msk [tilespmem:v20+s1+$0x0], $0xffff  }
0x34b: {  	v19 =	vor.u32 $0x860, v0;
	_ =	sdelay $0x3  }
0x34c: {  	v18 =	vshll.u32 v18, $0x3  }
0x34d: {  	v19 =	vld.idx.msk [tilespmem:v19+s15+$0x0], $0xffff;
	v18 =	vor.u32 v2, v18  }
0x34e: {  	v20 =	vor.u32 $0x10E, v1;
	_ =	sdelay $0x3  }
0x34f: {  	[tilespmem:v18+s11+$0x0] =	vst.idx.add.f32.msk $0xffff, v19  }
0x350: {  	v18 =	vld.idx.msk [tilespmem:v20+s1+$0x0], $0xffff  }
0x351: {  	v19 =	vor.u32 $0x870, v0;
	_ =	sdelay $0x3  }
0x352: {  	v18 =	vshll.u32 v18, $0x3  }
0x353: {  	v19 =	vld.idx.msk [tilespmem:v19+s15+$0x0], $0xffff;
	v18 =	vor.u32 v2, v18  }
0x354: {  	v20 =	vor.u32 $0x110, v1;
	_ =	sdelay $0x3  }
0x355: {  	[tilespmem:v18+s11+$0x0] =	vst.idx.add.f32.msk $0xffff, v19  }
0x356: {  	v18 =	vld.idx.msk [tilespmem:v20+s1+$0x0], $0xffff  }
0x357: {  	v19 =	vor.u32 $0x880, v0;
	_ =	sdelay $0x3  }
0x358: {  	v18 =	vshll.u32 v18, $0x3  }
0x359: {  	v19 =	vld.idx.msk [tilespmem:v19+s15+$0x0], $0xffff;
	v18 =	vor.u32 v2, v18  }
0x35a: {  	v20 =	vor.u32 $0x112, v1;
	_ =	sdelay $0x3  }
0x35b: {  	[tilespmem:v18+s11+$0x0] =	vst.idx.add.f32.msk $0xffff, v19  }
0x35c: {  	v18 =	vld.idx.msk [tilespmem:v20+s1+$0x0], $0xffff  }
0x35d: {  	v19 =	vor.u32 $0x890, v0;
	_ =	sdelay $0x3  }
0x35e: {  	v18 =	vshll.u32 v18, $0x3  }
0x35f: {  	v19 =	vld.idx.msk [tilespmem:v19+s15+$0x0], $0xffff;
	v18 =	vor.u32 v2, v18  }
0x360: {  	v20 =	vor.u32 $0x114, v1;
	_ =	sdelay $0x3  }
0x361: {  	[tilespmem:v18+s11+$0x0] =	vst.idx.add.f32.msk $0xffff, v19  }
0x362: {  	v18 =	vld.idx.msk [tilespmem:v20+s1+$0x0], $0xffff  }
0x363: {  	v19 =	vor.u32 $0x8A0, v0;
	_ =	sdelay $0x3  }
0x364: {  	v18 =	vshll.u32 v18, $0x3  }
0x365: {  	v19 =	vld.idx.msk [tilespmem:v19+s15+$0x0], $0xffff;
	v18 =	vor.u32 v2, v18  }
0x366: {  	v20 =	vor.u32 $0x116, v1;
	_ =	sdelay $0x3  }
0x367: {  	[tilespmem:v18+s11+$0x0] =	vst.idx.add.f32.msk $0xffff, v19  }
0x368: {  	v18 =	vld.idx.msk [tilespmem:v20+s1+$0x0], $0xffff  }
0x369: {  	v19 =	vor.u32 $0x8B0, v0;
	_ =	sdelay $0x3  }
0x36a: {  	v18 =	vshll.u32 v18, $0x3  }
0x36b: {  	v19 =	vld.idx.msk [tilespmem:v19+s15+$0x0], $0xffff;
	v18 =	vor.u32 v2, v18  }
0x36c: {  	v20 =	vor.u32 $0x118, v1;
	_ =	sdelay $0x3  }
0x36d: {  	[tilespmem:v18+s11+$0x0] =	vst.idx.add.f32.msk $0xffff, v19  }
0x36e: {  	v18 =	vld.idx.msk [tilespmem:v20+s1+$0x0], $0xffff  }
0x36f: {  	v19 =	vor.u32 $0x8C0, v0;
	_ =	sdelay $0x3  }
0x370: {  	v18 =	vshll.u32 v18, $0x3  }
0x371: {  	v19 =	vld.idx.msk [tilespmem:v19+s15+$0x0], $0xffff;
	v18 =	vor.u32 v2, v18  }
0x372: {  	v20 =	vor.u32 $0x11A, v1;
	_ =	sdelay $0x3  }
0x373: {  	[tilespmem:v18+s11+$0x0] =	vst.idx.add.f32.msk $0xffff, v19  }
0x374: {  	v18 =	vld.idx.msk [tilespmem:v20+s1+$0x0], $0xffff  }
0x375: {  	v19 =	vor.u32 $0x8D0, v0;
	_ =	sdelay $0x3  }
0x376: {  	v18 =	vshll.u32 v18, $0x3  }
0x377: {  	v19 =	vld.idx.msk [tilespmem:v19+s15+$0x0], $0xffff;
	v18 =	vor.u32 v2, v18  }
0x378: {  	v20 =	vor.u32 $0x11C, v1;
	_ =	sdelay $0x3  }
0x379: {  	[tilespmem:v18+s11+$0x0] =	vst.idx.add.f32.msk $0xffff, v19  }
0x37a: {  	v18 =	vld.idx.msk [tilespmem:v20+s1+$0x0], $0xffff  }
0x37b: {  	v19 =	vor.u32 $0x8E0, v0;
	_ =	sdelay $0x3  }
0x37c: {  	v18 =	vshll.u32 v18, $0x3  }
0x37d: {  	v19 =	vld.idx.msk [tilespmem:v19+s15+$0x0], $0xffff;
	v18 =	vor.u32 v2, v18  }
0x37e: {  	v20 =	vor.u32 $0x11E, v1;
	_ =	sdelay $0x3  }
0x37f: {  	[tilespmem:v18+s11+$0x0] =	vst.idx.add.f32.msk $0xffff, v19  }
0x380: {  	v18 =	vld.idx.msk [tilespmem:v20+s1+$0x0], $0xffff  }
0x381: {  	v19 =	vor.u32 $0x8F0, v0;
	_ =	sdelay $0x3  }
0x382: {  	v18 =	vshll.u32 v18, $0x3  }
0x383: {  	v19 =	vld.idx.msk [tilespmem:v19+s15+$0x0], $0xffff;
	v18 =	vor.u32 v2, v18  }
0x384: {  	v20 =	vor.u32 $0x120, v1;
	_ =	sdelay $0x3  }
0x385: {  	[tilespmem:v18+s11+$0x0] =	vst.idx.add.f32.msk $0xffff, v19  }
0x386: {  	v18 =	vld.idx.msk [tilespmem:v20+s1+$0x0], $0xffff  }
0x387: {  	v19 =	vor.u32 $0x900, v0;
	_ =	sdelay $0x3  }
0x388: {  	v18 =	vshll.u32 v18, $0x3  }
0x389: {  	v19 =	vld.idx.msk [tilespmem:v19+s15+$0x0], $0xffff;
	v18 =	vor.u32 v2, v18  }
0x38a: {  	v20 =	vor.u32 $0x122, v1;
	_ =	sdelay $0x3  }
0x38b: {  	[tilespmem:v18+s11+$0x0] =	vst.idx.add.f32.msk $0xffff, v19  }
0x38c: {  	v18 =	vld.idx.msk [tilespmem:v20+s1+$0x0], $0xffff  }
0x38d: {  	v19 =	vor.u32 $0x910, v0;
	_ =	sdelay $0x3  }
0x38e: {  	v18 =	vshll.u32 v18, $0x3  }
0x38f: {  	v19 =	vld.idx.msk [tilespmem:v19+s15+$0x0], $0xffff;
	v18 =	vor.u32 v2, v18  }
0x390: {  	v20 =	vor.u32 $0x124, v1;
	_ =	sdelay $0x3  }
0x391: {  	[tilespmem:v18+s11+$0x0] =	vst.idx.add.f32.msk $0xffff, v19  }
0x392: {  	v18 =	vld.idx.msk [tilespmem:v20+s1+$0x0], $0xffff  }
0x393: {  	v19 =	vor.u32 $0x920, v0;
	_ =	sdelay $0x3  }
0x394: {  	v18 =	vshll.u32 v18, $0x3  }
0x395: {  	v19 =	vld.idx.msk [tilespmem:v19+s15+$0x0], $0xffff;
	v18 =	vor.u32 v2, v18  }
0x396: {  	v20 =	vor.u32 $0x126, v1;
	_ =	sdelay $0x3  }
0x397: {  	[tilespmem:v18+s11+$0x0] =	vst.idx.add.f32.msk $0xffff, v19  }
0x398: {  	v18 =	vld.idx.msk [tilespmem:v20+s1+$0x0], $0xffff  }
0x399: {  	v19 =	vor.u32 $0x930, v0;
	_ =	sdelay $0x3  }
0x39a: {  	v18 =	vshll.u32 v18, $0x3  }
0x39b: {  	v19 =	vld.idx.msk [tilespmem:v19+s15+$0x0], $0xffff;
	v18 =	vor.u32 v2, v18  }
0x39c: {  	v20 =	vor.u32 $0x128, v1;
	_ =	sdelay $0x3  }
0x39d: {  	[tilespmem:v18+s11+$0x0] =	vst.idx.add.f32.msk $0xffff, v19  }
0x39e: {  	v18 =	vld.idx.msk [tilespmem:v20+s1+$0x0], $0xffff  }
0x39f: {  	v19 =	vor.u32 $0x940, v0;
	_ =	sdelay $0x3  }
0x3a0: {  	v18 =	vshll.u32 v18, $0x3  }
0x3a1: {  	v19 =	vld.idx.msk [tilespmem:v19+s15+$0x0], $0xffff;
	v18 =	vor.u32 v2, v18  }
0x3a2: {  	v20 =	vor.u32 $0x12A, v1;
	_ =	sdelay $0x3  }
0x3a3: {  	[tilespmem:v18+s11+$0x0] =	vst.idx.add.f32.msk $0xffff, v19  }
0x3a4: {  	v18 =	vld.idx.msk [tilespmem:v20+s1+$0x0], $0xffff  }
0x3a5: {  	v19 =	vor.u32 $0x950, v0;
	_ =	sdelay $0x3  }
0x3a6: {  	v18 =	vshll.u32 v18, $0x3  }
0x3a7: {  	v19 =	vld.idx.msk [tilespmem:v19+s15+$0x0], $0xffff;
	v18 =	vor.u32 v2, v18  }
0x3a8: {  	v20 =	vor.u32 $0x12C, v1;
	_ =	sdelay $0x3  }
0x3a9: {  	[tilespmem:v18+s11+$0x0] =	vst.idx.add.f32.msk $0xffff, v19  }
0x3aa: {  	v18 =	vld.idx.msk [tilespmem:v20+s1+$0x0], $0xffff  }
0x3ab: {  	v19 =	vor.u32 $0x960, v0;
	_ =	sdelay $0x3  }
0x3ac: {  	v18 =	vshll.u32 v18, $0x3  }
0x3ad: {  	v19 =	vld.idx.msk [tilespmem:v19+s15+$0x0], $0xffff;
	v18 =	vor.u32 v2, v18  }
0x3ae: {  	v20 =	vor.u32 $0x12E, v1;
	_ =	sdelay $0x3  }
0x3af: {  	[tilespmem:v18+s11+$0x0] =	vst.idx.add.f32.msk $0xffff, v19  }
0x3b0: {  	v18 =	vld.idx.msk [tilespmem:v20+s1+$0x0], $0xffff  }
0x3b1: {  	v19 =	vor.u32 $0x970, v0;
	_ =	sdelay $0x3  }
0x3b2: {  	v18 =	vshll.u32 v18, $0x3  }
0x3b3: {  	v19 =	vld.idx.msk [tilespmem:v19+s15+$0x0], $0xffff;
	v18 =	vor.u32 v2, v18  }
0x3b4: {  	v20 =	vor.u32 $0x130, v1;
	_ =	sdelay $0x3  }
0x3b5: {  	[tilespmem:v18+s11+$0x0] =	vst.idx.add.f32.msk $0xffff, v19  }
0x3b6: {  	v18 =	vld.idx.msk [tilespmem:v20+s1+$0x0], $0xffff  }
0x3b7: {  	v19 =	vor.u32 $0x980, v0;
	_ =	sdelay $0x3  }
0x3b8: {  	v18 =	vshll.u32 v18, $0x3  }
0x3b9: {  	v19 =	vld.idx.msk [tilespmem:v19+s15+$0x0], $0xffff;
	v18 =	vor.u32 v2, v18  }
0x3ba: {  	v20 =	vor.u32 $0x132, v1;
	_ =	sdelay $0x3  }
0x3bb: {  	[tilespmem:v18+s11+$0x0] =	vst.idx.add.f32.msk $0xffff, v19  }
0x3bc: {  	v18 =	vld.idx.msk [tilespmem:v20+s1+$0x0], $0xffff  }
0x3bd: {  	v19 =	vor.u32 $0x990, v0;
	_ =	sdelay $0x3  }
0x3be: {  	v18 =	vshll.u32 v18, $0x3  }
0x3bf: {  	v19 =	vld.idx.msk [tilespmem:v19+s15+$0x0], $0xffff;
	v18 =	vor.u32 v2, v18  }
0x3c0: {  	v20 =	vor.u32 $0x134, v1;
	_ =	sdelay $0x3  }
0x3c1: {  	[tilespmem:v18+s11+$0x0] =	vst.idx.add.f32.msk $0xffff, v19  }
0x3c2: {  	v18 =	vld.idx.msk [tilespmem:v20+s1+$0x0], $0xffff  }
0x3c3: {  	v19 =	vor.u32 $0x9A0, v0;
	_ =	sdelay $0x3  }
0x3c4: {  	v18 =	vshll.u32 v18, $0x3  }
0x3c5: {  	v19 =	vld.idx.msk [tilespmem:v19+s15+$0x0], $0xffff;
	v18 =	vor.u32 v2, v18  }
0x3c6: {  	v20 =	vor.u32 $0x136, v1;
	_ =	sdelay $0x3  }
0x3c7: {  	[tilespmem:v18+s11+$0x0] =	vst.idx.add.f32.msk $0xffff, v19  }
0x3c8: {  	v18 =	vld.idx.msk [tilespmem:v20+s1+$0x0], $0xffff  }
0x3c9: {  	v19 =	vor.u32 $0x9B0, v0;
	_ =	sdelay $0x3  }
0x3ca: {  	v18 =	vshll.u32 v18, $0x3  }
0x3cb: {  	v19 =	vld.idx.msk [tilespmem:v19+s15+$0x0], $0xffff;
	v18 =	vor.u32 v2, v18  }
0x3cc: {  	v20 =	vor.u32 $0x138, v1;
	_ =	sdelay $0x3  }
0x3cd: {  	[tilespmem:v18+s11+$0x0] =	vst.idx.add.f32.msk $0xffff, v19  }
0x3ce: {  	v18 =	vld.idx.msk [tilespmem:v20+s1+$0x0], $0xffff  }
0x3cf: {  	v19 =	vor.u32 $0x9C0, v0;
	_ =	sdelay $0x3  }
0x3d0: {  	v18 =	vshll.u32 v18, $0x3  }
0x3d1: {  	v19 =	vld.idx.msk [tilespmem:v19+s15+$0x0], $0xffff;
	v18 =	vor.u32 v2, v18  }
0x3d2: {  	v20 =	vor.u32 $0x13A, v1;
	_ =	sdelay $0x3  }
0x3d3: {  	[tilespmem:v18+s11+$0x0] =	vst.idx.add.f32.msk $0xffff, v19  }
0x3d4: {  	v18 =	vld.idx.msk [tilespmem:v20+s1+$0x0], $0xffff  }
0x3d5: {  	v19 =	vor.u32 $0x9D0, v0;
	_ =	sdelay $0x3  }
0x3d6: {  	v18 =	vshll.u32 v18, $0x3  }
0x3d7: {  	v19 =	vld.idx.msk [tilespmem:v19+s15+$0x0], $0xffff;
	v18 =	vor.u32 v2, v18  }
0x3d8: {  	v20 =	vor.u32 $0x13C, v1;
	_ =	sdelay $0x3  }
0x3d9: {  	[tilespmem:v18+s11+$0x0] =	vst.idx.add.f32.msk $0xffff, v19  }
0x3da: {  	v18 =	vld.idx.msk [tilespmem:v20+s1+$0x0], $0xffff  }
0x3db: {  	v19 =	vor.u32 $0x9E0, v0;
	_ =	sdelay $0x3  }
0x3dc: {  	v18 =	vshll.u32 v18, $0x3  }
0x3dd: {  	v19 =	vld.idx.msk [tilespmem:v19+s15+$0x0], $0xffff;
	v18 =	vor.u32 v2, v18  }
0x3de: {  	v20 =	vor.u32 $0x13E, v1;
	_ =	sdelay $0x3  }
0x3df: {  	[tilespmem:v18+s11+$0x0] =	vst.idx.add.f32.msk $0xffff, v19  }
0x3e0: {  	v18 =	vld.idx.msk [tilespmem:v20+s1+$0x0], $0xffff  }
0x3e1: {  	v19 =	vor.u32 $0x9F0, v0;
	_ =	sdelay $0x3  }
0x3e2: {  	v18 =	vshll.u32 v18, $0x3  }
0x3e3: {  	p0 =	sne.s32 s19, $0x4DF8;
	v19 =	vld.idx.msk [tilespmem:v19+s15+$0x0], $0xffff;
	v18 =	vor.u32 v2, v18  }
.Ltmp0:
0x3e4: {  	v20 =	vmovc v21;
	v21 =	vmovc v22;
	v22 =	vmov v23;
	v23 =	vmov v24;
	v24 =	vmov v25;
	(pc) =	sbr.rel @p0 .LBB2_2-.Ltmp0, $4  }
0x3e5: {  	v25 =	vmovc v26;
	v26 =	vmovc v27;
	v27 =	vmov v28;
	v28 =	vmov v29;
	v29 =	vmov v30  }
0x3e6: {  	v30 =	vmovc v31;
	v31 =	vmovc v32;
	v32 =	vmov v33;
	v33 =	vmov v34;
	v34 =	vmov v35  }
0x3e7: {  	v35 =	vmovc v36;
	v36 =	vmovc v37;
	v37 =	vmov v38;
	v38 =	vmov v39;
	v39 =	vmov v40;
	v40 =	vld [tilespmem:$0x1FFF0]  }
0x3e8: {  	s19 =	sadd.s32 $0x28, s19;
	s18 =	sadd.s32 $0x2800, s18;
	[tilespmem:v18+s11+$0x0] =	vst.idx.add.f32.msk $0xffff, v19  }
0x3e9: {  	s18 =	simm.s32 $0x0  }
0x3ea: {  	[hbm4b:s5+s18] =	stream.linear.scatter [tilespmem:s11], [sflag:$0x1], $0x13880, $0x38;
	[tilespmem:$0x14400] =	vst v63  }
0x3eb: {  	_ =	swait.ge [sflag:s12], $0x13880  }
0x3ec: {  	[sflag:s12] =	ssyncset.done $0x0  }
0x3ed: {  	[sflag:s12] =	ssyncadd.s32 $0xFFFEC780  }
0x3ee: {  	[tilespmem:s11], [sflag:$0x1] =	stream.linear.gather [hbm4b:s4+s18], $0x138C0, $0x38;
	[tilespmem:$0x14400] =	vst v63  }
0x3ef: {  	_ =	swait.ge [sflag:s12], $0x138C0  }
0x3f0: {  	[sflag:s12] =	ssyncset.done $0x0  }
0x3f1: {  	s19 =	smov.u32 s9;
	[sflag:s12] =	ssyncadd.s32 $0xFFFEC740  }
.LBB2_4:
0x3f2: {  	s20 =	sadd.s32 s18, s10  }
0x3f3: {  	[tilespmem:s1], [sflag:$0x1] =	stream.linear.gather [hbm4b:s20+s1], $0xC8, $0x38;
	[tilespmem:$0x14400] =	vst v63  }
0x3f4: {  	_ =	swait.ge [sflag:s12], $0xC8  }
0x3f5: {  	[sflag:s12] =	ssyncset.done $0x0  }
0x3f6: {  	[sflag:s12] =	ssyncadd.s32 $0xFFFFFF38  }
0x3f7: {  	[tilespmem:s15], [sflag:$0x1] =	stream.strided.gather [hbm4b:s19+s13], $0x640, s16, s13, $0x38;
	[tilespmem:$0x14400] =	vst v63  }
0x3f8: {  	_ =	swait.ge [sflag:s12], $0x640  }
0x3f9: {  	[sflag:s12] =	ssyncset.done $0x0  }
0x3fa: {  	[sflag:s12] =	ssyncadd.s32 $0xFFFFF9C0  }
0x3fb: {  	v18 =	vld.idx.msk [tilespmem:v1+s1+$0x0], $0xffff;
	_ =	sdelay $0x4  }
0x3fc: {  	v18 =	vshll.u32 v18, $0x3  }
0x3fd: {  	v19 =	vld.idx.msk [tilespmem:v0+s15+$0x0], $0xffff;
	v18 =	vor.u32 v2, v18;
	_ =	sdelay $0x4  }
0x3fe: {  	[tilespmem:v18+s11+$0x0] =	vst.idx.add.f32.msk $0xffff, v19  }
0x3ff: {  	v18 =	vld.idx.msk [tilespmem:v21+s1+$0x0], $0xffff;
	_ =	sdelay $0x4  }
0x400: {  	v18 =	vshll.u32 v18, $0x3  }
0x401: {  	v19 =	vld.idx.msk [tilespmem:v20+s15+$0x0], $0xffff;
	v18 =	vor.u32 v2, v18;
	_ =	sdelay $0x4  }
0x402: {  	[tilespmem:v18+s11+$0x0] =	vst.idx.add.f32.msk $0xffff, v19  }
0x403: {  	v18 =	vld.idx.msk [tilespmem:v23+s1+$0x0], $0xffff;
	_ =	sdelay $0x4  }
0x404: {  	v18 =	vshll.u32 v18, $0x3  }
0x405: {  	v19 =	vld.idx.msk [tilespmem:v22+s15+$0x0], $0xffff;
	v18 =	vor.u32 v2, v18;
	_ =	sdelay $0x4  }
0x406: {  	[tilespmem:v18+s11+$0x0] =	vst.idx.add.f32.msk $0xffff, v19  }
0x407: {  	v18 =	vld.idx.msk [tilespmem:v25+s1+$0x0], $0xffff;
	_ =	sdelay $0x4  }
0x408: {  	v18 =	vshll.u32 v18, $0x3  }
0x409: {  	v19 =	vld.idx.msk [tilespmem:v24+s15+$0x0], $0xffff;
	v18 =	vor.u32 v2, v18;
	_ =	sdelay $0x4  }
0x40a: {  	[tilespmem:v18+s11+$0x0] =	vst.idx.add.f32.msk $0xffff, v19  }
0x40b: {  	v18 =	vld.idx.msk [tilespmem:v27+s1+$0x0], $0xffff;
	_ =	sdelay $0x4  }
0x40c: {  	v18 =	vshll.u32 v18, $0x3  }
0x40d: {  	v19 =	vld.idx.msk [tilespmem:v26+s15+$0x0], $0xffff;
	v18 =	vor.u32 v2, v18;
	_ =	sdelay $0x4  }
0x40e: {  	[tilespmem:v18+s11+$0x0] =	vst.idx.add.f32.msk $0xffff, v19  }
0x40f: {  	v18 =	vld.idx.msk [tilespmem:v29+s1+$0x0], $0xffff;
	_ =	sdelay $0x4  }
0x410: {  	v18 =	vshll.u32 v18, $0x3  }
0x411: {  	v19 =	vld.idx.msk [tilespmem:v28+s15+$0x0], $0xffff;
	v18 =	vor.u32 v2, v18;
	_ =	sdelay $0x4  }
0x412: {  	[tilespmem:v18+s11+$0x0] =	vst.idx.add.f32.msk $0xffff, v19  }
0x413: {  	v18 =	vld.idx.msk [tilespmem:v31+s1+$0x0], $0xffff;
	_ =	sdelay $0x4  }
0x414: {  	v18 =	vshll.u32 v18, $0x3  }
0x415: {  	v19 =	vld.idx.msk [tilespmem:v30+s15+$0x0], $0xffff;
	v18 =	vor.u32 v2, v18;
	_ =	sdelay $0x4  }
0x416: {  	[tilespmem:v18+s11+$0x0] =	vst.idx.add.f32.msk $0xffff, v19  }
0x417: {  	v18 =	vld.idx.msk [tilespmem:v33+s1+$0x0], $0xffff;
	_ =	sdelay $0x4  }
0x418: {  	v18 =	vshll.u32 v18, $0x3  }
0x419: {  	v19 =	vld.idx.msk [tilespmem:v32+s15+$0x0], $0xffff;
	v18 =	vor.u32 v2, v18;
	_ =	sdelay $0x4  }
0x41a: {  	[tilespmem:v18+s11+$0x0] =	vst.idx.add.f32.msk $0xffff, v19  }
0x41b: {  	v18 =	vld.idx.msk [tilespmem:v35+s1+$0x0], $0xffff;
	_ =	sdelay $0x4  }
0x41c: {  	v18 =	vshll.u32 v18, $0x3  }
0x41d: {  	v19 =	vld.idx.msk [tilespmem:v34+s15+$0x0], $0xffff;
	v18 =	vor.u32 v2, v18;
	_ =	sdelay $0x4  }
0x41e: {  	[tilespmem:v18+s11+$0x0] =	vst.idx.add.f32.msk $0xffff, v19  }
0x41f: {  	v18 =	vld.idx.msk [tilespmem:v37+s1+$0x0], $0xffff;
	_ =	sdelay $0x4  }
0x420: {  	v18 =	vshll.u32 v18, $0x3  }
0x421: {  	v19 =	vld.idx.msk [tilespmem:v36+s15+$0x0], $0xffff;
	v18 =	vor.u32 v2, v18;
	_ =	sdelay $0x4  }
0x422: {  	[tilespmem:v18+s11+$0x0] =	vst.idx.add.f32.msk $0xffff, v19  }
0x423: {  	v18 =	vld.idx.msk [tilespmem:v39+s1+$0x0], $0xffff;
	_ =	sdelay $0x4  }
0x424: {  	v18 =	vshll.u32 v18, $0x3  }
0x425: {  	v19 =	vld.idx.msk [tilespmem:v38+s15+$0x0], $0xffff;
	v18 =	vor.u32 v2, v18;
	_ =	sdelay $0x4  }
0x426: {  	[tilespmem:v18+s11+$0x0] =	vst.idx.add.f32.msk $0xffff, v19  }
0x427: {  	v18 =	vld [tilespmem:$0x1FD70];
	_ =	sdelay $0x7  }
0x428: {  	v18 =	vld.idx.msk [tilespmem:v18+s1+$0x0], $0xffff;
	_ =	sdelay $0x4  }
0x429: {  	v18 =	vshll.u32 v18, $0x3  }
0x42a: {  	v19 =	vld.idx.msk [tilespmem:v40+s15+$0x0], $0xffff;
	v18 =	vor.u32 v2, v18;
	_ =	sdelay $0x4  }
0x42b: {  	[tilespmem:v18+s11+$0x0] =	vst.idx.add.f32.msk $0xffff, v19  }
0x42c: {  	v18 =	vld [tilespmem:$0x1FD90];
	_ =	sdelay $0x5  }
0x42d: {  	v19 =	vld [tilespmem:$0x1FD80];
	_ =	sdelay $0x1  }
0x42e: {  	v18 =	vld.idx.msk [tilespmem:v18+s1+$0x0], $0xffff;
	_ =	sdelay $0x4  }
0x42f: {  	v18 =	vshll.u32 v18, $0x3  }
0x430: {  	v19 =	vld.idx.msk [tilespmem:v19+s15+$0x0], $0xffff;
	v18 =	vor.u32 v2, v18;
	_ =	sdelay $0x4  }
0x431: {  	[tilespmem:v18+s11+$0x0] =	vst.idx.add.f32.msk $0xffff, v19  }
0x432: {  	v18 =	vld [tilespmem:$0x1FDB0];
	_ =	sdelay $0x5  }
0x433: {  	v19 =	vld [tilespmem:$0x1FDA0];
	_ =	sdelay $0x1  }
0x434: {  	v18 =	vld.idx.msk [tilespmem:v18+s1+$0x0], $0xffff;
	_ =	sdelay $0x4  }
0x435: {  	v18 =	vshll.u32 v18, $0x3  }
0x436: {  	v19 =	vld.idx.msk [tilespmem:v19+s15+$0x0], $0xffff;
	v18 =	vor.u32 v2, v18;
	_ =	sdelay $0x4  }
0x437: {  	[tilespmem:v18+s11+$0x0] =	vst.idx.add.f32.msk $0xffff, v19  }
0x438: {  	v18 =	vld [tilespmem:$0x1FDD0];
	_ =	sdelay $0x5  }
0x439: {  	v19 =	vld [tilespmem:$0x1FDC0];
	_ =	sdelay $0x1  }
0x43a: {  	v18 =	vld.idx.msk [tilespmem:v18+s1+$0x0], $0xffff;
	_ =	sdelay $0x4  }
0x43b: {  	v18 =	vshll.u32 v18, $0x3  }
0x43c: {  	v19 =	vld.idx.msk [tilespmem:v19+s15+$0x0], $0xffff;
	v18 =	vor.u32 v2, v18;
	_ =	sdelay $0x4  }
0x43d: {  	[tilespmem:v18+s11+$0x0] =	vst.idx.add.f32.msk $0xffff, v19  }
0x43e: {  	v18 =	vld [tilespmem:$0x1FDF0];
	_ =	sdelay $0x5  }
0x43f: {  	v19 =	vld [tilespmem:$0x1FDE0];
	_ =	sdelay $0x1  }
0x440: {  	v18 =	vld.idx.msk [tilespmem:v18+s1+$0x0], $0xffff;
	_ =	sdelay $0x4  }
0x441: {  	v18 =	vshll.u32 v18, $0x3  }
0x442: {  	v19 =	vld.idx.msk [tilespmem:v19+s15+$0x0], $0xffff;
	v18 =	vor.u32 v2, v18;
	_ =	sdelay $0x4  }
0x443: {  	[tilespmem:v18+s11+$0x0] =	vst.idx.add.f32.msk $0xffff, v19  }
0x444: {  	v18 =	vld [tilespmem:$0x1FE10];
	_ =	sdelay $0x5  }
0x445: {  	v19 =	vld [tilespmem:$0x1FE00];
	_ =	sdelay $0x1  }
0x446: {  	v18 =	vld.idx.msk [tilespmem:v18+s1+$0x0], $0xffff;
	_ =	sdelay $0x4  }
0x447: {  	v18 =	vshll.u32 v18, $0x3  }
0x448: {  	v19 =	vld.idx.msk [tilespmem:v19+s15+$0x0], $0xffff;
	v18 =	vor.u32 v2, v18;
	_ =	sdelay $0x4  }
0x449: {  	[tilespmem:v18+s11+$0x0] =	vst.idx.add.f32.msk $0xffff, v19  }
0x44a: {  	v18 =	vld [tilespmem:$0x1FE30];
	_ =	sdelay $0x5  }
0x44b: {  	v19 =	vld [tilespmem:$0x1FE20];
	_ =	sdelay $0x1  }
0x44c: {  	v18 =	vld.idx.msk [tilespmem:v18+s1+$0x0], $0xffff;
	_ =	sdelay $0x4  }
0x44d: {  	v18 =	vshll.u32 v18, $0x3  }
0x44e: {  	v19 =	vld.idx.msk [tilespmem:v19+s15+$0x0], $0xffff;
	v18 =	vor.u32 v2, v18;
	_ =	sdelay $0x4  }
0x44f: {  	[tilespmem:v18+s11+$0x0] =	vst.idx.add.f32.msk $0xffff, v19  }
0x450: {  	v18 =	vld [tilespmem:$0x1FE50];
	_ =	sdelay $0x5  }
0x451: {  	v19 =	vld [tilespmem:$0x1FE40];
	_ =	sdelay $0x1  }
0x452: {  	v18 =	vld.idx.msk [tilespmem:v18+s1+$0x0], $0xffff;
	_ =	sdelay $0x4  }
0x453: {  	v18 =	vshll.u32 v18, $0x3  }
0x454: {  	v19 =	vld.idx.msk [tilespmem:v19+s15+$0x0], $0xffff;
	v18 =	vor.u32 v2, v18;
	_ =	sdelay $0x4  }
0x455: {  	[tilespmem:v18+s11+$0x0] =	vst.idx.add.f32.msk $0xffff, v19  }
0x456: {  	v18 =	vld [tilespmem:$0x1FE70];
	_ =	sdelay $0x5  }
0x457: {  	v19 =	vld [tilespmem:$0x1FE60];
	_ =	sdelay $0x1  }
0x458: {  	v18 =	vld.idx.msk [tilespmem:v18+s1+$0x0], $0xffff;
	_ =	sdelay $0x4  }
0x459: {  	v18 =	vshll.u32 v18, $0x3  }
0x45a: {  	v19 =	vld.idx.msk [tilespmem:v19+s15+$0x0], $0xffff;
	v18 =	vor.u32 v2, v18;
	_ =	sdelay $0x4  }
0x45b: {  	[tilespmem:v18+s11+$0x0] =	vst.idx.add.f32.msk $0xffff, v19  }
0x45c: {  	v18 =	vld [tilespmem:$0x1FE90];
	_ =	sdelay $0x5  }
0x45d: {  	v19 =	vld [tilespmem:$0x1FE80];
	_ =	sdelay $0x1  }
0x45e: {  	v18 =	vld.idx.msk [tilespmem:v18+s1+$0x0], $0xffff;
	_ =	sdelay $0x4  }
0x45f: {  	v18 =	vshll.u32 v18, $0x3  }
0x460: {  	v19 =	vld.idx.msk [tilespmem:v19+s15+$0x0], $0xffff;
	v18 =	vor.u32 v2, v18;
	_ =	sdelay $0x4  }
0x461: {  	[tilespmem:v18+s11+$0x0] =	vst.idx.add.f32.msk $0xffff, v19  }
0x462: {  	v18 =	vld [tilespmem:$0x1FEB0];
	_ =	sdelay $0x5  }
0x463: {  	v19 =	vld [tilespmem:$0x1FEA0];
	_ =	sdelay $0x1  }
0x464: {  	v18 =	vld.idx.msk [tilespmem:v18+s1+$0x0], $0xffff;
	_ =	sdelay $0x4  }
0x465: {  	v18 =	vshll.u32 v18, $0x3  }
0x466: {  	v19 =	vld.idx.msk [tilespmem:v19+s15+$0x0], $0xffff;
	v18 =	vor.u32 v2, v18;
	_ =	sdelay $0x4  }
0x467: {  	[tilespmem:v18+s11+$0x0] =	vst.idx.add.f32.msk $0xffff, v19  }
0x468: {  	v18 =	vld [tilespmem:$0x1FED0];
	_ =	sdelay $0x5  }
0x469: {  	v19 =	vld [tilespmem:$0x1FEC0];
	_ =	sdelay $0x1  }
0x46a: {  	v18 =	vld.idx.msk [tilespmem:v18+s1+$0x0], $0xffff;
	_ =	sdelay $0x4  }
0x46b: {  	v18 =	vshll.u32 v18, $0x3  }
0x46c: {  	v19 =	vld.idx.msk [tilespmem:v19+s15+$0x0], $0xffff;
	v18 =	vor.u32 v2, v18;
	_ =	sdelay $0x4  }
0x46d: {  	[tilespmem:v18+s11+$0x0] =	vst.idx.add.f32.msk $0xffff, v19  }
0x46e: {  	v18 =	vld [tilespmem:$0x1FEF0];
	_ =	sdelay $0x5  }
0x46f: {  	v19 =	vld [tilespmem:$0x1FEE0];
	_ =	sdelay $0x1  }
0x470: {  	v18 =	vld.idx.msk [tilespmem:v18+s1+$0x0], $0xffff;
	_ =	sdelay $0x4  }
0x471: {  	v18 =	vshll.u32 v18, $0x3  }
0x472: {  	v19 =	vld.idx.msk [tilespmem:v19+s15+$0x0], $0xffff;
	v18 =	vor.u32 v2, v18;
	_ =	sdelay $0x4  }
0x473: {  	[tilespmem:v18+s11+$0x0] =	vst.idx.add.f32.msk $0xffff, v19  }
0x474: {  	v18 =	vld [tilespmem:$0x1FF10];
	_ =	sdelay $0x5  }
0x475: {  	v19 =	vld [tilespmem:$0x1FF00];
	_ =	sdelay $0x1  }
0x476: {  	v18 =	vld.idx.msk [tilespmem:v18+s1+$0x0], $0xffff;
	_ =	sdelay $0x4  }
0x477: {  	v18 =	vshll.u32 v18, $0x3  }
0x478: {  	v19 =	vld.idx.msk [tilespmem:v19+s15+$0x0], $0xffff;
	v18 =	vor.u32 v2, v18;
	_ =	sdelay $0x4  }
0x479: {  	[tilespmem:v18+s11+$0x0] =	vst.idx.add.f32.msk $0xffff, v19  }
0x47a: {  	v18 =	vld [tilespmem:$0x1FF30];
	_ =	sdelay $0x5  }
0x47b: {  	v19 =	vld [tilespmem:$0x1FF20];
	_ =	sdelay $0x1  }
0x47c: {  	v18 =	vld.idx.msk [tilespmem:v18+s1+$0x0], $0xffff;
	_ =	sdelay $0x4  }
0x47d: {  	v18 =	vshll.u32 v18, $0x3  }
0x47e: {  	v19 =	vld.idx.msk [tilespmem:v19+s15+$0x0], $0xffff;
	v18 =	vor.u32 v2, v18;
	_ =	sdelay $0x4  }
0x47f: {  	[tilespmem:v18+s11+$0x0] =	vst.idx.add.f32.msk $0xffff, v19  }
0x480: {  	v18 =	vld [tilespmem:$0x1FF50];
	_ =	sdelay $0x5  }
0x481: {  	v19 =	vld [tilespmem:$0x1FF40];
	_ =	sdelay $0x1  }
0x482: {  	v18 =	vld.idx.msk [tilespmem:v18+s1+$0x0], $0xffff;
	_ =	sdelay $0x4  }
0x483: {  	v18 =	vshll.u32 v18, $0x3  }
0x484: {  	v19 =	vld.idx.msk [tilespmem:v19+s15+$0x0], $0xffff;
	v18 =	vor.u32 v2, v18;
	_ =	sdelay $0x4  }
0x485: {  	[tilespmem:v18+s11+$0x0] =	vst.idx.add.f32.msk $0xffff, v19  }
0x486: {  	v18 =	vld [tilespmem:$0x1FF70];
	_ =	sdelay $0x5  }
0x487: {  	v19 =	vld [tilespmem:$0x1FF60];
	_ =	sdelay $0x1  }
0x488: {  	v18 =	vld.idx.msk [tilespmem:v18+s1+$0x0], $0xffff;
	_ =	sdelay $0x4  }
0x489: {  	v18 =	vshll.u32 v18, $0x3  }
0x48a: {  	v19 =	vld.idx.msk [tilespmem:v19+s15+$0x0], $0xffff;
	v18 =	vor.u32 v2, v18;
	_ =	sdelay $0x4  }
0x48b: {  	[tilespmem:v18+s11+$0x0] =	vst.idx.add.f32.msk $0xffff, v19  }
0x48c: {  	v18 =	vld [tilespmem:$0x1FF90];
	_ =	sdelay $0x5  }
0x48d: {  	v19 =	vld [tilespmem:$0x1FF80];
	_ =	sdelay $0x1  }
0x48e: {  	v18 =	vld.idx.msk [tilespmem:v18+s1+$0x0], $0xffff;
	_ =	sdelay $0x4  }
0x48f: {  	v18 =	vshll.u32 v18, $0x3  }
0x490: {  	v19 =	vld.idx.msk [tilespmem:v19+s15+$0x0], $0xffff;
	v18 =	vor.u32 v2, v18;
	_ =	sdelay $0x4  }
0x491: {  	[tilespmem:v18+s11+$0x0] =	vst.idx.add.f32.msk $0xffff, v19  }
0x492: {  	v18 =	vld [tilespmem:$0x1FFB0];
	_ =	sdelay $0x5  }
0x493: {  	v19 =	vld [tilespmem:$0x1FFA0];
	_ =	sdelay $0x1  }
0x494: {  	v18 =	vld.idx.msk [tilespmem:v18+s1+$0x0], $0xffff;
	_ =	sdelay $0x4  }
0x495: {  	v18 =	vshll.u32 v18, $0x3  }
0x496: {  	v19 =	vld.idx.msk [tilespmem:v19+s15+$0x0], $0xffff;
	v18 =	vor.u32 v2, v18;
	_ =	sdelay $0x4  }
0x497: {  	[tilespmem:v18+s11+$0x0] =	vst.idx.add.f32.msk $0xffff, v19  }
0x498: {  	v18 =	vld [tilespmem:$0x1FFD0];
	_ =	sdelay $0x5  }
0x499: {  	v19 =	vld [tilespmem:$0x1FFC0];
	_ =	sdelay $0x1  }
0x49a: {  	v18 =	vld.idx.msk [tilespmem:v18+s1+$0x0], $0xffff;
	_ =	sdelay $0x4  }
0x49b: {  	v18 =	vshll.u32 v18, $0x3  }
0x49c: {  	v19 =	vld.idx.msk [tilespmem:v19+s15+$0x0], $0xffff;
	v18 =	vor.u32 v2, v18;
	_ =	sdelay $0x4  }
0x49d: {  	[tilespmem:v18+s11+$0x0] =	vst.idx.add.f32.msk $0xffff, v19  }
0x49e: {  	v18 =	vld [tilespmem:$0x1F740];
	_ =	sdelay $0x5  }
0x49f: {  	v19 =	vld [tilespmem:$0x1FFE0];
	_ =	sdelay $0x1  }
0x4a0: {  	v18 =	vld.idx.msk [tilespmem:v18+s1+$0x0], $0xffff;
	_ =	sdelay $0x4  }
0x4a1: {  	v18 =	vshll.u32 v18, $0x3  }
0x4a2: {  	v19 =	vld.idx.msk [tilespmem:v19+s15+$0x0], $0xffff;
	v18 =	vor.u32 v2, v18;
	_ =	sdelay $0x4  }
0x4a3: {  	[tilespmem:v18+s11+$0x0] =	vst.idx.add.f32.msk $0xffff, v19  }
0x4a4: {  	v18 =	vld [tilespmem:$0x1F750];
	_ =	sdelay $0x5  }
0x4a5: {  	v19 =	vld [tilespmem:$0x1F760];
	_ =	sdelay $0x1  }
0x4a6: {  	v18 =	vld.idx.msk [tilespmem:v18+s1+$0x0], $0xffff;
	_ =	sdelay $0x4  }
0x4a7: {  	v18 =	vshll.u32 v18, $0x3  }
0x4a8: {  	v19 =	vld.idx.msk [tilespmem:v19+s15+$0x0], $0xffff;
	v18 =	vor.u32 v2, v18;
	_ =	sdelay $0x4  }
0x4a9: {  	[tilespmem:v18+s11+$0x0] =	vst.idx.add.f32.msk $0xffff, v19  }
0x4aa: {  	v18 =	vld [tilespmem:$0x1F770];
	_ =	sdelay $0x5  }
0x4ab: {  	v19 =	vld [tilespmem:$0x1F780];
	_ =	sdelay $0x1  }
0x4ac: {  	v18 =	vld.idx.msk [tilespmem:v18+s1+$0x0], $0xffff;
	_ =	sdelay $0x4  }
0x4ad: {  	v18 =	vshll.u32 v18, $0x3  }
0x4ae: {  	v19 =	vld.idx.msk [tilespmem:v19+s15+$0x0], $0xffff;
	v18 =	vor.u32 v2, v18;
	_ =	sdelay $0x4  }
0x4af: {  	[tilespmem:v18+s11+$0x0] =	vst.idx.add.f32.msk $0xffff, v19  }
0x4b0: {  	v18 =	vld [tilespmem:$0x1F790];
	_ =	sdelay $0x5  }
0x4b1: {  	v19 =	vld [tilespmem:$0x1F7A0];
	_ =	sdelay $0x1  }
0x4b2: {  	v18 =	vld.idx.msk [tilespmem:v18+s1+$0x0], $0xffff;
	_ =	sdelay $0x4  }
0x4b3: {  	v18 =	vshll.u32 v18, $0x3  }
0x4b4: {  	v19 =	vld.idx.msk [tilespmem:v19+s15+$0x0], $0xffff;
	v18 =	vor.u32 v2, v18;
	_ =	sdelay $0x4  }
0x4b5: {  	[tilespmem:v18+s11+$0x0] =	vst.idx.add.f32.msk $0xffff, v19  }
0x4b6: {  	v18 =	vld [tilespmem:$0x1F7B0];
	_ =	sdelay $0x5  }
0x4b7: {  	v19 =	vld [tilespmem:$0x1F7C0];
	_ =	sdelay $0x1  }
0x4b8: {  	v18 =	vld.idx.msk [tilespmem:v18+s1+$0x0], $0xffff;
	_ =	sdelay $0x4  }
0x4b9: {  	v18 =	vshll.u32 v18, $0x3  }
0x4ba: {  	v19 =	vld.idx.msk [tilespmem:v19+s15+$0x0], $0xffff;
	v18 =	vor.u32 v2, v18;
	_ =	sdelay $0x4  }
0x4bb: {  	[tilespmem:v18+s11+$0x0] =	vst.idx.add.f32.msk $0xffff, v19  }
0x4bc: {  	v18 =	vld [tilespmem:$0x1F7D0];
	_ =	sdelay $0x5  }
0x4bd: {  	v19 =	vld [tilespmem:$0x1F7E0];
	_ =	sdelay $0x1  }
0x4be: {  	v18 =	vld.idx.msk [tilespmem:v18+s1+$0x0], $0xffff;
	_ =	sdelay $0x4  }
0x4bf: {  	v18 =	vshll.u32 v18, $0x3  }
0x4c0: {  	v19 =	vld.idx.msk [tilespmem:v19+s15+$0x0], $0xffff;
	v18 =	vor.u32 v2, v18;
	_ =	sdelay $0x4  }
0x4c1: {  	[tilespmem:v18+s11+$0x0] =	vst.idx.add.f32.msk $0xffff, v19  }
0x4c2: {  	v18 =	vld [tilespmem:$0x1F7F0];
	_ =	sdelay $0x5  }
0x4c3: {  	v19 =	vld [tilespmem:$0x1F800];
	_ =	sdelay $0x1  }
0x4c4: {  	v18 =	vld.idx.msk [tilespmem:v18+s1+$0x0], $0xffff;
	_ =	sdelay $0x4  }
0x4c5: {  	v18 =	vshll.u32 v18, $0x3  }
0x4c6: {  	v19 =	vld.idx.msk [tilespmem:v19+s15+$0x0], $0xffff;
	v18 =	vor.u32 v2, v18;
	_ =	sdelay $0x4  }
0x4c7: {  	[tilespmem:v18+s11+$0x0] =	vst.idx.add.f32.msk $0xffff, v19  }
0x4c8: {  	v18 =	vld [tilespmem:$0x1F810];
	_ =	sdelay $0x5  }
0x4c9: {  	v19 =	vld [tilespmem:$0x1F820];
	_ =	sdelay $0x1  }
0x4ca: {  	v18 =	vld.idx.msk [tilespmem:v18+s1+$0x0], $0xffff;
	_ =	sdelay $0x4  }
0x4cb: {  	v18 =	vshll.u32 v18, $0x3  }
0x4cc: {  	v19 =	vld.idx.msk [tilespmem:v19+s15+$0x0], $0xffff;
	v18 =	vor.u32 v2, v18;
	_ =	sdelay $0x4  }
0x4cd: {  	[tilespmem:v18+s11+$0x0] =	vst.idx.add.f32.msk $0xffff, v19  }
0x4ce: {  	v18 =	vld [tilespmem:$0x1F830];
	_ =	sdelay $0x5  }
0x4cf: {  	v19 =	vld [tilespmem:$0x1F840];
	_ =	sdelay $0x1  }
0x4d0: {  	v18 =	vld.idx.msk [tilespmem:v18+s1+$0x0], $0xffff;
	_ =	sdelay $0x4  }
0x4d1: {  	v18 =	vshll.u32 v18, $0x3  }
0x4d2: {  	v19 =	vld.idx.msk [tilespmem:v19+s15+$0x0], $0xffff;
	v18 =	vor.u32 v2, v18;
	_ =	sdelay $0x4  }
0x4d3: {  	[tilespmem:v18+s11+$0x0] =	vst.idx.add.f32.msk $0xffff, v19  }
0x4d4: {  	v18 =	vld [tilespmem:$0x1F850];
	_ =	sdelay $0x5  }
0x4d5: {  	v19 =	vld [tilespmem:$0x1F860];
	_ =	sdelay $0x1  }
0x4d6: {  	v18 =	vld.idx.msk [tilespmem:v18+s1+$0x0], $0xffff;
	_ =	sdelay $0x4  }
0x4d7: {  	v18 =	vshll.u32 v18, $0x3  }
0x4d8: {  	v19 =	vld.idx.msk [tilespmem:v19+s15+$0x0], $0xffff;
	v18 =	vor.u32 v2, v18;
	_ =	sdelay $0x4  }
0x4d9: {  	[tilespmem:v18+s11+$0x0] =	vst.idx.add.f32.msk $0xffff, v19  }
0x4da: {  	v18 =	vld [tilespmem:$0x1F870];
	_ =	sdelay $0x5  }
0x4db: {  	v19 =	vld [tilespmem:$0x1F880];
	_ =	sdelay $0x1  }
0x4dc: {  	v18 =	vld.idx.msk [tilespmem:v18+s1+$0x0], $0xffff;
	_ =	sdelay $0x4  }
0x4dd: {  	v18 =	vshll.u32 v18, $0x3  }
0x4de: {  	v19 =	vld.idx.msk [tilespmem:v19+s15+$0x0], $0xffff;
	v18 =	vor.u32 v2, v18;
	_ =	sdelay $0x4  }
0x4df: {  	[tilespmem:v18+s11+$0x0] =	vst.idx.add.f32.msk $0xffff, v19  }
0x4e0: {  	v18 =	vld [tilespmem:$0x1F890];
	_ =	sdelay $0x5  }
0x4e1: {  	v19 =	vld [tilespmem:$0x1F8A0];
	_ =	sdelay $0x1  }
0x4e2: {  	v18 =	vld.idx.msk [tilespmem:v18+s1+$0x0], $0xffff;
	_ =	sdelay $0x4  }
0x4e3: {  	v18 =	vshll.u32 v18, $0x3  }
0x4e4: {  	v19 =	vld.idx.msk [tilespmem:v19+s15+$0x0], $0xffff;
	v18 =	vor.u32 v2, v18;
	_ =	sdelay $0x4  }
0x4e5: {  	[tilespmem:v18+s11+$0x0] =	vst.idx.add.f32.msk $0xffff, v19  }
0x4e6: {  	v18 =	vld [tilespmem:$0x1F8B0];
	_ =	sdelay $0x5  }
0x4e7: {  	v19 =	vld [tilespmem:$0x1F8C0];
	_ =	sdelay $0x1  }
0x4e8: {  	v18 =	vld.idx.msk [tilespmem:v18+s1+$0x0], $0xffff;
	_ =	sdelay $0x4  }
0x4e9: {  	v18 =	vshll.u32 v18, $0x3  }
0x4ea: {  	v19 =	vld.idx.msk [tilespmem:v19+s15+$0x0], $0xffff;
	v18 =	vor.u32 v2, v18;
	_ =	sdelay $0x4  }
0x4eb: {  	[tilespmem:v18+s11+$0x0] =	vst.idx.add.f32.msk $0xffff, v19  }
0x4ec: {  	v18 =	vld [tilespmem:$0x1F8D0];
	_ =	sdelay $0x5  }
0x4ed: {  	v19 =	vld [tilespmem:$0x1F8E0];
	_ =	sdelay $0x1  }
0x4ee: {  	v18 =	vld.idx.msk [tilespmem:v18+s1+$0x0], $0xffff;
	_ =	sdelay $0x4  }
0x4ef: {  	v18 =	vshll.u32 v18, $0x3  }
0x4f0: {  	v19 =	vld.idx.msk [tilespmem:v19+s15+$0x0], $0xffff;
	v18 =	vor.u32 v2, v18;
	_ =	sdelay $0x4  }
0x4f1: {  	[tilespmem:v18+s11+$0x0] =	vst.idx.add.f32.msk $0xffff, v19  }
0x4f2: {  	v18 =	vld [tilespmem:$0x1F8F0];
	_ =	sdelay $0x5  }
0x4f3: {  	v19 =	vld [tilespmem:$0x1F900];
	_ =	sdelay $0x1  }
0x4f4: {  	v18 =	vld.idx.msk [tilespmem:v18+s1+$0x0], $0xffff;
	_ =	sdelay $0x4  }
0x4f5: {  	v18 =	vshll.u32 v18, $0x3  }
0x4f6: {  	v19 =	vld.idx.msk [tilespmem:v19+s15+$0x0], $0xffff;
	v18 =	vor.u32 v2, v18;
	_ =	sdelay $0x4  }
0x4f7: {  	[tilespmem:v18+s11+$0x0] =	vst.idx.add.f32.msk $0xffff, v19  }
0x4f8: {  	v18 =	vld [tilespmem:$0x1F910];
	_ =	sdelay $0x5  }
0x4f9: {  	v19 =	vld [tilespmem:$0x1F920];
	_ =	sdelay $0x1  }
0x4fa: {  	v18 =	vld.idx.msk [tilespmem:v18+s1+$0x0], $0xffff;
	_ =	sdelay $0x4  }
0x4fb: {  	v18 =	vshll.u32 v18, $0x3  }
0x4fc: {  	v19 =	vld.idx.msk [tilespmem:v19+s15+$0x0], $0xffff;
	v18 =	vor.u32 v2, v18;
	_ =	sdelay $0x4  }
0x4fd: {  	[tilespmem:v18+s11+$0x0] =	vst.idx.add.f32.msk $0xffff, v19  }
0x4fe: {  	v18 =	vld [tilespmem:$0x1F930];
	_ =	sdelay $0x5  }
0x4ff: {  	v19 =	vld [tilespmem:$0x1F940];
	_ =	sdelay $0x1  }
0x500: {  	v18 =	vld.idx.msk [tilespmem:v18+s1+$0x0], $0xffff;
	_ =	sdelay $0x4  }
0x501: {  	v18 =	vshll.u32 v18, $0x3  }
0x502: {  	v19 =	vld.idx.msk [tilespmem:v19+s15+$0x0], $0xffff;
	v18 =	vor.u32 v2, v18;
	_ =	sdelay $0x4  }
0x503: {  	[tilespmem:v18+s11+$0x0] =	vst.idx.add.f32.msk $0xffff, v19  }
0x504: {  	v18 =	vld [tilespmem:$0x1F950];
	_ =	sdelay $0x5  }
0x505: {  	v19 =	vld [tilespmem:$0x1F960];
	_ =	sdelay $0x1  }
0x506: {  	v18 =	vld.idx.msk [tilespmem:v18+s1+$0x0], $0xffff;
	_ =	sdelay $0x4  }
0x507: {  	v18 =	vshll.u32 v18, $0x3  }
0x508: {  	v19 =	vld.idx.msk [tilespmem:v19+s15+$0x0], $0xffff;
	v18 =	vor.u32 v2, v18;
	_ =	sdelay $0x4  }
0x509: {  	[tilespmem:v18+s11+$0x0] =	vst.idx.add.f32.msk $0xffff, v19  }
0x50a: {  	v18 =	vld [tilespmem:$0x1F970];
	_ =	sdelay $0x5  }
0x50b: {  	v19 =	vld [tilespmem:$0x1F980];
	_ =	sdelay $0x1  }
0x50c: {  	v18 =	vld.idx.msk [tilespmem:v18+s1+$0x0], $0xffff;
	_ =	sdelay $0x4  }
0x50d: {  	v18 =	vshll.u32 v18, $0x3  }
0x50e: {  	v19 =	vld.idx.msk [tilespmem:v19+s15+$0x0], $0xffff;
	v18 =	vor.u32 v2, v18;
	_ =	sdelay $0x4  }
0x50f: {  	[tilespmem:v18+s11+$0x0] =	vst.idx.add.f32.msk $0xffff, v19  }
0x510: {  	v18 =	vld [tilespmem:$0x1F990];
	_ =	sdelay $0x5  }
0x511: {  	v19 =	vld [tilespmem:$0x1F9A0];
	_ =	sdelay $0x1  }
0x512: {  	v18 =	vld.idx.msk [tilespmem:v18+s1+$0x0], $0xffff;
	_ =	sdelay $0x4  }
0x513: {  	v18 =	vshll.u32 v18, $0x3  }
0x514: {  	v19 =	vld.idx.msk [tilespmem:v19+s15+$0x0], $0xffff;
	v18 =	vor.u32 v2, v18;
	_ =	sdelay $0x4  }
0x515: {  	[tilespmem:v18+s11+$0x0] =	vst.idx.add.f32.msk $0xffff, v19  }
0x516: {  	v18 =	vld [tilespmem:$0x1F9B0];
	_ =	sdelay $0x5  }
0x517: {  	v19 =	vld [tilespmem:$0x1F9C0];
	_ =	sdelay $0x1  }
0x518: {  	v18 =	vld.idx.msk [tilespmem:v18+s1+$0x0], $0xffff;
	_ =	sdelay $0x4  }
0x519: {  	v18 =	vshll.u32 v18, $0x3  }
0x51a: {  	v19 =	vld.idx.msk [tilespmem:v19+s15+$0x0], $0xffff;
	v18 =	vor.u32 v2, v18;
	_ =	sdelay $0x4  }
0x51b: {  	[tilespmem:v18+s11+$0x0] =	vst.idx.add.f32.msk $0xffff, v19  }
0x51c: {  	v18 =	vld [tilespmem:$0x1F9D0];
	_ =	sdelay $0x5  }
0x51d: {  	v19 =	vld [tilespmem:$0x1F9E0];
	_ =	sdelay $0x1  }
0x51e: {  	v18 =	vld.idx.msk [tilespmem:v18+s1+$0x0], $0xffff;
	_ =	sdelay $0x4  }
0x51f: {  	v18 =	vshll.u32 v18, $0x3  }
0x520: {  	v19 =	vld.idx.msk [tilespmem:v19+s15+$0x0], $0xffff;
	v18 =	vor.u32 v2, v18;
	_ =	sdelay $0x4  }
0x521: {  	[tilespmem:v18+s11+$0x0] =	vst.idx.add.f32.msk $0xffff, v19  }
0x522: {  	v18 =	vld [tilespmem:$0x1F9F0];
	_ =	sdelay $0x5  }
0x523: {  	v19 =	vld [tilespmem:$0x1FA00];
	_ =	sdelay $0x1  }
0x524: {  	v18 =	vld.idx.msk [tilespmem:v18+s1+$0x0], $0xffff;
	_ =	sdelay $0x4  }
0x525: {  	v18 =	vshll.u32 v18, $0x3  }
0x526: {  	v19 =	vld.idx.msk [tilespmem:v19+s15+$0x0], $0xffff;
	v18 =	vor.u32 v2, v18;
	_ =	sdelay $0x4  }
0x527: {  	[tilespmem:v18+s11+$0x0] =	vst.idx.add.f32.msk $0xffff, v19  }
0x528: {  	v18 =	vld [tilespmem:$0x1FA10];
	_ =	sdelay $0x5  }
0x529: {  	v19 =	vld [tilespmem:$0x1FA20];
	_ =	sdelay $0x1  }
0x52a: {  	v18 =	vld.idx.msk [tilespmem:v18+s1+$0x0], $0xffff;
	_ =	sdelay $0x4  }
0x52b: {  	v18 =	vshll.u32 v18, $0x3  }
0x52c: {  	v19 =	vld.idx.msk [tilespmem:v19+s15+$0x0], $0xffff;
	v18 =	vor.u32 v2, v18;
	_ =	sdelay $0x4  }
0x52d: {  	[tilespmem:v18+s11+$0x0] =	vst.idx.add.f32.msk $0xffff, v19  }
0x52e: {  	v18 =	vld [tilespmem:$0x1FA30];
	_ =	sdelay $0x5  }
0x52f: {  	v19 =	vld [tilespmem:$0x1FA40];
	_ =	sdelay $0x1  }
0x530: {  	v18 =	vld.idx.msk [tilespmem:v18+s1+$0x0], $0xffff;
	_ =	sdelay $0x4  }
0x531: {  	v18 =	vshll.u32 v18, $0x3  }
0x532: {  	v19 =	vld.idx.msk [tilespmem:v19+s15+$0x0], $0xffff;
	v18 =	vor.u32 v2, v18;
	_ =	sdelay $0x4  }
0x533: {  	[tilespmem:v18+s11+$0x0] =	vst.idx.add.f32.msk $0xffff, v19  }
0x534: {  	v18 =	vld [tilespmem:$0x1FA50];
	_ =	sdelay $0x5  }
0x535: {  	v19 =	vld [tilespmem:$0x1FA60];
	_ =	sdelay $0x1  }
0x536: {  	v18 =	vld.idx.msk [tilespmem:v18+s1+$0x0], $0xffff;
	_ =	sdelay $0x4  }
0x537: {  	v18 =	vshll.u32 v18, $0x3  }
0x538: {  	v19 =	vld.idx.msk [tilespmem:v19+s15+$0x0], $0xffff;
	v18 =	vor.u32 v2, v18;
	_ =	sdelay $0x4  }
0x539: {  	[tilespmem:v18+s11+$0x0] =	vst.idx.add.f32.msk $0xffff, v19  }
0x53a: {  	v18 =	vld [tilespmem:$0x1FA70];
	_ =	sdelay $0x5  }
0x53b: {  	v19 =	vld [tilespmem:$0x1FA80];
	_ =	sdelay $0x1  }
0x53c: {  	v18 =	vld.idx.msk [tilespmem:v18+s1+$0x0], $0xffff;
	_ =	sdelay $0x4  }
0x53d: {  	v18 =	vshll.u32 v18, $0x3  }
0x53e: {  	v19 =	vld.idx.msk [tilespmem:v19+s15+$0x0], $0xffff;
	v18 =	vor.u32 v2, v18;
	_ =	sdelay $0x4  }
0x53f: {  	[tilespmem:v18+s11+$0x0] =	vst.idx.add.f32.msk $0xffff, v19  }
0x540: {  	v18 =	vld [tilespmem:$0x1FA90];
	_ =	sdelay $0x5  }
0x541: {  	v19 =	vld [tilespmem:$0x1FAA0];
	_ =	sdelay $0x1  }
0x542: {  	v18 =	vld.idx.msk [tilespmem:v18+s1+$0x0], $0xffff;
	_ =	sdelay $0x4  }
0x543: {  	v18 =	vshll.u32 v18, $0x3  }
0x544: {  	v19 =	vld.idx.msk [tilespmem:v19+s15+$0x0], $0xffff;
	v18 =	vor.u32 v2, v18;
	_ =	sdelay $0x4  }
0x545: {  	[tilespmem:v18+s11+$0x0] =	vst.idx.add.f32.msk $0xffff, v19  }
0x546: {  	v18 =	vld [tilespmem:$0x1FAB0];
	_ =	sdelay $0x5  }
0x547: {  	v19 =	vld [tilespmem:$0x1FAC0];
	_ =	sdelay $0x1  }
0x548: {  	v18 =	vld.idx.msk [tilespmem:v18+s1+$0x0], $0xffff;
	_ =	sdelay $0x4  }
0x549: {  	v18 =	vshll.u32 v18, $0x3  }
0x54a: {  	v19 =	vld.idx.msk [tilespmem:v19+s15+$0x0], $0xffff;
	v18 =	vor.u32 v2, v18;
	_ =	sdelay $0x4  }
0x54b: {  	[tilespmem:v18+s11+$0x0] =	vst.idx.add.f32.msk $0xffff, v19  }
0x54c: {  	v18 =	vld [tilespmem:$0x1FAD0];
	_ =	sdelay $0x5  }
0x54d: {  	v19 =	vld [tilespmem:$0x1FAE0];
	_ =	sdelay $0x1  }
0x54e: {  	v18 =	vld.idx.msk [tilespmem:v18+s1+$0x0], $0xffff;
	_ =	sdelay $0x4  }
0x54f: {  	v18 =	vshll.u32 v18, $0x3  }
0x550: {  	v19 =	vld.idx.msk [tilespmem:v19+s15+$0x0], $0xffff;
	v18 =	vor.u32 v2, v18;
	_ =	sdelay $0x4  }
0x551: {  	[tilespmem:v18+s11+$0x0] =	vst.idx.add.f32.msk $0xffff, v19  }
0x552: {  	v18 =	vld [tilespmem:$0x1FAF0];
	_ =	sdelay $0x5  }
0x553: {  	v19 =	vld [tilespmem:$0x1FB00];
	_ =	sdelay $0x1  }
0x554: {  	v18 =	vld.idx.msk [tilespmem:v18+s1+$0x0], $0xffff;
	_ =	sdelay $0x4  }
0x555: {  	v18 =	vshll.u32 v18, $0x3  }
0x556: {  	v19 =	vld.idx.msk [tilespmem:v19+s15+$0x0], $0xffff;
	v18 =	vor.u32 v2, v18;
	_ =	sdelay $0x4  }
0x557: {  	[tilespmem:v18+s11+$0x0] =	vst.idx.add.f32.msk $0xffff, v19  }
0x558: {  	v18 =	vld [tilespmem:$0x1FB10];
	_ =	sdelay $0x5  }
0x559: {  	v19 =	vld [tilespmem:$0x1FB20];
	_ =	sdelay $0x1  }
0x55a: {  	v18 =	vld.idx.msk [tilespmem:v18+s1+$0x0], $0xffff;
	_ =	sdelay $0x4  }
0x55b: {  	v18 =	vshll.u32 v18, $0x3  }
0x55c: {  	v19 =	vld.idx.msk [tilespmem:v19+s15+$0x0], $0xffff;
	v18 =	vor.u32 v2, v18;
	_ =	sdelay $0x4  }
0x55d: {  	[tilespmem:v18+s11+$0x0] =	vst.idx.add.f32.msk $0xffff, v19  }
0x55e: {  	v18 =	vld [tilespmem:$0x1FB30];
	_ =	sdelay $0x5  }
0x55f: {  	v19 =	vld [tilespmem:$0x1FB40];
	_ =	sdelay $0x1  }
0x560: {  	v18 =	vld.idx.msk [tilespmem:v18+s1+$0x0], $0xffff;
	_ =	sdelay $0x4  }
0x561: {  	v18 =	vshll.u32 v18, $0x3  }
0x562: {  	v19 =	vld.idx.msk [tilespmem:v19+s15+$0x0], $0xffff;
	v18 =	vor.u32 v2, v18;
	_ =	sdelay $0x4  }
0x563: {  	[tilespmem:v18+s11+$0x0] =	vst.idx.add.f32.msk $0xffff, v19  }
0x564: {  	v18 =	vld [tilespmem:$0x1FB50];
	_ =	sdelay $0x5  }
0x565: {  	v19 =	vld [tilespmem:$0x1FB60];
	_ =	sdelay $0x1  }
0x566: {  	v18 =	vld.idx.msk [tilespmem:v18+s1+$0x0], $0xffff;
	_ =	sdelay $0x4  }
0x567: {  	v18 =	vshll.u32 v18, $0x3  }
0x568: {  	v19 =	vld.idx.msk [tilespmem:v19+s15+$0x0], $0xffff;
	v18 =	vor.u32 v2, v18;
	_ =	sdelay $0x4  }
0x569: {  	[tilespmem:v18+s11+$0x0] =	vst.idx.add.f32.msk $0xffff, v19  }
0x56a: {  	v18 =	vld [tilespmem:$0x1FB70];
	_ =	sdelay $0x5  }
0x56b: {  	v19 =	vld [tilespmem:$0x1FB80];
	_ =	sdelay $0x1  }
0x56c: {  	v18 =	vld.idx.msk [tilespmem:v18+s1+$0x0], $0xffff;
	_ =	sdelay $0x4  }
0x56d: {  	v18 =	vshll.u32 v18, $0x3  }
0x56e: {  	v19 =	vld.idx.msk [tilespmem:v19+s15+$0x0], $0xffff;
	v18 =	vor.u32 v2, v18;
	_ =	sdelay $0x4  }
0x56f: {  	[tilespmem:v18+s11+$0x0] =	vst.idx.add.f32.msk $0xffff, v19  }
0x570: {  	v18 =	vld [tilespmem:$0x1FB90];
	_ =	sdelay $0x5  }
0x571: {  	v19 =	vld [tilespmem:$0x1FBA0];
	_ =	sdelay $0x1  }
0x572: {  	v18 =	vld.idx.msk [tilespmem:v18+s1+$0x0], $0xffff;
	_ =	sdelay $0x4  }
0x573: {  	v18 =	vshll.u32 v18, $0x3  }
0x574: {  	v19 =	vld.idx.msk [tilespmem:v19+s15+$0x0], $0xffff;
	v18 =	vor.u32 v2, v18;
	_ =	sdelay $0x4  }
0x575: {  	[tilespmem:v18+s11+$0x0] =	vst.idx.add.f32.msk $0xffff, v19  }
0x576: {  	v18 =	vld [tilespmem:$0x1FBB0];
	_ =	sdelay $0x5  }
0x577: {  	v19 =	vld [tilespmem:$0x1FBC0];
	_ =	sdelay $0x1  }
0x578: {  	v18 =	vld.idx.msk [tilespmem:v18+s1+$0x0], $0xffff;
	_ =	sdelay $0x4  }
0x579: {  	v18 =	vshll.u32 v18, $0x3  }
0x57a: {  	v19 =	vld.idx.msk [tilespmem:v19+s15+$0x0], $0xffff;
	v18 =	vor.u32 v2, v18;
	_ =	sdelay $0x4  }
0x57b: {  	[tilespmem:v18+s11+$0x0] =	vst.idx.add.f32.msk $0xffff, v19  }
0x57c: {  	v18 =	vld [tilespmem:$0x1FBD0];
	_ =	sdelay $0x5  }
0x57d: {  	v19 =	vld [tilespmem:$0x1FBE0];
	_ =	sdelay $0x1  }
0x57e: {  	v18 =	vld.idx.msk [tilespmem:v18+s1+$0x0], $0xffff;
	_ =	sdelay $0x4  }
0x57f: {  	v18 =	vshll.u32 v18, $0x3  }
0x580: {  	v19 =	vld.idx.msk [tilespmem:v19+s15+$0x0], $0xffff;
	v18 =	vor.u32 v2, v18;
	_ =	sdelay $0x4  }
0x581: {  	[tilespmem:v18+s11+$0x0] =	vst.idx.add.f32.msk $0xffff, v19  }
0x582: {  	v18 =	vld [tilespmem:$0x1FBF0];
	_ =	sdelay $0x5  }
0x583: {  	v19 =	vld [tilespmem:$0x1FC00];
	_ =	sdelay $0x1  }
0x584: {  	v18 =	vld.idx.msk [tilespmem:v18+s1+$0x0], $0xffff;
	_ =	sdelay $0x4  }
0x585: {  	v18 =	vshll.u32 v18, $0x3  }
0x586: {  	v19 =	vld.idx.msk [tilespmem:v19+s15+$0x0], $0xffff;
	v18 =	vor.u32 v2, v18;
	_ =	sdelay $0x4  }
0x587: {  	[tilespmem:v18+s11+$0x0] =	vst.idx.add.f32.msk $0xffff, v19  }
0x588: {  	v18 =	vld [tilespmem:$0x1FC10];
	_ =	sdelay $0x5  }
0x589: {  	v19 =	vld [tilespmem:$0x1FC20];
	_ =	sdelay $0x1  }
0x58a: {  	v18 =	vld.idx.msk [tilespmem:v18+s1+$0x0], $0xffff;
	_ =	sdelay $0x4  }
0x58b: {  	v18 =	vshll.u32 v18, $0x3  }
0x58c: {  	v19 =	vld.idx.msk [tilespmem:v19+s15+$0x0], $0xffff;
	v18 =	vor.u32 v2, v18;
	_ =	sdelay $0x4  }
0x58d: {  	[tilespmem:v18+s11+$0x0] =	vst.idx.add.f32.msk $0xffff, v19  }
0x58e: {  	v18 =	vld [tilespmem:$0x1FC30];
	_ =	sdelay $0x5  }
0x58f: {  	v19 =	vld [tilespmem:$0x1FC40];
	_ =	sdelay $0x1  }
0x590: {  	v18 =	vld.idx.msk [tilespmem:v18+s1+$0x0], $0xffff;
	_ =	sdelay $0x4  }
0x591: {  	v18 =	vshll.u32 v18, $0x3  }
0x592: {  	v19 =	vld.idx.msk [tilespmem:v19+s15+$0x0], $0xffff;
	v18 =	vor.u32 v2, v18;
	_ =	sdelay $0x4  }
0x593: {  	[tilespmem:v18+s11+$0x0] =	vst.idx.add.f32.msk $0xffff, v19  }
0x594: {  	v18 =	vld [tilespmem:$0x1FC50];
	_ =	sdelay $0x5  }
0x595: {  	v19 =	vld [tilespmem:$0x1FC60];
	_ =	sdelay $0x1  }
0x596: {  	v18 =	vld.idx.msk [tilespmem:v18+s1+$0x0], $0xffff;
	_ =	sdelay $0x4  }
0x597: {  	v18 =	vshll.u32 v18, $0x3  }
0x598: {  	v19 =	vld.idx.msk [tilespmem:v19+s15+$0x0], $0xffff;
	v18 =	vor.u32 v2, v18;
	_ =	sdelay $0x4  }
0x599: {  	[tilespmem:v18+s11+$0x0] =	vst.idx.add.f32.msk $0xffff, v19  }
0x59a: {  	v18 =	vld [tilespmem:$0x1FC70];
	_ =	sdelay $0x5  }
0x59b: {  	v19 =	vld [tilespmem:$0x1FC80];
	_ =	sdelay $0x1  }
0x59c: {  	v18 =	vld.idx.msk [tilespmem:v18+s1+$0x0], $0xffff;
	_ =	sdelay $0x4  }
0x59d: {  	v18 =	vshll.u32 v18, $0x3  }
0x59e: {  	v19 =	vld.idx.msk [tilespmem:v19+s15+$0x0], $0xffff;
	v18 =	vor.u32 v2, v18;
	_ =	sdelay $0x4  }
0x59f: {  	[tilespmem:v18+s11+$0x0] =	vst.idx.add.f32.msk $0xffff, v19  }
0x5a0: {  	v18 =	vld [tilespmem:$0x1FC90];
	_ =	sdelay $0x5  }
0x5a1: {  	v19 =	vld [tilespmem:$0x1FCA0];
	_ =	sdelay $0x1  }
0x5a2: {  	v18 =	vld.idx.msk [tilespmem:v18+s1+$0x0], $0xffff;
	_ =	sdelay $0x4  }
0x5a3: {  	v18 =	vshll.u32 v18, $0x3  }
0x5a4: {  	v19 =	vld.idx.msk [tilespmem:v19+s15+$0x0], $0xffff;
	v18 =	vor.u32 v2, v18;
	_ =	sdelay $0x4  }
0x5a5: {  	[tilespmem:v18+s11+$0x0] =	vst.idx.add.f32.msk $0xffff, v19  }
0x5a6: {  	v18 =	vld [tilespmem:$0x1FCB0];
	_ =	sdelay $0x5  }
0x5a7: {  	v19 =	vld [tilespmem:$0x1FCC0];
	_ =	sdelay $0x1  }
0x5a8: {  	v18 =	vld.idx.msk [tilespmem:v18+s1+$0x0], $0xffff;
	_ =	sdelay $0x4  }
0x5a9: {  	v18 =	vshll.u32 v18, $0x3  }
0x5aa: {  	v19 =	vld.idx.msk [tilespmem:v19+s15+$0x0], $0xffff;
	v18 =	vor.u32 v2, v18;
	_ =	sdelay $0x4  }
0x5ab: {  	[tilespmem:v18+s11+$0x0] =	vst.idx.add.f32.msk $0xffff, v19  }
0x5ac: {  	v18 =	vld [tilespmem:$0x1FCD0];
	_ =	sdelay $0x5  }
0x5ad: {  	v19 =	vld [tilespmem:$0x1FCE0];
	_ =	sdelay $0x1  }
0x5ae: {  	v18 =	vld.idx.msk [tilespmem:v18+s1+$0x0], $0xffff;
	_ =	sdelay $0x4  }
0x5af: {  	v18 =	vshll.u32 v18, $0x3  }
0x5b0: {  	v19 =	vld.idx.msk [tilespmem:v19+s15+$0x0], $0xffff;
	v18 =	vor.u32 v2, v18;
	_ =	sdelay $0x4  }
0x5b1: {  	[tilespmem:v18+s11+$0x0] =	vst.idx.add.f32.msk $0xffff, v19  }
0x5b2: {  	v18 =	vld [tilespmem:$0x1FCF0];
	_ =	sdelay $0x5  }
0x5b3: {  	v19 =	vld [tilespmem:$0x1FD00];
	_ =	sdelay $0x1  }
0x5b4: {  	v18 =	vld.idx.msk [tilespmem:v18+s1+$0x0], $0xffff;
	_ =	sdelay $0x4  }
0x5b5: {  	v18 =	vshll.u32 v18, $0x3  }
0x5b6: {  	v19 =	vld.idx.msk [tilespmem:v19+s15+$0x0], $0xffff;
	v18 =	vor.u32 v2, v18;
	_ =	sdelay $0x4  }
0x5b7: {  	[tilespmem:v18+s11+$0x0] =	vst.idx.add.f32.msk $0xffff, v19  }
0x5b8: {  	v18 =	vld [tilespmem:$0x1FD10];
	_ =	sdelay $0x5  }
0x5b9: {  	v19 =	vld [tilespmem:$0x1FD20];
	_ =	sdelay $0x1  }
0x5ba: {  	v18 =	vld.idx.msk [tilespmem:v18+s1+$0x0], $0xffff;
	_ =	sdelay $0x4  }
0x5bb: {  	v18 =	vshll.u32 v18, $0x3  }
0x5bc: {  	v19 =	vld.idx.msk [tilespmem:v19+s15+$0x0], $0xffff;
	v18 =	vor.u32 v2, v18;
	_ =	sdelay $0x4  }
0x5bd: {  	[tilespmem:v18+s11+$0x0] =	vst.idx.add.f32.msk $0xffff, v19  }
0x5be: {  	v18 =	vld [tilespmem:$0x1FD30];
	_ =	sdelay $0x5  }
0x5bf: {  	v19 =	vld [tilespmem:$0x1FD40];
	_ =	sdelay $0x1  }
0x5c0: {  	v18 =	vld.idx.msk [tilespmem:v18+s1+$0x0], $0xffff;
	_ =	sdelay $0x4  }
0x5c1: {  	v18 =	vshll.u32 v18, $0x3  }
0x5c2: {  	v19 =	vld.idx.msk [tilespmem:v19+s15+$0x0], $0xffff;
	v18 =	vor.u32 v2, v18;
	_ =	sdelay $0x4  }
0x5c3: {  	[tilespmem:v18+s11+$0x0] =	vst.idx.add.f32.msk $0xffff, v19  }
0x5c4: {  	v18 =	vld [tilespmem:$0x1FD50];
	_ =	sdelay $0x5  }
0x5c5: {  	v19 =	vld [tilespmem:$0x1FD60];
	_ =	sdelay $0x1  }
0x5c6: {  	v18 =	vld.idx.msk [tilespmem:v18+s1+$0x0], $0xffff;
	_ =	sdelay $0x4  }
0x5c7: {  	v18 =	vshll.u32 v18, $0x3  }
0x5c8: {  	v19 =	vld.idx.msk [tilespmem:v19+s15+$0x0], $0xffff;
	v18 =	vor.u32 v2, v18;
	_ =	sdelay $0x4  }
0x5c9: {  	[tilespmem:v18+s11+$0x0] =	vst.idx.add.f32.msk $0xffff, v19  }
0x5ca: {  	v18 =	vld.idx.msk [tilespmem:v41+s1+$0x0], $0xffff;
	_ =	sdelay $0x4  }
0x5cb: {  	v18 =	vshll.u32 v18, $0x3  }
0x5cc: {  	v19 =	vld.idx.msk [tilespmem:v42+s15+$0x0], $0xffff;
	v18 =	vor.u32 v2, v18;
	_ =	sdelay $0x4  }
0x5cd: {  	[tilespmem:v18+s11+$0x0] =	vst.idx.add.f32.msk $0xffff, v19  }
0x5ce: {  	v18 =	vld.idx.msk [tilespmem:v43+s1+$0x0], $0xffff;
	_ =	sdelay $0x4  }
0x5cf: {  	v18 =	vshll.u32 v18, $0x3  }
0x5d0: {  	v19 =	vld.idx.msk [tilespmem:v44+s15+$0x0], $0xffff;
	v18 =	vor.u32 v2, v18;
	_ =	sdelay $0x4  }
0x5d1: {  	[tilespmem:v18+s11+$0x0] =	vst.idx.add.f32.msk $0xffff, v19  }
0x5d2: {  	v18 =	vld.idx.msk [tilespmem:v45+s1+$0x0], $0xffff;
	_ =	sdelay $0x4  }
0x5d3: {  	v18 =	vshll.u32 v18, $0x3  }
0x5d4: {  	v19 =	vld.idx.msk [tilespmem:v46+s15+$0x0], $0xffff;
	v18 =	vor.u32 v2, v18;
	_ =	sdelay $0x4  }
0x5d5: {  	[tilespmem:v18+s11+$0x0] =	vst.idx.add.f32.msk $0xffff, v19  }
0x5d6: {  	v18 =	vld.idx.msk [tilespmem:v47+s1+$0x0], $0xffff;
	_ =	sdelay $0x4  }
0x5d7: {  	v18 =	vshll.u32 v18, $0x3  }
0x5d8: {  	v19 =	vld.idx.msk [tilespmem:v48+s15+$0x0], $0xffff;
	v18 =	vor.u32 v2, v18;
	_ =	sdelay $0x4  }
0x5d9: {  	[tilespmem:v18+s11+$0x0] =	vst.idx.add.f32.msk $0xffff, v19  }
0x5da: {  	v18 =	vld.idx.msk [tilespmem:v49+s1+$0x0], $0xffff;
	_ =	sdelay $0x4  }
0x5db: {  	v18 =	vshll.u32 v18, $0x3  }
0x5dc: {  	v19 =	vld.idx.msk [tilespmem:v50+s15+$0x0], $0xffff;
	v18 =	vor.u32 v2, v18;
	_ =	sdelay $0x4  }
0x5dd: {  	[tilespmem:v18+s11+$0x0] =	vst.idx.add.f32.msk $0xffff, v19  }
0x5de: {  	v18 =	vld.idx.msk [tilespmem:v51+s1+$0x0], $0xffff;
	_ =	sdelay $0x4  }
0x5df: {  	v18 =	vshll.u32 v18, $0x3  }
0x5e0: {  	v19 =	vld.idx.msk [tilespmem:v52+s15+$0x0], $0xffff;
	v18 =	vor.u32 v2, v18;
	_ =	sdelay $0x4  }
0x5e1: {  	[tilespmem:v18+s11+$0x0] =	vst.idx.add.f32.msk $0xffff, v19  }
0x5e2: {  	v18 =	vld.idx.msk [tilespmem:v53+s1+$0x0], $0xffff;
	_ =	sdelay $0x4  }
0x5e3: {  	v18 =	vshll.u32 v18, $0x3  }
0x5e4: {  	v19 =	vld.idx.msk [tilespmem:v54+s15+$0x0], $0xffff;
	v18 =	vor.u32 v2, v18;
	_ =	sdelay $0x4  }
0x5e5: {  	[tilespmem:v18+s11+$0x0] =	vst.idx.add.f32.msk $0xffff, v19  }
0x5e6: {  	v18 =	vld.idx.msk [tilespmem:v55+s1+$0x0], $0xffff;
	_ =	sdelay $0x4  }
0x5e7: {  	v18 =	vshll.u32 v18, $0x3  }
0x5e8: {  	v19 =	vld.idx.msk [tilespmem:v56+s15+$0x0], $0xffff;
	v18 =	vor.u32 v2, v18;
	_ =	sdelay $0x4  }
0x5e9: {  	[tilespmem:v18+s11+$0x0] =	vst.idx.add.f32.msk $0xffff, v19  }
0x5ea: {  	v18 =	vld.idx.msk [tilespmem:v57+s1+$0x0], $0xffff;
	_ =	sdelay $0x4  }
0x5eb: {  	v18 =	vshll.u32 v18, $0x3  }
0x5ec: {  	v19 =	vld.idx.msk [tilespmem:v58+s15+$0x0], $0xffff;
	v18 =	vor.u32 v2, v18;
	_ =	sdelay $0x4  }
0x5ed: {  	[tilespmem:v18+s11+$0x0] =	vst.idx.add.f32.msk $0xffff, v19  }
0x5ee: {  	v18 =	vld.idx.msk [tilespmem:v59+s1+$0x0], $0xffff;
	_ =	sdelay $0x4  }
0x5ef: {  	v18 =	vshll.u32 v18, $0x3  }
0x5f0: {  	v19 =	vld.idx.msk [tilespmem:v60+s15+$0x0], $0xffff;
	v18 =	vor.u32 v2, v18;
	_ =	sdelay $0x4  }
0x5f1: {  	[tilespmem:v18+s11+$0x0] =	vst.idx.add.f32.msk $0xffff, v19  }
0x5f2: {  	v18 =	vld.idx.msk [tilespmem:v61+s1+$0x0], $0xffff;
	_ =	sdelay $0x4  }
0x5f3: {  	v18 =	vshll.u32 v18, $0x3  }
0x5f4: {  	v19 =	vld.idx.msk [tilespmem:v62+s15+$0x0], $0xffff;
	v18 =	vor.u32 v2, v18;
	_ =	sdelay $0x4  }
0x5f5: {  	[tilespmem:v18+s11+$0x0] =	vst.idx.add.f32.msk $0xffff, v19  }
0x5f6: {  	v18 =	vld.idx.msk [tilespmem:v63+s1+$0x0], $0xffff;
	_ =	sdelay $0x4  }
0x5f7: {  	v18 =	vshll.u32 v18, $0x3  }
0x5f8: {  	v19 =	vld.idx.msk [tilespmem:v3+s15+$0x0], $0xffff;
	v18 =	vor.u32 v2, v18;
	_ =	sdelay $0x4  }
0x5f9: {  	[tilespmem:v18+s11+$0x0] =	vst.idx.add.f32.msk $0xffff, v19  }
0x5fa: {  	v18 =	vld.idx.msk [tilespmem:v4+s1+$0x0], $0xffff;
	_ =	sdelay $0x4  }
0x5fb: {  	v18 =	vshll.u32 v18, $0x3  }
0x5fc: {  	v19 =	vld.idx.msk [tilespmem:v5+s15+$0x0], $0xffff;
	v18 =	vor.u32 v2, v18;
	_ =	sdelay $0x4  }
0x5fd: {  	[tilespmem:v18+s11+$0x0] =	vst.idx.add.f32.msk $0xffff, v19  }
0x5fe: {  	v18 =	vld.idx.msk [tilespmem:v6+s1+$0x0], $0xffff;
	_ =	sdelay $0x4  }
0x5ff: {  	v18 =	vshll.u32 v18, $0x3  }
0x600: {  	v19 =	vld.idx.msk [tilespmem:v7+s15+$0x0], $0xffff;
	v18 =	vor.u32 v2, v18;
	_ =	sdelay $0x4  }
0x601: {  	[tilespmem:v18+s11+$0x0] =	vst.idx.add.f32.msk $0xffff, v19  }
0x602: {  	v18 =	vld.idx.msk [tilespmem:v8+s1+$0x0], $0xffff;
	_ =	sdelay $0x4  }
0x603: {  	v18 =	vshll.u32 v18, $0x3  }
0x604: {  	v19 =	vld.idx.msk [tilespmem:v9+s15+$0x0], $0xffff;
	v18 =	vor.u32 v2, v18;
	_ =	sdelay $0x4  }
0x605: {  	[tilespmem:v18+s11+$0x0] =	vst.idx.add.f32.msk $0xffff, v19  }
0x606: {  	v18 =	vld.idx.msk [tilespmem:v10+s1+$0x0], $0xffff;
	_ =	sdelay $0x4  }
0x607: {  	v18 =	vshll.u32 v18, $0x3  }
0x608: {  	v19 =	vld.idx.msk [tilespmem:v11+s15+$0x0], $0xffff;
	v18 =	vor.u32 v2, v18;
	_ =	sdelay $0x4  }
0x609: {  	[tilespmem:v18+s11+$0x0] =	vst.idx.add.f32.msk $0xffff, v19  }
0x60a: {  	v18 =	vld.idx.msk [tilespmem:v12+s1+$0x0], $0xffff;
	_ =	sdelay $0x4  }
0x60b: {  	v18 =	vshll.u32 v18, $0x3  }
0x60c: {  	v19 =	vld.idx.msk [tilespmem:v13+s15+$0x0], $0xffff;
	v18 =	vor.u32 v2, v18;
	_ =	sdelay $0x4  }
0x60d: {  	[tilespmem:v18+s11+$0x0] =	vst.idx.add.f32.msk $0xffff, v19  }
0x60e: {  	v18 =	vld.idx.msk [tilespmem:v14+s1+$0x0], $0xffff;
	_ =	sdelay $0x4  }
0x60f: {  	v18 =	vshll.u32 v18, $0x3  }
0x610: {  	v19 =	vld.idx.msk [tilespmem:v15+s15+$0x0], $0xffff;
	v18 =	vor.u32 v2, v18;
	_ =	sdelay $0x4  }
0x611: {  	[tilespmem:v18+s11+$0x0] =	vst.idx.add.f32.msk $0xffff, v19  }
0x612: {  	v18 =	vld.idx.msk [tilespmem:v16+s1+$0x0], $0xffff;
	_ =	sdelay $0x4  }
0x613: {  	v18 =	vshll.u32 v18, $0x3  }
0x614: {  	p0 =	sne.s32 s18, $0x258;
	v19 =	vld.idx.msk [tilespmem:v17+s15+$0x0], $0xffff;
	v18 =	vor.u32 v2, v18  }
.Ltmp1:
0x615: {  	_ = 	snop;
	(pc) =	sbr.rel @p0 .LBB2_4-.Ltmp1, $2  }
0x616: {  	_ =	sdelay $0x2  }
0x617: {  	s18 =	sadd.s32 $0x19, s18;
	s19 =	sadd.s32 $0xC80, s19;
	[tilespmem:v18+s11+$0x0] =	vst.idx.add.f32.msk $0xffff, v19  }
0x618: {  	s17 =	sadd.s32 $0x1, s17  }
0x619: {  	p0 =	sne.s32 s17, s7  }
.Ltmp2:
0x61a: {  	_ = 	snop;
	(pc) =	sbr.rel @p0 .LBB2_1-.Ltmp2, $4  }
0x61b: {  	[hbm4b:s6+s1] =	stream.linear.scatter [tilespmem:s11], [sflag:$0x1], $0x13880, $0x38;
	[tilespmem:$0x14400] =	vst v63  }
0x61c: {  	_ =	swait.ge [sflag:s12], $0x13880  }
0x61d: {  	[sflag:s12] =	ssyncset.done $0x0  }
0x61e: {  	[sflag:s12] =	ssyncadd.s32 $0xFFFEC780  }
0x61f: {  	_ =	sfence.sel $0x180000  }
0x620: {  	[bflag:$0x0] =	sbarrier.arrive $0xFFFF  }
0x621: {  	p0 =	sne.s32 s2, $0x0;
	_ =	strace $0x9000004D  }
0x622: {  	s0 =	sadd.s32 @!p0 $0x100000, s0;
	[bflag:$0x2] =	sbarrier.arrive $0xFFFF  }
0x623: {  	[sflag:s0] =	ssyncadd.tile.s32 @!p0 $0x1;
	_ =	shalt  }
.Lfunc_end2:
_tile_overlayer_lowered:
.L_overlay_start_2:
0x624: {  	(tag) =	ssettag $0x2  }
0x625: {  	s0 =	rddreg [dreg:$0x0];
	s2 =	stileid.u32  }
0x626: {  	s1 =	rddreg [dreg:$0x1];
	p0 =	sne.s32 s2, $0x0  }
0x627: {  	s3 =	rddreg [dreg:$0x2];
	[bflag:$0x3] =	sbarrier.arrive $0xFFFF;
	s2 =	simm.s32 @!p0 $0x1C01  }
0x628: {  	[timem:s3], [sflag:s2] =	dma.local @!p0 [hbm:s0], s1  }
0x629: {  	s0 =	simm.s32 @!p0 $0x1  }
0x62a: {  	_ =	swait.ge @!p0 [sflag:s0], s1  }
0x62b: {  	s1 =	ssub.s32 @!p0 $0x0, s1;
	[sflag:s0] =	ssyncset.done @!p0 $0x0  }
0x62c: {  	[sflag:s0] =	ssyncadd.s32 @!p0 s1  }
0x62d: {  	[bflag:$0x3] =	sbarrier.arrive $0xFFFF  }
0x62e: {  	_ =	shalt  }

// kernel: kernel.9.cloned.1.call-start
scs
__scs_entry_jumppad:
0x0: {  	(pc) =	sbr.rel $0x88, $3  }
0x1: {  	(tag) =	ssettag $0x0;
	lr =	simm.s32 $0x1  }
0x2: {  	[smem:$0x3F88] =	sst lr;
	_ =	strace $0xD0000000  }
0x3: {  	_ = 	snop  }
0x4: {  	_ = 	snop  }
0x5: {  	_ = 	snop  }
0x6: {  	_ = 	snop  }
0x7: {  	_ = 	snop  }
__scs_overlays_trampoline_lowered:
0x8: {  	[smem:$0x3F97] =	sst s0  }
0x9: {  	[smem:$0x3F98] =	sst s1  }
0xa: {  	[smem:$0x3F99] =	sst s2  }
0xb: {  	[smem:$0x3F9A] =	sst s3  }
0xc: {  	[smem:$0x3F9B] =	sst s4  }
0xd: {  	[smem:$0x3F9C] =	sst s5  }
0xe: {  	[smem:$0x3F9D] =	sst s6  }
0xf: {  	[smem:$0x3F9E] =	sst s7  }
0x10: {  	[smem:$0x3F9F] =	sst s8  }
0x11: {  	[smem:$0x3FA0] =	sst s9;
	s0 =	simm.s32 @!p0 $0x0  }
0x12: {  	s1 =	sld [smem:$0x3F86];
	s0 =	simm.s32 @p0 $0x1  }
0x13: {  	[smem:$0x3FA1] =	sst s0;
	s0 =	simm.s32 @!p1 $0x0  }
0x14: {  	s2 =	sld [smem:$0x3F85];
	s0 =	simm.s32 @p1 $0x1  }
0x15: {  	[smem:$0x3FA2] =	sst s0;
	s0 =	simm.s32 @!p2 $0x0  }
0x16: {  	s3 =	sld [smem:$0x3FDB];
	s0 =	simm.s32 @p2 $0x1  }
0x17: {  	s4 =	simm.s32 $0x1BF5;
	[smem:$0x3FA4] =	sst s0  }
0x18: {  	s0 =	sld [smem:$0x3F87];
	_ =	swait.ge [sflag:s4], $0x0  }
0x19: {  	s7 =	sld [smem:$0x3F88]  }
0x1a: {  	s8 =	sadd.s32 $0xFFFFE003, lr  }
0x1b: {  	s9 =	sadd.s32 $0xFFFFFEF7, lr;
	s5 =	simm.s32 $0xFFFFFFFF;
	p2 =	slt.u32 s8, $0xFFFFF086  }
0x1c: {  	p1 =	slt.u32 s9, $0xF7A;
	s5 =	simm.s32 @!p2 $0x0  }
0x1d: {  	s5 =	simm.s32 @p1 $0x1;
	p0 =	seq.s32 s7, s2  }
0x1e: {  	s7 =	smul.u32 @!p0 $0xF7A, s2;
	p2 =	seq.s32 @!p0 s5, $0x0  }
0x1f: {  	s9 =	smul.u32 $0xF7A, s1;
	s8 =	simm.s32 @!p0 $0x1BF5;
	p2 =	por !p2, p0  }
0x20: {  	[sflag:s8] =	ssyncset.s32 @!p0 $0xFFFFF086;
	s6 =	sadd.s32 @!p0 s3, s7;
	s7 =	simm.s32 @!p0 $0x108  }
0x21: {  	s3 =	sadd.s32 s3, s9;
	s6 =	sadd.s32 @!p0 $0x88, s6;
	s7 =	simm.s32 @p2 $0x1082  }
0x22: {  	[simem:s7], [sflag:s8] =	dma.local @!p0 [hbm:s6], $0xF7A  }
0x23: {  	s9 =	sor.u32 $0xD0000000, s2;
	s6 =	simm.s32 $0x108;
	_ =	swait.ge @!p0 [sflag:s8], $0x0  }
0x24: {  	s3 =	sadd.s32 $0x88, s3;
	s6 =	simm.s32 @!p1 $0x1082;
	[sflag:s4] =	ssyncset.s32 $0xFFFFF086  }
0x25: {  	[simem:s6], [sflag:s4] =	dma.local [hbm:s3], $0xF7A  }
0x26: {  	[smem:$0x3F88] =	sst s1;
	(tag) =	ssettag s2;
	_ =	strace s9  }
0x27: {  	s1 =	sld [smem:$0x3F98]  }
0x28: {  	s2 =	sld [smem:$0x3F99]  }
0x29: {  	s4 =	sld [smem:$0x3F9B]  }
0x2a: {  	p0 =	seq.s32 s5, $0x0;
	s5 =	sld [smem:$0x3F9C]  }
0x2b: {  	s6 =	sld [smem:$0x3F9D]  }
0x2c: {  	s7 =	sld [smem:$0x3F9E]  }
0x2d: {  	s3 =	simm.s32 $0x108;
	s8 =	sld [smem:$0x3F9F]  }
0x2e: {  	s3 =	simm.s32 @!p0 $0x1082;
	s9 =	sld [smem:$0x3FA0]  }
0x2f: {  	lr =	sadd.s32 s0, s3;
	s0 =	sld [smem:$0x3F97]  }
0x30: {  	s3 =	sld [smem:$0x3F9A]  }
0x31: {  	[smem:$0x3FA3] =	sst s10  }
0x32: {  	s10 =	sld [smem:$0x3FA1];
	_ =	sdelay $0x3  }
0x33: {  	p0 =	seq.s32 s10, $0x1;
	s10 =	sld [smem:$0x3FA3];
	_ =	sdelay $0x3  }
0x34: {  	[smem:$0x3FA3] =	sst s10  }
0x35: {  	s10 =	sld [smem:$0x3FA2];
	_ =	sdelay $0x3  }
0x36: {  	p1 =	seq.s32 s10, $0x1;
	s10 =	sld [smem:$0x3FA3];
	_ =	sdelay $0x3  }
0x37: {  	[smem:$0x3FA3] =	sst s10  }
0x38: {  	s10 =	sld [smem:$0x3FA4]  }
0x39: {  	_ = 	snop;
	(pc) =	sbr.ind lr, $3  }
0x3a: {  	_ = 	snop  }
0x3b: {  	_ = 	snop  }
0x3c: {  	p2 =	seq.s32 s10, $0x1;
	s10 =	sld [smem:$0x3FA3]  }
0x3d: {  	_ =	shalt  }
0x3e: {  	_ =	shalt  }
0x3f: {  	_ =	shalt  }
0x40: {  	_ =	shalt  }
0x41: {  	_ =	shalt  }
0x42: {  	_ =	shalt  }
0x43: {  	_ =	shalt  }
0x44: {  	_ =	shalt  }
0x45: {  	_ =	shalt  }
0x46: {  	_ =	shalt  }
0x47: {  	_ =	shalt  }
0x48: {  	_ =	shalt  }
0x49: {  	_ =	shalt  }
0x4a: {  	_ =	shalt  }
0x4b: {  	_ =	shalt  }
0x4c: {  	_ =	shalt  }
0x4d: {  	_ =	shalt  }
0x4e: {  	_ =	shalt  }
0x4f: {  	_ =	shalt  }
0x50: {  	_ =	shalt  }
0x51: {  	_ =	shalt  }
0x52: {  	_ =	shalt  }
0x53: {  	_ =	shalt  }
0x54: {  	_ =	shalt  }
0x55: {  	_ =	shalt  }
0x56: {  	_ =	shalt  }
0x57: {  	_ =	shalt  }
0x58: {  	_ =	shalt  }
0x59: {  	_ =	shalt  }
0x5a: {  	_ =	shalt  }
0x5b: {  	_ =	shalt  }
0x5c: {  	_ =	shalt  }
0x5d: {  	_ =	shalt  }
0x5e: {  	_ =	shalt  }
0x5f: {  	_ =	shalt  }
0x60: {  	_ =	shalt  }
0x61: {  	_ =	shalt  }
0x62: {  	_ =	shalt  }
0x63: {  	_ =	shalt  }
0x64: {  	_ =	shalt  }
0x65: {  	_ =	shalt  }
0x66: {  	_ =	shalt  }
0x67: {  	_ =	shalt  }
0x68: {  	_ =	shalt  }
0x69: {  	_ =	shalt  }
0x6a: {  	_ =	shalt  }
0x6b: {  	_ =	shalt  }
0x6c: {  	_ =	shalt  }
0x6d: {  	_ =	shalt  }
0x6e: {  	_ =	shalt  }
0x6f: {  	_ =	shalt  }
0x70: {  	_ =	shalt  }
0x71: {  	_ =	shalt  }
0x72: {  	_ =	shalt  }
0x73: {  	_ =	shalt  }
0x74: {  	_ =	shalt  }
0x75: {  	_ =	shalt  }
0x76: {  	_ =	shalt  }
0x77: {  	_ =	shalt  }
0x78: {  	_ =	shalt  }
0x79: {  	_ =	shalt  }
0x7a: {  	_ =	shalt  }
0x7b: {  	_ =	shalt  }
0x7c: {  	_ =	shalt  }
0x7d: {  	_ =	shalt  }
0x7e: {  	_ =	shalt  }
0x7f: {  	_ =	shalt  }
0x80: {  	_ =	shalt  }
0x81: {  	_ =	shalt  }
0x82: {  	_ =	shalt  }
0x83: {  	_ =	shalt  }
0x84: {  	_ =	shalt  }
0x85: {  	_ =	shalt  }
0x86: {  	_ =	shalt  }
0x87: {  	_ =	shalt  }
.Lfunc_end0:
.L_simem_size_0:
called_computation.1_lowered:
.L_overlay_start_0:
0x88: {  	s2 =	sld [smem:$0x3FD9]  }
0x89: {  	s3 =	sld [smem:$0x3FFE];
	_ =	sdelay $0x1  }
0x8a: {  	s1 =	srdreg.scid  }
0x8b: {  	s0 =	sand.u32 $0x1, s1  }
0x8c: {  	s17 =	sshll.u32 s0, $0xA;
	s2 =	sadd.s32 s3, s2  }
0x8d: {  	s2 =	sadd.s32 s2, s17  }
0x8e: {  	[smem:$0x3FAF] =	sst s2  }
0x8f: {  	_ = 	snop  }
0x90: {  	s2 =	sld [smem:$0x3FC9];
	(tm) =	ssettm $0x1  }
0x91: {  	s18 =	sld [smem:$0x3FFB];
	_ =	sdelay $0x3  }
0x92: {  	_ =	strace s18  }
0x93: {  	s3 =	sld [smem:$0x3FFC];
	_ =	sdelay $0x3  }
0x94: {  	_ =	strace s3  }
0x95: {  	s3 =	sld [smem:$0x3FFD];
	_ =	sdelay $0x3  }
0x96: {  	_ =	strace s3  }
0x97: {  	_ =	strace $0x8FFFFFFF  }
0x98: {  	s19 =	sld [smem:$0x3FDB];
	_ =	sdelay $0x1  }
0x99: {  	s4 =	simm.s32 $_scs_section_size  }
0x9a: {  	s5 =	simm.s32 $_size__tile_overlayer_lowered;
	s6 =	simm.s32 $_tile_overlayer_lowered  }
0x9b: {  	s22 =	simm.s32 $0x1BFF;
	s21 =	sshll.u32 s6, $0x1;
	s3 =	sadd.s32 s4, s19  }
0x9c: {  	s7 =	simm.s32 $0x0;
	s20 =	sshll.u32 s5, $0x1;
	s5 =	sadd.s32 s21, s3  }
0x9d: {  	[timem:s7], [sflag:s22] =	dma.local [hbm:s5], s20  }
0x9e: {  	_ =	swait.ge [sflag:s22], s20  }
0x9f: {  	s4 =	ssub.s32 $0x0, s20;
	[sflag:s22] =	ssyncset.done $0x0  }
0xa0: {  	[sflag:s22] =	ssyncadd.s32 s4;
	_ =	sdelay $0x1  }
0xa1: {  	s23 =	simm.s32 $0x1B8B  }
0xa2: {  	_ =	swait.ge [sflag:s23], $0x1  }
0xa3: {  	[sflag:s23] =	ssyncset.done $0x0  }
0xa4: {  	s25 =	simm.s32 $0x1B8E;
	s24 =	sld [smem:$0x3FFE];
	[sflag:s23] =	ssyncadd.s32 $0xFFFFFFFF  }
0xa5: {  	s26 =	simm.s32 $execute0_lowered;
	[smem:$0x3FD2] =	sst s25  }
0xa6: {  	s5 =	sshll.u32 s26, $0x1;
	_ =	strace $0x80000046;
	[dreg:$0x1] =	wrdreg $0xFFFFFFFF  }
0xa7: {  	s28 =	simm.s32 $_size_execute0_lowered;
	s3 =	sadd.s32 s3, s5;
	[dreg:$0x0] =	wrdreg $0x0  }
0xa8: {  	s5 =	sshll.u32 s28, $0x1;
	[dreg:$0x2] =	wrdreg s3  }
0xa9: {  	[dreg:$0x3] =	wrdreg s5  }
0xaa: {  	[dreg:$0x4] =	wrdreg $0xC0  }
0xab: {  	_ =	task [dreg:s7], $0x5FFFF  }
0xac: {  	[dreg:$0x1] =	wrdreg $0xFFFFFFFF  }
0xad: {  	[dreg:$0x0] =	wrdreg $0x60  }
0xae: {  	[dreg:$0x2] =	wrdreg s24  }
0xaf: {  	[dreg:$0x3] =	wrdreg s2  }
0xb0: {  	[dreg:$0x4] =	wrdreg $0x9  }
0xb1: {  	_ =	task.clear_ibuf [dreg:s7], $0x5FFFF;
	_ =	strace $0x90000046  }
0xb2: {  	s29 =	simm.s32 $0x9;
	_ =	strace $0x80000048  }
0xb3: {  	_ =	swait.ge [sflag:s29], $0x1  }
0xb4: {  	[sflag:s29] =	ssyncadd.s32 $0xFFFFFFFF  }
0xb5: {  	_ =	strace $0x90000048  }
0xb6: {  	_ =	sfence  }
0xb7: {  	s30 =	sld [smem:$0x0];
	_ =	sdelay $0x2  }
0xb8: {  	s31 =	sshll.u32 s1, $0xD;
	s1 =	sshrl.u32 s1, $0x2  }
0xb9: {  	s3 =	sand.u32 $0x4000, s31;
	s1 =	sadd.s32 s1, s30  }
0xba: {  	s0 =	sor.u32 s3, s0;
	s1 =	sshll.u32 s1, $0x11  }
0xbb: {  	s0 =	sor.u32 s1, s0  }
0xbc: {  	s0 =	sadd.s32 $0x8F2B, s0  }
0xbd: {  	[sflag:s0] =	ssyncadd.remote.s32 $0x1  }
0xbe: {  	_ =	sfence.sel $0xFFFF  }
0xbf: {  	[dreg:$0x0] =	wrdreg $0xFFFFFFFF;
	(pc) =	sbr.abs _section_cstart, $3  }
0xc0: {  	[dreg:$0x1] =	wrdreg $0xFFFFFFFF  }
0xc1: {  	_ =	task.clear_ibuf [dreg:s7], $0x2FFFF;
	_ =	strace $0x9FFFFFFF  }
0xc2: {  	(tm) =	ssettm $0x7FFFFFFF  }
0xc3: {  	_ =	shalt  }
tec
execute0_lowered:
.L_overlay_start_1:
0x0: {  	(tag) =	ssettag $0x1  }
0x1: {  	s1 =	rddreg [dreg:$0x0];
	s3 =	srdreg.scid  }
0x2: {  	s0 =	stileid.u32;
	s2 =	rddreg [dreg:$0x1];
	s13 =	simm.s32 $0x1100  }
0x3: {  	s14 =	simm.s32 $0x1900;
	s15 =	simm.s32 $0x2100;
	s16 =	simm.s32 $0x2900  }
0x4: {  	s17 =	simm.s32 $0x3100;
	s18 =	simm.s32 $0x3900;
	s4 =	smul.u32 $0x2710, s0  }
0x5: {  	s19 =	simm.s32 $0x4100;
	s20 =	simm.s32 $0x4900;
	s7 =	smul.u32 $0x9C400, s0  }
0x6: {  	s28 =	simm.s32 $0x2;
	s5 =	sand.u32 $0x1, s3;
	s21 =	smul.u32 $0x4E200, s0  }
0x7: {  	s29 =	simm.s32 $0x0;
	s3 =	simm.s32 $0x0;
	s6 =	smul.u32 $0x1388, s5  }
0x8: {  	[smem:$0x7FF] =	sst s3;
	s8 =	ssub.s32 $0x2, s5;
	s11 =	smul.u32 $0x27100, s5  }
0x9: {  	s24 =	smul.u32 $0x4E200, s5;
	s5 =	sadd.s32 $0x10900, s1;
	_ =	strace $0x80000047  }
0xa: {  	s10 =	sadd.s32 s7, s1;
	s22 =	sshrl.u32 s8, $0x1;
	s12 =	sadd.s32 s21, s1  }
0xb: {  	s21 =	simm.s32 $0x5100;
	s6 =	sadd.s32 s6, s4;
	s4 =	sadd.s32 $0x10800, s1  }
0xc: {  	s23 =	ssub.s32 s8, s22;
	s25 =	sadd.s32 s11, s12;
	s26 =	sadd.s32 s24, s10  }
0xd: {  	s10 =	simm.s32 $0x80;
	s11 =	simm.s32 $0x100;
	s12 =	simm.s32 $0x900  }
0xe: {  	s22 =	simm.s32 $0x5900;
	s24 =	simm.s32 $0x6900;
	s6 =	sshrl.u32 s6, $0x3  }
0xf: {  	s7 =	sadd.s32 $0xA70C00, s25;
	s8 =	sadd.s32 $0xACC00, s26;
	s9 =	sadd.s32 s6, s1  }
0x10: {  	v2 =	vlaneseq.u32;
	s25 =	simm.s32 $0x7100;
	s26 =	simm.s32 $0x1;
	s30 =	sadd.s32 $0x6800, s9  }
0x11: {  	vm0 =	vmmov $0xffff;
	v1 =	vshrl.u32 v2, $0x3;
	s6 =	smax.u32 s23, $0x1;
	s31 =	sadd.s32 $0xB800, s9;
	[dreg:$0x3] =	wrdreg s30  }
0x12: {  	v0 =	vand.u32 $0x7, v2;
	v2 =	vor.u32 $0x8, v2;
	v1 =	vmul.u32 $0x8, v1;
	s23 =	simm.s32 $0x6100;
	s9 =	simm.s32 $0x3;
	[dreg:$0x4] =	wrdreg s31  }
.LBB2_1:
0x13: {  	s30 =	smov.u32 s8;
	s31 =	smov.u32 s7;
	s1 =	simm.s32 $0x0  }
.LBB2_2:
0x14: {  	s0 =	rddreg [dreg:$0x4]  }
0x15: {  	s0 =	sadd.s32 s1, s0  }
0x16: {  	[tilespmem:s3], [sflag:$0x3] =	stream.linear.gather [hbm4b:s0+s3], $0x28, $0x38;
	[tilespmem:$0x7900] =	vst v63  }
0x17: {  	_ =	swait.ge [sflag:s9], $0x28  }
0x18: {  	s0 =	rddreg [dreg:$0x3];
	[sflag:s9] =	ssyncset.done $0x0  }
0x19: {  	[sflag:s9] =	ssyncadd.s32 $0xFFFFFFD8;
	s0 =	sadd.s32 s1, s0  }
0x1a: {  	[tilespmem:s10], [sflag:$0x3] =	stream.linear.gather [hbm4b:s0+s3], $0x28, $0x38;
	[tilespmem:$0x7900] =	vst v63  }
0x1b: {  	_ =	swait.ge [sflag:s9], $0x28  }
0x1c: {  	[sflag:s9] =	ssyncset.done $0x0  }
0x1d: {  	[sflag:s9] =	ssyncadd.s32 $0xFFFFFFD8  }
0x1e: {  	v3 =	vld [tilespmem:$0x0];
	_ =	sdelay $0x4  }
0x1f: {  	v4 =	vshll.u32 v3, $0x2  }
0x20: {  	v3 =	vand.u32 $0x7, v3;
	v4 =	vand.u32 $0xFFFFFFE0, v4  }
0x21: {  	v3 =	vor.u32 v3, v4  }
0x22: {  	v4 =	vperm.xlane v3, v0;
	_ =	sdelay $0x1  }
0x23: {  	v4 =	vadd.s32 v1, v4;
	_ =	sdelay $0x1  }
0x24: {  	v3 =	vperm.xlane v3, v2;
	_ =	sdelay $0x1  }
0x25: {  	v3 =	vadd.s32 v1, v3  }
0x26: {  	[tilespmem:s11], [sflag:$0x1] =	stream.indirect_vreg.gather [hbm4b:s4+s3], $0x80, v4, vm0, $0xb8;
	[tilespmem:$0x7900] =	vst v63  }
0x27: {  	_ = 	snop  }
0x28: {  	[tilespmem:s12], [sflag:$0x1] =	stream.indirect_vreg.gather [hbm4b:s5+s3], $0x80, v4, vm0, $0xb8;
	[tilespmem:$0x7900] =	vst v63  }
0x29: {  	_ = 	snop  }
0x2a: {  	[tilespmem:s13], [sflag:$0x1] =	stream.indirect_vreg.gather [hbm4b:s4+s3], $0x80, v3, vm0, $0xb8;
	[tilespmem:$0x7900] =	vst v63  }
0x2b: {  	_ = 	snop  }
0x2c: {  	[tilespmem:s14], [sflag:$0x1] =	stream.indirect_vreg.gather [hbm4b:s5+s3], $0x80, v3, vm0, $0xb8;
	[tilespmem:$0x7900] =	vst v63  }
0x2d: {  	v3 =	vld [tilespmem:$0x10];
	_ =	sdelay $0x4  }
0x2e: {  	v59 =	vshll.u32 v3, $0x2  }
0x2f: {  	v3 =	vand.u32 $0x7, v3;
	v4 =	vand.u32 $0xFFFFFFE0, v59  }
0x30: {  	v3 =	vor.u32 v3, v4  }
0x31: {  	v4 =	vperm.xlane v3, v0;
	_ =	sdelay $0x1  }
0x32: {  	v4 =	vadd.s32 v1, v4;
	_ =	sdelay $0x1  }
0x33: {  	v3 =	vperm.xlane v3, v2;
	_ =	sdelay $0x1  }
0x34: {  	v3 =	vadd.s32 v1, v3  }
0x35: {  	[tilespmem:s15], [sflag:$0x1] =	stream.indirect_vreg.gather [hbm4b:s4+s3], $0x80, v4, vm0, $0xb8;
	[tilespmem:$0x7900] =	vst v63  }
0x36: {  	_ = 	snop  }
0x37: {  	[tilespmem:s16], [sflag:$0x1] =	stream.indirect_vreg.gather [hbm4b:s5+s3], $0x80, v4, vm0, $0xb8;
	[tilespmem:$0x7900] =	vst v63  }
0x38: {  	_ = 	snop  }
0x39: {  	[tilespmem:s17], [sflag:$0x1] =	stream.indirect_vreg.gather [hbm4b:s4+s3], $0x80, v3, vm0, $0xb8;
	[tilespmem:$0x7900] =	vst v63  }
0x3a: {  	_ = 	snop  }
0x3b: {  	[tilespmem:s18], [sflag:$0x1] =	stream.indirect_vreg.gather [hbm4b:s5+s3], $0x80, v3, vm0, $0xb8;
	[tilespmem:$0x7900] =	vst v63  }
0x3c: {  	v3 =	vld.msk [tilespmem:$0x20], $0xff;
	_ =	sdelay $0x4  }
0x3d: {  	v60 =	vshll.u32 v3, $0x2  }
0x3e: {  	v3 =	vand.u32 $0x7, v3;
	v4 =	vand.u32 $0xFFFFFFE0, v60  }
0x3f: {  	v3 =	vor.u32 v3, v4  }
0x40: {  	v3 =	vperm.xlane v3, v0;
	_ =	sdelay $0x1  }
0x41: {  	v3 =	vadd.s32 v1, v3;
	_ =	sdelay $0x4  }
0x42: {  	[tilespmem:s19], [sflag:$0x1] =	stream.indirect_vreg.gather [hbm4b:s4+s3], $0x80, v3, vm0, $0xb8;
	[tilespmem:$0x7900] =	vst v63  }
0x43: {  	_ = 	snop  }
0x44: {  	[tilespmem:s20], [sflag:$0x1] =	stream.indirect_vreg.gather [hbm4b:s5+s3], $0x80, v3, vm0, $0xb8;
	[tilespmem:$0x7900] =	vst v63  }
0x45: {  	v3 =	vld [tilespmem:$0x80];
	_ =	sdelay $0x4  }
0x46: {  	v61 =	vshll.u32 v3, $0x1  }
0x47: {  	v3 =	vand.u32 $0x7, v3;
	v4 =	vand.u32 $0xFFFFFFF0, v61  }
0x48: {  	v3 =	vor.u32 v3, v4  }
0x49: {  	v4 =	vperm.xlane v3, v0;
	_ =	sdelay $0x1  }
0x4a: {  	v3 =	vperm.xlane v3, v2;
	v4 =	vadd.s32 v1, v4;
	_ =	sdelay $0x1  }
0x4b: {  	v3 =	vadd.s32 v1, v3;
	_ =	sdelay $0x2  }
0x4c: {  	[tilespmem:s21], [sflag:$0x2] =	stream.indirect_vreg.gather [hbm4b:s2+s3], $0x80, v4, vm0, $0xb8;
	[tilespmem:$0x7900] =	vst v63  }
0x4d: {  	_ = 	snop  }
0x4e: {  	[tilespmem:s22], [sflag:$0x2] =	stream.indirect_vreg.gather [hbm4b:s2+s3], $0x80, v3, vm0, $0xb8;
	[tilespmem:$0x7900] =	vst v63  }
0x4f: {  	v3 =	vld [tilespmem:$0x90];
	_ =	sdelay $0x4  }
0x50: {  	v62 =	vshll.u32 v3, $0x1  }
0x51: {  	v3 =	vand.u32 $0x7, v3;
	v4 =	vand.u32 $0xFFFFFFF0, v62  }
0x52: {  	v3 =	vor.u32 v3, v4  }
0x53: {  	v4 =	vperm.xlane v3, v0;
	_ =	sdelay $0x1  }
0x54: {  	v3 =	vperm.xlane v3, v2;
	v4 =	vadd.s32 v1, v4;
	_ =	sdelay $0x1  }
0x55: {  	v3 =	vadd.s32 v1, v3;
	_ =	sdelay $0x2  }
0x56: {  	[tilespmem:s23], [sflag:$0x2] =	stream.indirect_vreg.gather [hbm4b:s2+s3], $0x80, v4, vm0, $0xb8;
	[tilespmem:$0x7900] =	vst v63  }
0x57: {  	_ = 	snop  }
0x58: {  	[tilespmem:s24], [sflag:$0x2] =	stream.indirect_vreg.gather [hbm4b:s2+s3], $0x80, v3, vm0, $0xb8;
	[tilespmem:$0x7900] =	vst v63  }
0x59: {  	v3 =	vld.msk [tilespmem:$0xA0], $0xff;
	_ =	sdelay $0x4  }
0x5a: {  	v63 =	vshll.u32 v3, $0x1  }
0x5b: {  	v3 =	vand.u32 $0x7, v3;
	v4 =	vand.u32 $0xFFFFFFF0, v63  }
0x5c: {  	v3 =	vor.u32 v3, v4  }
0x5d: {  	v3 =	vperm.xlane v3, v0;
	_ =	sdelay $0x1  }
0x5e: {  	v3 =	vadd.s32 v1, v3;
	_ =	sdelay $0x4  }
0x5f: {  	[tilespmem:s25], [sflag:$0x2] =	stream.indirect_vreg.gather [hbm4b:s2+s3], $0x80, v3, vm0, $0xb8;
	[tilespmem:$0x7900] =	vst v63  }
0x60: {  	_ =	swait.ge [sflag:s26], $0x5000  }
0x61: {  	[sflag:s26] =	ssyncset.done $0x0  }
0x62: {  	[sflag:s26] =	ssyncadd.s32 $0xFFFFB000  }
0x63: {  	_ =	swait.ge [sflag:s28], $0x2800  }
0x64: {  	[sflag:s28] =	ssyncset.done $0x0  }
0x65: {  	[sflag:s28] =	ssyncadd.s32 $0xFFFFD800  }
0x66: {  	[hbm4b:s30+s3] =	stream.linear.scatter [tilespmem:s11], [sflag:$0x3], $0x5000, $0x38;
	[tilespmem:$0x7900] =	vst v63  }
0x67: {  	_ =	swait.ge [sflag:s9], $0x5000  }
0x68: {  	p0 =	sne.s32 s1, $0x26C;
	[sflag:s9] =	ssyncset.done $0x0  }
.Ltmp0:
0x69: {  	[sflag:s9] =	ssyncadd.s32 $0xFFFFB000;
	(pc) =	sbr.rel @p0 .LBB2_2-.Ltmp0, $4  }
0x6a: {  	[hbm4b:s31+s3] =	stream.linear.scatter [tilespmem:s21], [sflag:$0x3], $0x2800, $0x38;
	[tilespmem:$0x7900] =	vst v63  }
0x6b: {  	_ =	swait.ge [sflag:s9], $0x2800  }
0x6c: {  	s1 =	sadd.s32 $0x5, s1;
	[sflag:s9] =	ssyncset.done $0x0  }
0x6d: {  	s30 =	sadd.s32 $0xA00, s30;
	s31 =	sadd.s32 $0x500, s31;
	[sflag:s9] =	ssyncadd.s32 $0xFFFFD800  }
0x6e: {  	s29 =	sadd.s32 $0x1, s29  }
0x6f: {  	p0 =	sne.s32 s29, s6  }
.Ltmp1:
0x70: {  	_ = 	snop;
	(pc) =	sbr.rel @p0 .LBB2_1-.Ltmp1, $1  }
0x71: {  	_ =	sdelay $0x3  }
0x72: {  	_ =	sfence.sel $0x180000  }
0x73: {  	[bflag:$0x0] =	sbarrier.arrive $0xFFFF  }
0x74: {  	_ =	strace $0x90000047  }
0x75: {  	s0 =	stileid.u32;
	[bflag:$0x2] =	sbarrier.arrive $0xFFFF  }
0x76: {  	p0 =	sne.s32 s0, $0x0;
	s0 =	rddreg [dreg:$0x2]  }
0x77: {  	s0 =	sadd.s32 @!p0 $0x100000, s0  }
0x78: {  	[sflag:s0] =	ssyncadd.tile.s32 @!p0 $0x1;
	_ =	shalt  }
.Lfunc_end2:
_tile_overlayer_lowered:
.L_overlay_start_2:
0x79: {  	(tag) =	ssettag $0x2  }
0x7a: {  	s0 =	rddreg [dreg:$0x0];
	s2 =	stileid.u32  }
0x7b: {  	s1 =	rddreg [dreg:$0x1];
	p0 =	sne.s32 s2, $0x0  }
0x7c: {  	s3 =	rddreg [dreg:$0x2];
	[bflag:$0x3] =	sbarrier.arrive $0xFFFF;
	s2 =	simm.s32 @!p0 $0x1C03  }
0x7d: {  	[timem:s3], [sflag:s2] =	dma.local @!p0 [hbm:s0], s1  }
0x7e: {  	s0 =	simm.s32 @!p0 $0x3  }
0x7f: {  	_ =	swait.ge @!p0 [sflag:s0], s1  }
0x80: {  	s1 =	ssub.s32 @!p0 $0x0, s1;
	[sflag:s0] =	ssyncset.done @!p0 $0x0  }
0x81: {  	[sflag:s0] =	ssyncadd.s32 @!p0 s1  }
0x82: {  	[bflag:$0x3] =	sbarrier.arrive $0xFFFF  }
0x83: {  	_ =	shalt  }

// kernel: sparse-core-data-format-call.cloned.1.call-start
scs
called_computation_lowered:
.L_overlay_start_0:
0x0: {  	s1 =	sld [smem:$0x3FD9]  }
0x1: {  	s2 =	sld [smem:$0x3FFE];
	_ =	sdelay $0x1  }
0x2: {  	s3 =	srdreg.scid  }
0x3: {  	s0 =	sand.u32 $0x1, s3  }
0x4: {  	s17 =	sshll.u32 s0, $0xA;
	s1 =	sadd.s32 s2, s1  }
0x5: {  	s1 =	sadd.s32 s1, s17  }
0x6: {  	[smem:$0x3FAF] =	sst s1  }
0x7: {  	_ = 	snop  }
0x8: {  	(tm) =	ssettm $0x1  }
0x9: {  	s18 =	sld [smem:$0x3FFB];
	_ =	sdelay $0x3  }
0xa: {  	_ =	strace s18  }
0xb: {  	s1 =	sld [smem:$0x3FFC];
	_ =	sdelay $0x3  }
0xc: {  	_ =	strace s1  }
0xd: {  	s1 =	sld [smem:$0x3FFD];
	_ =	sdelay $0x3  }
0xe: {  	_ =	strace s1  }
0xf: {  	_ =	strace $0x8FFFFFFF  }
0x10: {  	s19 =	sld [smem:$0x3FDB];
	_ =	sdelay $0x1  }
0x11: {  	s20 =	simm.s32 $_scs_section_size  }
0x12: {  	s4 =	simm.s32 $_size__tile_overlayer_lowered;
	s5 =	simm.s32 $_tile_overlayer_lowered  }
0x13: {  	s23 =	simm.s32 $0x1BFF;
	s22 =	sshll.u32 s5, $0x1;
	s1 =	sadd.s32 s20, s19  }
0x14: {  	s6 =	simm.s32 $0x0;
	s21 =	sshll.u32 s4, $0x1;
	s4 =	sadd.s32 s22, s1  }
0x15: {  	[timem:s6], [sflag:s23] =	dma.local [hbm:s4], s21  }
0x16: {  	_ =	swait.ge [sflag:s23], s21  }
0x17: {  	s2 =	ssub.s32 $0x0, s21;
	[sflag:s23] =	ssyncset.done $0x0  }
0x18: {  	[sflag:s23] =	ssyncadd.s32 s2;
	_ =	sdelay $0x1  }
0x19: {  	s24 =	simm.s32 $0x1B8B  }
0x1a: {  	_ =	swait.ge [sflag:s24], $0x1  }
0x1b: {  	[sflag:s24] =	ssyncset.done $0x0  }
0x1c: {  	s26 =	simm.s32 $0x1B8E;
	s25 =	sld [smem:$0x3FFE];
	[sflag:s24] =	ssyncadd.s32 $0xFFFFFFFF  }
0x1d: {  	s27 =	simm.s32 $execute0_lowered;
	[smem:$0x3FD2] =	sst s26  }
0x1e: {  	s4 =	sshll.u32 s27, $0x1;
	_ =	strace $0x80000049;
	[dreg:$0x1] =	wrdreg $0xFFFFFFFF  }
0x1f: {  	s28 =	simm.s32 $_size_execute0_lowered;
	s1 =	sadd.s32 s1, s4;
	[dreg:$0x0] =	wrdreg $0x0  }
0x20: {  	s4 =	sshll.u32 s28, $0x1;
	[dreg:$0x2] =	wrdreg s1  }
0x21: {  	[dreg:$0x3] =	wrdreg s4  }
0x22: {  	[dreg:$0x4] =	wrdreg $0xC0  }
0x23: {  	_ =	task [dreg:s6], $0x5FFFF  }
0x24: {  	[dreg:$0x1] =	wrdreg $0xFFFFFFFF  }
0x25: {  	[dreg:$0x0] =	wrdreg $0x60  }
0x26: {  	[dreg:$0x2] =	wrdreg s25  }
0x27: {  	[dreg:$0x3] =	wrdreg $0x9  }
0x28: {  	_ =	task.clear_ibuf [dreg:s6], $0x4FFFF;
	_ =	strace $0x90000049  }
0x29: {  	s29 =	simm.s32 $0x9;
	_ =	strace $0x8000004B  }
0x2a: {  	_ =	swait.ge [sflag:s29], $0x1  }
0x2b: {  	[sflag:s29] =	ssyncadd.s32 $0xFFFFFFFF  }
0x2c: {  	_ =	strace $0x9000004B  }
0x2d: {  	_ =	sfence  }
0x2e: {  	s30 =	sld [smem:$0x0];
	_ =	sdelay $0x2  }
0x2f: {  	s31 =	sshll.u32 s3, $0xD;
	s3 =	sshrl.u32 s3, $0x2  }
0x30: {  	s2 =	sand.u32 $0x4000, s31;
	s1 =	sadd.s32 s3, s30  }
0x31: {  	s0 =	sor.u32 s2, s0;
	s1 =	sshll.u32 s1, $0x11  }
0x32: {  	s0 =	sor.u32 s1, s0  }
0x33: {  	s0 =	sadd.s32 $0x8F2B, s0  }
0x34: {  	[sflag:s0] =	ssyncadd.remote.s32 $0x1  }
0x35: {  	_ =	sfence.sel $0xFFFF  }
0x36: {  	[dreg:$0x0] =	wrdreg $0xFFFFFFFF;
	(pc) =	sbr.abs _section_cstart, $3  }
0x37: {  	[dreg:$0x1] =	wrdreg $0xFFFFFFFF  }
0x38: {  	_ =	task.clear_ibuf [dreg:s6], $0x2FFFF;
	_ =	strace $0x9FFFFFFF  }
0x39: {  	(tm) =	ssettm $0x7FFFFFFF  }
tec
execute0_lowered:
.L_overlay_start_1:
0x0: {  	(tag) =	ssettag $0x1  }
0x1: {  	s0 =	srdreg.scid  }
0x2: {  	s1 =	sshll.u32 s0, $0x4  }
0x3: {  	s4 =	rddreg [dreg:$0x0];
	s0 =	stileid.u32;
	s1 =	sand.u32 $0x10, s1  }
0x4: {  	s7 =	simm.s32 $0x1;
	s8 =	simm.s32 $0x2;
	s2 =	sor.u32 s0, s1  }
0x5: {  	s9 =	simm.s32 $0x0;
	s12 =	simm.s32 $0x0;
	s2 =	sshll.u32 s2, $0x3  }
0x6: {  	s11 =	simm.s32 $0x0;
	s3 =	sadd.s32 $0x156D400, s4;
	s6 =	ssub.s32 $0x4E20, s2  }
.Ltmp0:
0x7: {  	s4 =	sadd.s32 $0xF52E00, s4;
	s5 =	sand.u32 $0xF8, s6;
	(pc) =	sbr.rel .LBB1_1-.Ltmp0, $4  }
0x8: {  	s1 =	rddreg [dreg:$0x1];
	_ =	strace $0x8000004A;
	p0 =	sne.s32 s5, $0x0  }
0x9: {  	s6 =	sshrl.u32 s6, $0x8;
	s5 =	simm.s32 $0x1;
	s7 =	simm.s32 @!p0 $0x0  }
0xa: {  	s10 =	smov.u32 s2;
	[sflag:s5] =	ssyncpa.u1 $0x0;
	s6 =	sadd.s32 s7, s6  }
0xb: {  	[sflag:s8] =	ssyncpa.u1 $0x0;
	s8 =	simm.s32 $0x0;
	s7 =	sadd.s32 $0x1, s6  }
.LBB1_9:
0xc: {  	s14 =	sadd.s32 $0x100, s10  }
0xd: {  	p1 =	sgt.s32 s14, $0x4E1F  }
0xe: {  	s14 =	smov.u32 @p1 s2;
	p1 =	sne.s32 s11, s7  }
.Ltmp1:
0xf: {  	p0 =	slt.u32 s11, $0x2;
	(pc) =	sbr.rel @!p1 .LBB1_10-.Ltmp1, $4  }
0x10: {  	s13 =	simm.s32 @!p0 $0x2  }
0x11: {  	s15 =	sadd.s32 $0x1, s11;
	_ =	swait.ge @!p0 [sflag:s13], $0x4000  }
0x12: {  	s12 =	smov.u32 s10;
	s9 =	sadd.s32 $0x4000, s9;
	[sflag:s13] =	ssyncset.done @!p0 $0x0  }
0x13: {  	s11 =	smov.u32 s15;
	s10 =	smov.u32 s14;
	[sflag:s13] =	ssyncadd.s32 @!p0 $0xFFFFC000  }
.LBB1_1:
0x14: {  	p0 =	sge.u32 s11, s6  }
0x15: {  	s13 =	sxor.u32 @!p0 $0xFFFFFFFF, s11  }
0x16: {  	s31 =	sadd.s32 $0xFFFFFFFF, s11;
	s14 =	sshll.u32 @!p0 s10, $0x8;
	s13 =	sshll.u32 @!p0 s13, $0xE  }
0x17: {  	s15 =	simm.s32 @!p0 $0x0;
	s14 =	sadd.s32 @!p0 s3, s14;
	s13 =	sand.u32 @!p0 $0x4000, s13  }
0x18: {  	[tilespmem:s13], [sflag:$0x1] =	stream.linear.gather @!p0 [hbm4b:s14+s15], $0x4000, $0x38;
	[tilespmem:$0x10000] =	vst v63  }
0x19: {  	p0 =	sge.u32 s31, s6  }
.Ltmp2:
0x1a: {  	_ = 	snop;
	(pc) =	sbr.rel @p0 .LBB1_9-.Ltmp2, $1  }
0x1b: {  	_ =	sdelay $0x3  }
0x1c: {  	s13 =	sshll.u32 s9, $0x2;
	_ =	swait.ge [sflag:s5], $0x4000;
	s14 =	sshll.u32 s11, $0xE  }
0x1d: {  	s16 =	simm.s32 $0x0;
	s17 =	simm.s32 $0x0;
	s15 =	sand.u32 $0x10000, s13  }
0x1e: {  	[sflag:s5] =	ssyncset.done $0x0;
	s31 =	sand.u32 $0x4000, s14;
	s14 =	sshrl.u32 s15, $0x2  }
0x1f: {  	[sflag:s5] =	ssyncadd.s32 $0xFFFFC000;
	s13 =	sor.u32 $0x8000, s31;
	s15 =	sor.u32 $0x8000, s14  }
.LBB1_3:
0x20: {  	s18 =	sshra.s32 s16, $0x2  }
0x21: {  	v0 =	vmov s18;
	_ =	sdelay $0x3  }
0x22: {  	p1 =	por $0x1, $0x1;
	s18 =	simm.s32 $0x0  }
.LBB1_4:
0x23: {  	_ = 	snop  }
0x24: {  	s19 =	sshll.u32 s18, $0xA  }
0x25: {  	s19 =	sand.u32 $0x3FFFFC00, s19  }
0x26: {  	s19 =	sadd.s32 s19, s14  }
0x27: {  	v5 =	vld.idx.msk [tilespmem:v0+s19+$0x70 ss:$0x1], $0xffff  }
0x28: {  	v6 =	vld.idx.msk [tilespmem:v0+s19+$0x10 ss:$0x1], $0xffff  }
0x29: {  	v7 =	vld.idx.msk [tilespmem:v0+s19+$0x20 ss:$0x1], $0xffff  }
0x2a: {  	s31 =	sshll.u32 s18, $0x7;
	v1 =	vld.idx.msk [tilespmem:v0+s19+$0x30 ss:$0x1], $0xffff  }
0x2b: {  	s18 =	sand.u32 $0x3FFFFF80, s31;
	v2 =	vld.idx.msk [tilespmem:v0+s19+$0x40 ss:$0x1], $0xffff  }
0x2c: {  	s18 =	sadd.s32 s18, s15;
	v3 =	vld.idx.msk [tilespmem:v0+s19+$0x50 ss:$0x1], $0xffff  }
0x2d: {  	v4 =	vld.idx.msk [tilespmem:v0+s19+$0x60 ss:$0x1], $0xffff;
	[tilespmem:v0+s18+$0x70 ss:$0x1] =	vst.idx.msk $0xffff, v5  }
0x2e: {  	v5 =	vld.idx.msk [tilespmem:v0+s19+$0x0 ss:$0x1], $0xffff;
	[tilespmem:v0+s18+$0x10 ss:$0x1] =	vst.idx.msk $0xffff, v6;
	s19 =	sadd.s32 $0x80, s19  }
0x2f: {  	p0 =	por p1, p1;
	s20 =	simm.s32 $0x6;
	[tilespmem:v0+s18+$0x20 ss:$0x1] =	vst.idx.msk $0xffff, v7;
	v6 =	vld.idx.msk [tilespmem:v0+s19+$0x70 ss:$0x1], $0xffff  }
.LBB1_5:
0x30: {  	p1 =	sne.s32 s20, $0x1;
	v7 =	vld.idx.msk [tilespmem:v0+s19+$0x10 ss:$0x1], $0xffff;
	[tilespmem:v0+s18+$0x30 ss:$0x1] =	vst.idx.msk $0xffff, v1  }
0x31: {  	v8 =	vld.idx.msk [tilespmem:v0+s19+$0x20 ss:$0x1], $0xffff;
	[tilespmem:v0+s18+$0x40 ss:$0x1] =	vst.idx.msk $0xffff, v2  }
0x32: {  	v1 =	vld.idx.msk [tilespmem:v0+s19+$0x30 ss:$0x1], $0xffff;
	[tilespmem:v0+s18+$0x50 ss:$0x1] =	vst.idx.msk $0xffff, v3  }
.Ltmp3:
0x33: {  	v2 =	vld.idx.msk [tilespmem:v0+s19+$0x40 ss:$0x1], $0xffff;
	[tilespmem:v0+s18+$0x60 ss:$0x1] =	vst.idx.msk $0xffff, v4;
	(pc) =	sbr.rel @p1 .LBB1_5-.Ltmp3, $4  }
0x34: {  	v3 =	vld.idx.msk [tilespmem:v0+s19+$0x50 ss:$0x1], $0xffff;
	[tilespmem:v0+s18+$0x0 ss:$0x1] =	vst.idx.msk $0xffff, v5;
	s18 =	sadd.s32 $0x100, s18  }
0x35: {  	v4 =	vld.idx.msk [tilespmem:v0+s19+$0x60 ss:$0x1], $0xffff;
	[tilespmem:v0+s18+$0x70 ss:$0x1] =	vst.idx.msk $0xffff, v6  }
0x36: {  	v5 =	vld.idx.msk [tilespmem:v0+s19+$0x0 ss:$0x1], $0xffff;
	[tilespmem:v0+s18+$0x10 ss:$0x1] =	vst.idx.msk $0xffff, v7;
	s19 =	sadd.s32 $0x80, s19  }
0x37: {  	s20 =	sadd.s32 $0xFFFFFFFF, s20;
	v6 =	vld.idx.msk [tilespmem:v0+s19+$0x70 ss:$0x1], $0xffff;
	[tilespmem:v0+s18+$0x20 ss:$0x1] =	vst.idx.msk $0xffff, v8  }
0x38: {  	_ =	sdelay $0x3  }
0x39: {  	[tilespmem:v0+s18+$0x30 ss:$0x1] =	vst.idx.msk $0xffff, v1  }
0x3a: {  	v1 =	vld.idx.msk [tilespmem:v0+s19+$0x10 ss:$0x1], $0xffff;
	[tilespmem:v0+s18+$0x40 ss:$0x1] =	vst.idx.msk $0xffff, v2  }
0x3b: {  	v2 =	vld.idx.msk [tilespmem:v0+s19+$0x20 ss:$0x1], $0xffff;
	[tilespmem:v0+s18+$0x50 ss:$0x1] =	vst.idx.msk $0xffff, v3  }
0x3c: {  	v61 =	vld.idx.msk [tilespmem:v0+s19+$0x40 ss:$0x1], $0xffff;
	[tilespmem:v0+s18+$0x60 ss:$0x1] =	vst.idx.msk $0xffff, v4  }
0x3d: {  	s31 =	sadd.s32 $0x100, s18;
	v62 =	vld.idx.msk [tilespmem:v0+s19+$0x50 ss:$0x1], $0xffff;
	[tilespmem:v0+s18+$0x0 ss:$0x1] =	vst.idx.msk $0xffff, v5  }
0x3e: {  	v63 =	vld.idx.msk [tilespmem:v0+s19+$0x60 ss:$0x1], $0xffff;
	[tilespmem:v0+s31+$0x70 ss:$0x1] =	vst.idx.msk $0xffff, v6  }
0x3f: {  	v3 =	vld.idx.msk [tilespmem:v0+s19+$0x30 ss:$0x1], $0xffff;
	[tilespmem:v0+s31+$0x10 ss:$0x1] =	vst.idx.msk $0xffff, v1  }
0x40: {  	v1 =	vld.idx.msk [tilespmem:v0+s19+$0x0 ss:$0x1], $0xffff;
	[tilespmem:v0+s31+$0x20 ss:$0x1] =	vst.idx.msk $0xffff, v2  }
.Ltmp4:
0x41: {  	[tilespmem:v0+s31+$0x40 ss:$0x1] =	vst.idx.msk $0xffff, v61;
	(pc) =	sbr.rel @p0 .LBB1_4-.Ltmp4, $4  }
0x42: {  	[tilespmem:v0+s31+$0x50 ss:$0x1] =	vst.idx.msk $0xffff, v62  }
0x43: {  	[tilespmem:v0+s31+$0x60 ss:$0x1] =	vst.idx.msk $0xffff, v63  }
0x44: {  	[tilespmem:v0+s31+$0x30 ss:$0x1] =	vst.idx.msk $0xffff, v3  }
0x45: {  	p1 =	por $0x0, $0x0;
	s18 =	simm.s32 $0x1;
	[tilespmem:v0+s31+$0x0 ss:$0x1] =	vst.idx.msk $0xffff, v1  }
0x46: {  	s17 =	sadd.s32 $0x1, s17  }
0x47: {  	p0 =	sne.s32 s17, $0x8  }
.Ltmp5:
0x48: {  	_ = 	snop;
	(pc) =	sbr.rel @p0 .LBB1_3-.Ltmp5, $2  }
0x49: {  	_ =	sdelay $0x2  }
0x4a: {  	s16 =	sadd.s32 $0x2000, s16  }
.Ltmp6:
0x4b: {  	(pc) =	sbr.rel .LBB1_9-.Ltmp6, $4  }
0x4c: {  	_ = 	snop  }
0x4d: {  	s12 =	sshll.u32 s12, $0x8  }
0x4e: {  	s12 =	sadd.s32 s4, s12  }
0x4f: {  	[hbm4b:s12+s8] =	stream.linear.scatter [tilespmem:s13], [sflag:$0x2], $0x4000, $0x38;
	[tilespmem:$0x10000] =	vst v63  }
.LBB1_10:
0x50: {  	_ =	sfence.sel $0x180000  }
0x51: {  	s2 =	simm.s32 $0x1;
	[bflag:$0x0] =	sbarrier.arrive $0xFFFF  }
0x52: {  	s31 =	simm.s32 $0x2;
	[sflag:s2] =	ssyncpa.u1 $0x1  }
0x53: {  	[sflag:s31] =	ssyncpa.u1 $0x1  }
0x54: {  	p0 =	sne.s32 s0, $0x0;
	_ =	strace $0x9000004A  }
0x55: {  	s0 =	sadd.s32 @!p0 $0x100000, s1;
	[bflag:$0x2] =	sbarrier.arrive $0xFFFF  }
0x56: {  	[sflag:s0] =	ssyncadd.tile.s32 @!p0 $0x1;
	_ =	shalt  }
.Lfunc_end1:
_tile_overlayer_lowered:
.L_overlay_start_2:
0x57: {  	(tag) =	ssettag $0x2  }
0x58: {  	s0 =	rddreg [dreg:$0x0];
	s2 =	stileid.u32  }
0x59: {  	s1 =	rddreg [dreg:$0x1];
	p0 =	sne.s32 s2, $0x0  }
0x5a: {  	s3 =	rddreg [dreg:$0x2];
	[bflag:$0x3] =	sbarrier.arrive $0xFFFF;
	s2 =	simm.s32 @!p0 $0x1C01  }
0x5b: {  	[timem:s3], [sflag:s2] =	dma.local @!p0 [hbm:s0], s1  }
0x5c: {  	s0 =	simm.s32 @!p0 $0x1  }
0x5d: {  	_ =	swait.ge @!p0 [sflag:s0], s1  }
0x5e: {  	s1 =	ssub.s32 @!p0 $0x0, s1;
	[sflag:s0] =	ssyncset.done @!p0 $0x0  }
0x5f: {  	[sflag:s0] =	ssyncadd.s32 @!p0 s1  }
0x60: {  	[bflag:$0x3] =	sbarrier.arrive $0xFFFF  }
0x61: {  	_ =	shalt  }

</sc_bundles>
